<compile_context>
chip_gen: v7x
topology: tpu7x:2x2x1
jax: 0.10.2.dev20260603
libtpu: 0.0.44.dev20260713+nightly
codegen_flags: <defaults>
</compile_context>

<pallas_src>
import functools

import jax
import jax.numpy as jnp
from jax import lax
from jax.experimental import pallas as pl
from jax.experimental.pallas import tpu as pltpu
from jax.experimental.pallas import tpu_sc as plsc

B = 16384
K = 26
VOCAB = 100
VPAD = 128
DIM = 128

NC = 2
NS = 16
NW = NC * NS
RPW = B // NW
LANES = 16

NQ = 8
RPQ = RPW // NQ
GPQ = RPQ // LANES
HQ = NQ // 2

_mesh = plsc.VectorSubcoreMesh(
    core_axis_name="c", subcore_axis_name="s", num_cores=NC, num_subcores=NS
)


@functools.partial(
    pl.kernel,
    out_type=jax.ShapeDtypeStruct((B, VPAD), jnp.float32),
    mesh=_mesh,
    scratch_types=[
        pltpu.VMEM((K, RPW), jnp.int32),
        pltpu.VMEM((K, RPW), jnp.float32),
        [pltpu.VMEM((RPQ, VPAD), jnp.float32) for _ in range(NQ)],
        pltpu.SemaphoreType.DMA,
        pltpu.SemaphoreType.DMA,
        pltpu.SemaphoreType.DMA,
    ],
    compiler_params=pltpu.CompilerParams(
        use_tc_tiling_on_sc=False, needs_layout_passes=False
    ),
)
def _hist_kernel(idx_hbm, vals_hbm, h_hbm, idx_v, vals_v, h4, sem1, sem2, sem3):
    wid = lax.axis_index("s") * NC + lax.axis_index("c")
    row0 = wid * RPW
    cp1 = pltpu.async_copy(idx_hbm.at[:, pl.ds(row0, RPW)], idx_v, sem1)
    cp2 = pltpu.async_copy(vals_hbm.at[:, pl.ds(row0, RPW)], vals_v, sem2)

    zeros16 = jnp.zeros((LANES,), jnp.float32)

    @plsc.parallel_loop(0, RPQ, step=1, unroll=2)
    def _zero_body(r):
        for q in range(NQ):
            for c in range(0, VPAD, LANES):
                h4[q][r, pl.ds(c, LANES)] = zeros16

    cp1.wait()
    cp2.wait()

    lane = lax.iota(jnp.int32, LANES)

    cps = []
    for half in range(2):
        @plsc.parallel_loop(0, GPQ, step=1, unroll=2)
        def _scatter_body(g, _half=half):
            rows = g * LANES + lane
            for k in range(K):
                for qq in range(HQ):
                    q = _half * HQ + qq
                    col = q * RPQ + g * LANES
                    iv = idx_v[k, pl.ds(col, LANES)]
                    vv = vals_v[k, pl.ds(col, LANES)]
                    plsc.addupdate_scatter(h4[q], [rows, iv], vv)

        cps.extend(
            pltpu.async_copy(
                h4[q], h_hbm.at[pl.ds(row0 + q * RPQ, RPQ), :], sem3
            )
            for q in range(half * HQ, (half + 1) * HQ)
        )
    for cp in cps:
        cp.wait()


_BM = 8192


def _mm_body(h_ref, w_ref, o_ref):
    w = jnp.concatenate(
        [w_ref[:], jnp.zeros((VPAD - VOCAB, DIM), jnp.float32)], axis=0
    )
    o_ref[:] = jnp.dot(h_ref[:], w, preferred_element_type=jnp.float32)


_matmul = pl.pallas_call(
    _mm_body,
    grid=(B // _BM,),
    in_specs=[
        pl.BlockSpec((_BM, VPAD), lambda i: (i, 0)),
        pl.BlockSpec((VOCAB, DIM), lambda i: (0, 0)),
    ],
    out_specs=pl.BlockSpec((_BM, DIM), lambda i: (i, 0)),
    out_shape=jax.ShapeDtypeStruct((B, DIM), jnp.float32),
)


def kernel(idx, vals, weight):
    idx_t = idx.astype(jnp.int32).T
    vals_t = vals.T
    h = _hist_kernel(idx_t, vals_t)
    return _matmul(h, weight)

# --- scband reference (transcript-rebuilt; emitter-appended) ---
"""Pipeline reference for scband-transformation-embeddings-21182778704467 (READ-ONLY COPY).

The authoritative reference and input builder live on the scoring server;
editing this copy changes nothing except your own understanding.
"""

import jax, jax.numpy as jnp
import numpy as np

B = 16384
K = 26
VOCAB = 100
DIM = 128

def setup_inputs(seed: int = 0) -> dict:
    key = jax.random.key(seed)
    k1, k2, k3 = jax.random.split(key, 3)
    # indices into the transformation embedding table (ttoi values)
    idx = jax.random.randint(k1, (B, K), 0, VOCAB)
    # scalar weights v for each transformation (the dict values in get_embedding)
    vals = jax.random.uniform(k2, (B, K), dtype=jnp.float32)
    # learned parameter: nn.Embedding(num_embeddings=100, embedding_dim=128).weight
    weight = jax.random.normal(k3, (VOCAB, DIM), dtype=jnp.float32) * 0.02
    return {"idx": idx, "vals": vals, "weight": weight}

def reference(idx, vals, weight):
    # Batched version of get_embedding:
    #   vec = sum_k embs(ttoi[k]) * v_k
    # gather -> [B, K, DIM], weight by vals, reduce over K -> [B, DIM]
    gathered = jnp.take(weight, idx, axis=0)
    out = jnp.sum(gathered * vals[..., None], axis=1)
    return out

if __name__ == "__main__":
    import jax
    _d = setup_inputs()
    print(jax.jit(kernel)(*tuple(_d.values())))

</pallas_src>

<mosaic_0001>
#map = affine_map<(d0, d1) -> (0, 0)>
module attributes {stable_mosaic.version = 14 : i64} {
  func.func @_hist_kernel(%arg0: i32, %arg1: i32, %arg2: memref<26x16384xi32, #tpu.memory_space<hbm>>, %arg3: memref<26x16384xf32, #tpu.memory_space<hbm>>, %arg4: memref<16384x128xf32, #tpu.memory_space<hbm>>, %arg5: memref<26x512xi32, #tpu.memory_space<vmem>>, %arg6: memref<26x512xf32, #tpu.memory_space<vmem>>, %arg7: memref<64x128xf32, #tpu.memory_space<vmem>>, %arg8: memref<64x128xf32, #tpu.memory_space<vmem>>, %arg9: memref<64x128xf32, #tpu.memory_space<vmem>>, %arg10: memref<64x128xf32, #tpu.memory_space<vmem>>, %arg11: memref<64x128xf32, #tpu.memory_space<vmem>>, %arg12: memref<64x128xf32, #tpu.memory_space<vmem>>, %arg13: memref<64x128xf32, #tpu.memory_space<vmem>>, %arg14: memref<64x128xf32, #tpu.memory_space<vmem>>, %arg15: memref<!tpu.dma_semaphore, #tpu.memory_space<semaphore_mem>>, %arg16: memref<!tpu.dma_semaphore, #tpu.memory_space<semaphore_mem>>, %arg17: memref<!tpu.dma_semaphore, #tpu.memory_space<semaphore_mem>>) attributes {dimension_semantics = [#tpu.dimension_semantics<core_parallel>, #tpu.dimension_semantics<subcore_parallel>], iteration_bounds = array<i64: 2, 16>, scalar_prefetch = 0 : i64, scratch_operands = 13 : i64, tpu.core_type = #tpu.core_type<sc_vector_subcore>, window_params = [{transform_indices = #map}, {transform_indices = #map}, {transform_indices = #map}]} {
    %mul3A = arith.constant 2 : i32
    %mul3A_0 = arith.muli %arg1, %mul3A : i32
    %add3A = arith.addi %mul3A_0, %arg0 : i32
    %mul3A_1 = arith.constant 512 : i32
    %mul3A_2 = arith.muli %add3A, %mul3A_1 : i32
    %dma_start3A = arith.constant 0 : i32
    %dma_start3A_3 = tpu.memref_slice %arg2[%dma_start3A, %mul3A_2] : memref<26x16384xi32, #tpu.memory_space<hbm>> -> memref<26x512xi32, #tpu.memory_space<hbm>>
    %dma_start3A_4 = arith.constant 0 : i32
    %dma_start3A_5 = tpu.memref_slice %arg2[%dma_start3A_4, %mul3A_2] : memref<26x16384xi32, #tpu.memory_space<hbm>> -> memref<26x512xi32, #tpu.memory_space<hbm>>
    tpu.enqueue_dma source(%dma_start3A_5 : memref<26x512xi32, #tpu.memory_space<hbm>>) target(%arg5 : memref<26x512xi32, #tpu.memory_space<vmem>>) target_semaphore(%arg15 : memref<!tpu.dma_semaphore, #tpu.memory_space<semaphore_mem>>)
    %dma_start3A_6 = arith.constant 0 : i32
    %dma_start3A_7 = tpu.memref_slice %arg3[%dma_start3A_6, %mul3A_2] : memref<26x16384xf32, #tpu.memory_space<hbm>> -> memref<26x512xf32, #tpu.memory_space<hbm>>
    %dma_start3A_8 = arith.constant 0 : i32
    %dma_start3A_9 = tpu.memref_slice %arg3[%dma_start3A_8, %mul3A_2] : memref<26x16384xf32, #tpu.memory_space<hbm>> -> memref<26x512xf32, #tpu.memory_space<hbm>>
    tpu.enqueue_dma source(%dma_start3A_9 : memref<26x512xf32, #tpu.memory_space<hbm>>) target(%arg6 : memref<26x512xf32, #tpu.memory_space<vmem>>) target_semaphore(%arg16 : memref<!tpu.dma_semaphore, #tpu.memory_space<semaphore_mem>>)
    %broadcast_in_dim3A = arith.constant 0.000000e+00 : f32
    %broadcast_in_dim3A_10 = vector.broadcast %broadcast_in_dim3A : f32 to vector<16xf32>
    %parallel_loop3A = arith.constant 0 : i32
    %parallel_loop3A_11 = arith.constant 64 : i32
    %parallel_loop3A_12 = arith.constant 1 : i32
    scf.for %parallel_loop3A_106 = %parallel_loop3A to %parallel_loop3A_11 step %parallel_loop3A_12  : i32 {
      %parallel_loop3A_107 = arith.index_cast %parallel_loop3A_106 : i32 to index
      %parallel_loop3A_108 = arith.constant 0 : index
      %parallel_loop3A_109 = tpu.vector_load %arg7[%parallel_loop3A_107, %parallel_loop3A_108] {strides = array<i32>} : memref<64x128xf32, #tpu.memory_space<vmem>>, vector<16xf32>,
      tpu.vector_store %arg7[%parallel_loop3A_107, %parallel_loop3A_108], %broadcast_in_dim3A_10 {strides = array<i32>} : memref<64x128xf32, #tpu.memory_space<vmem>>, vector<16xf32>,
      %parallel_loop3A_110 = arith.index_cast %parallel_loop3A_106 : i32 to index
      %parallel_loop3A_111 = arith.constant 16 : index
      %parallel_loop3A_112 = tpu.vector_load %arg7[%parallel_loop3A_110, %parallel_loop3A_111] {strides = array<i32>} : memref<64x128xf32, #tpu.memory_space<vmem>>, vector<16xf32>,
      tpu.vector_store %arg7[%parallel_loop3A_110, %parallel_loop3A_111], %broadcast_in_dim3A_10 {strides = array<i32>} : memref<64x128xf32, #tpu.memory_space<vmem>>, vector<16xf32>,
      %parallel_loop3A_113 = arith.index_cast %parallel_loop3A_106 : i32 to index
      %parallel_loop3A_114 = arith.constant 32 : index
      %parallel_loop3A_115 = tpu.vector_load %arg7[%parallel_loop3A_113, %parallel_loop3A_114] {strides = array<i32>} : memref<64x128xf32, #tpu.memory_space<vmem>>, vector<16xf32>,
      tpu.vector_store %arg7[%parallel_loop3A_113, %parallel_loop3A_114], %broadcast_in_dim3A_10 {strides = array<i32>} : memref<64x128xf32, #tpu.memory_space<vmem>>, vector<16xf32>,
      %parallel_loop3A_116 = arith.index_cast %parallel_loop3A_106 : i32 to index
      %parallel_loop3A_117 = arith.constant 48 : index
      %parallel_loop3A_118 = tpu.vector_load %arg7[%parallel_loop3A_116, %parallel_loop3A_117] {strides = array<i32>} : memref<64x128xf32, #tpu.memory_space<vmem>>, vector<16xf32>,
      tpu.vector_store %arg7[%parallel_loop3A_116, %parallel_loop3A_117], %broadcast_in_dim3A_10 {strides = array<i32>} : memref<64x128xf32, #tpu.memory_space<vmem>>, vector<16xf32>,
      %parallel_loop3A_119 = arith.index_cast %parallel_loop3A_106 : i32 to index
      %parallel_loop3A_120 = arith.constant 64 : index
      %parallel_loop3A_121 = tpu.vector_load %arg7[%parallel_loop3A_119, %parallel_loop3A_120] {strides = array<i32>} : memref<64x128xf32, #tpu.memory_space<vmem>>, vector<16xf32>,
      tpu.vector_store %arg7[%parallel_loop3A_119, %parallel_loop3A_120], %broadcast_in_dim3A_10 {strides = array<i32>} : memref<64x128xf32, #tpu.memory_space<vmem>>, vector<16xf32>,
      %parallel_loop3A_122 = arith.index_cast %parallel_loop3A_106 : i32 to index
      %parallel_loop3A_123 = arith.constant 80 : index
      %parallel_loop3A_124 = tpu.vector_load %arg7[%parallel_loop3A_122, %parallel_loop3A_123] {strides = array<i32>} : memref<64x128xf32, #tpu.memory_space<vmem>>, vector<16xf32>,
      tpu.vector_store %arg7[%parallel_loop3A_122, %parallel_loop3A_123], %broadcast_in_dim3A_10 {strides = array<i32>} : memref<64x128xf32, #tpu.memory_space<vmem>>, vector<16xf32>,
      %parallel_loop3A_125 = arith.index_cast %parallel_loop3A_106 : i32 to index
      %parallel_loop3A_126 = arith.constant 96 : index
      %parallel_loop3A_127 = tpu.vector_load %arg7[%parallel_loop3A_125, %parallel_loop3A_126] {strides = array<i32>} : memref<64x128xf32, #tpu.memory_space<vmem>>, vector<16xf32>,
      tpu.vector_store %arg7[%parallel_loop3A_125, %parallel_loop3A_126], %broadcast_in_dim3A_10 {strides = array<i32>} : memref<64x128xf32, #tpu.memory_space<vmem>>, vector<16xf32>,
      %parallel_loop3A_128 = arith.index_cast %parallel_loop3A_106 : i32 to index
      %parallel_loop3A_129 = arith.constant 112 : index
      %parallel_loop3A_130 = tpu.vector_load %arg7[%parallel_loop3A_128, %parallel_loop3A_129] {strides = array<i32>} : memref<64x128xf32, #tpu.memory_space<vmem>>, vector<16xf32>,
      tpu.vector_store %arg7[%parallel_loop3A_128, %parallel_loop3A_129], %broadcast_in_dim3A_10 {strides = array<i32>} : memref<64x128xf32, #tpu.memory_space<vmem>>, vector<16xf32>,
      %parallel_loop3A_131 = arith.index_cast %parallel_loop3A_106 : i32 to index
      %parallel_loop3A_132 = arith.constant 0 : index
      %parallel_loop3A_133 = tpu.vector_load %arg8[%parallel_loop3A_131, %parallel_loop3A_132] {strides = array<i32>} : memref<64x128xf32, #tpu.memory_space<vmem>>, vector<16xf32>,
      tpu.vector_store %arg8[%parallel_loop3A_131, %parallel_loop3A_132], %broadcast_in_dim3A_10 {strides = array<i32>} : memref<64x128xf32, #tpu.memory_space<vmem>>, vector<16xf32>,
      %parallel_loop3A_134 = arith.index_cast %parallel_loop3A_106 : i32 to index
      %parallel_loop3A_135 = arith.constant 16 : index
      %parallel_loop3A_136 = tpu.vector_load %arg8[%parallel_loop3A_134, %parallel_loop3A_135] {strides = array<i32>} : memref<64x128xf32, #tpu.memory_space<vmem>>, vector<16xf32>,
      tpu.vector_store %arg8[%parallel_loop3A_134, %parallel_loop3A_135], %broadcast_in_dim3A_10 {strides = array<i32>} : memref<64x128xf32, #tpu.memory_space<vmem>>, vector<16xf32>,
      %parallel_loop3A_137 = arith.index_cast %parallel_loop3A_106 : i32 to index
      %parallel_loop3A_138 = arith.constant 32 : index
      %parallel_loop3A_139 = tpu.vector_load %arg8[%parallel_loop3A_137, %parallel_loop3A_138] {strides = array<i32>} : memref<64x128xf32, #tpu.memory_space<vmem>>, vector<16xf32>,
      tpu.vector_store %arg8[%parallel_loop3A_137, %parallel_loop3A_138], %broadcast_in_dim3A_10 {strides = array<i32>} : memref<64x128xf32, #tpu.memory_space<vmem>>, vector<16xf32>,
      %parallel_loop3A_140 = arith.index_cast %parallel_loop3A_106 : i32 to index
      %parallel_loop3A_141 = arith.constant 48 : index
      %parallel_loop3A_142 = tpu.vector_load %arg8[%parallel_loop3A_140, %parallel_loop3A_141] {strides = array<i32>} : memref<64x128xf32, #tpu.memory_space<vmem>>, vector<16xf32>,
      tpu.vector_store %arg8[%parallel_loop3A_140, %parallel_loop3A_141], %broadcast_in_dim3A_10 {strides = array<i32>} : memref<64x128xf32, #tpu.memory_space<vmem>>, vector<16xf32>,
      %parallel_loop3A_143 = arith.index_cast %parallel_loop3A_106 : i32 to index
      %parallel_loop3A_144 = arith.constant 64 : index
      %parallel_loop3A_145 = tpu.vector_load %arg8[%parallel_loop3A_143, %parallel_loop3A_144] {strides = array<i32>} : memref<64x128xf32, #tpu.memory_space<vmem>>, vector<16xf32>,
      tpu.vector_store %arg8[%parallel_loop3A_143, %parallel_loop3A_144], %broadcast_in_dim3A_10 {strides = array<i32>} : memref<64x128xf32, #tpu.memory_space<vmem>>, vector<16xf32>,
      %parallel_loop3A_146 = arith.index_cast %parallel_loop3A_106 : i32 to index
      %parallel_loop3A_147 = arith.constant 80 : index
      %parallel_loop3A_148 = tpu.vector_load %arg8[%parallel_loop3A_146, %parallel_loop3A_147] {strides = array<i32>} : memref<64x128xf32, #tpu.memory_space<vmem>>, vector<16xf32>,
      tpu.vector_store %arg8[%parallel_loop3A_146, %parallel_loop3A_147], %broadcast_in_dim3A_10 {strides = array<i32>} : memref<64x128xf32, #tpu.memory_space<vmem>>, vector<16xf32>,
      %parallel_loop3A_149 = arith.index_cast %parallel_loop3A_106 : i32 to index
      %parallel_loop3A_150 = arith.constant 96 : index
      %parallel_loop3A_151 = tpu.vector_load %arg8[%parallel_loop3A_149, %parallel_loop3A_150] {strides = array<i32>} : memref<64x128xf32, #tpu.memory_space<vmem>>, vector<16xf32>,
      tpu.vector_store %arg8[%parallel_loop3A_149, %parallel_loop3A_150], %broadcast_in_dim3A_10 {strides = array<i32>} : memref<64x128xf32, #tpu.memory_space<vmem>>, vector<16xf32>,
      %parallel_loop3A_152 = arith.index_cast %parallel_loop3A_106 : i32 to index
      %parallel_loop3A_153 = arith.constant 112 : index
      %parallel_loop3A_154 = tpu.vector_load %arg8[%parallel_loop3A_152, %parallel_loop3A_153] {strides = array<i32>} : memref<64x128xf32, #tpu.memory_space<vmem>>, vector<16xf32>,
      tpu.vector_store %arg8[%parallel_loop3A_152, %parallel_loop3A_153], %broadcast_in_dim3A_10 {strides = array<i32>} : memref<64x128xf32, #tpu.memory_space<vmem>>, vector<16xf32>,
      %parallel_loop3A_155 = arith.index_cast %parallel_loop3A_106 : i32 to index
      %parallel_loop3A_156 = arith.constant 0 : index
      %parallel_loop3A_157 = tpu.vector_load %arg9[%parallel_loop3A_155, %parallel_loop3A_156] {strides = array<i32>} : memref<64x128xf32, #tpu.memory_space<vmem>>, vector<16xf32>,
      tpu.vector_store %arg9[%parallel_loop3A_155, %parallel_loop3A_156], %broadcast_in_dim3A_10 {strides = array<i32>} : memref<64x128xf32, #tpu.memory_space<vmem>>, vector<16xf32>,
      %parallel_loop3A_158 = arith.index_cast %parallel_loop3A_106 : i32 to index
      %parallel_loop3A_159 = arith.constant 16 : index
      %parallel_loop3A_160 = tpu.vector_load %arg9[%parallel_loop3A_158, %parallel_loop3A_159] {strides = array<i32>} : memref<64x128xf32, #tpu.memory_space<vmem>>, vector<16xf32>,
      tpu.vector_store %arg9[%parallel_loop3A_158, %parallel_loop3A_159], %broadcast_in_dim3A_10 {strides = array<i32>} : memref<64x128xf32, #tpu.memory_space<vmem>>, vector<16xf32>,
      %parallel_loop3A_161 = arith.index_cast %parallel_loop3A_106 : i32 to index
      %parallel_loop3A_162 = arith.constant 32 : index
      %parallel_loop3A_163 = tpu.vector_load %arg9[%parallel_loop3A_161, %parallel_loop3A_162] {strides = array<i32>} : memref<64x128xf32, #tpu.memory_space<vmem>>, vector<16xf32>,
      tpu.vector_store %arg9[%parallel_loop3A_161, %parallel_loop3A_162], %broadcast_in_dim3A_10 {strides = array<i32>} : memref<64x128xf32, #tpu.memory_space<vmem>>, vector<16xf32>,
      %parallel_loop3A_164 = arith.index_cast %parallel_loop3A_106 : i32 to index
      %parallel_loop3A_165 = arith.constant 48 : index
      %parallel_loop3A_166 = tpu.vector_load %arg9[%parallel_loop3A_164, %parallel_loop3A_165] {strides = array<i32>} : memref<64x128xf32, #tpu.memory_space<vmem>>, vector<16xf32>,
      tpu.vector_store %arg9[%parallel_loop3A_164, %parallel_loop3A_165], %broadcast_in_dim3A_10 {strides = array<i32>} : memref<64x128xf32, #tpu.memory_space<vmem>>, vector<16xf32>,
      %parallel_loop3A_167 = arith.index_cast %parallel_loop3A_106 : i32 to index
      %parallel_loop3A_168 = arith.constant 64 : index
      %parallel_loop3A_169 = tpu.vector_load %arg9[%parallel_loop3A_167, %parallel_loop3A_168] {strides = array<i32>} : memref<64x128xf32, #tpu.memory_space<vmem>>, vector<16xf32>,
      tpu.vector_store %arg9[%parallel_loop3A_167, %parallel_loop3A_168], %broadcast_in_dim3A_10 {strides = array<i32>} : memref<64x128xf32, #tpu.memory_space<vmem>>, vector<16xf32>,
      %parallel_loop3A_170 = arith.index_cast %parallel_loop3A_106 : i32 to index
      %parallel_loop3A_171 = arith.constant 80 : index
      %parallel_loop3A_172 = tpu.vector_load %arg9[%parallel_loop3A_170, %parallel_loop3A_171] {strides = array<i32>} : memref<64x128xf32, #tpu.memory_space<vmem>>, vector<16xf32>,
      tpu.vector_store %arg9[%parallel_loop3A_170, %parallel_loop3A_171], %broadcast_in_dim3A_10 {strides = array<i32>} : memref<64x128xf32, #tpu.memory_space<vmem>>, vector<16xf32>,
      %parallel_loop3A_173 = arith.index_cast %parallel_loop3A_106 : i32 to index
      %parallel_loop3A_174 = arith.constant 96 : index
      %parallel_loop3A_175 = tpu.vector_load %arg9[%parallel_loop3A_173, %parallel_loop3A_174] {strides = array<i32>} : memref<64x128xf32, #tpu.memory_space<vmem>>, vector<16xf32>,
      tpu.vector_store %arg9[%parallel_loop3A_173, %parallel_loop3A_174], %broadcast_in_dim3A_10 {strides = array<i32>} : memref<64x128xf32, #tpu.memory_space<vmem>>, vector<16xf32>,
      %parallel_loop3A_176 = arith.index_cast %parallel_loop3A_106 : i32 to index
      %parallel_loop3A_177 = arith.constant 112 : index
      %parallel_loop3A_178 = tpu.vector_load %arg9[%parallel_loop3A_176, %parallel_loop3A_177] {strides = array<i32>} : memref<64x128xf32, #tpu.memory_space<vmem>>, vector<16xf32>,
      tpu.vector_store %arg9[%parallel_loop3A_176, %parallel_loop3A_177], %broadcast_in_dim3A_10 {strides = array<i32>} : memref<64x128xf32, #tpu.memory_space<vmem>>, vector<16xf32>,
      %parallel_loop3A_179 = arith.index_cast %parallel_loop3A_106 : i32 to index
      %parallel_loop3A_180 = arith.constant 0 : index
      %parallel_loop3A_181 = tpu.vector_load %arg10[%parallel_loop3A_179, %parallel_loop3A_180] {strides = array<i32>} : memref<64x128xf32, #tpu.memory_space<vmem>>, vector<16xf32>,
      tpu.vector_store %arg10[%parallel_loop3A_179, %parallel_loop3A_180], %broadcast_in_dim3A_10 {strides = array<i32>} : memref<64x128xf32, #tpu.memory_space<vmem>>, vector<16xf32>,
      %parallel_loop3A_182 = arith.index_cast %parallel_loop3A_106 : i32 to index
      %parallel_loop3A_183 = arith.constant 16 : index
      %parallel_loop3A_184 = tpu.vector_load %arg10[%parallel_loop3A_182, %parallel_loop3A_183] {strides = array<i32>} : memref<64x128xf32, #tpu.memory_space<vmem>>, vector<16xf32>,
      tpu.vector_store %arg10[%parallel_loop3A_182, %parallel_loop3A_183], %broadcast_in_dim3A_10 {strides = array<i32>} : memref<64x128xf32, #tpu.memory_space<vmem>>, vector<16xf32>,
      %parallel_loop3A_185 = arith.index_cast %parallel_loop3A_106 : i32 to index
      %parallel_loop3A_186 = arith.constant 32 : index
      %parallel_loop3A_187 = tpu.vector_load %arg10[%parallel_loop3A_185, %parallel_loop3A_186] {strides = array<i32>} : memref<64x128xf32, #tpu.memory_space<vmem>>, vector<16xf32>,
      tpu.vector_store %arg10[%parallel_loop3A_185, %parallel_loop3A_186], %broadcast_in_dim3A_10 {strides = array<i32>} : memref<64x128xf32, #tpu.memory_space<vmem>>, vector<16xf32>,
      %parallel_loop3A_188 = arith.index_cast %parallel_loop3A_106 : i32 to index
      %parallel_loop3A_189 = arith.constant 48 : index
      %parallel_loop3A_190 = tpu.vector_load %arg10[%parallel_loop3A_188, %parallel_loop3A_189] {strides = array<i32>} : memref<64x128xf32, #tpu.memory_space<vmem>>, vector<16xf32>,
      tpu.vector_store %arg10[%parallel_loop3A_188, %parallel_loop3A_189], %broadcast_in_dim3A_10 {strides = array<i32>} : memref<64x128xf32, #tpu.memory_space<vmem>>, vector<16xf32>,
      %parallel_loop3A_191 = arith.index_cast %parallel_loop3A_106 : i32 to index
      %parallel_loop3A_192 = arith.constant 64 : index
      %parallel_loop3A_193 = tpu.vector_load %arg10[%parallel_loop3A_191, %parallel_loop3A_192] {strides = array<i32>} : memref<64x128xf32, #tpu.memory_space<vmem>>, vector<16xf32>,
      tpu.vector_store %arg10[%parallel_loop3A_191, %parallel_loop3A_192], %broadcast_in_dim3A_10 {strides = array<i32>} : memref<64x128xf32, #tpu.memory_space<vmem>>, vector<16xf32>,
      %parallel_loop3A_194 = arith.index_cast %parallel_loop3A_106 : i32 to index
      %parallel_loop3A_195 = arith.constant 80 : index
      %parallel_loop3A_196 = tpu.vector_load %arg10[%parallel_loop3A_194, %parallel_loop3A_195] {strides = array<i32>} : memref<64x128xf32, #tpu.memory_space<vmem>>, vector<16xf32>,
      tpu.vector_store %arg10[%parallel_loop3A_194, %parallel_loop3A_195], %broadcast_in_dim3A_10 {strides = array<i32>} : memref<64x128xf32, #tpu.memory_space<vmem>>, vector<16xf32>,
      %parallel_loop3A_197 = arith.index_cast %parallel_loop3A_106 : i32 to index
      %parallel_loop3A_198 = arith.constant 96 : index
      %parallel_loop3A_199 = tpu.vector_load %arg10[%parallel_loop3A_197, %parallel_loop3A_198] {strides = array<i32>} : memref<64x128xf32, #tpu.memory_space<vmem>>, vector<16xf32>,
      tpu.vector_store %arg10[%parallel_loop3A_197, %parallel_loop3A_198], %broadcast_in_dim3A_10 {strides = array<i32>} : memref<64x128xf32, #tpu.memory_space<vmem>>, vector<16xf32>,
      %parallel_loop3A_200 = arith.index_cast %parallel_loop3A_106 : i32 to index
      %parallel_loop3A_201 = arith.constant 112 : index
      %parallel_loop3A_202 = tpu.vector_load %arg10[%parallel_loop3A_200, %parallel_loop3A_201] {strides = array<i32>} : memref<64x128xf32, #tpu.memory_space<vmem>>, vector<16xf32>,
      tpu.vector_store %arg10[%parallel_loop3A_200, %parallel_loop3A_201], %broadcast_in_dim3A_10 {strides = array<i32>} : memref<64x128xf32, #tpu.memory_space<vmem>>, vector<16xf32>,
      %parallel_loop3A_203 = arith.index_cast %parallel_loop3A_106 : i32 to index
      %parallel_loop3A_204 = arith.constant 0 : index
      %parallel_loop3A_205 = tpu.vector_load %arg11[%parallel_loop3A_203, %parallel_loop3A_204] {strides = array<i32>} : memref<64x128xf32, #tpu.memory_space<vmem>>, vector<16xf32>,
      tpu.vector_store %arg11[%parallel_loop3A_203, %parallel_loop3A_204], %broadcast_in_dim3A_10 {strides = array<i32>} : memref<64x128xf32, #tpu.memory_space<vmem>>, vector<16xf32>,
      %parallel_loop3A_206 = arith.index_cast %parallel_loop3A_106 : i32 to index
      %parallel_loop3A_207 = arith.constant 16 : index
      %parallel_loop3A_208 = tpu.vector_load %arg11[%parallel_loop3A_206, %parallel_loop3A_207] {strides = array<i32>} : memref<64x128xf32, #tpu.memory_space<vmem>>, vector<16xf32>,
      tpu.vector_store %arg11[%parallel_loop3A_206, %parallel_loop3A_207], %broadcast_in_dim3A_10 {strides = array<i32>} : memref<64x128xf32, #tpu.memory_space<vmem>>, vector<16xf32>,
      %parallel_loop3A_209 = arith.index_cast %parallel_loop3A_106 : i32 to index
      %parallel_loop3A_210 = arith.constant 32 : index
      %parallel_loop3A_211 = tpu.vector_load %arg11[%parallel_loop3A_209, %parallel_loop3A_210] {strides = array<i32>} : memref<64x128xf32, #tpu.memory_space<vmem>>, vector<16xf32>,
      tpu.vector_store %arg11[%parallel_loop3A_209, %parallel_loop3A_210], %broadcast_in_dim3A_10 {strides = array<i32>} : memref<64x128xf32, #tpu.memory_space<vmem>>, vector<16xf32>,
      %parallel_loop3A_212 = arith.index_cast %parallel_loop3A_106 : i32 to index
      %parallel_loop3A_213 = arith.constant 48 : index
      %parallel_loop3A_214 = tpu.vector_load %arg11[%parallel_loop3A_212, %parallel_loop3A_213] {strides = array<i32>} : memref<64x128xf32, #tpu.memory_space<vmem>>, vector<16xf32>,
      tpu.vector_store %arg11[%parallel_loop3A_212, %parallel_loop3A_213], %broadcast_in_dim3A_10 {strides = array<i32>} : memref<64x128xf32, #tpu.memory_space<vmem>>, vector<16xf32>,
      %parallel_loop3A_215 = arith.index_cast %parallel_loop3A_106 : i32 to index
      %parallel_loop3A_216 = arith.constant 64 : index
      %parallel_loop3A_217 = tpu.vector_load %arg11[%parallel_loop3A_215, %parallel_loop3A_216] {strides = array<i32>} : memref<64x128xf32, #tpu.memory_space<vmem>>, vector<16xf32>,
      tpu.vector_store %arg11[%parallel_loop3A_215, %parallel_loop3A_216], %broadcast_in_dim3A_10 {strides = array<i32>} : memref<64x128xf32, #tpu.memory_space<vmem>>, vector<16xf32>,
      %parallel_loop3A_218 = arith.index_cast %parallel_loop3A_106 : i32 to index
      %parallel_loop3A_219 = arith.constant 80 : index
      %parallel_loop3A_220 = tpu.vector_load %arg11[%parallel_loop3A_218, %parallel_loop3A_219] {strides = array<i32>} : memref<64x128xf32, #tpu.memory_space<vmem>>, vector<16xf32>,
      tpu.vector_store %arg11[%parallel_loop3A_218, %parallel_loop3A_219], %broadcast_in_dim3A_10 {strides = array<i32>} : memref<64x128xf32, #tpu.memory_space<vmem>>, vector<16xf32>,
      %parallel_loop3A_221 = arith.index_cast %parallel_loop3A_106 : i32 to index
      %parallel_loop3A_222 = arith.constant 96 : index
      %parallel_loop3A_223 = tpu.vector_load %arg11[%parallel_loop3A_221, %parallel_loop3A_222] {strides = array<i32>} : memref<64x128xf32, #tpu.memory_space<vmem>>, vector<16xf32>,
      tpu.vector_store %arg11[%parallel_loop3A_221, %parallel_loop3A_222], %broadcast_in_dim3A_10 {strides = array<i32>} : memref<64x128xf32, #tpu.memory_space<vmem>>, vector<16xf32>,
      %parallel_loop3A_224 = arith.index_cast %parallel_loop3A_106 : i32 to index
      %parallel_loop3A_225 = arith.constant 112 : index
      %parallel_loop3A_226 = tpu.vector_load %arg11[%parallel_loop3A_224, %parallel_loop3A_225] {strides = array<i32>} : memref<64x128xf32, #tpu.memory_space<vmem>>, vector<16xf32>,
      tpu.vector_store %arg11[%parallel_loop3A_224, %parallel_loop3A_225], %broadcast_in_dim3A_10 {strides = array<i32>} : memref<64x128xf32, #tpu.memory_space<vmem>>, vector<16xf32>,
      %parallel_loop3A_227 = arith.index_cast %parallel_loop3A_106 : i32 to index
      %parallel_loop3A_228 = arith.constant 0 : index
      %parallel_loop3A_229 = tpu.vector_load %arg12[%parallel_loop3A_227, %parallel_loop3A_228] {strides = array<i32>} : memref<64x128xf32, #tpu.memory_space<vmem>>, vector<16xf32>,
      tpu.vector_store %arg12[%parallel_loop3A_227, %parallel_loop3A_228], %broadcast_in_dim3A_10 {strides = array<i32>} : memref<64x128xf32, #tpu.memory_space<vmem>>, vector<16xf32>,
      %parallel_loop3A_230 = arith.index_cast %parallel_loop3A_106 : i32 to index
      %parallel_loop3A_231 = arith.constant 16 : index
      %parallel_loop3A_232 = tpu.vector_load %arg12[%parallel_loop3A_230, %parallel_loop3A_231] {strides = array<i32>} : memref<64x128xf32, #tpu.memory_space<vmem>>, vector<16xf32>,
      tpu.vector_store %arg12[%parallel_loop3A_230, %parallel_loop3A_231], %broadcast_in_dim3A_10 {strides = array<i32>} : memref<64x128xf32, #tpu.memory_space<vmem>>, vector<16xf32>,
      %parallel_loop3A_233 = arith.index_cast %parallel_loop3A_106 : i32 to index
      %parallel_loop3A_234 = arith.constant 32 : index
      %parallel_loop3A_235 = tpu.vector_load %arg12[%parallel_loop3A_233, %parallel_loop3A_234] {strides = array<i32>} : memref<64x128xf32, #tpu.memory_space<vmem>>, vector<16xf32>,
      tpu.vector_store %arg12[%parallel_loop3A_233, %parallel_loop3A_234], %broadcast_in_dim3A_10 {strides = array<i32>} : memref<64x128xf32, #tpu.memory_space<vmem>>, vector<16xf32>,
      %parallel_loop3A_236 = arith.index_cast %parallel_loop3A_106 : i32 to index
      %parallel_loop3A_237 = arith.constant 48 : index
      %parallel_loop3A_238 = tpu.vector_load %arg12[%parallel_loop3A_236, %parallel_loop3A_237] {strides = array<i32>} : memref<64x128xf32, #tpu.memory_space<vmem>>, vector<16xf32>,
      tpu.vector_store %arg12[%parallel_loop3A_236, %parallel_loop3A_237], %broadcast_in_dim3A_10 {strides = array<i32>} : memref<64x128xf32, #tpu.memory_space<vmem>>, vector<16xf32>,
      %parallel_loop3A_239 = arith.index_cast %parallel_loop3A_106 : i32 to index
      %parallel_loop3A_240 = arith.constant 64 : index
      %parallel_loop3A_241 = tpu.vector_load %arg12[%parallel_loop3A_239, %parallel_loop3A_240] {strides = array<i32>} : memref<64x128xf32, #tpu.memory_space<vmem>>, vector<16xf32>,
      tpu.vector_store %arg12[%parallel_loop3A_239, %parallel_loop3A_240], %broadcast_in_dim3A_10 {strides = array<i32>} : memref<64x128xf32, #tpu.memory_space<vmem>>, vector<16xf32>,
      %parallel_loop3A_242 = arith.index_cast %parallel_loop3A_106 : i32 to index
      %parallel_loop3A_243 = arith.constant 80 : index
      %parallel_loop3A_244 = tpu.vector_load %arg12[%parallel_loop3A_242, %parallel_loop3A_243] {strides = array<i32>} : memref<64x128xf32, #tpu.memory_space<vmem>>, vector<16xf32>,
      tpu.vector_store %arg12[%parallel_loop3A_242, %parallel_loop3A_243], %broadcast_in_dim3A_10 {strides = array<i32>} : memref<64x128xf32, #tpu.memory_space<vmem>>, vector<16xf32>,
      %parallel_loop3A_245 = arith.index_cast %parallel_loop3A_106 : i32 to index
      %parallel_loop3A_246 = arith.constant 96 : index
      %parallel_loop3A_247 = tpu.vector_load %arg12[%parallel_loop3A_245, %parallel_loop3A_246] {strides = array<i32>} : memref<64x128xf32, #tpu.memory_space<vmem>>, vector<16xf32>,
      tpu.vector_store %arg12[%parallel_loop3A_245, %parallel_loop3A_246], %broadcast_in_dim3A_10 {strides = array<i32>} : memref<64x128xf32, #tpu.memory_space<vmem>>, vector<16xf32>,
      %parallel_loop3A_248 = arith.index_cast %parallel_loop3A_106 : i32 to index
      %parallel_loop3A_249 = arith.constant 112 : index
      %parallel_loop3A_250 = tpu.vector_load %arg12[%parallel_loop3A_248, %parallel_loop3A_249] {strides = array<i32>} : memref<64x128xf32, #tpu.memory_space<vmem>>, vector<16xf32>,
      tpu.vector_store %arg12[%parallel_loop3A_248, %parallel_loop3A_249], %broadcast_in_dim3A_10 {strides = array<i32>} : memref<64x128xf32, #tpu.memory_space<vmem>>, vector<16xf32>,
      %parallel_loop3A_251 = arith.index_cast %parallel_loop3A_106 : i32 to index
      %parallel_loop3A_252 = arith.constant 0 : index
      %parallel_loop3A_253 = tpu.vector_load %arg13[%parallel_loop3A_251, %parallel_loop3A_252] {strides = array<i32>} : memref<64x128xf32, #tpu.memory_space<vmem>>, vector<16xf32>,
      tpu.vector_store %arg13[%parallel_loop3A_251, %parallel_loop3A_252], %broadcast_in_dim3A_10 {strides = array<i32>} : memref<64x128xf32, #tpu.memory_space<vmem>>, vector<16xf32>,
      %parallel_loop3A_254 = arith.index_cast %parallel_loop3A_106 : i32 to index
      %parallel_loop3A_255 = arith.constant 16 : index
      %parallel_loop3A_256 = tpu.vector_load %arg13[%parallel_loop3A_254, %parallel_loop3A_255] {strides = array<i32>} : memref<64x128xf32, #tpu.memory_space<vmem>>, vector<16xf32>,
      tpu.vector_store %arg13[%parallel_loop3A_254, %parallel_loop3A_255], %broadcast_in_dim3A_10 {strides = array<i32>} : memref<64x128xf32, #tpu.memory_space<vmem>>, vector<16xf32>,
      %parallel_loop3A_257 = arith.index_cast %parallel_loop3A_106 : i32 to index
      %parallel_loop3A_258 = arith.constant 32 : index
      %parallel_loop3A_259 = tpu.vector_load %arg13[%parallel_loop3A_257, %parallel_loop3A_258] {strides = array<i32>} : memref<64x128xf32, #tpu.memory_space<vmem>>, vector<16xf32>,
      tpu.vector_store %arg13[%parallel_loop3A_257, %parallel_loop3A_258], %broadcast_in_dim3A_10 {strides = array<i32>} : memref<64x128xf32, #tpu.memory_space<vmem>>, vector<16xf32>,
      %parallel_loop3A_260 = arith.index_cast %parallel_loop3A_106 : i32 to index
      %parallel_loop3A_261 = arith.constant 48 : index
      %parallel_loop3A_262 = tpu.vector_load %arg13[%parallel_loop3A_260, %parallel_loop3A_261] {strides = array<i32>} : memref<64x128xf32, #tpu.memory_space<vmem>>, vector<16xf32>,
      tpu.vector_store %arg13[%parallel_loop3A_260, %parallel_loop3A_261], %broadcast_in_dim3A_10 {strides = array<i32>} : memref<64x128xf32, #tpu.memory_space<vmem>>, vector<16xf32>,
      %parallel_loop3A_263 = arith.index_cast %parallel_loop3A_106 : i32 to index
      %parallel_loop3A_264 = arith.constant 64 : index
      %parallel_loop3A_265 = tpu.vector_load %arg13[%parallel_loop3A_263, %parallel_loop3A_264] {strides = array<i32>} : memref<64x128xf32, #tpu.memory_space<vmem>>, vector<16xf32>,
      tpu.vector_store %arg13[%parallel_loop3A_263, %parallel_loop3A_264], %broadcast_in_dim3A_10 {strides = array<i32>} : memref<64x128xf32, #tpu.memory_space<vmem>>, vector<16xf32>,
      %parallel_loop3A_266 = arith.index_cast %parallel_loop3A_106 : i32 to index
      %parallel_loop3A_267 = arith.constant 80 : index
      %parallel_loop3A_268 = tpu.vector_load %arg13[%parallel_loop3A_266, %parallel_loop3A_267] {strides = array<i32>} : memref<64x128xf32, #tpu.memory_space<vmem>>, vector<16xf32>,
      tpu.vector_store %arg13[%parallel_loop3A_266, %parallel_loop3A_267], %broadcast_in_dim3A_10 {strides = array<i32>} : memref<64x128xf32, #tpu.memory_space<vmem>>, vector<16xf32>,
      %parallel_loop3A_269 = arith.index_cast %parallel_loop3A_106 : i32 to index
      %parallel_loop3A_270 = arith.constant 96 : index
      %parallel_loop3A_271 = tpu.vector_load %arg13[%parallel_loop3A_269, %parallel_loop3A_270] {strides = array<i32>} : memref<64x128xf32, #tpu.memory_space<vmem>>, vector<16xf32>,
      tpu.vector_store %arg13[%parallel_loop3A_269, %parallel_loop3A_270], %broadcast_in_dim3A_10 {strides = array<i32>} : memref<64x128xf32, #tpu.memory_space<vmem>>, vector<16xf32>,
      %parallel_loop3A_272 = arith.index_cast %parallel_loop3A_106 : i32 to index
      %parallel_loop3A_273 = arith.constant 112 : index
      %parallel_loop3A_274 = tpu.vector_load %arg13[%parallel_loop3A_272, %parallel_loop3A_273] {strides = array<i32>} : memref<64x128xf32, #tpu.memory_space<vmem>>, vector<16xf32>,
      tpu.vector_store %arg13[%parallel_loop3A_272, %parallel_loop3A_273], %broadcast_in_dim3A_10 {strides = array<i32>} : memref<64x128xf32, #tpu.memory_space<vmem>>, vector<16xf32>,
      %parallel_loop3A_275 = arith.index_cast %parallel_loop3A_106 : i32 to index
      %parallel_loop3A_276 = arith.constant 0 : index
      %parallel_loop3A_277 = tpu.vector_load %arg14[%parallel_loop3A_275, %parallel_loop3A_276] {strides = array<i32>} : memref<64x128xf32, #tpu.memory_space<vmem>>, vector<16xf32>,
      tpu.vector_store %arg14[%parallel_loop3A_275, %parallel_loop3A_276], %broadcast_in_dim3A_10 {strides = array<i32>} : memref<64x128xf32, #tpu.memory_space<vmem>>, vector<16xf32>,
      %parallel_loop3A_278 = arith.index_cast %parallel_loop3A_106 : i32 to index
      %parallel_loop3A_279 = arith.constant 16 : index
      %parallel_loop3A_280 = tpu.vector_load %arg14[%parallel_loop3A_278, %parallel_loop3A_279] {strides = array<i32>} : memref<64x128xf32, #tpu.memory_space<vmem>>, vector<16xf32>,
      tpu.vector_store %arg14[%parallel_loop3A_278, %parallel_loop3A_279], %broadcast_in_dim3A_10 {strides = array<i32>} : memref<64x128xf32, #tpu.memory_space<vmem>>, vector<16xf32>,
      %parallel_loop3A_281 = arith.index_cast %parallel_loop3A_106 : i32 to index
      %parallel_loop3A_282 = arith.constant 32 : index
      %parallel_loop3A_283 = tpu.vector_load %arg14[%parallel_loop3A_281, %parallel_loop3A_282] {strides = array<i32>} : memref<64x128xf32, #tpu.memory_space<vmem>>, vector<16xf32>,
      tpu.vector_store %arg14[%parallel_loop3A_281, %parallel_loop3A_282], %broadcast_in_dim3A_10 {strides = array<i32>} : memref<64x128xf32, #tpu.memory_space<vmem>>, vector<16xf32>,
      %parallel_loop3A_284 = arith.index_cast %parallel_loop3A_106 : i32 to index
      %parallel_loop3A_285 = arith.constant 48 : index
      %parallel_loop3A_286 = tpu.vector_load %arg14[%parallel_loop3A_284, %parallel_loop3A_285] {strides = array<i32>} : memref<64x128xf32, #tpu.memory_space<vmem>>, vector<16xf32>,
      tpu.vector_store %arg14[%parallel_loop3A_284, %parallel_loop3A_285], %broadcast_in_dim3A_10 {strides = array<i32>} : memref<64x128xf32, #tpu.memory_space<vmem>>, vector<16xf32>,
      %parallel_loop3A_287 = arith.index_cast %parallel_loop3A_106 : i32 to index
      %parallel_loop3A_288 = arith.constant 64 : index
      %parallel_loop3A_289 = tpu.vector_load %arg14[%parallel_loop3A_287, %parallel_loop3A_288] {strides = array<i32>} : memref<64x128xf32, #tpu.memory_space<vmem>>, vector<16xf32>,
      tpu.vector_store %arg14[%parallel_loop3A_287, %parallel_loop3A_288], %broadcast_in_dim3A_10 {strides = array<i32>} : memref<64x128xf32, #tpu.memory_space<vmem>>, vector<16xf32>,
      %parallel_loop3A_290 = arith.index_cast %parallel_loop3A_106 : i32 to index
      %parallel_loop3A_291 = arith.constant 80 : index
      %parallel_loop3A_292 = tpu.vector_load %arg14[%parallel_loop3A_290, %parallel_loop3A_291] {strides = array<i32>} : memref<64x128xf32, #tpu.memory_space<vmem>>, vector<16xf32>,
      tpu.vector_store %arg14[%parallel_loop3A_290, %parallel_loop3A_291], %broadcast_in_dim3A_10 {strides = array<i32>} : memref<64x128xf32, #tpu.memory_space<vmem>>, vector<16xf32>,
      %parallel_loop3A_293 = arith.index_cast %parallel_loop3A_106 : i32 to index
      %parallel_loop3A_294 = arith.constant 96 : index
      %parallel_loop3A_295 = tpu.vector_load %arg14[%parallel_loop3A_293, %parallel_loop3A_294] {strides = array<i32>} : memref<64x128xf32, #tpu.memory_space<vmem>>, vector<16xf32>,
      tpu.vector_store %arg14[%parallel_loop3A_293, %parallel_loop3A_294], %broadcast_in_dim3A_10 {strides = array<i32>} : memref<64x128xf32, #tpu.memory_space<vmem>>, vector<16xf32>,
      %parallel_loop3A_296 = arith.index_cast %parallel_loop3A_106 : i32 to index
      %parallel_loop3A_297 = arith.constant 112 : index
      %parallel_loop3A_298 = tpu.vector_load %arg14[%parallel_loop3A_296, %parallel_loop3A_297] {strides = array<i32>} : memref<64x128xf32, #tpu.memory_space<vmem>>, vector<16xf32>,
      tpu.vector_store %arg14[%parallel_loop3A_296, %parallel_loop3A_297], %broadcast_in_dim3A_10 {strides = array<i32>} : memref<64x128xf32, #tpu.memory_space<vmem>>, vector<16xf32>,
    } {sc.loop_unroll_factor = 2 : i64, sc.parallel_access}
    %dma_wait3A = arith.constant 0 : i32
    %dma_wait3A_13 = tpu.memref_slice %arg2[%dma_wait3A, %mul3A_2] : memref<26x16384xi32, #tpu.memory_space<hbm>> -> memref<26x512xi32, #tpu.memory_space<hbm>>
    %dma_wait3A_14 = arith.constant 0 : i32
    %dma_wait3A_15 = tpu.memref_slice %arg2[%dma_wait3A_14, %mul3A_2] : memref<26x16384xi32, #tpu.memory_space<hbm>> -> memref<26x512xi32, #tpu.memory_space<hbm>>
    tpu.wait_dma2 semaphore(%arg15 : memref<!tpu.dma_semaphore, #tpu.memory_space<semaphore_mem>>) src(%dma_wait3A_15 : memref<26x512xi32, #tpu.memory_space<hbm>>) dst(%arg5 : memref<26x512xi32, #tpu.memory_space<vmem>>)
    %dma_wait3A_16 = arith.constant 0 : i32
    %dma_wait3A_17 = tpu.memref_slice %arg3[%dma_wait3A_16, %mul3A_2] : memref<26x16384xf32, #tpu.memory_space<hbm>> -> memref<26x512xf32, #tpu.memory_space<hbm>>
    %dma_wait3A_18 = arith.constant 0 : i32
    %dma_wait3A_19 = tpu.memref_slice %arg3[%dma_wait3A_18, %mul3A_2] : memref<26x16384xf32, #tpu.memory_space<hbm>> -> memref<26x512xf32, #tpu.memory_space<hbm>>
    tpu.wait_dma2 semaphore(%arg16 : memref<!tpu.dma_semaphore, #tpu.memory_space<semaphore_mem>>) src(%dma_wait3A_19 : memref<26x512xf32, #tpu.memory_space<hbm>>) dst(%arg6 : memref<26x512xf32, #tpu.memory_space<vmem>>)
    %iota3A = tpu.iota {dimensions = array<i32: 0>} : vector<16xi32>
    %parallel_loop3A_20 = arith.constant 0 : i32
    %parallel_loop3A_21 = arith.constant 4 : i32
    %parallel_loop3A_22 = arith.constant 1 : i32
    scf.for %parallel_loop3A_106 = %parallel_loop3A_20 to %parallel_loop3A_21 step %parallel_loop3A_22  : i32 {
      %parallel_loop3A_107 = arith.constant 16 : i32
      %parallel_loop3A_108 = arith.muli %parallel_loop3A_106, %parallel_loop3A_107 : i32
      %parallel_loop3A_109 = vector.broadcast %parallel_loop3A_108 : i32 to vector<16xi32>
      %parallel_loop3A_110 = arith.addi %parallel_loop3A_109, %iota3A : vector<16xi32>
      %parallel_loop3A_111 = arith.constant 16 : i32
      %parallel_loop3A_112 = arith.muli %parallel_loop3A_106, %parallel_loop3A_111 : i32
      %parallel_loop3A_113 = arith.constant 0 : i32
      %parallel_loop3A_114 = arith.addi %parallel_loop3A_113, %parallel_loop3A_112 : i32
      %parallel_loop3A_115 = arith.constant 0 : i32
      %parallel_loop3A_116 = arith.index_cast %parallel_loop3A_115 : i32 to index
      %parallel_loop3A_117 = arith.index_cast %parallel_loop3A_114 : i32 to index
      %parallel_loop3A_118 = tpu.vector_load %arg5[%parallel_loop3A_116, %parallel_loop3A_117] {strides = array<i32>} : memref<26x512xi32, #tpu.memory_space<vmem>>, vector<16xi32>,
      %parallel_loop3A_119 = arith.constant 0 : i32
      %parallel_loop3A_120 = arith.index_cast %parallel_loop3A_119 : i32 to index
      %parallel_loop3A_121 = arith.index_cast %parallel_loop3A_114 : i32 to index
      %parallel_loop3A_122 = tpu.vector_load %arg6[%parallel_loop3A_120, %parallel_loop3A_121] {strides = array<i32>} : memref<26x512xf32, #tpu.memory_space<vmem>>, vector<16xf32>,
      tpu.vector_store_idx %arg7[%parallel_loop3A_110, %parallel_loop3A_118], %parallel_loop3A_122 {add = true} : memref<64x128xf32, #tpu.memory_space<vmem>>[vector<16xi32>, vector<16xi32>], vector<16xf32>,
      %parallel_loop3A_123 = arith.constant 16 : i32
      %parallel_loop3A_124 = arith.muli %parallel_loop3A_106, %parallel_loop3A_123 : i32
      %parallel_loop3A_125 = arith.constant 64 : i32
      %parallel_loop3A_126 = arith.addi %parallel_loop3A_125, %parallel_loop3A_124 : i32
      %parallel_loop3A_127 = arith.constant 0 : i32
      %parallel_loop3A_128 = arith.index_cast %parallel_loop3A_127 : i32 to index
      %parallel_loop3A_129 = arith.index_cast %parallel_loop3A_126 : i32 to index
      %parallel_loop3A_130 = tpu.vector_load %arg5[%parallel_loop3A_128, %parallel_loop3A_129] {strides = array<i32>} : memref<26x512xi32, #tpu.memory_space<vmem>>, vector<16xi32>,
      %parallel_loop3A_131 = arith.constant 0 : i32
      %parallel_loop3A_132 = arith.index_cast %parallel_loop3A_131 : i32 to index
      %parallel_loop3A_133 = arith.index_cast %parallel_loop3A_126 : i32 to index
      %parallel_loop3A_134 = tpu.vector_load %arg6[%parallel_loop3A_132, %parallel_loop3A_133] {strides = array<i32>} : memref<26x512xf32, #tpu.memory_space<vmem>>, vector<16xf32>,
      tpu.vector_store_idx %arg8[%parallel_loop3A_110, %parallel_loop3A_130], %parallel_loop3A_134 {add = true} : memref<64x128xf32, #tpu.memory_space<vmem>>[vector<16xi32>, vector<16xi32>], vector<16xf32>,
      %parallel_loop3A_135 = arith.constant 16 : i32
      %parallel_loop3A_136 = arith.muli %parallel_loop3A_106, %parallel_loop3A_135 : i32
      %parallel_loop3A_137 = arith.constant 128 : i32
      %parallel_loop3A_138 = arith.addi %parallel_loop3A_137, %parallel_loop3A_136 : i32
      %parallel_loop3A_139 = arith.constant 0 : i32
      %parallel_loop3A_140 = arith.index_cast %parallel_loop3A_139 : i32 to index
      %parallel_loop3A_141 = arith.index_cast %parallel_loop3A_138 : i32 to index
      %parallel_loop3A_142 = tpu.vector_load %arg5[%parallel_loop3A_140, %parallel_loop3A_141] {strides = array<i32>} : memref<26x512xi32, #tpu.memory_space<vmem>>, vector<16xi32>,
      %parallel_loop3A_143 = arith.constant 0 : i32
      %parallel_loop3A_144 = arith.index_cast %parallel_loop3A_143 : i32 to index
      %parallel_loop3A_145 = arith.index_cast %parallel_loop3A_138 : i32 to index
      %parallel_loop3A_146 = tpu.vector_load %arg6[%parallel_loop3A_144, %parallel_loop3A_145] {strides = array<i32>} : memref<26x512xf32, #tpu.memory_space<vmem>>, vector<16xf32>,
      tpu.vector_store_idx %arg9[%parallel_loop3A_110, %parallel_loop3A_142], %parallel_loop3A_146 {add = true} : memref<64x128xf32, #tpu.memory_space<vmem>>[vector<16xi32>, vector<16xi32>], vector<16xf32>,
      %parallel_loop3A_147 = arith.constant 16 : i32
      %parallel_loop3A_148 = arith.muli %parallel_loop3A_106, %parallel_loop3A_147 : i32
      %parallel_loop3A_149 = arith.constant 192 : i32
      %parallel_loop3A_150 = arith.addi %parallel_loop3A_149, %parallel_loop3A_148 : i32
      %parallel_loop3A_151 = arith.constant 0 : i32
      %parallel_loop3A_152 = arith.index_cast %parallel_loop3A_151 : i32 to index
      %parallel_loop3A_153 = arith.index_cast %parallel_loop3A_150 : i32 to index
      %parallel_loop3A_154 = tpu.vector_load %arg5[%parallel_loop3A_152, %parallel_loop3A_153] {strides = array<i32>} : memref<26x512xi32, #tpu.memory_space<vmem>>, vector<16xi32>,
      %parallel_loop3A_155 = arith.constant 0 : i32
      %parallel_loop3A_156 = arith.index_cast %parallel_loop3A_155 : i32 to index
      %parallel_loop3A_157 = arith.index_cast %parallel_loop3A_150 : i32 to index
      %parallel_loop3A_158 = tpu.vector_load %arg6[%parallel_loop3A_156, %parallel_loop3A_157] {strides = array<i32>} : memref<26x512xf32, #tpu.memory_space<vmem>>, vector<16xf32>,
      tpu.vector_store_idx %arg10[%parallel_loop3A_110, %parallel_loop3A_154], %parallel_loop3A_158 {add = true} : memref<64x128xf32, #tpu.memory_space<vmem>>[vector<16xi32>, vector<16xi32>], vector<16xf32>,
      %parallel_loop3A_159 = arith.constant 16 : i32
      %parallel_loop3A_160 = arith.muli %parallel_loop3A_106, %parallel_loop3A_159 : i32
      %parallel_loop3A_161 = arith.constant 0 : i32
      %parallel_loop3A_162 = arith.addi %parallel_loop3A_161, %parallel_loop3A_160 : i32
      %parallel_loop3A_163 = arith.constant 1 : i32
      %parallel_loop3A_164 = arith.index_cast %parallel_loop3A_163 : i32 to index
      %parallel_loop3A_165 = arith.index_cast %parallel_loop3A_162 : i32 to index
      %parallel_loop3A_166 = tpu.vector_load %arg5[%parallel_loop3A_164, %parallel_loop3A_165] {strides = array<i32>} : memref<26x512xi32, #tpu.memory_space<vmem>>, vector<16xi32>,
      %parallel_loop3A_167 = arith.constant 1 : i32
      %parallel_loop3A_168 = arith.index_cast %parallel_loop3A_167 : i32 to index
      %parallel_loop3A_169 = arith.index_cast %parallel_loop3A_162 : i32 to index
      %parallel_loop3A_170 = tpu.vector_load %arg6[%parallel_loop3A_168, %parallel_loop3A_169] {strides = array<i32>} : memref<26x512xf32, #tpu.memory_space<vmem>>, vector<16xf32>,
      tpu.vector_store_idx %arg7[%parallel_loop3A_110, %parallel_loop3A_166], %parallel_loop3A_170 {add = true} : memref<64x128xf32, #tpu.memory_space<vmem>>[vector<16xi32>, vector<16xi32>], vector<16xf32>,
      %parallel_loop3A_171 = arith.constant 16 : i32
      %parallel_loop3A_172 = arith.muli %parallel_loop3A_106, %parallel_loop3A_171 : i32
      %parallel_loop3A_173 = arith.constant 64 : i32
      %parallel_loop3A_174 = arith.addi %parallel_loop3A_173, %parallel_loop3A_172 : i32
      %parallel_loop3A_175 = arith.constant 1 : i32
      %parallel_loop3A_176 = arith.index_cast %parallel_loop3A_175 : i32 to index
      %parallel_loop3A_177 = arith.index_cast %parallel_loop3A_174 : i32 to index
      %parallel_loop3A_178 = tpu.vector_load %arg5[%parallel_loop3A_176, %parallel_loop3A_177] {strides = array<i32>} : memref<26x512xi32, #tpu.memory_space<vmem>>, vector<16xi32>,
      %parallel_loop3A_179 = arith.constant 1 : i32
      %parallel_loop3A_180 = arith.index_cast %parallel_loop3A_179 : i32 to index
      %parallel_loop3A_181 = arith.index_cast %parallel_loop3A_174 : i32 to index
      %parallel_loop3A_182 = tpu.vector_load %arg6[%parallel_loop3A_180, %parallel_loop3A_181] {strides = array<i32>} : memref<26x512xf32, #tpu.memory_space<vmem>>, vector<16xf32>,
      tpu.vector_store_idx %arg8[%parallel_loop3A_110, %parallel_loop3A_178], %parallel_loop3A_182 {add = true} : memref<64x128xf32, #tpu.memory_space<vmem>>[vector<16xi32>, vector<16xi32>], vector<16xf32>,
      %parallel_loop3A_183 = arith.constant 16 : i32
      %parallel_loop3A_184 = arith.muli %parallel_loop3A_106, %parallel_loop3A_183 : i32
      %parallel_loop3A_185 = arith.constant 128 : i32
      %parallel_loop3A_186 = arith.addi %parallel_loop3A_185, %parallel_loop3A_184 : i32
      %parallel_loop3A_187 = arith.constant 1 : i32
      %parallel_loop3A_188 = arith.index_cast %parallel_loop3A_187 : i32 to index
      %parallel_loop3A_189 = arith.index_cast %parallel_loop3A_186 : i32 to index
      %parallel_loop3A_190 = tpu.vector_load %arg5[%parallel_loop3A_188, %parallel_loop3A_189] {strides = array<i32>} : memref<26x512xi32, #tpu.memory_space<vmem>>, vector<16xi32>,
      %parallel_loop3A_191 = arith.constant 1 : i32
      %parallel_loop3A_192 = arith.index_cast %parallel_loop3A_191 : i32 to index
      %parallel_loop3A_193 = arith.index_cast %parallel_loop3A_186 : i32 to index
      %parallel_loop3A_194 = tpu.vector_load %arg6[%parallel_loop3A_192, %parallel_loop3A_193] {strides = array<i32>} : memref<26x512xf32, #tpu.memory_space<vmem>>, vector<16xf32>,
      tpu.vector_store_idx %arg9[%parallel_loop3A_110, %parallel_loop3A_190], %parallel_loop3A_194 {add = true} : memref<64x128xf32, #tpu.memory_space<vmem>>[vector<16xi32>, vector<16xi32>], vector<16xf32>,
      %parallel_loop3A_195 = arith.constant 16 : i32
      %parallel_loop3A_196 = arith.muli %parallel_loop3A_106, %parallel_loop3A_195 : i32
      %parallel_loop3A_197 = arith.constant 192 : i32
      %parallel_loop3A_198 = arith.addi %parallel_loop3A_197, %parallel_loop3A_196 : i32
      %parallel_loop3A_199 = arith.constant 1 : i32
      %parallel_loop3A_200 = arith.index_cast %parallel_loop3A_199 : i32 to index
      %parallel_loop3A_201 = arith.index_cast %parallel_loop3A_198 : i32 to index
      %parallel_loop3A_202 = tpu.vector_load %arg5[%parallel_loop3A_200, %parallel_loop3A_201] {strides = array<i32>} : memref<26x512xi32, #tpu.memory_space<vmem>>, vector<16xi32>,
      %parallel_loop3A_203 = arith.constant 1 : i32
      %parallel_loop3A_204 = arith.index_cast %parallel_loop3A_203 : i32 to index
      %parallel_loop3A_205 = arith.index_cast %parallel_loop3A_198 : i32 to index
      %parallel_loop3A_206 = tpu.vector_load %arg6[%parallel_loop3A_204, %parallel_loop3A_205] {strides = array<i32>} : memref<26x512xf32, #tpu.memory_space<vmem>>, vector<16xf32>,
      tpu.vector_store_idx %arg10[%parallel_loop3A_110, %parallel_loop3A_202], %parallel_loop3A_206 {add = true} : memref<64x128xf32, #tpu.memory_space<vmem>>[vector<16xi32>, vector<16xi32>], vector<16xf32>,
      %parallel_loop3A_207 = arith.constant 16 : i32
      %parallel_loop3A_208 = arith.muli %parallel_loop3A_106, %parallel_loop3A_207 : i32
      %parallel_loop3A_209 = arith.constant 0 : i32
      %parallel_loop3A_210 = arith.addi %parallel_loop3A_209, %parallel_loop3A_208 : i32
      %parallel_loop3A_211 = arith.constant 2 : i32
      %parallel_loop3A_212 = arith.index_cast %parallel_loop3A_211 : i32 to index
      %parallel_loop3A_213 = arith.index_cast %parallel_loop3A_210 : i32 to index
      %parallel_loop3A_214 = tpu.vector_load %arg5[%parallel_loop3A_212, %parallel_loop3A_213] {strides = array<i32>} : memref<26x512xi32, #tpu.memory_space<vmem>>, vector<16xi32>,
      %parallel_loop3A_215 = arith.constant 2 : i32
      %parallel_loop3A_216 = arith.index_cast %parallel_loop3A_215 : i32 to index
      %parallel_loop3A_217 = arith.index_cast %parallel_loop3A_210 : i32 to index
      %parallel_loop3A_218 = tpu.vector_load %arg6[%parallel_loop3A_216, %parallel_loop3A_217] {strides = array<i32>} : memref<26x512xf32, #tpu.memory_space<vmem>>, vector<16xf32>,
      tpu.vector_store_idx %arg7[%parallel_loop3A_110, %parallel_loop3A_214], %parallel_loop3A_218 {add = true} : memref<64x128xf32, #tpu.memory_space<vmem>>[vector<16xi32>, vector<16xi32>], vector<16xf32>,
      %parallel_loop3A_219 = arith.constant 16 : i32
      %parallel_loop3A_220 = arith.muli %parallel_loop3A_106, %parallel_loop3A_219 : i32
      %parallel_loop3A_221 = arith.constant 64 : i32
      %parallel_loop3A_222 = arith.addi %parallel_loop3A_221, %parallel_loop3A_220 : i32
      %parallel_loop3A_223 = arith.constant 2 : i32
      %parallel_loop3A_224 = arith.index_cast %parallel_loop3A_223 : i32 to index
      %parallel_loop3A_225 = arith.index_cast %parallel_loop3A_222 : i32 to index
      %parallel_loop3A_226 = tpu.vector_load %arg5[%parallel_loop3A_224, %parallel_loop3A_225] {strides = array<i32>} : memref<26x512xi32, #tpu.memory_space<vmem>>, vector<16xi32>,
      %parallel_loop3A_227 = arith.constant 2 : i32
      %parallel_loop3A_228 = arith.index_cast %parallel_loop3A_227 : i32 to index
      %parallel_loop3A_229 = arith.index_cast %parallel_loop3A_222 : i32 to index
      %parallel_loop3A_230 = tpu.vector_load %arg6[%parallel_loop3A_228, %parallel_loop3A_229] {strides = array<i32>} : memref<26x512xf32, #tpu.memory_space<vmem>>, vector<16xf32>,
      tpu.vector_store_idx %arg8[%parallel_loop3A_110, %parallel_loop3A_226], %parallel_loop3A_230 {add = true} : memref<64x128xf32, #tpu.memory_space<vmem>>[vector<16xi32>, vector<16xi32>], vector<16xf32>,
      %parallel_loop3A_231 = arith.constant 16 : i32
      %parallel_loop3A_232 = arith.muli %parallel_loop3A_106, %parallel_loop3A_231 : i32
      %parallel_loop3A_233 = arith.constant 128 : i32
      %parallel_loop3A_234 = arith.addi %parallel_loop3A_233, %parallel_loop3A_232 : i32
      %parallel_loop3A_235 = arith.constant 2 : i32
      %parallel_loop3A_236 = arith.index_cast %parallel_loop3A_235 : i32 to index
      %parallel_loop3A_237 = arith.index_cast %parallel_loop3A_234 : i32 to index
      %parallel_loop3A_238 = tpu.vector_load %arg5[%parallel_loop3A_236, %parallel_loop3A_237] {strides = array<i32>} : memref<26x512xi32, #tpu.memory_space<vmem>>, vector<16xi32>,
      %parallel_loop3A_239 = arith.constant 2 : i32
      %parallel_loop3A_240 = arith.index_cast %parallel_loop3A_239 : i32 to index
      %parallel_loop3A_241 = arith.index_cast %parallel_loop3A_234 : i32 to index
      %parallel_loop3A_242 = tpu.vector_load %arg6[%parallel_loop3A_240, %parallel_loop3A_241] {strides = array<i32>} : memref<26x512xf32, #tpu.memory_space<vmem>>, vector<16xf32>,
      tpu.vector_store_idx %arg9[%parallel_loop3A_110, %parallel_loop3A_238], %parallel_loop3A_242 {add = true} : memref<64x128xf32, #tpu.memory_space<vmem>>[vector<16xi32>, vector<16xi32>], vector<16xf32>,
      %parallel_loop3A_243 = arith.constant 16 : i32
      %parallel_loop3A_244 = arith.muli %parallel_loop3A_106, %parallel_loop3A_243 : i32
      %parallel_loop3A_245 = arith.constant 192 : i32
      %parallel_loop3A_246 = arith.addi %parallel_loop3A_245, %parallel_loop3A_244 : i32
      %parallel_loop3A_247 = arith.constant 2 : i32
      %parallel_loop3A_248 = arith.index_cast %parallel_loop3A_247 : i32 to index
      %parallel_loop3A_249 = arith.index_cast %parallel_loop3A_246 : i32 to index
      %parallel_loop3A_250 = tpu.vector_load %arg5[%parallel_loop3A_248, %parallel_loop3A_249] {strides = array<i32>} : memref<26x512xi32, #tpu.memory_space<vmem>>, vector<16xi32>,
      %parallel_loop3A_251 = arith.constant 2 : i32
      %parallel_loop3A_252 = arith.index_cast %parallel_loop3A_251 : i32 to index
      %parallel_loop3A_253 = arith.index_cast %parallel_loop3A_246 : i32 to index
      %parallel_loop3A_254 = tpu.vector_load %arg6[%parallel_loop3A_252, %parallel_loop3A_253] {strides = array<i32>} : memref<26x512xf32, #tpu.memory_space<vmem>>, vector<16xf32>,
      tpu.vector_store_idx %arg10[%parallel_loop3A_110, %parallel_loop3A_250], %parallel_loop3A_254 {add = true} : memref<64x128xf32, #tpu.memory_space<vmem>>[vector<16xi32>, vector<16xi32>], vector<16xf32>,
      %parallel_loop3A_255 = arith.constant 16 : i32
      %parallel_loop3A_256 = arith.muli %parallel_loop3A_106, %parallel_loop3A_255 : i32
      %parallel_loop3A_257 = arith.constant 0 : i32
      %parallel_loop3A_258 = arith.addi %parallel_loop3A_257, %parallel_loop3A_256 : i32
      %parallel_loop3A_259 = arith.constant 3 : i32
      %parallel_loop3A_260 = arith.index_cast %parallel_loop3A_259 : i32 to index
      %parallel_loop3A_261 = arith.index_cast %parallel_loop3A_258 : i32 to index
      %parallel_loop3A_262 = tpu.vector_load %arg5[%parallel_loop3A_260, %parallel_loop3A_261] {strides = array<i32>} : memref<26x512xi32, #tpu.memory_space<vmem>>, vector<16xi32>,
      %parallel_loop3A_263 = arith.constant 3 : i32
      %parallel_loop3A_264 = arith.index_cast %parallel_loop3A_263 : i32 to index
      %parallel_loop3A_265 = arith.index_cast %parallel_loop3A_258 : i32 to index
      %parallel_loop3A_266 = tpu.vector_load %arg6[%parallel_loop3A_264, %parallel_loop3A_265] {strides = array<i32>} : memref<26x512xf32, #tpu.memory_space<vmem>>, vector<16xf32>,
      tpu.vector_store_idx %arg7[%parallel_loop3A_110, %parallel_loop3A_262], %parallel_loop3A_266 {add = true} : memref<64x128xf32, #tpu.memory_space<vmem>>[vector<16xi32>, vector<16xi32>], vector<16xf32>,
      %parallel_loop3A_267 = arith.constant 16 : i32
      %parallel_loop3A_268 = arith.muli %parallel_loop3A_106, %parallel_loop3A_267 : i32
      %parallel_loop3A_269 = arith.constant 64 : i32
      %parallel_loop3A_270 = arith.addi %parallel_loop3A_269, %parallel_loop3A_268 : i32
      %parallel_loop3A_271 = arith.constant 3 : i32
      %parallel_loop3A_272 = arith.index_cast %parallel_loop3A_271 : i32 to index
      %parallel_loop3A_273 = arith.index_cast %parallel_loop3A_270 : i32 to index
      %parallel_loop3A_274 = tpu.vector_load %arg5[%parallel_loop3A_272, %parallel_loop3A_273] {strides = array<i32>} : memref<26x512xi32, #tpu.memory_space<vmem>>, vector<16xi32>,
      %parallel_loop3A_275 = arith.constant 3 : i32
      %parallel_loop3A_276 = arith.index_cast %parallel_loop3A_275 : i32 to index
      %parallel_loop3A_277 = arith.index_cast %parallel_loop3A_270 : i32 to index
      %parallel_loop3A_278 = tpu.vector_load %arg6[%parallel_loop3A_276, %parallel_loop3A_277] {strides = array<i32>} : memref<26x512xf32, #tpu.memory_space<vmem>>, vector<16xf32>,
      tpu.vector_store_idx %arg8[%parallel_loop3A_110, %parallel_loop3A_274], %parallel_loop3A_278 {add = true} : memref<64x128xf32, #tpu.memory_space<vmem>>[vector<16xi32>, vector<16xi32>], vector<16xf32>,
      %parallel_loop3A_279 = arith.constant 16 : i32
      %parallel_loop3A_280 = arith.muli %parallel_loop3A_106, %parallel_loop3A_279 : i32
      %parallel_loop3A_281 = arith.constant 128 : i32
      %parallel_loop3A_282 = arith.addi %parallel_loop3A_281, %parallel_loop3A_280 : i32
      %parallel_loop3A_283 = arith.constant 3 : i32
      %parallel_loop3A_284 = arith.index_cast %parallel_loop3A_283 : i32 to index
      %parallel_loop3A_285 = arith.index_cast %parallel_loop3A_282 : i32 to index
      %parallel_loop3A_286 = tpu.vector_load %arg5[%parallel_loop3A_284, %parallel_loop3A_285] {strides = array<i32>} : memref<26x512xi32, #tpu.memory_space<vmem>>, vector<16xi32>,
      %parallel_loop3A_287 = arith.constant 3 : i32
      %parallel_loop3A_288 = arith.index_cast %parallel_loop3A_287 : i32 to index
      %parallel_loop3A_289 = arith.index_cast %parallel_loop3A_282 : i32 to index
      %parallel_loop3A_290 = tpu.vector_load %arg6[%parallel_loop3A_288, %parallel_loop3A_289] {strides = array<i32>} : memref<26x512xf32, #tpu.memory_space<vmem>>, vector<16xf32>,
      tpu.vector_store_idx %arg9[%parallel_loop3A_110, %parallel_loop3A_286], %parallel_loop3A_290 {add = true} : memref<64x128xf32, #tpu.memory_space<vmem>>[vector<16xi32>, vector<16xi32>], vector<16xf32>,
      %parallel_loop3A_291 = arith.constant 16 : i32
      %parallel_loop3A_292 = arith.muli %parallel_loop3A_106, %parallel_loop3A_291 : i32
      %parallel_loop3A_293 = arith.constant 192 : i32
      %parallel_loop3A_294 = arith.addi %parallel_loop3A_293, %parallel_loop3A_292 : i32
      %parallel_loop3A_295 = arith.constant 3 : i32
      %parallel_loop3A_296 = arith.index_cast %parallel_loop3A_295 : i32 to index
      %parallel_loop3A_297 = arith.index_cast %parallel_loop3A_294 : i32 to index
      %parallel_loop3A_298 = tpu.vector_load %arg5[%parallel_loop3A_296, %parallel_loop3A_297] {strides = array<i32>} : memref<26x512xi32, #tpu.memory_space<vmem>>, vector<16xi32>,
      %parallel_loop3A_299 = arith.constant 3 : i32
      %parallel_loop3A_300 = arith.index_cast %parallel_loop3A_299 : i32 to index
      %parallel_loop3A_301 = arith.index_cast %parallel_loop3A_294 : i32 to index
      %parallel_loop3A_302 = tpu.vector_load %arg6[%parallel_loop3A_300, %parallel_loop3A_301] {strides = array<i32>} : memref<26x512xf32, #tpu.memory_space<vmem>>, vector<16xf32>,
      tpu.vector_store_idx %arg10[%parallel_loop3A_110, %parallel_loop3A_298], %parallel_loop3A_302 {add = true} : memref<64x128xf32, #tpu.memory_space<vmem>>[vector<16xi32>, vector<16xi32>], vector<16xf32>,
      %parallel_loop3A_303 = arith.constant 16 : i32
      %parallel_loop3A_304 = arith.muli %parallel_loop3A_106, %parallel_loop3A_303 : i32
      %parallel_loop3A_305 = arith.constant 0 : i32
      %parallel_loop3A_306 = arith.addi %parallel_loop3A_305, %parallel_loop3A_304 : i32
      %parallel_loop3A_307 = arith.constant 4 : i32
      %parallel_loop3A_308 = arith.index_cast %parallel_loop3A_307 : i32 to index
      %parallel_loop3A_309 = arith.index_cast %parallel_loop3A_306 : i32 to index
      %parallel_loop3A_310 = tpu.vector_load %arg5[%parallel_loop3A_308, %parallel_loop3A_309] {strides = array<i32>} : memref<26x512xi32, #tpu.memory_space<vmem>>, vector<16xi32>,
      %parallel_loop3A_311 = arith.constant 4 : i32
      %parallel_loop3A_312 = arith.index_cast %parallel_loop3A_311 : i32 to index
      %parallel_loop3A_313 = arith.index_cast %parallel_loop3A_306 : i32 to index
      %parallel_loop3A_314 = tpu.vector_load %arg6[%parallel_loop3A_312, %parallel_loop3A_313] {strides = array<i32>} : memref<26x512xf32, #tpu.memory_space<vmem>>, vector<16xf32>,
      tpu.vector_store_idx %arg7[%parallel_loop3A_110, %parallel_loop3A_310], %parallel_loop3A_314 {add = true} : memref<64x128xf32, #tpu.memory_space<vmem>>[vector<16xi32>, vector<16xi32>], vector<16xf32>,
      %parallel_loop3A_315 = arith.constant 16 : i32
      %parallel_loop3A_316 = arith.muli %parallel_loop3A_106, %parallel_loop3A_315 : i32
      %parallel_loop3A_317 = arith.constant 64 : i32
      %parallel_loop3A_318 = arith.addi %parallel_loop3A_317, %parallel_loop3A_316 : i32
      %parallel_loop3A_319 = arith.constant 4 : i32
      %parallel_loop3A_320 = arith.index_cast %parallel_loop3A_319 : i32 to index
      %parallel_loop3A_321 = arith.index_cast %parallel_loop3A_318 : i32 to index
      %parallel_loop3A_322 = tpu.vector_load %arg5[%parallel_loop3A_320, %parallel_loop3A_321] {strides = array<i32>} : memref<26x512xi32, #tpu.memory_space<vmem>>, vector<16xi32>,
      %parallel_loop3A_323 = arith.constant 4 : i32
      %parallel_loop3A_324 = arith.index_cast %parallel_loop3A_323 : i32 to index
      %parallel_loop3A_325 = arith.index_cast %parallel_loop3A_318 : i32 to index
      %parallel_loop3A_326 = tpu.vector_load %arg6[%parallel_loop3A_324, %parallel_loop3A_325] {strides = array<i32>} : memref<26x512xf32, #tpu.memory_space<vmem>>, vector<16xf32>,
      tpu.vector_store_idx %arg8[%parallel_loop3A_110, %parallel_loop3A_322], %parallel_loop3A_326 {add = true} : memref<64x128xf32, #tpu.memory_space<vmem>>[vector<16xi32>, vector<16xi32>], vector<16xf32>,
      %parallel_loop3A_327 = arith.constant 16 : i32
      %parallel_loop3A_328 = arith.muli %parallel_loop3A_106, %parallel_loop3A_327 : i32
      %parallel_loop3A_329 = arith.constant 128 : i32
      %parallel_loop3A_330 = arith.addi %parallel_loop3A_329, %parallel_loop3A_328 : i32
      %parallel_loop3A_331 = arith.constant 4 : i32
      %parallel_loop3A_332 = arith.index_cast %parallel_loop3A_331 : i32 to index
      %parallel_loop3A_333 = arith.index_cast %parallel_loop3A_330 : i32 to index
      %parallel_loop3A_334 = tpu.vector_load %arg5[%parallel_loop3A_332, %parallel_loop3A_333] {strides = array<i32>} : memref<26x512xi32, #tpu.memory_space<vmem>>, vector<16xi32>,
      %parallel_loop3A_335 = arith.constant 4 : i32
      %parallel_loop3A_336 = arith.index_cast %parallel_loop3A_335 : i32 to index
      %parallel_loop3A_337 = arith.index_cast %parallel_loop3A_330 : i32 to index
      %parallel_loop3A_338 = tpu.vector_load %arg6[%parallel_loop3A_336, %parallel_loop3A_337] {strides = array<i32>} : memref<26x512xf32, #tpu.memory_space<vmem>>, vector<16xf32>,
      tpu.vector_store_idx %arg9[%parallel_loop3A_110, %parallel_loop3A_334], %parallel_loop3A_338 {add = true} : memref<64x128xf32, #tpu.memory_space<vmem>>[vector<16xi32>, vector<16xi32>], vector<16xf32>,
      %parallel_loop3A_339 = arith.constant 16 : i32
      %parallel_loop3A_340 = arith.muli %parallel_loop3A_106, %parallel_loop3A_339 : i32
      %parallel_loop3A_341 = arith.constant 192 : i32
      %parallel_loop3A_342 = arith.addi %parallel_loop3A_341, %parallel_loop3A_340 : i32
      %parallel_loop3A_343 = arith.constant 4 : i32
      %parallel_loop3A_344 = arith.index_cast %parallel_loop3A_343 : i32 to index
      %parallel_loop3A_345 = arith.index_cast %parallel_loop3A_342 : i32 to index
      %parallel_loop3A_346 = tpu.vector_load %arg5[%parallel_loop3A_344, %parallel_loop3A_345] {strides = array<i32>} : memref<26x512xi32, #tpu.memory_space<vmem>>, vector<16xi32>,
      %parallel_loop3A_347 = arith.constant 4 : i32
      %parallel_loop3A_348 = arith.index_cast %parallel_loop3A_347 : i32 to index
      %parallel_loop3A_349 = arith.index_cast %parallel_loop3A_342 : i32 to index
      %parallel_loop3A_350 = tpu.vector_load %arg6[%parallel_loop3A_348, %parallel_loop3A_349] {strides = array<i32>} : memref<26x512xf32, #tpu.memory_space<vmem>>, vector<16xf32>,
      tpu.vector_store_idx %arg10[%parallel_loop3A_110, %parallel_loop3A_346], %parallel_loop3A_350 {add = true} : memref<64x128xf32, #tpu.memory_space<vmem>>[vector<16xi32>, vector<16xi32>], vector<16xf32>,
      %parallel_loop3A_351 = arith.constant 16 : i32
      %parallel_loop3A_352 = arith.muli %parallel_loop3A_106, %parallel_loop3A_351 : i32
      %parallel_loop3A_353 = arith.constant 0 : i32
      %parallel_loop3A_354 = arith.addi %parallel_loop3A_353, %parallel_loop3A_352 : i32
      %parallel_loop3A_355 = arith.constant 5 : i32
      %parallel_loop3A_356 = arith.index_cast %parallel_loop3A_355 : i32 to index
      %parallel_loop3A_357 = arith.index_cast %parallel_loop3A_354 : i32 to index
      %parallel_loop3A_358 = tpu.vector_load %arg5[%parallel_loop3A_356, %parallel_loop3A_357] {strides = array<i32>} : memref<26x512xi32, #tpu.memory_space<vmem>>, vector<16xi32>,
      %parallel_loop3A_359 = arith.constant 5 : i32
      %parallel_loop3A_360 = arith.index_cast %parallel_loop3A_359 : i32 to index
      %parallel_loop3A_361 = arith.index_cast %parallel_loop3A_354 : i32 to index
      %parallel_loop3A_362 = tpu.vector_load %arg6[%parallel_loop3A_360, %parallel_loop3A_361] {strides = array<i32>} : memref<26x512xf32, #tpu.memory_space<vmem>>, vector<16xf32>,
      tpu.vector_store_idx %arg7[%parallel_loop3A_110, %parallel_loop3A_358], %parallel_loop3A_362 {add = true} : memref<64x128xf32, #tpu.memory_space<vmem>>[vector<16xi32>, vector<16xi32>], vector<16xf32>,
      %parallel_loop3A_363 = arith.constant 16 : i32
      %parallel_loop3A_364 = arith.muli %parallel_loop3A_106, %parallel_loop3A_363 : i32
      %parallel_loop3A_365 = arith.constant 64 : i32
      %parallel_loop3A_366 = arith.addi %parallel_loop3A_365, %parallel_loop3A_364 : i32
      %parallel_loop3A_367 = arith.constant 5 : i32
      %parallel_loop3A_368 = arith.index_cast %parallel_loop3A_367 : i32 to index
      %parallel_loop3A_369 = arith.index_cast %parallel_loop3A_366 : i32 to index
      %parallel_loop3A_370 = tpu.vector_load %arg5[%parallel_loop3A_368, %parallel_loop3A_369] {strides = array<i32>} : memref<26x512xi32, #tpu.memory_space<vmem>>, vector<16xi32>,
      %parallel_loop3A_371 = arith.constant 5 : i32
      %parallel_loop3A_372 = arith.index_cast %parallel_loop3A_371 : i32 to index
      %parallel_loop3A_373 = arith.index_cast %parallel_loop3A_366 : i32 to index
      %parallel_loop3A_374 = tpu.vector_load %arg6[%parallel_loop3A_372, %parallel_loop3A_373] {strides = array<i32>} : memref<26x512xf32, #tpu.memory_space<vmem>>, vector<16xf32>,
      tpu.vector_store_idx %arg8[%parallel_loop3A_110, %parallel_loop3A_370], %parallel_loop3A_374 {add = true} : memref<64x128xf32, #tpu.memory_space<vmem>>[vector<16xi32>, vector<16xi32>], vector<16xf32>,
      %parallel_loop3A_375 = arith.constant 16 : i32
      %parallel_loop3A_376 = arith.muli %parallel_loop3A_106, %parallel_loop3A_375 : i32
      %parallel_loop3A_377 = arith.constant 128 : i32
      %parallel_loop3A_378 = arith.addi %parallel_loop3A_377, %parallel_loop3A_376 : i32
      %parallel_loop3A_379 = arith.constant 5 : i32
      %parallel_loop3A_380 = arith.index_cast %parallel_loop3A_379 : i32 to index
      %parallel_loop3A_381 = arith.index_cast %parallel_loop3A_378 : i32 to index
      %parallel_loop3A_382 = tpu.vector_load %arg5[%parallel_loop3A_380, %parallel_loop3A_381] {strides = array<i32>} : memref<26x512xi32, #tpu.memory_space<vmem>>, vector<16xi32>,
      %parallel_loop3A_383 = arith.constant 5 : i32
      %parallel_loop3A_384 = arith.index_cast %parallel_loop3A_383 : i32 to index
      %parallel_loop3A_385 = arith.index_cast %parallel_loop3A_378 : i32 to index
      %parallel_loop3A_386 = tpu.vector_load %arg6[%parallel_loop3A_384, %parallel_loop3A_385] {strides = array<i32>} : memref<26x512xf32, #tpu.memory_space<vmem>>, vector<16xf32>,
      tpu.vector_store_idx %arg9[%parallel_loop3A_110, %parallel_loop3A_382], %parallel_loop3A_386 {add = true} : memref<64x128xf32, #tpu.memory_space<vmem>>[vector<16xi32>, vector<16xi32>], vector<16xf32>,
      %parallel_loop3A_387 = arith.constant 16 : i32
      %parallel_loop3A_388 = arith.muli %parallel_loop3A_106, %parallel_loop3A_387 : i32
      %parallel_loop3A_389 = arith.constant 192 : i32
      %parallel_loop3A_390 = arith.addi %parallel_loop3A_389, %parallel_loop3A_388 : i32
      %parallel_loop3A_391 = arith.constant 5 : i32
      %parallel_loop3A_392 = arith.index_cast %parallel_loop3A_391 : i32 to index
      %parallel_loop3A_393 = arith.index_cast %parallel_loop3A_390 : i32 to index
      %parallel_loop3A_394 = tpu.vector_load %arg5[%parallel_loop3A_392, %parallel_loop3A_393] {strides = array<i32>} : memref<26x512xi32, #tpu.memory_space<vmem>>, vector<16xi32>,
      %parallel_loop3A_395 = arith.constant 5 : i32
      %parallel_loop3A_396 = arith.index_cast %parallel_loop3A_395 : i32 to index
      %parallel_loop3A_397 = arith.index_cast %parallel_loop3A_390 : i32 to index
      %parallel_loop3A_398 = tpu.vector_load %arg6[%parallel_loop3A_396, %parallel_loop3A_397] {strides = array<i32>} : memref<26x512xf32, #tpu.memory_space<vmem>>, vector<16xf32>,
      tpu.vector_store_idx %arg10[%parallel_loop3A_110, %parallel_loop3A_394], %parallel_loop3A_398 {add = true} : memref<64x128xf32, #tpu.memory_space<vmem>>[vector<16xi32>, vector<16xi32>], vector<16xf32>,
      %parallel_loop3A_399 = arith.constant 16 : i32
      %parallel_loop3A_400 = arith.muli %parallel_loop3A_106, %parallel_loop3A_399 : i32
      %parallel_loop3A_401 = arith.constant 0 : i32
      %parallel_loop3A_402 = arith.addi %parallel_loop3A_401, %parallel_loop3A_400 : i32
      %parallel_loop3A_403 = arith.constant 6 : i32
      %parallel_loop3A_404 = arith.index_cast %parallel_loop3A_403 : i32 to index
      %parallel_loop3A_405 = arith.index_cast %parallel_loop3A_402 : i32 to index
      %parallel_loop3A_406 = tpu.vector_load %arg5[%parallel_loop3A_404, %parallel_loop3A_405] {strides = array<i32>} : memref<26x512xi32, #tpu.memory_space<vmem>>, vector<16xi32>,
      %parallel_loop3A_407 = arith.constant 6 : i32
      %parallel_loop3A_408 = arith.index_cast %parallel_loop3A_407 : i32 to index
      %parallel_loop3A_409 = arith.index_cast %parallel_loop3A_402 : i32 to index
      %parallel_loop3A_410 = tpu.vector_load %arg6[%parallel_loop3A_408, %parallel_loop3A_409] {strides = array<i32>} : memref<26x512xf32, #tpu.memory_space<vmem>>, vector<16xf32>,
      tpu.vector_store_idx %arg7[%parallel_loop3A_110, %parallel_loop3A_406], %parallel_loop3A_410 {add = true} : memref<64x128xf32, #tpu.memory_space<vmem>>[vector<16xi32>, vector<16xi32>], vector<16xf32>,
      %parallel_loop3A_411 = arith.constant 16 : i32
      %parallel_loop3A_412 = arith.muli %parallel_loop3A_106, %parallel_loop3A_411 : i32
      %parallel_loop3A_413 = arith.constant 64 : i32
      %parallel_loop3A_414 = arith.addi %parallel_loop3A_413, %parallel_loop3A_412 : i32
      %parallel_loop3A_415 = arith.constant 6 : i32
      %parallel_loop3A_416 = arith.index_cast %parallel_loop3A_415 : i32 to index
      %parallel_loop3A_417 = arith.index_cast %parallel_loop3A_414 : i32 to index
      %parallel_loop3A_418 = tpu.vector_load %arg5[%parallel_loop3A_416, %parallel_loop3A_417] {strides = array<i32>} : memref<26x512xi32, #tpu.memory_space<vmem>>, vector<16xi32>,
      %parallel_loop3A_419 = arith.constant 6 : i32
      %parallel_loop3A_420 = arith.index_cast %parallel_loop3A_419 : i32 to index
      %parallel_loop3A_421 = arith.index_cast %parallel_loop3A_414 : i32 to index
      %parallel_loop3A_422 = tpu.vector_load %arg6[%parallel_loop3A_420, %parallel_loop3A_421] {strides = array<i32>} : memref<26x512xf32, #tpu.memory_space<vmem>>, vector<16xf32>,
      tpu.vector_store_idx %arg8[%parallel_loop3A_110, %parallel_loop3A_418], %parallel_loop3A_422 {add = true} : memref<64x128xf32, #tpu.memory_space<vmem>>[vector<16xi32>, vector<16xi32>], vector<16xf32>,
      %parallel_loop3A_423 = arith.constant 16 : i32
      %parallel_loop3A_424 = arith.muli %parallel_loop3A_106, %parallel_loop3A_423 : i32
      %parallel_loop3A_425 = arith.constant 128 : i32
      %parallel_loop3A_426 = arith.addi %parallel_loop3A_425, %parallel_loop3A_424 : i32
      %parallel_loop3A_427 = arith.constant 6 : i32
      %parallel_loop3A_428 = arith.index_cast %parallel_loop3A_427 : i32 to index
      %parallel_loop3A_429 = arith.index_cast %parallel_loop3A_426 : i32 to index
      %parallel_loop3A_430 = tpu.vector_load %arg5[%parallel_loop3A_428, %parallel_loop3A_429] {strides = array<i32>} : memref<26x512xi32, #tpu.memory_space<vmem>>, vector<16xi32>,
      %parallel_loop3A_431 = arith.constant 6 : i32
      %parallel_loop3A_432 = arith.index_cast %parallel_loop3A_431 : i32 to index
      %parallel_loop3A_433 = arith.index_cast %parallel_loop3A_426 : i32 to index
      %parallel_loop3A_434 = tpu.vector_load %arg6[%parallel_loop3A_432, %parallel_loop3A_433] {strides = array<i32>} : memref<26x512xf32, #tpu.memory_space<vmem>>, vector<16xf32>,
      tpu.vector_store_idx %arg9[%parallel_loop3A_110, %parallel_loop3A_430], %parallel_loop3A_434 {add = true} : memref<64x128xf32, #tpu.memory_space<vmem>>[vector<16xi32>, vector<16xi32>], vector<16xf32>,
      %parallel_loop3A_435 = arith.constant 16 : i32
      %parallel_loop3A_436 = arith.muli %parallel_loop3A_106, %parallel_loop3A_435 : i32
      %parallel_loop3A_437 = arith.constant 192 : i32
      %parallel_loop3A_438 = arith.addi %parallel_loop3A_437, %parallel_loop3A_436 : i32
      %parallel_loop3A_439 = arith.constant 6 : i32
      %parallel_loop3A_440 = arith.index_cast %parallel_loop3A_439 : i32 to index
      %parallel_loop3A_441 = arith.index_cast %parallel_loop3A_438 : i32 to index
      %parallel_loop3A_442 = tpu.vector_load %arg5[%parallel_loop3A_440, %parallel_loop3A_441] {strides = array<i32>} : memref<26x512xi32, #tpu.memory_space<vmem>>, vector<16xi32>,
      %parallel_loop3A_443 = arith.constant 6 : i32
      %parallel_loop3A_444 = arith.index_cast %parallel_loop3A_443 : i32 to index
      %parallel_loop3A_445 = arith.index_cast %parallel_loop3A_438 : i32 to index
      %parallel_loop3A_446 = tpu.vector_load %arg6[%parallel_loop3A_444, %parallel_loop3A_445] {strides = array<i32>} : memref<26x512xf32, #tpu.memory_space<vmem>>, vector<16xf32>,
      tpu.vector_store_idx %arg10[%parallel_loop3A_110, %parallel_loop3A_442], %parallel_loop3A_446 {add = true} : memref<64x128xf32, #tpu.memory_space<vmem>>[vector<16xi32>, vector<16xi32>], vector<16xf32>,
      %parallel_loop3A_447 = arith.constant 16 : i32
      %parallel_loop3A_448 = arith.muli %parallel_loop3A_106, %parallel_loop3A_447 : i32
      %parallel_loop3A_449 = arith.constant 0 : i32
      %parallel_loop3A_450 = arith.addi %parallel_loop3A_449, %parallel_loop3A_448 : i32
      %parallel_loop3A_451 = arith.constant 7 : i32
      %parallel_loop3A_452 = arith.index_cast %parallel_loop3A_451 : i32 to index
      %parallel_loop3A_453 = arith.index_cast %parallel_loop3A_450 : i32 to index
      %parallel_loop3A_454 = tpu.vector_load %arg5[%parallel_loop3A_452, %parallel_loop3A_453] {strides = array<i32>} : memref<26x512xi32, #tpu.memory_space<vmem>>, vector<16xi32>,
      %parallel_loop3A_455 = arith.constant 7 : i32
      %parallel_loop3A_456 = arith.index_cast %parallel_loop3A_455 : i32 to index
      %parallel_loop3A_457 = arith.index_cast %parallel_loop3A_450 : i32 to index
      %parallel_loop3A_458 = tpu.vector_load %arg6[%parallel_loop3A_456, %parallel_loop3A_457] {strides = array<i32>} : memref<26x512xf32, #tpu.memory_space<vmem>>, vector<16xf32>,
      tpu.vector_store_idx %arg7[%parallel_loop3A_110, %parallel_loop3A_454], %parallel_loop3A_458 {add = true} : memref<64x128xf32, #tpu.memory_space<vmem>>[vector<16xi32>, vector<16xi32>], vector<16xf32>,
      %parallel_loop3A_459 = arith.constant 16 : i32
      %parallel_loop3A_460 = arith.muli %parallel_loop3A_106, %parallel_loop3A_459 : i32
      %parallel_loop3A_461 = arith.constant 64 : i32
      %parallel_loop3A_462 = arith.addi %parallel_loop3A_461, %parallel_loop3A_460 : i32
      %parallel_loop3A_463 = arith.constant 7 : i32
      %parallel_loop3A_464 = arith.index_cast %parallel_loop3A_463 : i32 to index
      %parallel_loop3A_465 = arith.index_cast %parallel_loop3A_462 : i32 to index
      %parallel_loop3A_466 = tpu.vector_load %arg5[%parallel_loop3A_464, %parallel_loop3A_465] {strides = array<i32>} : memref<26x512xi32, #tpu.memory_space<vmem>>, vector<16xi32>,
      %parallel_loop3A_467 = arith.constant 7 : i32
      %parallel_loop3A_468 = arith.index_cast %parallel_loop3A_467 : i32 to index
      %parallel_loop3A_469 = arith.index_cast %parallel_loop3A_462 : i32 to index
      %parallel_loop3A_470 = tpu.vector_load %arg6[%parallel_loop3A_468, %parallel_loop3A_469] {strides = array<i32>} : memref<26x512xf32, #tpu.memory_space<vmem>>, vector<16xf32>,
      tpu.vector_store_idx %arg8[%parallel_loop3A_110, %parallel_loop3A_466], %parallel_loop3A_470 {add = true} : memref<64x128xf32, #tpu.memory_space<vmem>>[vector<16xi32>, vector<16xi32>], vector<16xf32>,
      %parallel_loop3A_471 = arith.constant 16 : i32
      %parallel_loop3A_472 = arith.muli %parallel_loop3A_106, %parallel_loop3A_471 : i32
      %parallel_loop3A_473 = arith.constant 128 : i32
      %parallel_loop3A_474 = arith.addi %parallel_loop3A_473, %parallel_loop3A_472 : i32
      %parallel_loop3A_475 = arith.constant 7 : i32
      %parallel_loop3A_476 = arith.index_cast %parallel_loop3A_475 : i32 to index
      %parallel_loop3A_477 = arith.index_cast %parallel_loop3A_474 : i32 to index
      %parallel_loop3A_478 = tpu.vector_load %arg5[%parallel_loop3A_476, %parallel_loop3A_477] {strides = array<i32>} : memref<26x512xi32, #tpu.memory_space<vmem>>, vector<16xi32>,
      %parallel_loop3A_479 = arith.constant 7 : i32
      %parallel_loop3A_480 = arith.index_cast %parallel_loop3A_479 : i32 to index
      %parallel_loop3A_481 = arith.index_cast %parallel_loop3A_474 : i32 to index
      %parallel_loop3A_482 = tpu.vector_load %arg6[%parallel_loop3A_480, %parallel_loop3A_481] {strides = array<i32>} : memref<26x512xf32, #tpu.memory_space<vmem>>, vector<16xf32>,
      tpu.vector_store_idx %arg9[%parallel_loop3A_110, %parallel_loop3A_478], %parallel_loop3A_482 {add = true} : memref<64x128xf32, #tpu.memory_space<vmem>>[vector<16xi32>, vector<16xi32>], vector<16xf32>,
      %parallel_loop3A_483 = arith.constant 16 : i32
      %parallel_loop3A_484 = arith.muli %parallel_loop3A_106, %parallel_loop3A_483 : i32
      %parallel_loop3A_485 = arith.constant 192 : i32
      %parallel_loop3A_486 = arith.addi %parallel_loop3A_485, %parallel_loop3A_484 : i32
      %parallel_loop3A_487 = arith.constant 7 : i32
      %parallel_loop3A_488 = arith.index_cast %parallel_loop3A_487 : i32 to index
      %parallel_loop3A_489 = arith.index_cast %parallel_loop3A_486 : i32 to index
      %parallel_loop3A_490 = tpu.vector_load %arg5[%parallel_loop3A_488, %parallel_loop3A_489] {strides = array<i32>} : memref<26x512xi32, #tpu.memory_space<vmem>>, vector<16xi32>,
      %parallel_loop3A_491 = arith.constant 7 : i32
      %parallel_loop3A_492 = arith.index_cast %parallel_loop3A_491 : i32 to index
      %parallel_loop3A_493 = arith.index_cast %parallel_loop3A_486 : i32 to index
      %parallel_loop3A_494 = tpu.vector_load %arg6[%parallel_loop3A_492, %parallel_loop3A_493] {strides = array<i32>} : memref<26x512xf32, #tpu.memory_space<vmem>>, vector<16xf32>,
      tpu.vector_store_idx %arg10[%parallel_loop3A_110, %parallel_loop3A_490], %parallel_loop3A_494 {add = true} : memref<64x128xf32, #tpu.memory_space<vmem>>[vector<16xi32>, vector<16xi32>], vector<16xf32>,
      %parallel_loop3A_495 = arith.constant 16 : i32
      %parallel_loop3A_496 = arith.muli %parallel_loop3A_106, %parallel_loop3A_495 : i32
      %parallel_loop3A_497 = arith.constant 0 : i32
      %parallel_loop3A_498 = arith.addi %parallel_loop3A_497, %parallel_loop3A_496 : i32
      %parallel_loop3A_499 = arith.constant 8 : i32
      %parallel_loop3A_500 = arith.index_cast %parallel_loop3A_499 : i32 to index
      %parallel_loop3A_501 = arith.index_cast %parallel_loop3A_498 : i32 to index
      %parallel_loop3A_502 = tpu.vector_load %arg5[%parallel_loop3A_500, %parallel_loop3A_501] {strides = array<i32>} : memref<26x512xi32, #tpu.memory_space<vmem>>, vector<16xi32>,
      %parallel_loop3A_503 = arith.constant 8 : i32
      %parallel_loop3A_504 = arith.index_cast %parallel_loop3A_503 : i32 to index
      %parallel_loop3A_505 = arith.index_cast %parallel_loop3A_498 : i32 to index
      %parallel_loop3A_506 = tpu.vector_load %arg6[%parallel_loop3A_504, %parallel_loop3A_505] {strides = array<i32>} : memref<26x512xf32, #tpu.memory_space<vmem>>, vector<16xf32>,
      tpu.vector_store_idx %arg7[%parallel_loop3A_110, %parallel_loop3A_502], %parallel_loop3A_506 {add = true} : memref<64x128xf32, #tpu.memory_space<vmem>>[vector<16xi32>, vector<16xi32>], vector<16xf32>,
      %parallel_loop3A_507 = arith.constant 16 : i32
      %parallel_loop3A_508 = arith.muli %parallel_loop3A_106, %parallel_loop3A_507 : i32
      %parallel_loop3A_509 = arith.constant 64 : i32
      %parallel_loop3A_510 = arith.addi %parallel_loop3A_509, %parallel_loop3A_508 : i32
      %parallel_loop3A_511 = arith.constant 8 : i32
      %parallel_loop3A_512 = arith.index_cast %parallel_loop3A_511 : i32 to index
      %parallel_loop3A_513 = arith.index_cast %parallel_loop3A_510 : i32 to index
      %parallel_loop3A_514 = tpu.vector_load %arg5[%parallel_loop3A_512, %parallel_loop3A_513] {strides = array<i32>} : memref<26x512xi32, #tpu.memory_space<vmem>>, vector<16xi32>,
      %parallel_loop3A_515 = arith.constant 8 : i32
      %parallel_loop3A_516 = arith.index_cast %parallel_loop3A_515 : i32 to index
      %parallel_loop3A_517 = arith.index_cast %parallel_loop3A_510 : i32 to index
      %parallel_loop3A_518 = tpu.vector_load %arg6[%parallel_loop3A_516, %parallel_loop3A_517] {strides = array<i32>} : memref<26x512xf32, #tpu.memory_space<vmem>>, vector<16xf32>,
      tpu.vector_store_idx %arg8[%parallel_loop3A_110, %parallel_loop3A_514], %parallel_loop3A_518 {add = true} : memref<64x128xf32, #tpu.memory_space<vmem>>[vector<16xi32>, vector<16xi32>], vector<16xf32>,
      %parallel_loop3A_519 = arith.constant 16 : i32
      %parallel_loop3A_520 = arith.muli %parallel_loop3A_106, %parallel_loop3A_519 : i32
      %parallel_loop3A_521 = arith.constant 128 : i32
      %parallel_loop3A_522 = arith.addi %parallel_loop3A_521, %parallel_loop3A_520 : i32
      %parallel_loop3A_523 = arith.constant 8 : i32
      %parallel_loop3A_524 = arith.index_cast %parallel_loop3A_523 : i32 to index
      %parallel_loop3A_525 = arith.index_cast %parallel_loop3A_522 : i32 to index
      %parallel_loop3A_526 = tpu.vector_load %arg5[%parallel_loop3A_524, %parallel_loop3A_525] {strides = array<i32>} : memref<26x512xi32, #tpu.memory_space<vmem>>, vector<16xi32>,
      %parallel_loop3A_527 = arith.constant 8 : i32
      %parallel_loop3A_528 = arith.index_cast %parallel_loop3A_527 : i32 to index
      %parallel_loop3A_529 = arith.index_cast %parallel_loop3A_522 : i32 to index
      %parallel_loop3A_530 = tpu.vector_load %arg6[%parallel_loop3A_528, %parallel_loop3A_529] {strides = array<i32>} : memref<26x512xf32, #tpu.memory_space<vmem>>, vector<16xf32>,
      tpu.vector_store_idx %arg9[%parallel_loop3A_110, %parallel_loop3A_526], %parallel_loop3A_530 {add = true} : memref<64x128xf32, #tpu.memory_space<vmem>>[vector<16xi32>, vector<16xi32>], vector<16xf32>,
      %parallel_loop3A_531 = arith.constant 16 : i32
      %parallel_loop3A_532 = arith.muli %parallel_loop3A_106, %parallel_loop3A_531 : i32
      %parallel_loop3A_533 = arith.constant 192 : i32
      %parallel_loop3A_534 = arith.addi %parallel_loop3A_533, %parallel_loop3A_532 : i32
      %parallel_loop3A_535 = arith.constant 8 : i32
      %parallel_loop3A_536 = arith.index_cast %parallel_loop3A_535 : i32 to index
      %parallel_loop3A_537 = arith.index_cast %parallel_loop3A_534 : i32 to index
      %parallel_loop3A_538 = tpu.vector_load %arg5[%parallel_loop3A_536, %parallel_loop3A_537] {strides = array<i32>} : memref<26x512xi32, #tpu.memory_space<vmem>>, vector<16xi32>,
      %parallel_loop3A_539 = arith.constant 8 : i32
      %parallel_loop3A_540 = arith.index_cast %parallel_loop3A_539 : i32 to index
      %parallel_loop3A_541 = arith.index_cast %parallel_loop3A_534 : i32 to index
      %parallel_loop3A_542 = tpu.vector_load %arg6[%parallel_loop3A_540, %parallel_loop3A_541] {strides = array<i32>} : memref<26x512xf32, #tpu.memory_space<vmem>>, vector<16xf32>,
      tpu.vector_store_idx %arg10[%parallel_loop3A_110, %parallel_loop3A_538], %parallel_loop3A_542 {add = true} : memref<64x128xf32, #tpu.memory_space<vmem>>[vector<16xi32>, vector<16xi32>], vector<16xf32>,
      %parallel_loop3A_543 = arith.constant 16 : i32
      %parallel_loop3A_544 = arith.muli %parallel_loop3A_106, %parallel_loop3A_543 : i32
      %parallel_loop3A_545 = arith.constant 0 : i32
      %parallel_loop3A_546 = arith.addi %parallel_loop3A_545, %parallel_loop3A_544 : i32
      %parallel_loop3A_547 = arith.constant 9 : i32
      %parallel_loop3A_548 = arith.index_cast %parallel_loop3A_547 : i32 to index
      %parallel_loop3A_549 = arith.index_cast %parallel_loop3A_546 : i32 to index
      %parallel_loop3A_550 = tpu.vector_load %arg5[%parallel_loop3A_548, %parallel_loop3A_549] {strides = array<i32>} : memref<26x512xi32, #tpu.memory_space<vmem>>, vector<16xi32>,
      %parallel_loop3A_551 = arith.constant 9 : i32
      %parallel_loop3A_552 = arith.index_cast %parallel_loop3A_551 : i32 to index
      %parallel_loop3A_553 = arith.index_cast %parallel_loop3A_546 : i32 to index
      %parallel_loop3A_554 = tpu.vector_load %arg6[%parallel_loop3A_552, %parallel_loop3A_553] {strides = array<i32>} : memref<26x512xf32, #tpu.memory_space<vmem>>, vector<16xf32>,
      tpu.vector_store_idx %arg7[%parallel_loop3A_110, %parallel_loop3A_550], %parallel_loop3A_554 {add = true} : memref<64x128xf32, #tpu.memory_space<vmem>>[vector<16xi32>, vector<16xi32>], vector<16xf32>,
      %parallel_loop3A_555 = arith.constant 16 : i32
      %parallel_loop3A_556 = arith.muli %parallel_loop3A_106, %parallel_loop3A_555 : i32
      %parallel_loop3A_557 = arith.constant 64 : i32
      %parallel_loop3A_558 = arith.addi %parallel_loop3A_557, %parallel_loop3A_556 : i32
      %parallel_loop3A_559 = arith.constant 9 : i32
      %parallel_loop3A_560 = arith.index_cast %parallel_loop3A_559 : i32 to index
      %parallel_loop3A_561 = arith.index_cast %parallel_loop3A_558 : i32 to index
      %parallel_loop3A_562 = tpu.vector_load %arg5[%parallel_loop3A_560, %parallel_loop3A_561] {strides = array<i32>} : memref<26x512xi32, #tpu.memory_space<vmem>>, vector<16xi32>,
      %parallel_loop3A_563 = arith.constant 9 : i32
      %parallel_loop3A_564 = arith.index_cast %parallel_loop3A_563 : i32 to index
      %parallel_loop3A_565 = arith.index_cast %parallel_loop3A_558 : i32 to index
      %parallel_loop3A_566 = tpu.vector_load %arg6[%parallel_loop3A_564, %parallel_loop3A_565] {strides = array<i32>} : memref<26x512xf32, #tpu.memory_space<vmem>>, vector<16xf32>,
      tpu.vector_store_idx %arg8[%parallel_loop3A_110, %parallel_loop3A_562], %parallel_loop3A_566 {add = true} : memref<64x128xf32, #tpu.memory_space<vmem>>[vector<16xi32>, vector<16xi32>], vector<16xf32>,
      %parallel_loop3A_567 = arith.constant 16 : i32
      %parallel_loop3A_568 = arith.muli %parallel_loop3A_106, %parallel_loop3A_567 : i32
      %parallel_loop3A_569 = arith.constant 128 : i32
      %parallel_loop3A_570 = arith.addi %parallel_loop3A_569, %parallel_loop3A_568 : i32
      %parallel_loop3A_571 = arith.constant 9 : i32
      %parallel_loop3A_572 = arith.index_cast %parallel_loop3A_571 : i32 to index
      %parallel_loop3A_573 = arith.index_cast %parallel_loop3A_570 : i32 to index
      %parallel_loop3A_574 = tpu.vector_load %arg5[%parallel_loop3A_572, %parallel_loop3A_573] {strides = array<i32>} : memref<26x512xi32, #tpu.memory_space<vmem>>, vector<16xi32>,
      %parallel_loop3A_575 = arith.constant 9 : i32
      %parallel_loop3A_576 = arith.index_cast %parallel_loop3A_575 : i32 to index
      %parallel_loop3A_577 = arith.index_cast %parallel_loop3A_570 : i32 to index
      %parallel_loop3A_578 = tpu.vector_load %arg6[%parallel_loop3A_576, %parallel_loop3A_577] {strides = array<i32>} : memref<26x512xf32, #tpu.memory_space<vmem>>, vector<16xf32>,
      tpu.vector_store_idx %arg9[%parallel_loop3A_110, %parallel_loop3A_574], %parallel_loop3A_578 {add = true} : memref<64x128xf32, #tpu.memory_space<vmem>>[vector<16xi32>, vector<16xi32>], vector<16xf32>,
      %parallel_loop3A_579 = arith.constant 16 : i32
      %parallel_loop3A_580 = arith.muli %parallel_loop3A_106, %parallel_loop3A_579 : i32
      %parallel_loop3A_581 = arith.constant 192 : i32
      %parallel_loop3A_582 = arith.addi %parallel_loop3A_581, %parallel_loop3A_580 : i32
      %parallel_loop3A_583 = arith.constant 9 : i32
      %parallel_loop3A_584 = arith.index_cast %parallel_loop3A_583 : i32 to index
      %parallel_loop3A_585 = arith.index_cast %parallel_loop3A_582 : i32 to index
      %parallel_loop3A_586 = tpu.vector_load %arg5[%parallel_loop3A_584, %parallel_loop3A_585] {strides = array<i32>} : memref<26x512xi32, #tpu.memory_space<vmem>>, vector<16xi32>,
      %parallel_loop3A_587 = arith.constant 9 : i32
      %parallel_loop3A_588 = arith.index_cast %parallel_loop3A_587 : i32 to index
      %parallel_loop3A_589 = arith.index_cast %parallel_loop3A_582 : i32 to index
      %parallel_loop3A_590 = tpu.vector_load %arg6[%parallel_loop3A_588, %parallel_loop3A_589] {strides = array<i32>} : memref<26x512xf32, #tpu.memory_space<vmem>>, vector<16xf32>,
      tpu.vector_store_idx %arg10[%parallel_loop3A_110, %parallel_loop3A_586], %parallel_loop3A_590 {add = true} : memref<64x128xf32, #tpu.memory_space<vmem>>[vector<16xi32>, vector<16xi32>], vector<16xf32>,
      %parallel_loop3A_591 = arith.constant 16 : i32
      %parallel_loop3A_592 = arith.muli %parallel_loop3A_106, %parallel_loop3A_591 : i32
      %parallel_loop3A_593 = arith.constant 0 : i32
      %parallel_loop3A_594 = arith.addi %parallel_loop3A_593, %parallel_loop3A_592 : i32
      %parallel_loop3A_595 = arith.constant 10 : i32
      %parallel_loop3A_596 = arith.index_cast %parallel_loop3A_595 : i32 to index
      %parallel_loop3A_597 = arith.index_cast %parallel_loop3A_594 : i32 to index
      %parallel_loop3A_598 = tpu.vector_load %arg5[%parallel_loop3A_596, %parallel_loop3A_597] {strides = array<i32>} : memref<26x512xi32, #tpu.memory_space<vmem>>, vector<16xi32>,
      %parallel_loop3A_599 = arith.constant 10 : i32
      %parallel_loop3A_600 = arith.index_cast %parallel_loop3A_599 : i32 to index
      %parallel_loop3A_601 = arith.index_cast %parallel_loop3A_594 : i32 to index
      %parallel_loop3A_602 = tpu.vector_load %arg6[%parallel_loop3A_600, %parallel_loop3A_601] {strides = array<i32>} : memref<26x512xf32, #tpu.memory_space<vmem>>, vector<16xf32>,
      tpu.vector_store_idx %arg7[%parallel_loop3A_110, %parallel_loop3A_598], %parallel_loop3A_602 {add = true} : memref<64x128xf32, #tpu.memory_space<vmem>>[vector<16xi32>, vector<16xi32>], vector<16xf32>,
      %parallel_loop3A_603 = arith.constant 16 : i32
      %parallel_loop3A_604 = arith.muli %parallel_loop3A_106, %parallel_loop3A_603 : i32
      %parallel_loop3A_605 = arith.constant 64 : i32
      %parallel_loop3A_606 = arith.addi %parallel_loop3A_605, %parallel_loop3A_604 : i32
      %parallel_loop3A_607 = arith.constant 10 : i32
      %parallel_loop3A_608 = arith.index_cast %parallel_loop3A_607 : i32 to index
      %parallel_loop3A_609 = arith.index_cast %parallel_loop3A_606 : i32 to index
      %parallel_loop3A_610 = tpu.vector_load %arg5[%parallel_loop3A_608, %parallel_loop3A_609] {strides = array<i32>} : memref<26x512xi32, #tpu.memory_space<vmem>>, vector<16xi32>,
      %parallel_loop3A_611 = arith.constant 10 : i32
      %parallel_loop3A_612 = arith.index_cast %parallel_loop3A_611 : i32 to index
      %parallel_loop3A_613 = arith.index_cast %parallel_loop3A_606 : i32 to index
      %parallel_loop3A_614 = tpu.vector_load %arg6[%parallel_loop3A_612, %parallel_loop3A_613] {strides = array<i32>} : memref<26x512xf32, #tpu.memory_space<vmem>>, vector<16xf32>,
      tpu.vector_store_idx %arg8[%parallel_loop3A_110, %parallel_loop3A_610], %parallel_loop3A_614 {add = true} : memref<64x128xf32, #tpu.memory_space<vmem>>[vector<16xi32>, vector<16xi32>], vector<16xf32>,
      %parallel_loop3A_615 = arith.constant 16 : i32
      %parallel_loop3A_616 = arith.muli %parallel_loop3A_106, %parallel_loop3A_615 : i32
      %parallel_loop3A_617 = arith.constant 128 : i32
      %parallel_loop3A_618 = arith.addi %parallel_loop3A_617, %parallel_loop3A_616 : i32
      %parallel_loop3A_619 = arith.constant 10 : i32
      %parallel_loop3A_620 = arith.index_cast %parallel_loop3A_619 : i32 to index
      %parallel_loop3A_621 = arith.index_cast %parallel_loop3A_618 : i32 to index
      %parallel_loop3A_622 = tpu.vector_load %arg5[%parallel_loop3A_620, %parallel_loop3A_621] {strides = array<i32>} : memref<26x512xi32, #tpu.memory_space<vmem>>, vector<16xi32>,
      %parallel_loop3A_623 = arith.constant 10 : i32
      %parallel_loop3A_624 = arith.index_cast %parallel_loop3A_623 : i32 to index
      %parallel_loop3A_625 = arith.index_cast %parallel_loop3A_618 : i32 to index
      %parallel_loop3A_626 = tpu.vector_load %arg6[%parallel_loop3A_624, %parallel_loop3A_625] {strides = array<i32>} : memref<26x512xf32, #tpu.memory_space<vmem>>, vector<16xf32>,
      tpu.vector_store_idx %arg9[%parallel_loop3A_110, %parallel_loop3A_622], %parallel_loop3A_626 {add = true} : memref<64x128xf32, #tpu.memory_space<vmem>>[vector<16xi32>, vector<16xi32>], vector<16xf32>,
      %parallel_loop3A_627 = arith.constant 16 : i32
      %parallel_loop3A_628 = arith.muli %parallel_loop3A_106, %parallel_loop3A_627 : i32
      %parallel_loop3A_629 = arith.constant 192 : i32
      %parallel_loop3A_630 = arith.addi %parallel_loop3A_629, %parallel_loop3A_628 : i32
      %parallel_loop3A_631 = arith.constant 10 : i32
      %parallel_loop3A_632 = arith.index_cast %parallel_loop3A_631 : i32 to index
      %parallel_loop3A_633 = arith.index_cast %parallel_loop3A_630 : i32 to index
      %parallel_loop3A_634 = tpu.vector_load %arg5[%parallel_loop3A_632, %parallel_loop3A_633] {strides = array<i32>} : memref<26x512xi32, #tpu.memory_space<vmem>>, vector<16xi32>,
      %parallel_loop3A_635 = arith.constant 10 : i32
      %parallel_loop3A_636 = arith.index_cast %parallel_loop3A_635 : i32 to index
      %parallel_loop3A_637 = arith.index_cast %parallel_loop3A_630 : i32 to index
      %parallel_loop3A_638 = tpu.vector_load %arg6[%parallel_loop3A_636, %parallel_loop3A_637] {strides = array<i32>} : memref<26x512xf32, #tpu.memory_space<vmem>>, vector<16xf32>,
      tpu.vector_store_idx %arg10[%parallel_loop3A_110, %parallel_loop3A_634], %parallel_loop3A_638 {add = true} : memref<64x128xf32, #tpu.memory_space<vmem>>[vector<16xi32>, vector<16xi32>], vector<16xf32>,
      %parallel_loop3A_639 = arith.constant 16 : i32
      %parallel_loop3A_640 = arith.muli %parallel_loop3A_106, %parallel_loop3A_639 : i32
      %parallel_loop3A_641 = arith.constant 0 : i32
      %parallel_loop3A_642 = arith.addi %parallel_loop3A_641, %parallel_loop3A_640 : i32
      %parallel_loop3A_643 = arith.constant 11 : i32
      %parallel_loop3A_644 = arith.index_cast %parallel_loop3A_643 : i32 to index
      %parallel_loop3A_645 = arith.index_cast %parallel_loop3A_642 : i32 to index
      %parallel_loop3A_646 = tpu.vector_load %arg5[%parallel_loop3A_644, %parallel_loop3A_645] {strides = array<i32>} : memref<26x512xi32, #tpu.memory_space<vmem>>, vector<16xi32>,
      %parallel_loop3A_647 = arith.constant 11 : i32
      %parallel_loop3A_648 = arith.index_cast %parallel_loop3A_647 : i32 to index
      %parallel_loop3A_649 = arith.index_cast %parallel_loop3A_642 : i32 to index
      %parallel_loop3A_650 = tpu.vector_load %arg6[%parallel_loop3A_648, %parallel_loop3A_649] {strides = array<i32>} : memref<26x512xf32, #tpu.memory_space<vmem>>, vector<16xf32>,
      tpu.vector_store_idx %arg7[%parallel_loop3A_110, %parallel_loop3A_646], %parallel_loop3A_650 {add = true} : memref<64x128xf32, #tpu.memory_space<vmem>>[vector<16xi32>, vector<16xi32>], vector<16xf32>,
      %parallel_loop3A_651 = arith.constant 16 : i32
      %parallel_loop3A_652 = arith.muli %parallel_loop3A_106, %parallel_loop3A_651 : i32
      %parallel_loop3A_653 = arith.constant 64 : i32
      %parallel_loop3A_654 = arith.addi %parallel_loop3A_653, %parallel_loop3A_652 : i32
      %parallel_loop3A_655 = arith.constant 11 : i32
      %parallel_loop3A_656 = arith.index_cast %parallel_loop3A_655 : i32 to index
      %parallel_loop3A_657 = arith.index_cast %parallel_loop3A_654 : i32 to index
      %parallel_loop3A_658 = tpu.vector_load %arg5[%parallel_loop3A_656, %parallel_loop3A_657] {strides = array<i32>} : memref<26x512xi32, #tpu.memory_space<vmem>>, vector<16xi32>,
      %parallel_loop3A_659 = arith.constant 11 : i32
      %parallel_loop3A_660 = arith.index_cast %parallel_loop3A_659 : i32 to index
      %parallel_loop3A_661 = arith.index_cast %parallel_loop3A_654 : i32 to index
      %parallel_loop3A_662 = tpu.vector_load %arg6[%parallel_loop3A_660, %parallel_loop3A_661] {strides = array<i32>} : memref<26x512xf32, #tpu.memory_space<vmem>>, vector<16xf32>,
      tpu.vector_store_idx %arg8[%parallel_loop3A_110, %parallel_loop3A_658], %parallel_loop3A_662 {add = true} : memref<64x128xf32, #tpu.memory_space<vmem>>[vector<16xi32>, vector<16xi32>], vector<16xf32>,
      %parallel_loop3A_663 = arith.constant 16 : i32
      %parallel_loop3A_664 = arith.muli %parallel_loop3A_106, %parallel_loop3A_663 : i32
      %parallel_loop3A_665 = arith.constant 128 : i32
      %parallel_loop3A_666 = arith.addi %parallel_loop3A_665, %parallel_loop3A_664 : i32
      %parallel_loop3A_667 = arith.constant 11 : i32
      %parallel_loop3A_668 = arith.index_cast %parallel_loop3A_667 : i32 to index
      %parallel_loop3A_669 = arith.index_cast %parallel_loop3A_666 : i32 to index
      %parallel_loop3A_670 = tpu.vector_load %arg5[%parallel_loop3A_668, %parallel_loop3A_669] {strides = array<i32>} : memref<26x512xi32, #tpu.memory_space<vmem>>, vector<16xi32>,
      %parallel_loop3A_671 = arith.constant 11 : i32
      %parallel_loop3A_672 = arith.index_cast %parallel_loop3A_671 : i32 to index
      %parallel_loop3A_673 = arith.index_cast %parallel_loop3A_666 : i32 to index
      %parallel_loop3A_674 = tpu.vector_load %arg6[%parallel_loop3A_672, %parallel_loop3A_673] {strides = array<i32>} : memref<26x512xf32, #tpu.memory_space<vmem>>, vector<16xf32>,
      tpu.vector_store_idx %arg9[%parallel_loop3A_110, %parallel_loop3A_670], %parallel_loop3A_674 {add = true} : memref<64x128xf32, #tpu.memory_space<vmem>>[vector<16xi32>, vector<16xi32>], vector<16xf32>,
      %parallel_loop3A_675 = arith.constant 16 : i32
      %parallel_loop3A_676 = arith.muli %parallel_loop3A_106, %parallel_loop3A_675 : i32
      %parallel_loop3A_677 = arith.constant 192 : i32
      %parallel_loop3A_678 = arith.addi %parallel_loop3A_677, %parallel_loop3A_676 : i32
      %parallel_loop3A_679 = arith.constant 11 : i32
      %parallel_loop3A_680 = arith.index_cast %parallel_loop3A_679 : i32 to index
      %parallel_loop3A_681 = arith.index_cast %parallel_loop3A_678 : i32 to index
      %parallel_loop3A_682 = tpu.vector_load %arg5[%parallel_loop3A_680, %parallel_loop3A_681] {strides = array<i32>} : memref<26x512xi32, #tpu.memory_space<vmem>>, vector<16xi32>,
      %parallel_loop3A_683 = arith.constant 11 : i32
      %parallel_loop3A_684 = arith.index_cast %parallel_loop3A_683 : i32 to index
      %parallel_loop3A_685 = arith.index_cast %parallel_loop3A_678 : i32 to index
      %parallel_loop3A_686 = tpu.vector_load %arg6[%parallel_loop3A_684, %parallel_loop3A_685] {strides = array<i32>} : memref<26x512xf32, #tpu.memory_space<vmem>>, vector<16xf32>,
      tpu.vector_store_idx %arg10[%parallel_loop3A_110, %parallel_loop3A_682], %parallel_loop3A_686 {add = true} : memref<64x128xf32, #tpu.memory_space<vmem>>[vector<16xi32>, vector<16xi32>], vector<16xf32>,
      %parallel_loop3A_687 = arith.constant 16 : i32
      %parallel_loop3A_688 = arith.muli %parallel_loop3A_106, %parallel_loop3A_687 : i32
      %parallel_loop3A_689 = arith.constant 0 : i32
      %parallel_loop3A_690 = arith.addi %parallel_loop3A_689, %parallel_loop3A_688 : i32
      %parallel_loop3A_691 = arith.constant 12 : i32
      %parallel_loop3A_692 = arith.index_cast %parallel_loop3A_691 : i32 to index
      %parallel_loop3A_693 = arith.index_cast %parallel_loop3A_690 : i32 to index
      %parallel_loop3A_694 = tpu.vector_load %arg5[%parallel_loop3A_692, %parallel_loop3A_693] {strides = array<i32>} : memref<26x512xi32, #tpu.memory_space<vmem>>, vector<16xi32>,
      %parallel_loop3A_695 = arith.constant 12 : i32
      %parallel_loop3A_696 = arith.index_cast %parallel_loop3A_695 : i32 to index
      %parallel_loop3A_697 = arith.index_cast %parallel_loop3A_690 : i32 to index
      %parallel_loop3A_698 = tpu.vector_load %arg6[%parallel_loop3A_696, %parallel_loop3A_697] {strides = array<i32>} : memref<26x512xf32, #tpu.memory_space<vmem>>, vector<16xf32>,
      tpu.vector_store_idx %arg7[%parallel_loop3A_110, %parallel_loop3A_694], %parallel_loop3A_698 {add = true} : memref<64x128xf32, #tpu.memory_space<vmem>>[vector<16xi32>, vector<16xi32>], vector<16xf32>,
      %parallel_loop3A_699 = arith.constant 16 : i32
      %parallel_loop3A_700 = arith.muli %parallel_loop3A_106, %parallel_loop3A_699 : i32
      %parallel_loop3A_701 = arith.constant 64 : i32
      %parallel_loop3A_702 = arith.addi %parallel_loop3A_701, %parallel_loop3A_700 : i32
      %parallel_loop3A_703 = arith.constant 12 : i32
      %parallel_loop3A_704 = arith.index_cast %parallel_loop3A_703 : i32 to index
      %parallel_loop3A_705 = arith.index_cast %parallel_loop3A_702 : i32 to index
      %parallel_loop3A_706 = tpu.vector_load %arg5[%parallel_loop3A_704, %parallel_loop3A_705] {strides = array<i32>} : memref<26x512xi32, #tpu.memory_space<vmem>>, vector<16xi32>,
      %parallel_loop3A_707 = arith.constant 12 : i32
      %parallel_loop3A_708 = arith.index_cast %parallel_loop3A_707 : i32 to index
      %parallel_loop3A_709 = arith.index_cast %parallel_loop3A_702 : i32 to index
      %parallel_loop3A_710 = tpu.vector_load %arg6[%parallel_loop3A_708, %parallel_loop3A_709] {strides = array<i32>} : memref<26x512xf32, #tpu.memory_space<vmem>>, vector<16xf32>,
      tpu.vector_store_idx %arg8[%parallel_loop3A_110, %parallel_loop3A_706], %parallel_loop3A_710 {add = true} : memref<64x128xf32, #tpu.memory_space<vmem>>[vector<16xi32>, vector<16xi32>], vector<16xf32>,
      %parallel_loop3A_711 = arith.constant 16 : i32
      %parallel_loop3A_712 = arith.muli %parallel_loop3A_106, %parallel_loop3A_711 : i32
      %parallel_loop3A_713 = arith.constant 128 : i32
      %parallel_loop3A_714 = arith.addi %parallel_loop3A_713, %parallel_loop3A_712 : i32
      %parallel_loop3A_715 = arith.constant 12 : i32
      %parallel_loop3A_716 = arith.index_cast %parallel_loop3A_715 : i32 to index
      %parallel_loop3A_717 = arith.index_cast %parallel_loop3A_714 : i32 to index
      %parallel_loop3A_718 = tpu.vector_load %arg5[%parallel_loop3A_716, %parallel_loop3A_717] {strides = array<i32>} : memref<26x512xi32, #tpu.memory_space<vmem>>, vector<16xi32>,
      %parallel_loop3A_719 = arith.constant 12 : i32
      %parallel_loop3A_720 = arith.index_cast %parallel_loop3A_719 : i32 to index
      %parallel_loop3A_721 = arith.index_cast %parallel_loop3A_714 : i32 to index
      %parallel_loop3A_722 = tpu.vector_load %arg6[%parallel_loop3A_720, %parallel_loop3A_721] {strides = array<i32>} : memref<26x512xf32, #tpu.memory_space<vmem>>, vector<16xf32>,
      tpu.vector_store_idx %arg9[%parallel_loop3A_110, %parallel_loop3A_718], %parallel_loop3A_722 {add = true} : memref<64x128xf32, #tpu.memory_space<vmem>>[vector<16xi32>, vector<16xi32>], vector<16xf32>,
      %parallel_loop3A_723 = arith.constant 16 : i32
      %parallel_loop3A_724 = arith.muli %parallel_loop3A_106, %parallel_loop3A_723 : i32
      %parallel_loop3A_725 = arith.constant 192 : i32
      %parallel_loop3A_726 = arith.addi %parallel_loop3A_725, %parallel_loop3A_724 : i32
      %parallel_loop3A_727 = arith.constant 12 : i32
      %parallel_loop3A_728 = arith.index_cast %parallel_loop3A_727 : i32 to index
      %parallel_loop3A_729 = arith.index_cast %parallel_loop3A_726 : i32 to index
      %parallel_loop3A_730 = tpu.vector_load %arg5[%parallel_loop3A_728, %parallel_loop3A_729] {strides = array<i32>} : memref<26x512xi32, #tpu.memory_space<vmem>>, vector<16xi32>,
      %parallel_loop3A_731 = arith.constant 12 : i32
      %parallel_loop3A_732 = arith.index_cast %parallel_loop3A_731 : i32 to index
      %parallel_loop3A_733 = arith.index_cast %parallel_loop3A_726 : i32 to index
      %parallel_loop3A_734 = tpu.vector_load %arg6[%parallel_loop3A_732, %parallel_loop3A_733] {strides = array<i32>} : memref<26x512xf32, #tpu.memory_space<vmem>>, vector<16xf32>,
      tpu.vector_store_idx %arg10[%parallel_loop3A_110, %parallel_loop3A_730], %parallel_loop3A_734 {add = true} : memref<64x128xf32, #tpu.memory_space<vmem>>[vector<16xi32>, vector<16xi32>], vector<16xf32>,
      %parallel_loop3A_735 = arith.constant 16 : i32
      %parallel_loop3A_736 = arith.muli %parallel_loop3A_106, %parallel_loop3A_735 : i32
      %parallel_loop3A_737 = arith.constant 0 : i32
      %parallel_loop3A_738 = arith.addi %parallel_loop3A_737, %parallel_loop3A_736 : i32
      %parallel_loop3A_739 = arith.constant 13 : i32
      %parallel_loop3A_740 = arith.index_cast %parallel_loop3A_739 : i32 to index
      %parallel_loop3A_741 = arith.index_cast %parallel_loop3A_738 : i32 to index
      %parallel_loop3A_742 = tpu.vector_load %arg5[%parallel_loop3A_740, %parallel_loop3A_741] {strides = array<i32>} : memref<26x512xi32, #tpu.memory_space<vmem>>, vector<16xi32>,
      %parallel_loop3A_743 = arith.constant 13 : i32
      %parallel_loop3A_744 = arith.index_cast %parallel_loop3A_743 : i32 to index
      %parallel_loop3A_745 = arith.index_cast %parallel_loop3A_738 : i32 to index
      %parallel_loop3A_746 = tpu.vector_load %arg6[%parallel_loop3A_744, %parallel_loop3A_745] {strides = array<i32>} : memref<26x512xf32, #tpu.memory_space<vmem>>, vector<16xf32>,
      tpu.vector_store_idx %arg7[%parallel_loop3A_110, %parallel_loop3A_742], %parallel_loop3A_746 {add = true} : memref<64x128xf32, #tpu.memory_space<vmem>>[vector<16xi32>, vector<16xi32>], vector<16xf32>,
      %parallel_loop3A_747 = arith.constant 16 : i32
      %parallel_loop3A_748 = arith.muli %parallel_loop3A_106, %parallel_loop3A_747 : i32
      %parallel_loop3A_749 = arith.constant 64 : i32
      %parallel_loop3A_750 = arith.addi %parallel_loop3A_749, %parallel_loop3A_748 : i32
      %parallel_loop3A_751 = arith.constant 13 : i32
      %parallel_loop3A_752 = arith.index_cast %parallel_loop3A_751 : i32 to index
      %parallel_loop3A_753 = arith.index_cast %parallel_loop3A_750 : i32 to index
      %parallel_loop3A_754 = tpu.vector_load %arg5[%parallel_loop3A_752, %parallel_loop3A_753] {strides = array<i32>} : memref<26x512xi32, #tpu.memory_space<vmem>>, vector<16xi32>,
      %parallel_loop3A_755 = arith.constant 13 : i32
      %parallel_loop3A_756 = arith.index_cast %parallel_loop3A_755 : i32 to index
      %parallel_loop3A_757 = arith.index_cast %parallel_loop3A_750 : i32 to index
      %parallel_loop3A_758 = tpu.vector_load %arg6[%parallel_loop3A_756, %parallel_loop3A_757] {strides = array<i32>} : memref<26x512xf32, #tpu.memory_space<vmem>>, vector<16xf32>,
      tpu.vector_store_idx %arg8[%parallel_loop3A_110, %parallel_loop3A_754], %parallel_loop3A_758 {add = true} : memref<64x128xf32, #tpu.memory_space<vmem>>[vector<16xi32>, vector<16xi32>], vector<16xf32>,
      %parallel_loop3A_759 = arith.constant 16 : i32
      %parallel_loop3A_760 = arith.muli %parallel_loop3A_106, %parallel_loop3A_759 : i32
      %parallel_loop3A_761 = arith.constant 128 : i32
      %parallel_loop3A_762 = arith.addi %parallel_loop3A_761, %parallel_loop3A_760 : i32
      %parallel_loop3A_763 = arith.constant 13 : i32
      %parallel_loop3A_764 = arith.index_cast %parallel_loop3A_763 : i32 to index
      %parallel_loop3A_765 = arith.index_cast %parallel_loop3A_762 : i32 to index
      %parallel_loop3A_766 = tpu.vector_load %arg5[%parallel_loop3A_764, %parallel_loop3A_765] {strides = array<i32>} : memref<26x512xi32, #tpu.memory_space<vmem>>, vector<16xi32>,
      %parallel_loop3A_767 = arith.constant 13 : i32
      %parallel_loop3A_768 = arith.index_cast %parallel_loop3A_767 : i32 to index
      %parallel_loop3A_769 = arith.index_cast %parallel_loop3A_762 : i32 to index
      %parallel_loop3A_770 = tpu.vector_load %arg6[%parallel_loop3A_768, %parallel_loop3A_769] {strides = array<i32>} : memref<26x512xf32, #tpu.memory_space<vmem>>, vector<16xf32>,
      tpu.vector_store_idx %arg9[%parallel_loop3A_110, %parallel_loop3A_766], %parallel_loop3A_770 {add = true} : memref<64x128xf32, #tpu.memory_space<vmem>>[vector<16xi32>, vector<16xi32>], vector<16xf32>,
      %parallel_loop3A_771 = arith.constant 16 : i32
      %parallel_loop3A_772 = arith.muli %parallel_loop3A_106, %parallel_loop3A_771 : i32
      %parallel_loop3A_773 = arith.constant 192 : i32
      %parallel_loop3A_774 = arith.addi %parallel_loop3A_773, %parallel_loop3A_772 : i32
      %parallel_loop3A_775 = arith.constant 13 : i32
      %parallel_loop3A_776 = arith.index_cast %parallel_loop3A_775 : i32 to index
      %parallel_loop3A_777 = arith.index_cast %parallel_loop3A_774 : i32 to index
      %parallel_loop3A_778 = tpu.vector_load %arg5[%parallel_loop3A_776, %parallel_loop3A_777] {strides = array<i32>} : memref<26x512xi32, #tpu.memory_space<vmem>>, vector<16xi32>,
      %parallel_loop3A_779 = arith.constant 13 : i32
      %parallel_loop3A_780 = arith.index_cast %parallel_loop3A_779 : i32 to index
      %parallel_loop3A_781 = arith.index_cast %parallel_loop3A_774 : i32 to index
      %parallel_loop3A_782 = tpu.vector_load %arg6[%parallel_loop3A_780, %parallel_loop3A_781] {strides = array<i32>} : memref<26x512xf32, #tpu.memory_space<vmem>>, vector<16xf32>,
      tpu.vector_store_idx %arg10[%parallel_loop3A_110, %parallel_loop3A_778], %parallel_loop3A_782 {add = true} : memref<64x128xf32, #tpu.memory_space<vmem>>[vector<16xi32>, vector<16xi32>], vector<16xf32>,
      %parallel_loop3A_783 = arith.constant 16 : i32
      %parallel_loop3A_784 = arith.muli %parallel_loop3A_106, %parallel_loop3A_783 : i32
      %parallel_loop3A_785 = arith.constant 0 : i32
      %parallel_loop3A_786 = arith.addi %parallel_loop3A_785, %parallel_loop3A_784 : i32
      %parallel_loop3A_787 = arith.constant 14 : i32
      %parallel_loop3A_788 = arith.index_cast %parallel_loop3A_787 : i32 to index
      %parallel_loop3A_789 = arith.index_cast %parallel_loop3A_786 : i32 to index
      %parallel_loop3A_790 = tpu.vector_load %arg5[%parallel_loop3A_788, %parallel_loop3A_789] {strides = array<i32>} : memref<26x512xi32, #tpu.memory_space<vmem>>, vector<16xi32>,
      %parallel_loop3A_791 = arith.constant 14 : i32
      %parallel_loop3A_792 = arith.index_cast %parallel_loop3A_791 : i32 to index
      %parallel_loop3A_793 = arith.index_cast %parallel_loop3A_786 : i32 to index
      %parallel_loop3A_794 = tpu.vector_load %arg6[%parallel_loop3A_792, %parallel_loop3A_793] {strides = array<i32>} : memref<26x512xf32, #tpu.memory_space<vmem>>, vector<16xf32>,
      tpu.vector_store_idx %arg7[%parallel_loop3A_110, %parallel_loop3A_790], %parallel_loop3A_794 {add = true} : memref<64x128xf32, #tpu.memory_space<vmem>>[vector<16xi32>, vector<16xi32>], vector<16xf32>,
      %parallel_loop3A_795 = arith.constant 16 : i32
      %parallel_loop3A_796 = arith.muli %parallel_loop3A_106, %parallel_loop3A_795 : i32
      %parallel_loop3A_797 = arith.constant 64 : i32
      %parallel_loop3A_798 = arith.addi %parallel_loop3A_797, %parallel_loop3A_796 : i32
      %parallel_loop3A_799 = arith.constant 14 : i32
      %parallel_loop3A_800 = arith.index_cast %parallel_loop3A_799 : i32 to index
      %parallel_loop3A_801 = arith.index_cast %parallel_loop3A_798 : i32 to index
      %parallel_loop3A_802 = tpu.vector_load %arg5[%parallel_loop3A_800, %parallel_loop3A_801] {strides = array<i32>} : memref<26x512xi32, #tpu.memory_space<vmem>>, vector<16xi32>,
      %parallel_loop3A_803 = arith.constant 14 : i32
      %parallel_loop3A_804 = arith.index_cast %parallel_loop3A_803 : i32 to index
      %parallel_loop3A_805 = arith.index_cast %parallel_loop3A_798 : i32 to index
      %parallel_loop3A_806 = tpu.vector_load %arg6[%parallel_loop3A_804, %parallel_loop3A_805] {strides = array<i32>} : memref<26x512xf32, #tpu.memory_space<vmem>>, vector<16xf32>,
      tpu.vector_store_idx %arg8[%parallel_loop3A_110, %parallel_loop3A_802], %parallel_loop3A_806 {add = true} : memref<64x128xf32, #tpu.memory_space<vmem>>[vector<16xi32>, vector<16xi32>], vector<16xf32>,
      %parallel_loop3A_807 = arith.constant 16 : i32
      %parallel_loop3A_808 = arith.muli %parallel_loop3A_106, %parallel_loop3A_807 : i32
      %parallel_loop3A_809 = arith.constant 128 : i32
      %parallel_loop3A_810 = arith.addi %parallel_loop3A_809, %parallel_loop3A_808 : i32
      %parallel_loop3A_811 = arith.constant 14 : i32
      %parallel_loop3A_812 = arith.index_cast %parallel_loop3A_811 : i32 to index
      %parallel_loop3A_813 = arith.index_cast %parallel_loop3A_810 : i32 to index
      %parallel_loop3A_814 = tpu.vector_load %arg5[%parallel_loop3A_812, %parallel_loop3A_813] {strides = array<i32>} : memref<26x512xi32, #tpu.memory_space<vmem>>, vector<16xi32>,
      %parallel_loop3A_815 = arith.constant 14 : i32
      %parallel_loop3A_816 = arith.index_cast %parallel_loop3A_815 : i32 to index
      %parallel_loop3A_817 = arith.index_cast %parallel_loop3A_810 : i32 to index
      %parallel_loop3A_818 = tpu.vector_load %arg6[%parallel_loop3A_816, %parallel_loop3A_817] {strides = array<i32>} : memref<26x512xf32, #tpu.memory_space<vmem>>, vector<16xf32>,
      tpu.vector_store_idx %arg9[%parallel_loop3A_110, %parallel_loop3A_814], %parallel_loop3A_818 {add = true} : memref<64x128xf32, #tpu.memory_space<vmem>>[vector<16xi32>, vector<16xi32>], vector<16xf32>,
      %parallel_loop3A_819 = arith.constant 16 : i32
      %parallel_loop3A_820 = arith.muli %parallel_loop3A_106, %parallel_loop3A_819 : i32
      %parallel_loop3A_821 = arith.constant 192 : i32
      %parallel_loop3A_822 = arith.addi %parallel_loop3A_821, %parallel_loop3A_820 : i32
      %parallel_loop3A_823 = arith.constant 14 : i32
      %parallel_loop3A_824 = arith.index_cast %parallel_loop3A_823 : i32 to index
      %parallel_loop3A_825 = arith.index_cast %parallel_loop3A_822 : i32 to index
      %parallel_loop3A_826 = tpu.vector_load %arg5[%parallel_loop3A_824, %parallel_loop3A_825] {strides = array<i32>} : memref<26x512xi32, #tpu.memory_space<vmem>>, vector<16xi32>,
      %parallel_loop3A_827 = arith.constant 14 : i32
      %parallel_loop3A_828 = arith.index_cast %parallel_loop3A_827 : i32 to index
      %parallel_loop3A_829 = arith.index_cast %parallel_loop3A_822 : i32 to index
      %parallel_loop3A_830 = tpu.vector_load %arg6[%parallel_loop3A_828, %parallel_loop3A_829] {strides = array<i32>} : memref<26x512xf32, #tpu.memory_space<vmem>>, vector<16xf32>,
      tpu.vector_store_idx %arg10[%parallel_loop3A_110, %parallel_loop3A_826], %parallel_loop3A_830 {add = true} : memref<64x128xf32, #tpu.memory_space<vmem>>[vector<16xi32>, vector<16xi32>], vector<16xf32>,
      %parallel_loop3A_831 = arith.constant 16 : i32
      %parallel_loop3A_832 = arith.muli %parallel_loop3A_106, %parallel_loop3A_831 : i32
      %parallel_loop3A_833 = arith.constant 0 : i32
      %parallel_loop3A_834 = arith.addi %parallel_loop3A_833, %parallel_loop3A_832 : i32
      %parallel_loop3A_835 = arith.constant 15 : i32
      %parallel_loop3A_836 = arith.index_cast %parallel_loop3A_835 : i32 to index
      %parallel_loop3A_837 = arith.index_cast %parallel_loop3A_834 : i32 to index
      %parallel_loop3A_838 = tpu.vector_load %arg5[%parallel_loop3A_836, %parallel_loop3A_837] {strides = array<i32>} : memref<26x512xi32, #tpu.memory_space<vmem>>, vector<16xi32>,
      %parallel_loop3A_839 = arith.constant 15 : i32
      %parallel_loop3A_840 = arith.index_cast %parallel_loop3A_839 : i32 to index
      %parallel_loop3A_841 = arith.index_cast %parallel_loop3A_834 : i32 to index
      %parallel_loop3A_842 = tpu.vector_load %arg6[%parallel_loop3A_840, %parallel_loop3A_841] {strides = array<i32>} : memref<26x512xf32, #tpu.memory_space<vmem>>, vector<16xf32>,
      tpu.vector_store_idx %arg7[%parallel_loop3A_110, %parallel_loop3A_838], %parallel_loop3A_842 {add = true} : memref<64x128xf32, #tpu.memory_space<vmem>>[vector<16xi32>, vector<16xi32>], vector<16xf32>,
      %parallel_loop3A_843 = arith.constant 16 : i32
      %parallel_loop3A_844 = arith.muli %parallel_loop3A_106, %parallel_loop3A_843 : i32
      %parallel_loop3A_845 = arith.constant 64 : i32
      %parallel_loop3A_846 = arith.addi %parallel_loop3A_845, %parallel_loop3A_844 : i32
      %parallel_loop3A_847 = arith.constant 15 : i32
      %parallel_loop3A_848 = arith.index_cast %parallel_loop3A_847 : i32 to index
      %parallel_loop3A_849 = arith.index_cast %parallel_loop3A_846 : i32 to index
      %parallel_loop3A_850 = tpu.vector_load %arg5[%parallel_loop3A_848, %parallel_loop3A_849] {strides = array<i32>} : memref<26x512xi32, #tpu.memory_space<vmem>>, vector<16xi32>,
      %parallel_loop3A_851 = arith.constant 15 : i32
      %parallel_loop3A_852 = arith.index_cast %parallel_loop3A_851 : i32 to index
      %parallel_loop3A_853 = arith.index_cast %parallel_loop3A_846 : i32 to index
      %parallel_loop3A_854 = tpu.vector_load %arg6[%parallel_loop3A_852, %parallel_loop3A_853] {strides = array<i32>} : memref<26x512xf32, #tpu.memory_space<vmem>>, vector<16xf32>,
      tpu.vector_store_idx %arg8[%parallel_loop3A_110, %parallel_loop3A_850], %parallel_loop3A_854 {add = true} : memref<64x128xf32, #tpu.memory_space<vmem>>[vector<16xi32>, vector<16xi32>], vector<16xf32>,
      %parallel_loop3A_855 = arith.constant 16 : i32
      %parallel_loop3A_856 = arith.muli %parallel_loop3A_106, %parallel_loop3A_855 : i32
      %parallel_loop3A_857 = arith.constant 128 : i32
      %parallel_loop3A_858 = arith.addi %parallel_loop3A_857, %parallel_loop3A_856 : i32
      %parallel_loop3A_859 = arith.constant 15 : i32
      %parallel_loop3A_860 = arith.index_cast %parallel_loop3A_859 : i32 to index
      %parallel_loop3A_861 = arith.index_cast %parallel_loop3A_858 : i32 to index
      %parallel_loop3A_862 = tpu.vector_load %arg5[%parallel_loop3A_860, %parallel_loop3A_861] {strides = array<i32>} : memref<26x512xi32, #tpu.memory_space<vmem>>, vector<16xi32>,
      %parallel_loop3A_863 = arith.constant 15 : i32
      %parallel_loop3A_864 = arith.index_cast %parallel_loop3A_863 : i32 to index
      %parallel_loop3A_865 = arith.index_cast %parallel_loop3A_858 : i32 to index
      %parallel_loop3A_866 = tpu.vector_load %arg6[%parallel_loop3A_864, %parallel_loop3A_865] {strides = array<i32>} : memref<26x512xf32, #tpu.memory_space<vmem>>, vector<16xf32>,
      tpu.vector_store_idx %arg9[%parallel_loop3A_110, %parallel_loop3A_862], %parallel_loop3A_866 {add = true} : memref<64x128xf32, #tpu.memory_space<vmem>>[vector<16xi32>, vector<16xi32>], vector<16xf32>,
      %parallel_loop3A_867 = arith.constant 16 : i32
      %parallel_loop3A_868 = arith.muli %parallel_loop3A_106, %parallel_loop3A_867 : i32
      %parallel_loop3A_869 = arith.constant 192 : i32
      %parallel_loop3A_870 = arith.addi %parallel_loop3A_869, %parallel_loop3A_868 : i32
      %parallel_loop3A_871 = arith.constant 15 : i32
      %parallel_loop3A_872 = arith.index_cast %parallel_loop3A_871 : i32 to index
      %parallel_loop3A_873 = arith.index_cast %parallel_loop3A_870 : i32 to index
      %parallel_loop3A_874 = tpu.vector_load %arg5[%parallel_loop3A_872, %parallel_loop3A_873] {strides = array<i32>} : memref<26x512xi32, #tpu.memory_space<vmem>>, vector<16xi32>,
      %parallel_loop3A_875 = arith.constant 15 : i32
      %parallel_loop3A_876 = arith.index_cast %parallel_loop3A_875 : i32 to index
      %parallel_loop3A_877 = arith.index_cast %parallel_loop3A_870 : i32 to index
      %parallel_loop3A_878 = tpu.vector_load %arg6[%parallel_loop3A_876, %parallel_loop3A_877] {strides = array<i32>} : memref<26x512xf32, #tpu.memory_space<vmem>>, vector<16xf32>,
      tpu.vector_store_idx %arg10[%parallel_loop3A_110, %parallel_loop3A_874], %parallel_loop3A_878 {add = true} : memref<64x128xf32, #tpu.memory_space<vmem>>[vector<16xi32>, vector<16xi32>], vector<16xf32>,
      %parallel_loop3A_879 = arith.constant 16 : i32
      %parallel_loop3A_880 = arith.muli %parallel_loop3A_106, %parallel_loop3A_879 : i32
      %parallel_loop3A_881 = arith.constant 0 : i32
      %parallel_loop3A_882 = arith.addi %parallel_loop3A_881, %parallel_loop3A_880 : i32
      %parallel_loop3A_883 = arith.constant 16 : i32
      %parallel_loop3A_884 = arith.index_cast %parallel_loop3A_883 : i32 to index
      %parallel_loop3A_885 = arith.index_cast %parallel_loop3A_882 : i32 to index
      %parallel_loop3A_886 = tpu.vector_load %arg5[%parallel_loop3A_884, %parallel_loop3A_885] {strides = array<i32>} : memref<26x512xi32, #tpu.memory_space<vmem>>, vector<16xi32>,
      %parallel_loop3A_887 = arith.constant 16 : i32
      %parallel_loop3A_888 = arith.index_cast %parallel_loop3A_887 : i32 to index
      %parallel_loop3A_889 = arith.index_cast %parallel_loop3A_882 : i32 to index
      %parallel_loop3A_890 = tpu.vector_load %arg6[%parallel_loop3A_888, %parallel_loop3A_889] {strides = array<i32>} : memref<26x512xf32, #tpu.memory_space<vmem>>, vector<16xf32>,
      tpu.vector_store_idx %arg7[%parallel_loop3A_110, %parallel_loop3A_886], %parallel_loop3A_890 {add = true} : memref<64x128xf32, #tpu.memory_space<vmem>>[vector<16xi32>, vector<16xi32>], vector<16xf32>,
      %parallel_loop3A_891 = arith.constant 16 : i32
      %parallel_loop3A_892 = arith.muli %parallel_loop3A_106, %parallel_loop3A_891 : i32
      %parallel_loop3A_893 = arith.constant 64 : i32
      %parallel_loop3A_894 = arith.addi %parallel_loop3A_893, %parallel_loop3A_892 : i32
      %parallel_loop3A_895 = arith.constant 16 : i32
      %parallel_loop3A_896 = arith.index_cast %parallel_loop3A_895 : i32 to index
      %parallel_loop3A_897 = arith.index_cast %parallel_loop3A_894 : i32 to index
      %parallel_loop3A_898 = tpu.vector_load %arg5[%parallel_loop3A_896, %parallel_loop3A_897] {strides = array<i32>} : memref<26x512xi32, #tpu.memory_space<vmem>>, vector<16xi32>,
      %parallel_loop3A_899 = arith.constant 16 : i32
      %parallel_loop3A_900 = arith.index_cast %parallel_loop3A_899 : i32 to index
      %parallel_loop3A_901 = arith.index_cast %parallel_loop3A_894 : i32 to index
      %parallel_loop3A_902 = tpu.vector_load %arg6[%parallel_loop3A_900, %parallel_loop3A_901] {strides = array<i32>} : memref<26x512xf32, #tpu.memory_space<vmem>>, vector<16xf32>,
      tpu.vector_store_idx %arg8[%parallel_loop3A_110, %parallel_loop3A_898], %parallel_loop3A_902 {add = true} : memref<64x128xf32, #tpu.memory_space<vmem>>[vector<16xi32>, vector<16xi32>], vector<16xf32>,
      %parallel_loop3A_903 = arith.constant 16 : i32
      %parallel_loop3A_904 = arith.muli %parallel_loop3A_106, %parallel_loop3A_903 : i32
      %parallel_loop3A_905 = arith.constant 128 : i32
      %parallel_loop3A_906 = arith.addi %parallel_loop3A_905, %parallel_loop3A_904 : i32
      %parallel_loop3A_907 = arith.constant 16 : i32
      %parallel_loop3A_908 = arith.index_cast %parallel_loop3A_907 : i32 to index
      %parallel_loop3A_909 = arith.index_cast %parallel_loop3A_906 : i32 to index
      %parallel_loop3A_910 = tpu.vector_load %arg5[%parallel_loop3A_908, %parallel_loop3A_909] {strides = array<i32>} : memref<26x512xi32, #tpu.memory_space<vmem>>, vector<16xi32>,
      %parallel_loop3A_911 = arith.constant 16 : i32
      %parallel_loop3A_912 = arith.index_cast %parallel_loop3A_911 : i32 to index
      %parallel_loop3A_913 = arith.index_cast %parallel_loop3A_906 : i32 to index
      %parallel_loop3A_914 = tpu.vector_load %arg6[%parallel_loop3A_912, %parallel_loop3A_913] {strides = array<i32>} : memref<26x512xf32, #tpu.memory_space<vmem>>, vector<16xf32>,
      tpu.vector_store_idx %arg9[%parallel_loop3A_110, %parallel_loop3A_910], %parallel_loop3A_914 {add = true} : memref<64x128xf32, #tpu.memory_space<vmem>>[vector<16xi32>, vector<16xi32>], vector<16xf32>,
      %parallel_loop3A_915 = arith.constant 16 : i32
      %parallel_loop3A_916 = arith.muli %parallel_loop3A_106, %parallel_loop3A_915 : i32
      %parallel_loop3A_917 = arith.constant 192 : i32
      %parallel_loop3A_918 = arith.addi %parallel_loop3A_917, %parallel_loop3A_916 : i32
      %parallel_loop3A_919 = arith.constant 16 : i32
      %parallel_loop3A_920 = arith.index_cast %parallel_loop3A_919 : i32 to index
      %parallel_loop3A_921 = arith.index_cast %parallel_loop3A_918 : i32 to index
      %parallel_loop3A_922 = tpu.vector_load %arg5[%parallel_loop3A_920, %parallel_loop3A_921] {strides = array<i32>} : memref<26x512xi32, #tpu.memory_space<vmem>>, vector<16xi32>,
      %parallel_loop3A_923 = arith.constant 16 : i32
      %parallel_loop3A_924 = arith.index_cast %parallel_loop3A_923 : i32 to index
      %parallel_loop3A_925 = arith.index_cast %parallel_loop3A_918 : i32 to index
      %parallel_loop3A_926 = tpu.vector_load %arg6[%parallel_loop3A_924, %parallel_loop3A_925] {strides = array<i32>} : memref<26x512xf32, #tpu.memory_space<vmem>>, vector<16xf32>,
      tpu.vector_store_idx %arg10[%parallel_loop3A_110, %parallel_loop3A_922], %parallel_loop3A_926 {add = true} : memref<64x128xf32, #tpu.memory_space<vmem>>[vector<16xi32>, vector<16xi32>], vector<16xf32>,
      %parallel_loop3A_927 = arith.constant 16 : i32
      %parallel_loop3A_928 = arith.muli %parallel_loop3A_106, %parallel_loop3A_927 : i32
      %parallel_loop3A_929 = arith.constant 0 : i32
      %parallel_loop3A_930 = arith.addi %parallel_loop3A_929, %parallel_loop3A_928 : i32
      %parallel_loop3A_931 = arith.constant 17 : i32
      %parallel_loop3A_932 = arith.index_cast %parallel_loop3A_931 : i32 to index
      %parallel_loop3A_933 = arith.index_cast %parallel_loop3A_930 : i32 to index
      %parallel_loop3A_934 = tpu.vector_load %arg5[%parallel_loop3A_932, %parallel_loop3A_933] {strides = array<i32>} : memref<26x512xi32, #tpu.memory_space<vmem>>, vector<16xi32>,
      %parallel_loop3A_935 = arith.constant 17 : i32
      %parallel_loop3A_936 = arith.index_cast %parallel_loop3A_935 : i32 to index
      %parallel_loop3A_937 = arith.index_cast %parallel_loop3A_930 : i32 to index
      %parallel_loop3A_938 = tpu.vector_load %arg6[%parallel_loop3A_936, %parallel_loop3A_937] {strides = array<i32>} : memref<26x512xf32, #tpu.memory_space<vmem>>, vector<16xf32>,
      tpu.vector_store_idx %arg7[%parallel_loop3A_110, %parallel_loop3A_934], %parallel_loop3A_938 {add = true} : memref<64x128xf32, #tpu.memory_space<vmem>>[vector<16xi32>, vector<16xi32>], vector<16xf32>,
      %parallel_loop3A_939 = arith.constant 16 : i32
      %parallel_loop3A_940 = arith.muli %parallel_loop3A_106, %parallel_loop3A_939 : i32
      %parallel_loop3A_941 = arith.constant 64 : i32
      %parallel_loop3A_942 = arith.addi %parallel_loop3A_941, %parallel_loop3A_940 : i32
      %parallel_loop3A_943 = arith.constant 17 : i32
      %parallel_loop3A_944 = arith.index_cast %parallel_loop3A_943 : i32 to index
      %parallel_loop3A_945 = arith.index_cast %parallel_loop3A_942 : i32 to index
      %parallel_loop3A_946 = tpu.vector_load %arg5[%parallel_loop3A_944, %parallel_loop3A_945] {strides = array<i32>} : memref<26x512xi32, #tpu.memory_space<vmem>>, vector<16xi32>,
      %parallel_loop3A_947 = arith.constant 17 : i32
      %parallel_loop3A_948 = arith.index_cast %parallel_loop3A_947 : i32 to index
      %parallel_loop3A_949 = arith.index_cast %parallel_loop3A_942 : i32 to index
      %parallel_loop3A_950 = tpu.vector_load %arg6[%parallel_loop3A_948, %parallel_loop3A_949] {strides = array<i32>} : memref<26x512xf32, #tpu.memory_space<vmem>>, vector<16xf32>,
      tpu.vector_store_idx %arg8[%parallel_loop3A_110, %parallel_loop3A_946], %parallel_loop3A_950 {add = true} : memref<64x128xf32, #tpu.memory_space<vmem>>[vector<16xi32>, vector<16xi32>], vector<16xf32>,
      %parallel_loop3A_951 = arith.constant 16 : i32
      %parallel_loop3A_952 = arith.muli %parallel_loop3A_106, %parallel_loop3A_951 : i32
      %parallel_loop3A_953 = arith.constant 128 : i32
      %parallel_loop3A_954 = arith.addi %parallel_loop3A_953, %parallel_loop3A_952 : i32
      %parallel_loop3A_955 = arith.constant 17 : i32
      %parallel_loop3A_956 = arith.index_cast %parallel_loop3A_955 : i32 to index
      %parallel_loop3A_957 = arith.index_cast %parallel_loop3A_954 : i32 to index
      %parallel_loop3A_958 = tpu.vector_load %arg5[%parallel_loop3A_956, %parallel_loop3A_957] {strides = array<i32>} : memref<26x512xi32, #tpu.memory_space<vmem>>, vector<16xi32>,
      %parallel_loop3A_959 = arith.constant 17 : i32
      %parallel_loop3A_960 = arith.index_cast %parallel_loop3A_959 : i32 to index
      %parallel_loop3A_961 = arith.index_cast %parallel_loop3A_954 : i32 to index
      %parallel_loop3A_962 = tpu.vector_load %arg6[%parallel_loop3A_960, %parallel_loop3A_961] {strides = array<i32>} : memref<26x512xf32, #tpu.memory_space<vmem>>, vector<16xf32>,
      tpu.vector_store_idx %arg9[%parallel_loop3A_110, %parallel_loop3A_958], %parallel_loop3A_962 {add = true} : memref<64x128xf32, #tpu.memory_space<vmem>>[vector<16xi32>, vector<16xi32>], vector<16xf32>,
      %parallel_loop3A_963 = arith.constant 16 : i32
      %parallel_loop3A_964 = arith.muli %parallel_loop3A_106, %parallel_loop3A_963 : i32
      %parallel_loop3A_965 = arith.constant 192 : i32
      %parallel_loop3A_966 = arith.addi %parallel_loop3A_965, %parallel_loop3A_964 : i32
      %parallel_loop3A_967 = arith.constant 17 : i32
      %parallel_loop3A_968 = arith.index_cast %parallel_loop3A_967 : i32 to index
      %parallel_loop3A_969 = arith.index_cast %parallel_loop3A_966 : i32 to index
      %parallel_loop3A_970 = tpu.vector_load %arg5[%parallel_loop3A_968, %parallel_loop3A_969] {strides = array<i32>} : memref<26x512xi32, #tpu.memory_space<vmem>>, vector<16xi32>,
      %parallel_loop3A_971 = arith.constant 17 : i32
      %parallel_loop3A_972 = arith.index_cast %parallel_loop3A_971 : i32 to index
      %parallel_loop3A_973 = arith.index_cast %parallel_loop3A_966 : i32 to index
      %parallel_loop3A_974 = tpu.vector_load %arg6[%parallel_loop3A_972, %parallel_loop3A_973] {strides = array<i32>} : memref<26x512xf32, #tpu.memory_space<vmem>>, vector<16xf32>,
      tpu.vector_store_idx %arg10[%parallel_loop3A_110, %parallel_loop3A_970], %parallel_loop3A_974 {add = true} : memref<64x128xf32, #tpu.memory_space<vmem>>[vector<16xi32>, vector<16xi32>], vector<16xf32>,
      %parallel_loop3A_975 = arith.constant 16 : i32
      %parallel_loop3A_976 = arith.muli %parallel_loop3A_106, %parallel_loop3A_975 : i32
      %parallel_loop3A_977 = arith.constant 0 : i32
      %parallel_loop3A_978 = arith.addi %parallel_loop3A_977, %parallel_loop3A_976 : i32
      %parallel_loop3A_979 = arith.constant 18 : i32
      %parallel_loop3A_980 = arith.index_cast %parallel_loop3A_979 : i32 to index
      %parallel_loop3A_981 = arith.index_cast %parallel_loop3A_978 : i32 to index
      %parallel_loop3A_982 = tpu.vector_load %arg5[%parallel_loop3A_980, %parallel_loop3A_981] {strides = array<i32>} : memref<26x512xi32, #tpu.memory_space<vmem>>, vector<16xi32>,
      %parallel_loop3A_983 = arith.constant 18 : i32
      %parallel_loop3A_984 = arith.index_cast %parallel_loop3A_983 : i32 to index
      %parallel_loop3A_985 = arith.index_cast %parallel_loop3A_978 : i32 to index
      %parallel_loop3A_986 = tpu.vector_load %arg6[%parallel_loop3A_984, %parallel_loop3A_985] {strides = array<i32>} : memref<26x512xf32, #tpu.memory_space<vmem>>, vector<16xf32>,
      tpu.vector_store_idx %arg7[%parallel_loop3A_110, %parallel_loop3A_982], %parallel_loop3A_986 {add = true} : memref<64x128xf32, #tpu.memory_space<vmem>>[vector<16xi32>, vector<16xi32>], vector<16xf32>,
      %parallel_loop3A_987 = arith.constant 16 : i32
      %parallel_loop3A_988 = arith.muli %parallel_loop3A_106, %parallel_loop3A_987 : i32
      %parallel_loop3A_989 = arith.constant 64 : i32
      %parallel_loop3A_990 = arith.addi %parallel_loop3A_989, %parallel_loop3A_988 : i32
      %parallel_loop3A_991 = arith.constant 18 : i32
      %parallel_loop3A_992 = arith.index_cast %parallel_loop3A_991 : i32 to index
      %parallel_loop3A_993 = arith.index_cast %parallel_loop3A_990 : i32 to index
      %parallel_loop3A_994 = tpu.vector_load %arg5[%parallel_loop3A_992, %parallel_loop3A_993] {strides = array<i32>} : memref<26x512xi32, #tpu.memory_space<vmem>>, vector<16xi32>,
      %parallel_loop3A_995 = arith.constant 18 : i32
      %parallel_loop3A_996 = arith.index_cast %parallel_loop3A_995 : i32 to index
      %parallel_loop3A_997 = arith.index_cast %parallel_loop3A_990 : i32 to index
      %parallel_loop3A_998 = tpu.vector_load %arg6[%parallel_loop3A_996, %parallel_loop3A_997] {strides = array<i32>} : memref<26x512xf32, #tpu.memory_space<vmem>>, vector<16xf32>,
      tpu.vector_store_idx %arg8[%parallel_loop3A_110, %parallel_loop3A_994], %parallel_loop3A_998 {add = true} : memref<64x128xf32, #tpu.memory_space<vmem>>[vector<16xi32>, vector<16xi32>], vector<16xf32>,
      %parallel_loop3A_999 = arith.constant 16 : i32
      %parallel_loop3A_1000 = arith.muli %parallel_loop3A_106, %parallel_loop3A_999 : i32
      %parallel_loop3A_1001 = arith.constant 128 : i32
      %parallel_loop3A_1002 = arith.addi %parallel_loop3A_1001, %parallel_loop3A_1000 : i32
      %parallel_loop3A_1003 = arith.constant 18 : i32
      %parallel_loop3A_1004 = arith.index_cast %parallel_loop3A_1003 : i32 to index
      %parallel_loop3A_1005 = arith.index_cast %parallel_loop3A_1002 : i32 to index
      %parallel_loop3A_1006 = tpu.vector_load %arg5[%parallel_loop3A_1004, %parallel_loop3A_1005] {strides = array<i32>} : memref<26x512xi32, #tpu.memory_space<vmem>>, vector<16xi32>,
      %parallel_loop3A_1007 = arith.constant 18 : i32
      %parallel_loop3A_1008 = arith.index_cast %parallel_loop3A_1007 : i32 to index
      %parallel_loop3A_1009 = arith.index_cast %parallel_loop3A_1002 : i32 to index
      %parallel_loop3A_1010 = tpu.vector_load %arg6[%parallel_loop3A_1008, %parallel_loop3A_1009] {strides = array<i32>} : memref<26x512xf32, #tpu.memory_space<vmem>>, vector<16xf32>,
      tpu.vector_store_idx %arg9[%parallel_loop3A_110, %parallel_loop3A_1006], %parallel_loop3A_1010 {add = true} : memref<64x128xf32, #tpu.memory_space<vmem>>[vector<16xi32>, vector<16xi32>], vector<16xf32>,
      %parallel_loop3A_1011 = arith.constant 16 : i32
      %parallel_loop3A_1012 = arith.muli %parallel_loop3A_106, %parallel_loop3A_1011 : i32
      %parallel_loop3A_1013 = arith.constant 192 : i32
      %parallel_loop3A_1014 = arith.addi %parallel_loop3A_1013, %parallel_loop3A_1012 : i32
      %parallel_loop3A_1015 = arith.constant 18 : i32
      %parallel_loop3A_1016 = arith.index_cast %parallel_loop3A_1015 : i32 to index
      %parallel_loop3A_1017 = arith.index_cast %parallel_loop3A_1014 : i32 to index
      %parallel_loop3A_1018 = tpu.vector_load %arg5[%parallel_loop3A_1016, %parallel_loop3A_1017] {strides = array<i32>} : memref<26x512xi32, #tpu.memory_space<vmem>>, vector<16xi32>,
      %parallel_loop3A_1019 = arith.constant 18 : i32
      %parallel_loop3A_1020 = arith.index_cast %parallel_loop3A_1019 : i32 to index
      %parallel_loop3A_1021 = arith.index_cast %parallel_loop3A_1014 : i32 to index
      %parallel_loop3A_1022 = tpu.vector_load %arg6[%parallel_loop3A_1020, %parallel_loop3A_1021] {strides = array<i32>} : memref<26x512xf32, #tpu.memory_space<vmem>>, vector<16xf32>,
      tpu.vector_store_idx %arg10[%parallel_loop3A_110, %parallel_loop3A_1018], %parallel_loop3A_1022 {add = true} : memref<64x128xf32, #tpu.memory_space<vmem>>[vector<16xi32>, vector<16xi32>], vector<16xf32>,
      %parallel_loop3A_1023 = arith.constant 16 : i32
      %parallel_loop3A_1024 = arith.muli %parallel_loop3A_106, %parallel_loop3A_1023 : i32
      %parallel_loop3A_1025 = arith.constant 0 : i32
      %parallel_loop3A_1026 = arith.addi %parallel_loop3A_1025, %parallel_loop3A_1024 : i32
      %parallel_loop3A_1027 = arith.constant 19 : i32
      %parallel_loop3A_1028 = arith.index_cast %parallel_loop3A_1027 : i32 to index
      %parallel_loop3A_1029 = arith.index_cast %parallel_loop3A_1026 : i32 to index
      %parallel_loop3A_1030 = tpu.vector_load %arg5[%parallel_loop3A_1028, %parallel_loop3A_1029] {strides = array<i32>} : memref<26x512xi32, #tpu.memory_space<vmem>>, vector<16xi32>,
      %parallel_loop3A_1031 = arith.constant 19 : i32
      %parallel_loop3A_1032 = arith.index_cast %parallel_loop3A_1031 : i32 to index
      %parallel_loop3A_1033 = arith.index_cast %parallel_loop3A_1026 : i32 to index
      %parallel_loop3A_1034 = tpu.vector_load %arg6[%parallel_loop3A_1032, %parallel_loop3A_1033] {strides = array<i32>} : memref<26x512xf32, #tpu.memory_space<vmem>>, vector<16xf32>,
      tpu.vector_store_idx %arg7[%parallel_loop3A_110, %parallel_loop3A_1030], %parallel_loop3A_1034 {add = true} : memref<64x128xf32, #tpu.memory_space<vmem>>[vector<16xi32>, vector<16xi32>], vector<16xf32>,
      %parallel_loop3A_1035 = arith.constant 16 : i32
      %parallel_loop3A_1036 = arith.muli %parallel_loop3A_106, %parallel_loop3A_1035 : i32
      %parallel_loop3A_1037 = arith.constant 64 : i32
      %parallel_loop3A_1038 = arith.addi %parallel_loop3A_1037, %parallel_loop3A_1036 : i32
      %parallel_loop3A_1039 = arith.constant 19 : i32
      %parallel_loop3A_1040 = arith.index_cast %parallel_loop3A_1039 : i32 to index
      %parallel_loop3A_1041 = arith.index_cast %parallel_loop3A_1038 : i32 to index
      %parallel_loop3A_1042 = tpu.vector_load %arg5[%parallel_loop3A_1040, %parallel_loop3A_1041] {strides = array<i32>} : memref<26x512xi32, #tpu.memory_space<vmem>>, vector<16xi32>,
      %parallel_loop3A_1043 = arith.constant 19 : i32
      %parallel_loop3A_1044 = arith.index_cast %parallel_loop3A_1043 : i32 to index
      %parallel_loop3A_1045 = arith.index_cast %parallel_loop3A_1038 : i32 to index
      %parallel_loop3A_1046 = tpu.vector_load %arg6[%parallel_loop3A_1044, %parallel_loop3A_1045] {strides = array<i32>} : memref<26x512xf32, #tpu.memory_space<vmem>>, vector<16xf32>,
      tpu.vector_store_idx %arg8[%parallel_loop3A_110, %parallel_loop3A_1042], %parallel_loop3A_1046 {add = true} : memref<64x128xf32, #tpu.memory_space<vmem>>[vector<16xi32>, vector<16xi32>], vector<16xf32>,
      %parallel_loop3A_1047 = arith.constant 16 : i32
      %parallel_loop3A_1048 = arith.muli %parallel_loop3A_106, %parallel_loop3A_1047 : i32
      %parallel_loop3A_1049 = arith.constant 128 : i32
      %parallel_loop3A_1050 = arith.addi %parallel_loop3A_1049, %parallel_loop3A_1048 : i32
      %parallel_loop3A_1051 = arith.constant 19 : i32
      %parallel_loop3A_1052 = arith.index_cast %parallel_loop3A_1051 : i32 to index
      %parallel_loop3A_1053 = arith.index_cast %parallel_loop3A_1050 : i32 to index
      %parallel_loop3A_1054 = tpu.vector_load %arg5[%parallel_loop3A_1052, %parallel_loop3A_1053] {strides = array<i32>} : memref<26x512xi32, #tpu.memory_space<vmem>>, vector<16xi32>,
      %parallel_loop3A_1055 = arith.constant 19 : i32
      %parallel_loop3A_1056 = arith.index_cast %parallel_loop3A_1055 : i32 to index
      %parallel_loop3A_1057 = arith.index_cast %parallel_loop3A_1050 : i32 to index
      %parallel_loop3A_1058 = tpu.vector_load %arg6[%parallel_loop3A_1056, %parallel_loop3A_1057] {strides = array<i32>} : memref<26x512xf32, #tpu.memory_space<vmem>>, vector<16xf32>,
      tpu.vector_store_idx %arg9[%parallel_loop3A_110, %parallel_loop3A_1054], %parallel_loop3A_1058 {add = true} : memref<64x128xf32, #tpu.memory_space<vmem>>[vector<16xi32>, vector<16xi32>], vector<16xf32>,
      %parallel_loop3A_1059 = arith.constant 16 : i32
      %parallel_loop3A_1060 = arith.muli %parallel_loop3A_106, %parallel_loop3A_1059 : i32
      %parallel_loop3A_1061 = arith.constant 192 : i32
      %parallel_loop3A_1062 = arith.addi %parallel_loop3A_1061, %parallel_loop3A_1060 : i32
      %parallel_loop3A_1063 = arith.constant 19 : i32
      %parallel_loop3A_1064 = arith.index_cast %parallel_loop3A_1063 : i32 to index
      %parallel_loop3A_1065 = arith.index_cast %parallel_loop3A_1062 : i32 to index
      %parallel_loop3A_1066 = tpu.vector_load %arg5[%parallel_loop3A_1064, %parallel_loop3A_1065] {strides = array<i32>} : memref<26x512xi32, #tpu.memory_space<vmem>>, vector<16xi32>,
      %parallel_loop3A_1067 = arith.constant 19 : i32
      %parallel_loop3A_1068 = arith.index_cast %parallel_loop3A_1067 : i32 to index
      %parallel_loop3A_1069 = arith.index_cast %parallel_loop3A_1062 : i32 to index
      %parallel_loop3A_1070 = tpu.vector_load %arg6[%parallel_loop3A_1068, %parallel_loop3A_1069] {strides = array<i32>} : memref<26x512xf32, #tpu.memory_space<vmem>>, vector<16xf32>,
      tpu.vector_store_idx %arg10[%parallel_loop3A_110, %parallel_loop3A_1066], %parallel_loop3A_1070 {add = true} : memref<64x128xf32, #tpu.memory_space<vmem>>[vector<16xi32>, vector<16xi32>], vector<16xf32>,
      %parallel_loop3A_1071 = arith.constant 16 : i32
      %parallel_loop3A_1072 = arith.muli %parallel_loop3A_106, %parallel_loop3A_1071 : i32
      %parallel_loop3A_1073 = arith.constant 0 : i32
      %parallel_loop3A_1074 = arith.addi %parallel_loop3A_1073, %parallel_loop3A_1072 : i32
      %parallel_loop3A_1075 = arith.constant 20 : i32
      %parallel_loop3A_1076 = arith.index_cast %parallel_loop3A_1075 : i32 to index
      %parallel_loop3A_1077 = arith.index_cast %parallel_loop3A_1074 : i32 to index
      %parallel_loop3A_1078 = tpu.vector_load %arg5[%parallel_loop3A_1076, %parallel_loop3A_1077] {strides = array<i32>} : memref<26x512xi32, #tpu.memory_space<vmem>>, vector<16xi32>,
      %parallel_loop3A_1079 = arith.constant 20 : i32
      %parallel_loop3A_1080 = arith.index_cast %parallel_loop3A_1079 : i32 to index
      %parallel_loop3A_1081 = arith.index_cast %parallel_loop3A_1074 : i32 to index
      %parallel_loop3A_1082 = tpu.vector_load %arg6[%parallel_loop3A_1080, %parallel_loop3A_1081] {strides = array<i32>} : memref<26x512xf32, #tpu.memory_space<vmem>>, vector<16xf32>,
      tpu.vector_store_idx %arg7[%parallel_loop3A_110, %parallel_loop3A_1078], %parallel_loop3A_1082 {add = true} : memref<64x128xf32, #tpu.memory_space<vmem>>[vector<16xi32>, vector<16xi32>], vector<16xf32>,
      %parallel_loop3A_1083 = arith.constant 16 : i32
      %parallel_loop3A_1084 = arith.muli %parallel_loop3A_106, %parallel_loop3A_1083 : i32
      %parallel_loop3A_1085 = arith.constant 64 : i32
      %parallel_loop3A_1086 = arith.addi %parallel_loop3A_1085, %parallel_loop3A_1084 : i32
      %parallel_loop3A_1087 = arith.constant 20 : i32
      %parallel_loop3A_1088 = arith.index_cast %parallel_loop3A_1087 : i32 to index
      %parallel_loop3A_1089 = arith.index_cast %parallel_loop3A_1086 : i32 to index
      %parallel_loop3A_1090 = tpu.vector_load %arg5[%parallel_loop3A_1088, %parallel_loop3A_1089] {strides = array<i32>} : memref<26x512xi32, #tpu.memory_space<vmem>>, vector<16xi32>,
      %parallel_loop3A_1091 = arith.constant 20 : i32
      %parallel_loop3A_1092 = arith.index_cast %parallel_loop3A_1091 : i32 to index
      %parallel_loop3A_1093 = arith.index_cast %parallel_loop3A_1086 : i32 to index
      %parallel_loop3A_1094 = tpu.vector_load %arg6[%parallel_loop3A_1092, %parallel_loop3A_1093] {strides = array<i32>} : memref<26x512xf32, #tpu.memory_space<vmem>>, vector<16xf32>,
      tpu.vector_store_idx %arg8[%parallel_loop3A_110, %parallel_loop3A_1090], %parallel_loop3A_1094 {add = true} : memref<64x128xf32, #tpu.memory_space<vmem>>[vector<16xi32>, vector<16xi32>], vector<16xf32>,
      %parallel_loop3A_1095 = arith.constant 16 : i32
      %parallel_loop3A_1096 = arith.muli %parallel_loop3A_106, %parallel_loop3A_1095 : i32
      %parallel_loop3A_1097 = arith.constant 128 : i32
      %parallel_loop3A_1098 = arith.addi %parallel_loop3A_1097, %parallel_loop3A_1096 : i32
      %parallel_loop3A_1099 = arith.constant 20 : i32
      %parallel_loop3A_1100 = arith.index_cast %parallel_loop3A_1099 : i32 to index
      %parallel_loop3A_1101 = arith.index_cast %parallel_loop3A_1098 : i32 to index
      %parallel_loop3A_1102 = tpu.vector_load %arg5[%parallel_loop3A_1100, %parallel_loop3A_1101] {strides = array<i32>} : memref<26x512xi32, #tpu.memory_space<vmem>>, vector<16xi32>,
      %parallel_loop3A_1103 = arith.constant 20 : i32
      %parallel_loop3A_1104 = arith.index_cast %parallel_loop3A_1103 : i32 to index
      %parallel_loop3A_1105 = arith.index_cast %parallel_loop3A_1098 : i32 to index
      %parallel_loop3A_1106 = tpu.vector_load %arg6[%parallel_loop3A_1104, %parallel_loop3A_1105] {strides = array<i32>} : memref<26x512xf32, #tpu.memory_space<vmem>>, vector<16xf32>,
      tpu.vector_store_idx %arg9[%parallel_loop3A_110, %parallel_loop3A_1102], %parallel_loop3A_1106 {add = true} : memref<64x128xf32, #tpu.memory_space<vmem>>[vector<16xi32>, vector<16xi32>], vector<16xf32>,
      %parallel_loop3A_1107 = arith.constant 16 : i32
      %parallel_loop3A_1108 = arith.muli %parallel_loop3A_106, %parallel_loop3A_1107 : i32
      %parallel_loop3A_1109 = arith.constant 192 : i32
      %parallel_loop3A_1110 = arith.addi %parallel_loop3A_1109, %parallel_loop3A_1108 : i32
      %parallel_loop3A_1111 = arith.constant 20 : i32
      %parallel_loop3A_1112 = arith.index_cast %parallel_loop3A_1111 : i32 to index
      %parallel_loop3A_1113 = arith.index_cast %parallel_loop3A_1110 : i32 to index
      %parallel_loop3A_1114 = tpu.vector_load %arg5[%parallel_loop3A_1112, %parallel_loop3A_1113] {strides = array<i32>} : memref<26x512xi32, #tpu.memory_space<vmem>>, vector<16xi32>,
      %parallel_loop3A_1115 = arith.constant 20 : i32
      %parallel_loop3A_1116 = arith.index_cast %parallel_loop3A_1115 : i32 to index
      %parallel_loop3A_1117 = arith.index_cast %parallel_loop3A_1110 : i32 to index
      %parallel_loop3A_1118 = tpu.vector_load %arg6[%parallel_loop3A_1116, %parallel_loop3A_1117] {strides = array<i32>} : memref<26x512xf32, #tpu.memory_space<vmem>>, vector<16xf32>,
      tpu.vector_store_idx %arg10[%parallel_loop3A_110, %parallel_loop3A_1114], %parallel_loop3A_1118 {add = true} : memref<64x128xf32, #tpu.memory_space<vmem>>[vector<16xi32>, vector<16xi32>], vector<16xf32>,
      %parallel_loop3A_1119 = arith.constant 16 : i32
      %parallel_loop3A_1120 = arith.muli %parallel_loop3A_106, %parallel_loop3A_1119 : i32
      %parallel_loop3A_1121 = arith.constant 0 : i32
      %parallel_loop3A_1122 = arith.addi %parallel_loop3A_1121, %parallel_loop3A_1120 : i32
      %parallel_loop3A_1123 = arith.constant 21 : i32
      %parallel_loop3A_1124 = arith.index_cast %parallel_loop3A_1123 : i32 to index
      %parallel_loop3A_1125 = arith.index_cast %parallel_loop3A_1122 : i32 to index
      %parallel_loop3A_1126 = tpu.vector_load %arg5[%parallel_loop3A_1124, %parallel_loop3A_1125] {strides = array<i32>} : memref<26x512xi32, #tpu.memory_space<vmem>>, vector<16xi32>,
      %parallel_loop3A_1127 = arith.constant 21 : i32
      %parallel_loop3A_1128 = arith.index_cast %parallel_loop3A_1127 : i32 to index
      %parallel_loop3A_1129 = arith.index_cast %parallel_loop3A_1122 : i32 to index
      %parallel_loop3A_1130 = tpu.vector_load %arg6[%parallel_loop3A_1128, %parallel_loop3A_1129] {strides = array<i32>} : memref<26x512xf32, #tpu.memory_space<vmem>>, vector<16xf32>,
      tpu.vector_store_idx %arg7[%parallel_loop3A_110, %parallel_loop3A_1126], %parallel_loop3A_1130 {add = true} : memref<64x128xf32, #tpu.memory_space<vmem>>[vector<16xi32>, vector<16xi32>], vector<16xf32>,
      %parallel_loop3A_1131 = arith.constant 16 : i32
      %parallel_loop3A_1132 = arith.muli %parallel_loop3A_106, %parallel_loop3A_1131 : i32
      %parallel_loop3A_1133 = arith.constant 64 : i32
      %parallel_loop3A_1134 = arith.addi %parallel_loop3A_1133, %parallel_loop3A_1132 : i32
      %parallel_loop3A_1135 = arith.constant 21 : i32
      %parallel_loop3A_1136 = arith.index_cast %parallel_loop3A_1135 : i32 to index
      %parallel_loop3A_1137 = arith.index_cast %parallel_loop3A_1134 : i32 to index
      %parallel_loop3A_1138 = tpu.vector_load %arg5[%parallel_loop3A_1136, %parallel_loop3A_1137] {strides = array<i32>} : memref<26x512xi32, #tpu.memory_space<vmem>>, vector<16xi32>,
      %parallel_loop3A_1139 = arith.constant 21 : i32
      %parallel_loop3A_1140 = arith.index_cast %parallel_loop3A_1139 : i32 to index
      %parallel_loop3A_1141 = arith.index_cast %parallel_loop3A_1134 : i32 to index
      %parallel_loop3A_1142 = tpu.vector_load %arg6[%parallel_loop3A_1140, %parallel_loop3A_1141] {strides = array<i32>} : memref<26x512xf32, #tpu.memory_space<vmem>>, vector<16xf32>,
      tpu.vector_store_idx %arg8[%parallel_loop3A_110, %parallel_loop3A_1138], %parallel_loop3A_1142 {add = true} : memref<64x128xf32, #tpu.memory_space<vmem>>[vector<16xi32>, vector<16xi32>], vector<16xf32>,
      %parallel_loop3A_1143 = arith.constant 16 : i32
      %parallel_loop3A_1144 = arith.muli %parallel_loop3A_106, %parallel_loop3A_1143 : i32
      %parallel_loop3A_1145 = arith.constant 128 : i32
      %parallel_loop3A_1146 = arith.addi %parallel_loop3A_1145, %parallel_loop3A_1144 : i32
      %parallel_loop3A_1147 = arith.constant 21 : i32
      %parallel_loop3A_1148 = arith.index_cast %parallel_loop3A_1147 : i32 to index
      %parallel_loop3A_1149 = arith.index_cast %parallel_loop3A_1146 : i32 to index
      %parallel_loop3A_1150 = tpu.vector_load %arg5[%parallel_loop3A_1148, %parallel_loop3A_1149] {strides = array<i32>} : memref<26x512xi32, #tpu.memory_space<vmem>>, vector<16xi32>,
      %parallel_loop3A_1151 = arith.constant 21 : i32
      %parallel_loop3A_1152 = arith.index_cast %parallel_loop3A_1151 : i32 to index
      %parallel_loop3A_1153 = arith.index_cast %parallel_loop3A_1146 : i32 to index
      %parallel_loop3A_1154 = tpu.vector_load %arg6[%parallel_loop3A_1152, %parallel_loop3A_1153] {strides = array<i32>} : memref<26x512xf32, #tpu.memory_space<vmem>>, vector<16xf32>,
      tpu.vector_store_idx %arg9[%parallel_loop3A_110, %parallel_loop3A_1150], %parallel_loop3A_1154 {add = true} : memref<64x128xf32, #tpu.memory_space<vmem>>[vector<16xi32>, vector<16xi32>], vector<16xf32>,
      %parallel_loop3A_1155 = arith.constant 16 : i32
      %parallel_loop3A_1156 = arith.muli %parallel_loop3A_106, %parallel_loop3A_1155 : i32
      %parallel_loop3A_1157 = arith.constant 192 : i32
      %parallel_loop3A_1158 = arith.addi %parallel_loop3A_1157, %parallel_loop3A_1156 : i32
      %parallel_loop3A_1159 = arith.constant 21 : i32
      %parallel_loop3A_1160 = arith.index_cast %parallel_loop3A_1159 : i32 to index
      %parallel_loop3A_1161 = arith.index_cast %parallel_loop3A_1158 : i32 to index
      %parallel_loop3A_1162 = tpu.vector_load %arg5[%parallel_loop3A_1160, %parallel_loop3A_1161] {strides = array<i32>} : memref<26x512xi32, #tpu.memory_space<vmem>>, vector<16xi32>,
      %parallel_loop3A_1163 = arith.constant 21 : i32
      %parallel_loop3A_1164 = arith.index_cast %parallel_loop3A_1163 : i32 to index
      %parallel_loop3A_1165 = arith.index_cast %parallel_loop3A_1158 : i32 to index
      %parallel_loop3A_1166 = tpu.vector_load %arg6[%parallel_loop3A_1164, %parallel_loop3A_1165] {strides = array<i32>} : memref<26x512xf32, #tpu.memory_space<vmem>>, vector<16xf32>,
      tpu.vector_store_idx %arg10[%parallel_loop3A_110, %parallel_loop3A_1162], %parallel_loop3A_1166 {add = true} : memref<64x128xf32, #tpu.memory_space<vmem>>[vector<16xi32>, vector<16xi32>], vector<16xf32>,
      %parallel_loop3A_1167 = arith.constant 16 : i32
      %parallel_loop3A_1168 = arith.muli %parallel_loop3A_106, %parallel_loop3A_1167 : i32
      %parallel_loop3A_1169 = arith.constant 0 : i32
      %parallel_loop3A_1170 = arith.addi %parallel_loop3A_1169, %parallel_loop3A_1168 : i32
      %parallel_loop3A_1171 = arith.constant 22 : i32
      %parallel_loop3A_1172 = arith.index_cast %parallel_loop3A_1171 : i32 to index
      %parallel_loop3A_1173 = arith.index_cast %parallel_loop3A_1170 : i32 to index
      %parallel_loop3A_1174 = tpu.vector_load %arg5[%parallel_loop3A_1172, %parallel_loop3A_1173] {strides = array<i32>} : memref<26x512xi32, #tpu.memory_space<vmem>>, vector<16xi32>,
      %parallel_loop3A_1175 = arith.constant 22 : i32
      %parallel_loop3A_1176 = arith.index_cast %parallel_loop3A_1175 : i32 to index
      %parallel_loop3A_1177 = arith.index_cast %parallel_loop3A_1170 : i32 to index
      %parallel_loop3A_1178 = tpu.vector_load %arg6[%parallel_loop3A_1176, %parallel_loop3A_1177] {strides = array<i32>} : memref<26x512xf32, #tpu.memory_space<vmem>>, vector<16xf32>,
      tpu.vector_store_idx %arg7[%parallel_loop3A_110, %parallel_loop3A_1174], %parallel_loop3A_1178 {add = true} : memref<64x128xf32, #tpu.memory_space<vmem>>[vector<16xi32>, vector<16xi32>], vector<16xf32>,
      %parallel_loop3A_1179 = arith.constant 16 : i32
      %parallel_loop3A_1180 = arith.muli %parallel_loop3A_106, %parallel_loop3A_1179 : i32
      %parallel_loop3A_1181 = arith.constant 64 : i32
      %parallel_loop3A_1182 = arith.addi %parallel_loop3A_1181, %parallel_loop3A_1180 : i32
      %parallel_loop3A_1183 = arith.constant 22 : i32
      %parallel_loop3A_1184 = arith.index_cast %parallel_loop3A_1183 : i32 to index
      %parallel_loop3A_1185 = arith.index_cast %parallel_loop3A_1182 : i32 to index
      %parallel_loop3A_1186 = tpu.vector_load %arg5[%parallel_loop3A_1184, %parallel_loop3A_1185] {strides = array<i32>} : memref<26x512xi32, #tpu.memory_space<vmem>>, vector<16xi32>,
      %parallel_loop3A_1187 = arith.constant 22 : i32
      %parallel_loop3A_1188 = arith.index_cast %parallel_loop3A_1187 : i32 to index
      %parallel_loop3A_1189 = arith.index_cast %parallel_loop3A_1182 : i32 to index
      %parallel_loop3A_1190 = tpu.vector_load %arg6[%parallel_loop3A_1188, %parallel_loop3A_1189] {strides = array<i32>} : memref<26x512xf32, #tpu.memory_space<vmem>>, vector<16xf32>,
      tpu.vector_store_idx %arg8[%parallel_loop3A_110, %parallel_loop3A_1186], %parallel_loop3A_1190 {add = true} : memref<64x128xf32, #tpu.memory_space<vmem>>[vector<16xi32>, vector<16xi32>], vector<16xf32>,
      %parallel_loop3A_1191 = arith.constant 16 : i32
      %parallel_loop3A_1192 = arith.muli %parallel_loop3A_106, %parallel_loop3A_1191 : i32
      %parallel_loop3A_1193 = arith.constant 128 : i32
      %parallel_loop3A_1194 = arith.addi %parallel_loop3A_1193, %parallel_loop3A_1192 : i32
      %parallel_loop3A_1195 = arith.constant 22 : i32
      %parallel_loop3A_1196 = arith.index_cast %parallel_loop3A_1195 : i32 to index
      %parallel_loop3A_1197 = arith.index_cast %parallel_loop3A_1194 : i32 to index
      %parallel_loop3A_1198 = tpu.vector_load %arg5[%parallel_loop3A_1196, %parallel_loop3A_1197] {strides = array<i32>} : memref<26x512xi32, #tpu.memory_space<vmem>>, vector<16xi32>,
      %parallel_loop3A_1199 = arith.constant 22 : i32
      %parallel_loop3A_1200 = arith.index_cast %parallel_loop3A_1199 : i32 to index
      %parallel_loop3A_1201 = arith.index_cast %parallel_loop3A_1194 : i32 to index
      %parallel_loop3A_1202 = tpu.vector_load %arg6[%parallel_loop3A_1200, %parallel_loop3A_1201] {strides = array<i32>} : memref<26x512xf32, #tpu.memory_space<vmem>>, vector<16xf32>,
      tpu.vector_store_idx %arg9[%parallel_loop3A_110, %parallel_loop3A_1198], %parallel_loop3A_1202 {add = true} : memref<64x128xf32, #tpu.memory_space<vmem>>[vector<16xi32>, vector<16xi32>], vector<16xf32>,
      %parallel_loop3A_1203 = arith.constant 16 : i32
      %parallel_loop3A_1204 = arith.muli %parallel_loop3A_106, %parallel_loop3A_1203 : i32
      %parallel_loop3A_1205 = arith.constant 192 : i32
      %parallel_loop3A_1206 = arith.addi %parallel_loop3A_1205, %parallel_loop3A_1204 : i32
      %parallel_loop3A_1207 = arith.constant 22 : i32
      %parallel_loop3A_1208 = arith.index_cast %parallel_loop3A_1207 : i32 to index
      %parallel_loop3A_1209 = arith.index_cast %parallel_loop3A_1206 : i32 to index
      %parallel_loop3A_1210 = tpu.vector_load %arg5[%parallel_loop3A_1208, %parallel_loop3A_1209] {strides = array<i32>} : memref<26x512xi32, #tpu.memory_space<vmem>>, vector<16xi32>,
      %parallel_loop3A_1211 = arith.constant 22 : i32
      %parallel_loop3A_1212 = arith.index_cast %parallel_loop3A_1211 : i32 to index
      %parallel_loop3A_1213 = arith.index_cast %parallel_loop3A_1206 : i32 to index
      %parallel_loop3A_1214 = tpu.vector_load %arg6[%parallel_loop3A_1212, %parallel_loop3A_1213] {strides = array<i32>} : memref<26x512xf32, #tpu.memory_space<vmem>>, vector<16xf32>,
      tpu.vector_store_idx %arg10[%parallel_loop3A_110, %parallel_loop3A_1210], %parallel_loop3A_1214 {add = true} : memref<64x128xf32, #tpu.memory_space<vmem>>[vector<16xi32>, vector<16xi32>], vector<16xf32>,
      %parallel_loop3A_1215 = arith.constant 16 : i32
      %parallel_loop3A_1216 = arith.muli %parallel_loop3A_106, %parallel_loop3A_1215 : i32
      %parallel_loop3A_1217 = arith.constant 0 : i32
      %parallel_loop3A_1218 = arith.addi %parallel_loop3A_1217, %parallel_loop3A_1216 : i32
      %parallel_loop3A_1219 = arith.constant 23 : i32
      %parallel_loop3A_1220 = arith.index_cast %parallel_loop3A_1219 : i32 to index
      %parallel_loop3A_1221 = arith.index_cast %parallel_loop3A_1218 : i32 to index
      %parallel_loop3A_1222 = tpu.vector_load %arg5[%parallel_loop3A_1220, %parallel_loop3A_1221] {strides = array<i32>} : memref<26x512xi32, #tpu.memory_space<vmem>>, vector<16xi32>,
      %parallel_loop3A_1223 = arith.constant 23 : i32
      %parallel_loop3A_1224 = arith.index_cast %parallel_loop3A_1223 : i32 to index
      %parallel_loop3A_1225 = arith.index_cast %parallel_loop3A_1218 : i32 to index
      %parallel_loop3A_1226 = tpu.vector_load %arg6[%parallel_loop3A_1224, %parallel_loop3A_1225] {strides = array<i32>} : memref<26x512xf32, #tpu.memory_space<vmem>>, vector<16xf32>,
      tpu.vector_store_idx %arg7[%parallel_loop3A_110, %parallel_loop3A_1222], %parallel_loop3A_1226 {add = true} : memref<64x128xf32, #tpu.memory_space<vmem>>[vector<16xi32>, vector<16xi32>], vector<16xf32>,
      %parallel_loop3A_1227 = arith.constant 16 : i32
      %parallel_loop3A_1228 = arith.muli %parallel_loop3A_106, %parallel_loop3A_1227 : i32
      %parallel_loop3A_1229 = arith.constant 64 : i32
      %parallel_loop3A_1230 = arith.addi %parallel_loop3A_1229, %parallel_loop3A_1228 : i32
      %parallel_loop3A_1231 = arith.constant 23 : i32
      %parallel_loop3A_1232 = arith.index_cast %parallel_loop3A_1231 : i32 to index
      %parallel_loop3A_1233 = arith.index_cast %parallel_loop3A_1230 : i32 to index
      %parallel_loop3A_1234 = tpu.vector_load %arg5[%parallel_loop3A_1232, %parallel_loop3A_1233] {strides = array<i32>} : memref<26x512xi32, #tpu.memory_space<vmem>>, vector<16xi32>,
      %parallel_loop3A_1235 = arith.constant 23 : i32
      %parallel_loop3A_1236 = arith.index_cast %parallel_loop3A_1235 : i32 to index
      %parallel_loop3A_1237 = arith.index_cast %parallel_loop3A_1230 : i32 to index
      %parallel_loop3A_1238 = tpu.vector_load %arg6[%parallel_loop3A_1236, %parallel_loop3A_1237] {strides = array<i32>} : memref<26x512xf32, #tpu.memory_space<vmem>>, vector<16xf32>,
      tpu.vector_store_idx %arg8[%parallel_loop3A_110, %parallel_loop3A_1234], %parallel_loop3A_1238 {add = true} : memref<64x128xf32, #tpu.memory_space<vmem>>[vector<16xi32>, vector<16xi32>], vector<16xf32>,
      %parallel_loop3A_1239 = arith.constant 16 : i32
      %parallel_loop3A_1240 = arith.muli %parallel_loop3A_106, %parallel_loop3A_1239 : i32
      %parallel_loop3A_1241 = arith.constant 128 : i32
      %parallel_loop3A_1242 = arith.addi %parallel_loop3A_1241, %parallel_loop3A_1240 : i32
      %parallel_loop3A_1243 = arith.constant 23 : i32
      %parallel_loop3A_1244 = arith.index_cast %parallel_loop3A_1243 : i32 to index
      %parallel_loop3A_1245 = arith.index_cast %parallel_loop3A_1242 : i32 to index
      %parallel_loop3A_1246 = tpu.vector_load %arg5[%parallel_loop3A_1244, %parallel_loop3A_1245] {strides = array<i32>} : memref<26x512xi32, #tpu.memory_space<vmem>>, vector<16xi32>,
      %parallel_loop3A_1247 = arith.constant 23 : i32
      %parallel_loop3A_1248 = arith.index_cast %parallel_loop3A_1247 : i32 to index
      %parallel_loop3A_1249 = arith.index_cast %parallel_loop3A_1242 : i32 to index
      %parallel_loop3A_1250 = tpu.vector_load %arg6[%parallel_loop3A_1248, %parallel_loop3A_1249] {strides = array<i32>} : memref<26x512xf32, #tpu.memory_space<vmem>>, vector<16xf32>,
      tpu.vector_store_idx %arg9[%parallel_loop3A_110, %parallel_loop3A_1246], %parallel_loop3A_1250 {add = true} : memref<64x128xf32, #tpu.memory_space<vmem>>[vector<16xi32>, vector<16xi32>], vector<16xf32>,
      %parallel_loop3A_1251 = arith.constant 16 : i32
      %parallel_loop3A_1252 = arith.muli %parallel_loop3A_106, %parallel_loop3A_1251 : i32
      %parallel_loop3A_1253 = arith.constant 192 : i32
      %parallel_loop3A_1254 = arith.addi %parallel_loop3A_1253, %parallel_loop3A_1252 : i32
      %parallel_loop3A_1255 = arith.constant 23 : i32
      %parallel_loop3A_1256 = arith.index_cast %parallel_loop3A_1255 : i32 to index
      %parallel_loop3A_1257 = arith.index_cast %parallel_loop3A_1254 : i32 to index
      %parallel_loop3A_1258 = tpu.vector_load %arg5[%parallel_loop3A_1256, %parallel_loop3A_1257] {strides = array<i32>} : memref<26x512xi32, #tpu.memory_space<vmem>>, vector<16xi32>,
      %parallel_loop3A_1259 = arith.constant 23 : i32
      %parallel_loop3A_1260 = arith.index_cast %parallel_loop3A_1259 : i32 to index
      %parallel_loop3A_1261 = arith.index_cast %parallel_loop3A_1254 : i32 to index
      %parallel_loop3A_1262 = tpu.vector_load %arg6[%parallel_loop3A_1260, %parallel_loop3A_1261] {strides = array<i32>} : memref<26x512xf32, #tpu.memory_space<vmem>>, vector<16xf32>,
      tpu.vector_store_idx %arg10[%parallel_loop3A_110, %parallel_loop3A_1258], %parallel_loop3A_1262 {add = true} : memref<64x128xf32, #tpu.memory_space<vmem>>[vector<16xi32>, vector<16xi32>], vector<16xf32>,
      %parallel_loop3A_1263 = arith.constant 16 : i32
      %parallel_loop3A_1264 = arith.muli %parallel_loop3A_106, %parallel_loop3A_1263 : i32
      %parallel_loop3A_1265 = arith.constant 0 : i32
      %parallel_loop3A_1266 = arith.addi %parallel_loop3A_1265, %parallel_loop3A_1264 : i32
      %parallel_loop3A_1267 = arith.constant 24 : i32
      %parallel_loop3A_1268 = arith.index_cast %parallel_loop3A_1267 : i32 to index
      %parallel_loop3A_1269 = arith.index_cast %parallel_loop3A_1266 : i32 to index
      %parallel_loop3A_1270 = tpu.vector_load %arg5[%parallel_loop3A_1268, %parallel_loop3A_1269] {strides = array<i32>} : memref<26x512xi32, #tpu.memory_space<vmem>>, vector<16xi32>,
      %parallel_loop3A_1271 = arith.constant 24 : i32
      %parallel_loop3A_1272 = arith.index_cast %parallel_loop3A_1271 : i32 to index
      %parallel_loop3A_1273 = arith.index_cast %parallel_loop3A_1266 : i32 to index
      %parallel_loop3A_1274 = tpu.vector_load %arg6[%parallel_loop3A_1272, %parallel_loop3A_1273] {strides = array<i32>} : memref<26x512xf32, #tpu.memory_space<vmem>>, vector<16xf32>,
      tpu.vector_store_idx %arg7[%parallel_loop3A_110, %parallel_loop3A_1270], %parallel_loop3A_1274 {add = true} : memref<64x128xf32, #tpu.memory_space<vmem>>[vector<16xi32>, vector<16xi32>], vector<16xf32>,
      %parallel_loop3A_1275 = arith.constant 16 : i32
      %parallel_loop3A_1276 = arith.muli %parallel_loop3A_106, %parallel_loop3A_1275 : i32
      %parallel_loop3A_1277 = arith.constant 64 : i32
      %parallel_loop3A_1278 = arith.addi %parallel_loop3A_1277, %parallel_loop3A_1276 : i32
      %parallel_loop3A_1279 = arith.constant 24 : i32
      %parallel_loop3A_1280 = arith.index_cast %parallel_loop3A_1279 : i32 to index
      %parallel_loop3A_1281 = arith.index_cast %parallel_loop3A_1278 : i32 to index
      %parallel_loop3A_1282 = tpu.vector_load %arg5[%parallel_loop3A_1280, %parallel_loop3A_1281] {strides = array<i32>} : memref<26x512xi32, #tpu.memory_space<vmem>>, vector<16xi32>,
      %parallel_loop3A_1283 = arith.constant 24 : i32
      %parallel_loop3A_1284 = arith.index_cast %parallel_loop3A_1283 : i32 to index
      %parallel_loop3A_1285 = arith.index_cast %parallel_loop3A_1278 : i32 to index
      %parallel_loop3A_1286 = tpu.vector_load %arg6[%parallel_loop3A_1284, %parallel_loop3A_1285] {strides = array<i32>} : memref<26x512xf32, #tpu.memory_space<vmem>>, vector<16xf32>,
      tpu.vector_store_idx %arg8[%parallel_loop3A_110, %parallel_loop3A_1282], %parallel_loop3A_1286 {add = true} : memref<64x128xf32, #tpu.memory_space<vmem>>[vector<16xi32>, vector<16xi32>], vector<16xf32>,
      %parallel_loop3A_1287 = arith.constant 16 : i32
      %parallel_loop3A_1288 = arith.muli %parallel_loop3A_106, %parallel_loop3A_1287 : i32
      %parallel_loop3A_1289 = arith.constant 128 : i32
      %parallel_loop3A_1290 = arith.addi %parallel_loop3A_1289, %parallel_loop3A_1288 : i32
      %parallel_loop3A_1291 = arith.constant 24 : i32
      %parallel_loop3A_1292 = arith.index_cast %parallel_loop3A_1291 : i32 to index
      %parallel_loop3A_1293 = arith.index_cast %parallel_loop3A_1290 : i32 to index
      %parallel_loop3A_1294 = tpu.vector_load %arg5[%parallel_loop3A_1292, %parallel_loop3A_1293] {strides = array<i32>} : memref<26x512xi32, #tpu.memory_space<vmem>>, vector<16xi32>,
      %parallel_loop3A_1295 = arith.constant 24 : i32
      %parallel_loop3A_1296 = arith.index_cast %parallel_loop3A_1295 : i32 to index
      %parallel_loop3A_1297 = arith.index_cast %parallel_loop3A_1290 : i32 to index
      %parallel_loop3A_1298 = tpu.vector_load %arg6[%parallel_loop3A_1296, %parallel_loop3A_1297] {strides = array<i32>} : memref<26x512xf32, #tpu.memory_space<vmem>>, vector<16xf32>,
      tpu.vector_store_idx %arg9[%parallel_loop3A_110, %parallel_loop3A_1294], %parallel_loop3A_1298 {add = true} : memref<64x128xf32, #tpu.memory_space<vmem>>[vector<16xi32>, vector<16xi32>], vector<16xf32>,
      %parallel_loop3A_1299 = arith.constant 16 : i32
      %parallel_loop3A_1300 = arith.muli %parallel_loop3A_106, %parallel_loop3A_1299 : i32
      %parallel_loop3A_1301 = arith.constant 192 : i32
      %parallel_loop3A_1302 = arith.addi %parallel_loop3A_1301, %parallel_loop3A_1300 : i32
      %parallel_loop3A_1303 = arith.constant 24 : i32
      %parallel_loop3A_1304 = arith.index_cast %parallel_loop3A_1303 : i32 to index
      %parallel_loop3A_1305 = arith.index_cast %parallel_loop3A_1302 : i32 to index
      %parallel_loop3A_1306 = tpu.vector_load %arg5[%parallel_loop3A_1304, %parallel_loop3A_1305] {strides = array<i32>} : memref<26x512xi32, #tpu.memory_space<vmem>>, vector<16xi32>,
      %parallel_loop3A_1307 = arith.constant 24 : i32
      %parallel_loop3A_1308 = arith.index_cast %parallel_loop3A_1307 : i32 to index
      %parallel_loop3A_1309 = arith.index_cast %parallel_loop3A_1302 : i32 to index
      %parallel_loop3A_1310 = tpu.vector_load %arg6[%parallel_loop3A_1308, %parallel_loop3A_1309] {strides = array<i32>} : memref<26x512xf32, #tpu.memory_space<vmem>>, vector<16xf32>,
      tpu.vector_store_idx %arg10[%parallel_loop3A_110, %parallel_loop3A_1306], %parallel_loop3A_1310 {add = true} : memref<64x128xf32, #tpu.memory_space<vmem>>[vector<16xi32>, vector<16xi32>], vector<16xf32>,
      %parallel_loop3A_1311 = arith.constant 16 : i32
      %parallel_loop3A_1312 = arith.muli %parallel_loop3A_106, %parallel_loop3A_1311 : i32
      %parallel_loop3A_1313 = arith.constant 0 : i32
      %parallel_loop3A_1314 = arith.addi %parallel_loop3A_1313, %parallel_loop3A_1312 : i32
      %parallel_loop3A_1315 = arith.constant 25 : i32
      %parallel_loop3A_1316 = arith.index_cast %parallel_loop3A_1315 : i32 to index
      %parallel_loop3A_1317 = arith.index_cast %parallel_loop3A_1314 : i32 to index
      %parallel_loop3A_1318 = tpu.vector_load %arg5[%parallel_loop3A_1316, %parallel_loop3A_1317] {strides = array<i32>} : memref<26x512xi32, #tpu.memory_space<vmem>>, vector<16xi32>,
      %parallel_loop3A_1319 = arith.constant 25 : i32
      %parallel_loop3A_1320 = arith.index_cast %parallel_loop3A_1319 : i32 to index
      %parallel_loop3A_1321 = arith.index_cast %parallel_loop3A_1314 : i32 to index
      %parallel_loop3A_1322 = tpu.vector_load %arg6[%parallel_loop3A_1320, %parallel_loop3A_1321] {strides = array<i32>} : memref<26x512xf32, #tpu.memory_space<vmem>>, vector<16xf32>,
      tpu.vector_store_idx %arg7[%parallel_loop3A_110, %parallel_loop3A_1318], %parallel_loop3A_1322 {add = true} : memref<64x128xf32, #tpu.memory_space<vmem>>[vector<16xi32>, vector<16xi32>], vector<16xf32>,
      %parallel_loop3A_1323 = arith.constant 16 : i32
      %parallel_loop3A_1324 = arith.muli %parallel_loop3A_106, %parallel_loop3A_1323 : i32
      %parallel_loop3A_1325 = arith.constant 64 : i32
      %parallel_loop3A_1326 = arith.addi %parallel_loop3A_1325, %parallel_loop3A_1324 : i32
      %parallel_loop3A_1327 = arith.constant 25 : i32
      %parallel_loop3A_1328 = arith.index_cast %parallel_loop3A_1327 : i32 to index
      %parallel_loop3A_1329 = arith.index_cast %parallel_loop3A_1326 : i32 to index
      %parallel_loop3A_1330 = tpu.vector_load %arg5[%parallel_loop3A_1328, %parallel_loop3A_1329] {strides = array<i32>} : memref<26x512xi32, #tpu.memory_space<vmem>>, vector<16xi32>,
      %parallel_loop3A_1331 = arith.constant 25 : i32
      %parallel_loop3A_1332 = arith.index_cast %parallel_loop3A_1331 : i32 to index
      %parallel_loop3A_1333 = arith.index_cast %parallel_loop3A_1326 : i32 to index
      %parallel_loop3A_1334 = tpu.vector_load %arg6[%parallel_loop3A_1332, %parallel_loop3A_1333] {strides = array<i32>} : memref<26x512xf32, #tpu.memory_space<vmem>>, vector<16xf32>,
      tpu.vector_store_idx %arg8[%parallel_loop3A_110, %parallel_loop3A_1330], %parallel_loop3A_1334 {add = true} : memref<64x128xf32, #tpu.memory_space<vmem>>[vector<16xi32>, vector<16xi32>], vector<16xf32>,
      %parallel_loop3A_1335 = arith.constant 16 : i32
      %parallel_loop3A_1336 = arith.muli %parallel_loop3A_106, %parallel_loop3A_1335 : i32
      %parallel_loop3A_1337 = arith.constant 128 : i32
      %parallel_loop3A_1338 = arith.addi %parallel_loop3A_1337, %parallel_loop3A_1336 : i32
      %parallel_loop3A_1339 = arith.constant 25 : i32
      %parallel_loop3A_1340 = arith.index_cast %parallel_loop3A_1339 : i32 to index
      %parallel_loop3A_1341 = arith.index_cast %parallel_loop3A_1338 : i32 to index
      %parallel_loop3A_1342 = tpu.vector_load %arg5[%parallel_loop3A_1340, %parallel_loop3A_1341] {strides = array<i32>} : memref<26x512xi32, #tpu.memory_space<vmem>>, vector<16xi32>,
      %parallel_loop3A_1343 = arith.constant 25 : i32
      %parallel_loop3A_1344 = arith.index_cast %parallel_loop3A_1343 : i32 to index
      %parallel_loop3A_1345 = arith.index_cast %parallel_loop3A_1338 : i32 to index
      %parallel_loop3A_1346 = tpu.vector_load %arg6[%parallel_loop3A_1344, %parallel_loop3A_1345] {strides = array<i32>} : memref<26x512xf32, #tpu.memory_space<vmem>>, vector<16xf32>,
      tpu.vector_store_idx %arg9[%parallel_loop3A_110, %parallel_loop3A_1342], %parallel_loop3A_1346 {add = true} : memref<64x128xf32, #tpu.memory_space<vmem>>[vector<16xi32>, vector<16xi32>], vector<16xf32>,
      %parallel_loop3A_1347 = arith.constant 16 : i32
      %parallel_loop3A_1348 = arith.muli %parallel_loop3A_106, %parallel_loop3A_1347 : i32
      %parallel_loop3A_1349 = arith.constant 192 : i32
      %parallel_loop3A_1350 = arith.addi %parallel_loop3A_1349, %parallel_loop3A_1348 : i32
      %parallel_loop3A_1351 = arith.constant 25 : i32
      %parallel_loop3A_1352 = arith.index_cast %parallel_loop3A_1351 : i32 to index
      %parallel_loop3A_1353 = arith.index_cast %parallel_loop3A_1350 : i32 to index
      %parallel_loop3A_1354 = tpu.vector_load %arg5[%parallel_loop3A_1352, %parallel_loop3A_1353] {strides = array<i32>} : memref<26x512xi32, #tpu.memory_space<vmem>>, vector<16xi32>,
      %parallel_loop3A_1355 = arith.constant 25 : i32
      %parallel_loop3A_1356 = arith.index_cast %parallel_loop3A_1355 : i32 to index
      %parallel_loop3A_1357 = arith.index_cast %parallel_loop3A_1350 : i32 to index
      %parallel_loop3A_1358 = tpu.vector_load %arg6[%parallel_loop3A_1356, %parallel_loop3A_1357] {strides = array<i32>} : memref<26x512xf32, #tpu.memory_space<vmem>>, vector<16xf32>,
      tpu.vector_store_idx %arg10[%parallel_loop3A_110, %parallel_loop3A_1354], %parallel_loop3A_1358 {add = true} : memref<64x128xf32, #tpu.memory_space<vmem>>[vector<16xi32>, vector<16xi32>], vector<16xf32>,
    } {sc.loop_unroll_factor = 2 : i64, sc.parallel_access}
    %add3A_23 = arith.constant 0 : i32
    %add3A_24 = arith.addi %mul3A_2, %add3A_23 : i32
    %dma_start3A_25 = arith.constant 0 : i32
    %dma_start3A_26 = tpu.memref_slice %arg4[%add3A_24, %dma_start3A_25] : memref<16384x128xf32, #tpu.memory_space<hbm>> -> memref<64x128xf32, #tpu.memory_space<hbm>>
    %dma_start3A_27 = arith.constant 0 : i32
    %dma_start3A_28 = tpu.memref_slice %arg4[%add3A_24, %dma_start3A_27] : memref<16384x128xf32, #tpu.memory_space<hbm>> -> memref<64x128xf32, #tpu.memory_space<hbm>>
    tpu.enqueue_dma source(%arg7 : memref<64x128xf32, #tpu.memory_space<vmem>>) target(%dma_start3A_28 : memref<64x128xf32, #tpu.memory_space<hbm>>) target_semaphore(%arg17 : memref<!tpu.dma_semaphore, #tpu.memory_space<semaphore_mem>>)
    %add3A_29 = arith.constant 64 : i32
    %add3A_30 = arith.addi %mul3A_2, %add3A_29 : i32
    %dma_start3A_31 = arith.constant 0 : i32
    %dma_start3A_32 = tpu.memref_slice %arg4[%add3A_30, %dma_start3A_31] : memref<16384x128xf32, #tpu.memory_space<hbm>> -> memref<64x128xf32, #tpu.memory_space<hbm>>
    %dma_start3A_33 = arith.constant 0 : i32
    %dma_start3A_34 = tpu.memref_slice %arg4[%add3A_30, %dma_start3A_33] : memref<16384x128xf32, #tpu.memory_space<hbm>> -> memref<64x128xf32, #tpu.memory_space<hbm>>
    tpu.enqueue_dma source(%arg8 : memref<64x128xf32, #tpu.memory_space<vmem>>) target(%dma_start3A_34 : memref<64x128xf32, #tpu.memory_space<hbm>>) target_semaphore(%arg17 : memref<!tpu.dma_semaphore, #tpu.memory_space<semaphore_mem>>)
    %add3A_35 = arith.constant 128 : i32
    %add3A_36 = arith.addi %mul3A_2, %add3A_35 : i32
    %dma_start3A_37 = arith.constant 0 : i32
    %dma_start3A_38 = tpu.memref_slice %arg4[%add3A_36, %dma_start3A_37] : memref<16384x128xf32, #tpu.memory_space<hbm>> -> memref<64x128xf32, #tpu.memory_space<hbm>>
    %dma_start3A_39 = arith.constant 0 : i32
    %dma_start3A_40 = tpu.memref_slice %arg4[%add3A_36, %dma_start3A_39] : memref<16384x128xf32, #tpu.memory_space<hbm>> -> memref<64x128xf32, #tpu.memory_space<hbm>>
    tpu.enqueue_dma source(%arg9 : memref<64x128xf32, #tpu.memory_space<vmem>>) target(%dma_start3A_40 : memref<64x128xf32, #tpu.memory_space<hbm>>) target_semaphore(%arg17 : memref<!tpu.dma_semaphore, #tpu.memory_space<semaphore_mem>>)
    %add3A_41 = arith.constant 192 : i32
    %add3A_42 = arith.addi %mul3A_2, %add3A_41 : i32
    %dma_start3A_43 = arith.constant 0 : i32
    %dma_start3A_44 = tpu.memref_slice %arg4[%add3A_42, %dma_start3A_43] : memref<16384x128xf32, #tpu.memory_space<hbm>> -> memref<64x128xf32, #tpu.memory_space<hbm>>
    %dma_start3A_45 = arith.constant 0 : i32
    %dma_start3A_46 = tpu.memref_slice %arg4[%add3A_42, %dma_start3A_45] : memref<16384x128xf32, #tpu.memory_space<hbm>> -> memref<64x128xf32, #tpu.memory_space<hbm>>
    tpu.enqueue_dma source(%arg10 : memref<64x128xf32, #tpu.memory_space<vmem>>) target(%dma_start3A_46 : memref<64x128xf32, #tpu.memory_space<hbm>>) target_semaphore(%arg17 : memref<!tpu.dma_semaphore, #tpu.memory_space<semaphore_mem>>)
    %parallel_loop3A_47 = arith.constant 0 : i32
    %parallel_loop3A_48 = arith.constant 4 : i32
    %parallel_loop3A_49 = arith.constant 1 : i32
    scf.for %parallel_loop3A_106 = %parallel_loop3A_47 to %parallel_loop3A_48 step %parallel_loop3A_49  : i32 {
      %parallel_loop3A_107 = arith.constant 16 : i32
      %parallel_loop3A_108 = arith.muli %parallel_loop3A_106, %parallel_loop3A_107 : i32
      %parallel_loop3A_109 = vector.broadcast %parallel_loop3A_108 : i32 to vector<16xi32>
      %parallel_loop3A_110 = arith.addi %parallel_loop3A_109, %iota3A : vector<16xi32>
      %parallel_loop3A_111 = arith.constant 16 : i32
      %parallel_loop3A_112 = arith.muli %parallel_loop3A_106, %parallel_loop3A_111 : i32
      %parallel_loop3A_113 = arith.constant 256 : i32
      %parallel_loop3A_114 = arith.addi %parallel_loop3A_113, %parallel_loop3A_112 : i32
      %parallel_loop3A_115 = arith.constant 0 : i32
      %parallel_loop3A_116 = arith.index_cast %parallel_loop3A_115 : i32 to index
      %parallel_loop3A_117 = arith.index_cast %parallel_loop3A_114 : i32 to index
      %parallel_loop3A_118 = tpu.vector_load %arg5[%parallel_loop3A_116, %parallel_loop3A_117] {strides = array<i32>} : memref<26x512xi32, #tpu.memory_space<vmem>>, vector<16xi32>,
      %parallel_loop3A_119 = arith.constant 0 : i32
      %parallel_loop3A_120 = arith.index_cast %parallel_loop3A_119 : i32 to index
      %parallel_loop3A_121 = arith.index_cast %parallel_loop3A_114 : i32 to index
      %parallel_loop3A_122 = tpu.vector_load %arg6[%parallel_loop3A_120, %parallel_loop3A_121] {strides = array<i32>} : memref<26x512xf32, #tpu.memory_space<vmem>>, vector<16xf32>,
      tpu.vector_store_idx %arg11[%parallel_loop3A_110, %parallel_loop3A_118], %parallel_loop3A_122 {add = true} : memref<64x128xf32, #tpu.memory_space<vmem>>[vector<16xi32>, vector<16xi32>], vector<16xf32>,
      %parallel_loop3A_123 = arith.constant 16 : i32
      %parallel_loop3A_124 = arith.muli %parallel_loop3A_106, %parallel_loop3A_123 : i32
      %parallel_loop3A_125 = arith.constant 320 : i32
      %parallel_loop3A_126 = arith.addi %parallel_loop3A_125, %parallel_loop3A_124 : i32
      %parallel_loop3A_127 = arith.constant 0 : i32
      %parallel_loop3A_128 = arith.index_cast %parallel_loop3A_127 : i32 to index
      %parallel_loop3A_129 = arith.index_cast %parallel_loop3A_126 : i32 to index
      %parallel_loop3A_130 = tpu.vector_load %arg5[%parallel_loop3A_128, %parallel_loop3A_129] {strides = array<i32>} : memref<26x512xi32, #tpu.memory_space<vmem>>, vector<16xi32>,
      %parallel_loop3A_131 = arith.constant 0 : i32
      %parallel_loop3A_132 = arith.index_cast %parallel_loop3A_131 : i32 to index
      %parallel_loop3A_133 = arith.index_cast %parallel_loop3A_126 : i32 to index
      %parallel_loop3A_134 = tpu.vector_load %arg6[%parallel_loop3A_132, %parallel_loop3A_133] {strides = array<i32>} : memref<26x512xf32, #tpu.memory_space<vmem>>, vector<16xf32>,
      tpu.vector_store_idx %arg12[%parallel_loop3A_110, %parallel_loop3A_130], %parallel_loop3A_134 {add = true} : memref<64x128xf32, #tpu.memory_space<vmem>>[vector<16xi32>, vector<16xi32>], vector<16xf32>,
      %parallel_loop3A_135 = arith.constant 16 : i32
      %parallel_loop3A_136 = arith.muli %parallel_loop3A_106, %parallel_loop3A_135 : i32
      %parallel_loop3A_137 = arith.constant 384 : i32
      %parallel_loop3A_138 = arith.addi %parallel_loop3A_137, %parallel_loop3A_136 : i32
      %parallel_loop3A_139 = arith.constant 0 : i32
      %parallel_loop3A_140 = arith.index_cast %parallel_loop3A_139 : i32 to index
      %parallel_loop3A_141 = arith.index_cast %parallel_loop3A_138 : i32 to index
      %parallel_loop3A_142 = tpu.vector_load %arg5[%parallel_loop3A_140, %parallel_loop3A_141] {strides = array<i32>} : memref<26x512xi32, #tpu.memory_space<vmem>>, vector<16xi32>,
      %parallel_loop3A_143 = arith.constant 0 : i32
      %parallel_loop3A_144 = arith.index_cast %parallel_loop3A_143 : i32 to index
      %parallel_loop3A_145 = arith.index_cast %parallel_loop3A_138 : i32 to index
      %parallel_loop3A_146 = tpu.vector_load %arg6[%parallel_loop3A_144, %parallel_loop3A_145] {strides = array<i32>} : memref<26x512xf32, #tpu.memory_space<vmem>>, vector<16xf32>,
      tpu.vector_store_idx %arg13[%parallel_loop3A_110, %parallel_loop3A_142], %parallel_loop3A_146 {add = true} : memref<64x128xf32, #tpu.memory_space<vmem>>[vector<16xi32>, vector<16xi32>], vector<16xf32>,
      %parallel_loop3A_147 = arith.constant 16 : i32
      %parallel_loop3A_148 = arith.muli %parallel_loop3A_106, %parallel_loop3A_147 : i32
      %parallel_loop3A_149 = arith.constant 448 : i32
      %parallel_loop3A_150 = arith.addi %parallel_loop3A_149, %parallel_loop3A_148 : i32
      %parallel_loop3A_151 = arith.constant 0 : i32
      %parallel_loop3A_152 = arith.index_cast %parallel_loop3A_151 : i32 to index
      %parallel_loop3A_153 = arith.index_cast %parallel_loop3A_150 : i32 to index
      %parallel_loop3A_154 = tpu.vector_load %arg5[%parallel_loop3A_152, %parallel_loop3A_153] {strides = array<i32>} : memref<26x512xi32, #tpu.memory_space<vmem>>, vector<16xi32>,
      %parallel_loop3A_155 = arith.constant 0 : i32
      %parallel_loop3A_156 = arith.index_cast %parallel_loop3A_155 : i32 to index
      %parallel_loop3A_157 = arith.index_cast %parallel_loop3A_150 : i32 to index
      %parallel_loop3A_158 = tpu.vector_load %arg6[%parallel_loop3A_156, %parallel_loop3A_157] {strides = array<i32>} : memref<26x512xf32, #tpu.memory_space<vmem>>, vector<16xf32>,
      tpu.vector_store_idx %arg14[%parallel_loop3A_110, %parallel_loop3A_154], %parallel_loop3A_158 {add = true} : memref<64x128xf32, #tpu.memory_space<vmem>>[vector<16xi32>, vector<16xi32>], vector<16xf32>,
      %parallel_loop3A_159 = arith.constant 16 : i32
      %parallel_loop3A_160 = arith.muli %parallel_loop3A_106, %parallel_loop3A_159 : i32
      %parallel_loop3A_161 = arith.constant 256 : i32
      %parallel_loop3A_162 = arith.addi %parallel_loop3A_161, %parallel_loop3A_160 : i32
      %parallel_loop3A_163 = arith.constant 1 : i32
      %parallel_loop3A_164 = arith.index_cast %parallel_loop3A_163 : i32 to index
      %parallel_loop3A_165 = arith.index_cast %parallel_loop3A_162 : i32 to index
      %parallel_loop3A_166 = tpu.vector_load %arg5[%parallel_loop3A_164, %parallel_loop3A_165] {strides = array<i32>} : memref<26x512xi32, #tpu.memory_space<vmem>>, vector<16xi32>,
      %parallel_loop3A_167 = arith.constant 1 : i32
      %parallel_loop3A_168 = arith.index_cast %parallel_loop3A_167 : i32 to index
      %parallel_loop3A_169 = arith.index_cast %parallel_loop3A_162 : i32 to index
      %parallel_loop3A_170 = tpu.vector_load %arg6[%parallel_loop3A_168, %parallel_loop3A_169] {strides = array<i32>} : memref<26x512xf32, #tpu.memory_space<vmem>>, vector<16xf32>,
      tpu.vector_store_idx %arg11[%parallel_loop3A_110, %parallel_loop3A_166], %parallel_loop3A_170 {add = true} : memref<64x128xf32, #tpu.memory_space<vmem>>[vector<16xi32>, vector<16xi32>], vector<16xf32>,
      %parallel_loop3A_171 = arith.constant 16 : i32
      %parallel_loop3A_172 = arith.muli %parallel_loop3A_106, %parallel_loop3A_171 : i32
      %parallel_loop3A_173 = arith.constant 320 : i32
      %parallel_loop3A_174 = arith.addi %parallel_loop3A_173, %parallel_loop3A_172 : i32
      %parallel_loop3A_175 = arith.constant 1 : i32
      %parallel_loop3A_176 = arith.index_cast %parallel_loop3A_175 : i32 to index
      %parallel_loop3A_177 = arith.index_cast %parallel_loop3A_174 : i32 to index
      %parallel_loop3A_178 = tpu.vector_load %arg5[%parallel_loop3A_176, %parallel_loop3A_177] {strides = array<i32>} : memref<26x512xi32, #tpu.memory_space<vmem>>, vector<16xi32>,
      %parallel_loop3A_179 = arith.constant 1 : i32
      %parallel_loop3A_180 = arith.index_cast %parallel_loop3A_179 : i32 to index
      %parallel_loop3A_181 = arith.index_cast %parallel_loop3A_174 : i32 to index
      %parallel_loop3A_182 = tpu.vector_load %arg6[%parallel_loop3A_180, %parallel_loop3A_181] {strides = array<i32>} : memref<26x512xf32, #tpu.memory_space<vmem>>, vector<16xf32>,
      tpu.vector_store_idx %arg12[%parallel_loop3A_110, %parallel_loop3A_178], %parallel_loop3A_182 {add = true} : memref<64x128xf32, #tpu.memory_space<vmem>>[vector<16xi32>, vector<16xi32>], vector<16xf32>,
      %parallel_loop3A_183 = arith.constant 16 : i32
      %parallel_loop3A_184 = arith.muli %parallel_loop3A_106, %parallel_loop3A_183 : i32
      %parallel_loop3A_185 = arith.constant 384 : i32
      %parallel_loop3A_186 = arith.addi %parallel_loop3A_185, %parallel_loop3A_184 : i32
      %parallel_loop3A_187 = arith.constant 1 : i32
      %parallel_loop3A_188 = arith.index_cast %parallel_loop3A_187 : i32 to index
      %parallel_loop3A_189 = arith.index_cast %parallel_loop3A_186 : i32 to index
      %parallel_loop3A_190 = tpu.vector_load %arg5[%parallel_loop3A_188, %parallel_loop3A_189] {strides = array<i32>} : memref<26x512xi32, #tpu.memory_space<vmem>>, vector<16xi32>,
      %parallel_loop3A_191 = arith.constant 1 : i32
      %parallel_loop3A_192 = arith.index_cast %parallel_loop3A_191 : i32 to index
      %parallel_loop3A_193 = arith.index_cast %parallel_loop3A_186 : i32 to index
      %parallel_loop3A_194 = tpu.vector_load %arg6[%parallel_loop3A_192, %parallel_loop3A_193] {strides = array<i32>} : memref<26x512xf32, #tpu.memory_space<vmem>>, vector<16xf32>,
      tpu.vector_store_idx %arg13[%parallel_loop3A_110, %parallel_loop3A_190], %parallel_loop3A_194 {add = true} : memref<64x128xf32, #tpu.memory_space<vmem>>[vector<16xi32>, vector<16xi32>], vector<16xf32>,
      %parallel_loop3A_195 = arith.constant 16 : i32
      %parallel_loop3A_196 = arith.muli %parallel_loop3A_106, %parallel_loop3A_195 : i32
      %parallel_loop3A_197 = arith.constant 448 : i32
      %parallel_loop3A_198 = arith.addi %parallel_loop3A_197, %parallel_loop3A_196 : i32
      %parallel_loop3A_199 = arith.constant 1 : i32
      %parallel_loop3A_200 = arith.index_cast %parallel_loop3A_199 : i32 to index
      %parallel_loop3A_201 = arith.index_cast %parallel_loop3A_198 : i32 to index
      %parallel_loop3A_202 = tpu.vector_load %arg5[%parallel_loop3A_200, %parallel_loop3A_201] {strides = array<i32>} : memref<26x512xi32, #tpu.memory_space<vmem>>, vector<16xi32>,
      %parallel_loop3A_203 = arith.constant 1 : i32
      %parallel_loop3A_204 = arith.index_cast %parallel_loop3A_203 : i32 to index
      %parallel_loop3A_205 = arith.index_cast %parallel_loop3A_198 : i32 to index
      %parallel_loop3A_206 = tpu.vector_load %arg6[%parallel_loop3A_204, %parallel_loop3A_205] {strides = array<i32>} : memref<26x512xf32, #tpu.memory_space<vmem>>, vector<16xf32>,
      tpu.vector_store_idx %arg14[%parallel_loop3A_110, %parallel_loop3A_202], %parallel_loop3A_206 {add = true} : memref<64x128xf32, #tpu.memory_space<vmem>>[vector<16xi32>, vector<16xi32>], vector<16xf32>,
      %parallel_loop3A_207 = arith.constant 16 : i32
      %parallel_loop3A_208 = arith.muli %parallel_loop3A_106, %parallel_loop3A_207 : i32
      %parallel_loop3A_209 = arith.constant 256 : i32
      %parallel_loop3A_210 = arith.addi %parallel_loop3A_209, %parallel_loop3A_208 : i32
      %parallel_loop3A_211 = arith.constant 2 : i32
      %parallel_loop3A_212 = arith.index_cast %parallel_loop3A_211 : i32 to index
      %parallel_loop3A_213 = arith.index_cast %parallel_loop3A_210 : i32 to index
      %parallel_loop3A_214 = tpu.vector_load %arg5[%parallel_loop3A_212, %parallel_loop3A_213] {strides = array<i32>} : memref<26x512xi32, #tpu.memory_space<vmem>>, vector<16xi32>,
      %parallel_loop3A_215 = arith.constant 2 : i32
      %parallel_loop3A_216 = arith.index_cast %parallel_loop3A_215 : i32 to index
      %parallel_loop3A_217 = arith.index_cast %parallel_loop3A_210 : i32 to index
      %parallel_loop3A_218 = tpu.vector_load %arg6[%parallel_loop3A_216, %parallel_loop3A_217] {strides = array<i32>} : memref<26x512xf32, #tpu.memory_space<vmem>>, vector<16xf32>,
      tpu.vector_store_idx %arg11[%parallel_loop3A_110, %parallel_loop3A_214], %parallel_loop3A_218 {add = true} : memref<64x128xf32, #tpu.memory_space<vmem>>[vector<16xi32>, vector<16xi32>], vector<16xf32>,
      %parallel_loop3A_219 = arith.constant 16 : i32
      %parallel_loop3A_220 = arith.muli %parallel_loop3A_106, %parallel_loop3A_219 : i32
      %parallel_loop3A_221 = arith.constant 320 : i32
      %parallel_loop3A_222 = arith.addi %parallel_loop3A_221, %parallel_loop3A_220 : i32
      %parallel_loop3A_223 = arith.constant 2 : i32
      %parallel_loop3A_224 = arith.index_cast %parallel_loop3A_223 : i32 to index
      %parallel_loop3A_225 = arith.index_cast %parallel_loop3A_222 : i32 to index
      %parallel_loop3A_226 = tpu.vector_load %arg5[%parallel_loop3A_224, %parallel_loop3A_225] {strides = array<i32>} : memref<26x512xi32, #tpu.memory_space<vmem>>, vector<16xi32>,
      %parallel_loop3A_227 = arith.constant 2 : i32
      %parallel_loop3A_228 = arith.index_cast %parallel_loop3A_227 : i32 to index
      %parallel_loop3A_229 = arith.index_cast %parallel_loop3A_222 : i32 to index
      %parallel_loop3A_230 = tpu.vector_load %arg6[%parallel_loop3A_228, %parallel_loop3A_229] {strides = array<i32>} : memref<26x512xf32, #tpu.memory_space<vmem>>, vector<16xf32>,
      tpu.vector_store_idx %arg12[%parallel_loop3A_110, %parallel_loop3A_226], %parallel_loop3A_230 {add = true} : memref<64x128xf32, #tpu.memory_space<vmem>>[vector<16xi32>, vector<16xi32>], vector<16xf32>,
      %parallel_loop3A_231 = arith.constant 16 : i32
      %parallel_loop3A_232 = arith.muli %parallel_loop3A_106, %parallel_loop3A_231 : i32
      %parallel_loop3A_233 = arith.constant 384 : i32
      %parallel_loop3A_234 = arith.addi %parallel_loop3A_233, %parallel_loop3A_232 : i32
      %parallel_loop3A_235 = arith.constant 2 : i32
      %parallel_loop3A_236 = arith.index_cast %parallel_loop3A_235 : i32 to index
      %parallel_loop3A_237 = arith.index_cast %parallel_loop3A_234 : i32 to index
      %parallel_loop3A_238 = tpu.vector_load %arg5[%parallel_loop3A_236, %parallel_loop3A_237] {strides = array<i32>} : memref<26x512xi32, #tpu.memory_space<vmem>>, vector<16xi32>,
      %parallel_loop3A_239 = arith.constant 2 : i32
      %parallel_loop3A_240 = arith.index_cast %parallel_loop3A_239 : i32 to index
      %parallel_loop3A_241 = arith.index_cast %parallel_loop3A_234 : i32 to index
      %parallel_loop3A_242 = tpu.vector_load %arg6[%parallel_loop3A_240, %parallel_loop3A_241] {strides = array<i32>} : memref<26x512xf32, #tpu.memory_space<vmem>>, vector<16xf32>,
      tpu.vector_store_idx %arg13[%parallel_loop3A_110, %parallel_loop3A_238], %parallel_loop3A_242 {add = true} : memref<64x128xf32, #tpu.memory_space<vmem>>[vector<16xi32>, vector<16xi32>], vector<16xf32>,
      %parallel_loop3A_243 = arith.constant 16 : i32
      %parallel_loop3A_244 = arith.muli %parallel_loop3A_106, %parallel_loop3A_243 : i32
      %parallel_loop3A_245 = arith.constant 448 : i32
      %parallel_loop3A_246 = arith.addi %parallel_loop3A_245, %parallel_loop3A_244 : i32
      %parallel_loop3A_247 = arith.constant 2 : i32
      %parallel_loop3A_248 = arith.index_cast %parallel_loop3A_247 : i32 to index
      %parallel_loop3A_249 = arith.index_cast %parallel_loop3A_246 : i32 to index
      %parallel_loop3A_250 = tpu.vector_load %arg5[%parallel_loop3A_248, %parallel_loop3A_249] {strides = array<i32>} : memref<26x512xi32, #tpu.memory_space<vmem>>, vector<16xi32>,
      %parallel_loop3A_251 = arith.constant 2 : i32
      %parallel_loop3A_252 = arith.index_cast %parallel_loop3A_251 : i32 to index
      %parallel_loop3A_253 = arith.index_cast %parallel_loop3A_246 : i32 to index
      %parallel_loop3A_254 = tpu.vector_load %arg6[%parallel_loop3A_252, %parallel_loop3A_253] {strides = array<i32>} : memref<26x512xf32, #tpu.memory_space<vmem>>, vector<16xf32>,
      tpu.vector_store_idx %arg14[%parallel_loop3A_110, %parallel_loop3A_250], %parallel_loop3A_254 {add = true} : memref<64x128xf32, #tpu.memory_space<vmem>>[vector<16xi32>, vector<16xi32>], vector<16xf32>,
      %parallel_loop3A_255 = arith.constant 16 : i32
      %parallel_loop3A_256 = arith.muli %parallel_loop3A_106, %parallel_loop3A_255 : i32
      %parallel_loop3A_257 = arith.constant 256 : i32
      %parallel_loop3A_258 = arith.addi %parallel_loop3A_257, %parallel_loop3A_256 : i32
      %parallel_loop3A_259 = arith.constant 3 : i32
      %parallel_loop3A_260 = arith.index_cast %parallel_loop3A_259 : i32 to index
      %parallel_loop3A_261 = arith.index_cast %parallel_loop3A_258 : i32 to index
      %parallel_loop3A_262 = tpu.vector_load %arg5[%parallel_loop3A_260, %parallel_loop3A_261] {strides = array<i32>} : memref<26x512xi32, #tpu.memory_space<vmem>>, vector<16xi32>,
      %parallel_loop3A_263 = arith.constant 3 : i32
      %parallel_loop3A_264 = arith.index_cast %parallel_loop3A_263 : i32 to index
      %parallel_loop3A_265 = arith.index_cast %parallel_loop3A_258 : i32 to index
      %parallel_loop3A_266 = tpu.vector_load %arg6[%parallel_loop3A_264, %parallel_loop3A_265] {strides = array<i32>} : memref<26x512xf32, #tpu.memory_space<vmem>>, vector<16xf32>,
      tpu.vector_store_idx %arg11[%parallel_loop3A_110, %parallel_loop3A_262], %parallel_loop3A_266 {add = true} : memref<64x128xf32, #tpu.memory_space<vmem>>[vector<16xi32>, vector<16xi32>], vector<16xf32>,
      %parallel_loop3A_267 = arith.constant 16 : i32
      %parallel_loop3A_268 = arith.muli %parallel_loop3A_106, %parallel_loop3A_267 : i32
      %parallel_loop3A_269 = arith.constant 320 : i32
      %parallel_loop3A_270 = arith.addi %parallel_loop3A_269, %parallel_loop3A_268 : i32
      %parallel_loop3A_271 = arith.constant 3 : i32
      %parallel_loop3A_272 = arith.index_cast %parallel_loop3A_271 : i32 to index
      %parallel_loop3A_273 = arith.index_cast %parallel_loop3A_270 : i32 to index
      %parallel_loop3A_274 = tpu.vector_load %arg5[%parallel_loop3A_272, %parallel_loop3A_273] {strides = array<i32>} : memref<26x512xi32, #tpu.memory_space<vmem>>, vector<16xi32>,
      %parallel_loop3A_275 = arith.constant 3 : i32
      %parallel_loop3A_276 = arith.index_cast %parallel_loop3A_275 : i32 to index
      %parallel_loop3A_277 = arith.index_cast %parallel_loop3A_270 : i32 to index
      %parallel_loop3A_278 = tpu.vector_load %arg6[%parallel_loop3A_276, %parallel_loop3A_277] {strides = array<i32>} : memref<26x512xf32, #tpu.memory_space<vmem>>, vector<16xf32>,
      tpu.vector_store_idx %arg12[%parallel_loop3A_110, %parallel_loop3A_274], %parallel_loop3A_278 {add = true} : memref<64x128xf32, #tpu.memory_space<vmem>>[vector<16xi32>, vector<16xi32>], vector<16xf32>,
      %parallel_loop3A_279 = arith.constant 16 : i32
      %parallel_loop3A_280 = arith.muli %parallel_loop3A_106, %parallel_loop3A_279 : i32
      %parallel_loop3A_281 = arith.constant 384 : i32
      %parallel_loop3A_282 = arith.addi %parallel_loop3A_281, %parallel_loop3A_280 : i32
      %parallel_loop3A_283 = arith.constant 3 : i32
      %parallel_loop3A_284 = arith.index_cast %parallel_loop3A_283 : i32 to index
      %parallel_loop3A_285 = arith.index_cast %parallel_loop3A_282 : i32 to index
      %parallel_loop3A_286 = tpu.vector_load %arg5[%parallel_loop3A_284, %parallel_loop3A_285] {strides = array<i32>} : memref<26x512xi32, #tpu.memory_space<vmem>>, vector<16xi32>,
      %parallel_loop3A_287 = arith.constant 3 : i32
      %parallel_loop3A_288 = arith.index_cast %parallel_loop3A_287 : i32 to index
      %parallel_loop3A_289 = arith.index_cast %parallel_loop3A_282 : i32 to index
      %parallel_loop3A_290 = tpu.vector_load %arg6[%parallel_loop3A_288, %parallel_loop3A_289] {strides = array<i32>} : memref<26x512xf32, #tpu.memory_space<vmem>>, vector<16xf32>,
      tpu.vector_store_idx %arg13[%parallel_loop3A_110, %parallel_loop3A_286], %parallel_loop3A_290 {add = true} : memref<64x128xf32, #tpu.memory_space<vmem>>[vector<16xi32>, vector<16xi32>], vector<16xf32>,
      %parallel_loop3A_291 = arith.constant 16 : i32
      %parallel_loop3A_292 = arith.muli %parallel_loop3A_106, %parallel_loop3A_291 : i32
      %parallel_loop3A_293 = arith.constant 448 : i32
      %parallel_loop3A_294 = arith.addi %parallel_loop3A_293, %parallel_loop3A_292 : i32
      %parallel_loop3A_295 = arith.constant 3 : i32
      %parallel_loop3A_296 = arith.index_cast %parallel_loop3A_295 : i32 to index
      %parallel_loop3A_297 = arith.index_cast %parallel_loop3A_294 : i32 to index
      %parallel_loop3A_298 = tpu.vector_load %arg5[%parallel_loop3A_296, %parallel_loop3A_297] {strides = array<i32>} : memref<26x512xi32, #tpu.memory_space<vmem>>, vector<16xi32>,
      %parallel_loop3A_299 = arith.constant 3 : i32
      %parallel_loop3A_300 = arith.index_cast %parallel_loop3A_299 : i32 to index
      %parallel_loop3A_301 = arith.index_cast %parallel_loop3A_294 : i32 to index
      %parallel_loop3A_302 = tpu.vector_load %arg6[%parallel_loop3A_300, %parallel_loop3A_301] {strides = array<i32>} : memref<26x512xf32, #tpu.memory_space<vmem>>, vector<16xf32>,
      tpu.vector_store_idx %arg14[%parallel_loop3A_110, %parallel_loop3A_298], %parallel_loop3A_302 {add = true} : memref<64x128xf32, #tpu.memory_space<vmem>>[vector<16xi32>, vector<16xi32>], vector<16xf32>,
      %parallel_loop3A_303 = arith.constant 16 : i32
      %parallel_loop3A_304 = arith.muli %parallel_loop3A_106, %parallel_loop3A_303 : i32
      %parallel_loop3A_305 = arith.constant 256 : i32
      %parallel_loop3A_306 = arith.addi %parallel_loop3A_305, %parallel_loop3A_304 : i32
      %parallel_loop3A_307 = arith.constant 4 : i32
      %parallel_loop3A_308 = arith.index_cast %parallel_loop3A_307 : i32 to index
      %parallel_loop3A_309 = arith.index_cast %parallel_loop3A_306 : i32 to index
      %parallel_loop3A_310 = tpu.vector_load %arg5[%parallel_loop3A_308, %parallel_loop3A_309] {strides = array<i32>} : memref<26x512xi32, #tpu.memory_space<vmem>>, vector<16xi32>,
      %parallel_loop3A_311 = arith.constant 4 : i32
      %parallel_loop3A_312 = arith.index_cast %parallel_loop3A_311 : i32 to index
      %parallel_loop3A_313 = arith.index_cast %parallel_loop3A_306 : i32 to index
      %parallel_loop3A_314 = tpu.vector_load %arg6[%parallel_loop3A_312, %parallel_loop3A_313] {strides = array<i32>} : memref<26x512xf32, #tpu.memory_space<vmem>>, vector<16xf32>,
      tpu.vector_store_idx %arg11[%parallel_loop3A_110, %parallel_loop3A_310], %parallel_loop3A_314 {add = true} : memref<64x128xf32, #tpu.memory_space<vmem>>[vector<16xi32>, vector<16xi32>], vector<16xf32>,
      %parallel_loop3A_315 = arith.constant 16 : i32
      %parallel_loop3A_316 = arith.muli %parallel_loop3A_106, %parallel_loop3A_315 : i32
      %parallel_loop3A_317 = arith.constant 320 : i32
      %parallel_loop3A_318 = arith.addi %parallel_loop3A_317, %parallel_loop3A_316 : i32
      %parallel_loop3A_319 = arith.constant 4 : i32
      %parallel_loop3A_320 = arith.index_cast %parallel_loop3A_319 : i32 to index
      %parallel_loop3A_321 = arith.index_cast %parallel_loop3A_318 : i32 to index
      %parallel_loop3A_322 = tpu.vector_load %arg5[%parallel_loop3A_320, %parallel_loop3A_321] {strides = array<i32>} : memref<26x512xi32, #tpu.memory_space<vmem>>, vector<16xi32>,
      %parallel_loop3A_323 = arith.constant 4 : i32
      %parallel_loop3A_324 = arith.index_cast %parallel_loop3A_323 : i32 to index
      %parallel_loop3A_325 = arith.index_cast %parallel_loop3A_318 : i32 to index
      %parallel_loop3A_326 = tpu.vector_load %arg6[%parallel_loop3A_324, %parallel_loop3A_325] {strides = array<i32>} : memref<26x512xf32, #tpu.memory_space<vmem>>, vector<16xf32>,
      tpu.vector_store_idx %arg12[%parallel_loop3A_110, %parallel_loop3A_322], %parallel_loop3A_326 {add = true} : memref<64x128xf32, #tpu.memory_space<vmem>>[vector<16xi32>, vector<16xi32>], vector<16xf32>,
      %parallel_loop3A_327 = arith.constant 16 : i32
      %parallel_loop3A_328 = arith.muli %parallel_loop3A_106, %parallel_loop3A_327 : i32
      %parallel_loop3A_329 = arith.constant 384 : i32
      %parallel_loop3A_330 = arith.addi %parallel_loop3A_329, %parallel_loop3A_328 : i32
      %parallel_loop3A_331 = arith.constant 4 : i32
      %parallel_loop3A_332 = arith.index_cast %parallel_loop3A_331 : i32 to index
      %parallel_loop3A_333 = arith.index_cast %parallel_loop3A_330 : i32 to index
      %parallel_loop3A_334 = tpu.vector_load %arg5[%parallel_loop3A_332, %parallel_loop3A_333] {strides = array<i32>} : memref<26x512xi32, #tpu.memory_space<vmem>>, vector<16xi32>,
      %parallel_loop3A_335 = arith.constant 4 : i32
      %parallel_loop3A_336 = arith.index_cast %parallel_loop3A_335 : i32 to index
      %parallel_loop3A_337 = arith.index_cast %parallel_loop3A_330 : i32 to index
      %parallel_loop3A_338 = tpu.vector_load %arg6[%parallel_loop3A_336, %parallel_loop3A_337] {strides = array<i32>} : memref<26x512xf32, #tpu.memory_space<vmem>>, vector<16xf32>,
      tpu.vector_store_idx %arg13[%parallel_loop3A_110, %parallel_loop3A_334], %parallel_loop3A_338 {add = true} : memref<64x128xf32, #tpu.memory_space<vmem>>[vector<16xi32>, vector<16xi32>], vector<16xf32>,
      %parallel_loop3A_339 = arith.constant 16 : i32
      %parallel_loop3A_340 = arith.muli %parallel_loop3A_106, %parallel_loop3A_339 : i32
      %parallel_loop3A_341 = arith.constant 448 : i32
      %parallel_loop3A_342 = arith.addi %parallel_loop3A_341, %parallel_loop3A_340 : i32
      %parallel_loop3A_343 = arith.constant 4 : i32
      %parallel_loop3A_344 = arith.index_cast %parallel_loop3A_343 : i32 to index
      %parallel_loop3A_345 = arith.index_cast %parallel_loop3A_342 : i32 to index
      %parallel_loop3A_346 = tpu.vector_load %arg5[%parallel_loop3A_344, %parallel_loop3A_345] {strides = array<i32>} : memref<26x512xi32, #tpu.memory_space<vmem>>, vector<16xi32>,
      %parallel_loop3A_347 = arith.constant 4 : i32
      %parallel_loop3A_348 = arith.index_cast %parallel_loop3A_347 : i32 to index
      %parallel_loop3A_349 = arith.index_cast %parallel_loop3A_342 : i32 to index
      %parallel_loop3A_350 = tpu.vector_load %arg6[%parallel_loop3A_348, %parallel_loop3A_349] {strides = array<i32>} : memref<26x512xf32, #tpu.memory_space<vmem>>, vector<16xf32>,
      tpu.vector_store_idx %arg14[%parallel_loop3A_110, %parallel_loop3A_346], %parallel_loop3A_350 {add = true} : memref<64x128xf32, #tpu.memory_space<vmem>>[vector<16xi32>, vector<16xi32>], vector<16xf32>,
      %parallel_loop3A_351 = arith.constant 16 : i32
      %parallel_loop3A_352 = arith.muli %parallel_loop3A_106, %parallel_loop3A_351 : i32
      %parallel_loop3A_353 = arith.constant 256 : i32
      %parallel_loop3A_354 = arith.addi %parallel_loop3A_353, %parallel_loop3A_352 : i32
      %parallel_loop3A_355 = arith.constant 5 : i32
      %parallel_loop3A_356 = arith.index_cast %parallel_loop3A_355 : i32 to index
      %parallel_loop3A_357 = arith.index_cast %parallel_loop3A_354 : i32 to index
      %parallel_loop3A_358 = tpu.vector_load %arg5[%parallel_loop3A_356, %parallel_loop3A_357] {strides = array<i32>} : memref<26x512xi32, #tpu.memory_space<vmem>>, vector<16xi32>,
      %parallel_loop3A_359 = arith.constant 5 : i32
      %parallel_loop3A_360 = arith.index_cast %parallel_loop3A_359 : i32 to index
      %parallel_loop3A_361 = arith.index_cast %parallel_loop3A_354 : i32 to index
      %parallel_loop3A_362 = tpu.vector_load %arg6[%parallel_loop3A_360, %parallel_loop3A_361] {strides = array<i32>} : memref<26x512xf32, #tpu.memory_space<vmem>>, vector<16xf32>,
      tpu.vector_store_idx %arg11[%parallel_loop3A_110, %parallel_loop3A_358], %parallel_loop3A_362 {add = true} : memref<64x128xf32, #tpu.memory_space<vmem>>[vector<16xi32>, vector<16xi32>], vector<16xf32>,
      %parallel_loop3A_363 = arith.constant 16 : i32
      %parallel_loop3A_364 = arith.muli %parallel_loop3A_106, %parallel_loop3A_363 : i32
      %parallel_loop3A_365 = arith.constant 320 : i32
      %parallel_loop3A_366 = arith.addi %parallel_loop3A_365, %parallel_loop3A_364 : i32
      %parallel_loop3A_367 = arith.constant 5 : i32
      %parallel_loop3A_368 = arith.index_cast %parallel_loop3A_367 : i32 to index
      %parallel_loop3A_369 = arith.index_cast %parallel_loop3A_366 : i32 to index
      %parallel_loop3A_370 = tpu.vector_load %arg5[%parallel_loop3A_368, %parallel_loop3A_369] {strides = array<i32>} : memref<26x512xi32, #tpu.memory_space<vmem>>, vector<16xi32>,
      %parallel_loop3A_371 = arith.constant 5 : i32
      %parallel_loop3A_372 = arith.index_cast %parallel_loop3A_371 : i32 to index
      %parallel_loop3A_373 = arith.index_cast %parallel_loop3A_366 : i32 to index
      %parallel_loop3A_374 = tpu.vector_load %arg6[%parallel_loop3A_372, %parallel_loop3A_373] {strides = array<i32>} : memref<26x512xf32, #tpu.memory_space<vmem>>, vector<16xf32>,
      tpu.vector_store_idx %arg12[%parallel_loop3A_110, %parallel_loop3A_370], %parallel_loop3A_374 {add = true} : memref<64x128xf32, #tpu.memory_space<vmem>>[vector<16xi32>, vector<16xi32>], vector<16xf32>,
      %parallel_loop3A_375 = arith.constant 16 : i32
      %parallel_loop3A_376 = arith.muli %parallel_loop3A_106, %parallel_loop3A_375 : i32
      %parallel_loop3A_377 = arith.constant 384 : i32
      %parallel_loop3A_378 = arith.addi %parallel_loop3A_377, %parallel_loop3A_376 : i32
      %parallel_loop3A_379 = arith.constant 5 : i32
      %parallel_loop3A_380 = arith.index_cast %parallel_loop3A_379 : i32 to index
      %parallel_loop3A_381 = arith.index_cast %parallel_loop3A_378 : i32 to index
      %parallel_loop3A_382 = tpu.vector_load %arg5[%parallel_loop3A_380, %parallel_loop3A_381] {strides = array<i32>} : memref<26x512xi32, #tpu.memory_space<vmem>>, vector<16xi32>,
      %parallel_loop3A_383 = arith.constant 5 : i32
      %parallel_loop3A_384 = arith.index_cast %parallel_loop3A_383 : i32 to index
      %parallel_loop3A_385 = arith.index_cast %parallel_loop3A_378 : i32 to index
      %parallel_loop3A_386 = tpu.vector_load %arg6[%parallel_loop3A_384, %parallel_loop3A_385] {strides = array<i32>} : memref<26x512xf32, #tpu.memory_space<vmem>>, vector<16xf32>,
      tpu.vector_store_idx %arg13[%parallel_loop3A_110, %parallel_loop3A_382], %parallel_loop3A_386 {add = true} : memref<64x128xf32, #tpu.memory_space<vmem>>[vector<16xi32>, vector<16xi32>], vector<16xf32>,
      %parallel_loop3A_387 = arith.constant 16 : i32
      %parallel_loop3A_388 = arith.muli %parallel_loop3A_106, %parallel_loop3A_387 : i32
      %parallel_loop3A_389 = arith.constant 448 : i32
      %parallel_loop3A_390 = arith.addi %parallel_loop3A_389, %parallel_loop3A_388 : i32
      %parallel_loop3A_391 = arith.constant 5 : i32
      %parallel_loop3A_392 = arith.index_cast %parallel_loop3A_391 : i32 to index
      %parallel_loop3A_393 = arith.index_cast %parallel_loop3A_390 : i32 to index
      %parallel_loop3A_394 = tpu.vector_load %arg5[%parallel_loop3A_392, %parallel_loop3A_393] {strides = array<i32>} : memref<26x512xi32, #tpu.memory_space<vmem>>, vector<16xi32>,
      %parallel_loop3A_395 = arith.constant 5 : i32
      %parallel_loop3A_396 = arith.index_cast %parallel_loop3A_395 : i32 to index
      %parallel_loop3A_397 = arith.index_cast %parallel_loop3A_390 : i32 to index
      %parallel_loop3A_398 = tpu.vector_load %arg6[%parallel_loop3A_396, %parallel_loop3A_397] {strides = array<i32>} : memref<26x512xf32, #tpu.memory_space<vmem>>, vector<16xf32>,
      tpu.vector_store_idx %arg14[%parallel_loop3A_110, %parallel_loop3A_394], %parallel_loop3A_398 {add = true} : memref<64x128xf32, #tpu.memory_space<vmem>>[vector<16xi32>, vector<16xi32>], vector<16xf32>,
      %parallel_loop3A_399 = arith.constant 16 : i32
      %parallel_loop3A_400 = arith.muli %parallel_loop3A_106, %parallel_loop3A_399 : i32
      %parallel_loop3A_401 = arith.constant 256 : i32
      %parallel_loop3A_402 = arith.addi %parallel_loop3A_401, %parallel_loop3A_400 : i32
      %parallel_loop3A_403 = arith.constant 6 : i32
      %parallel_loop3A_404 = arith.index_cast %parallel_loop3A_403 : i32 to index
      %parallel_loop3A_405 = arith.index_cast %parallel_loop3A_402 : i32 to index
      %parallel_loop3A_406 = tpu.vector_load %arg5[%parallel_loop3A_404, %parallel_loop3A_405] {strides = array<i32>} : memref<26x512xi32, #tpu.memory_space<vmem>>, vector<16xi32>,
      %parallel_loop3A_407 = arith.constant 6 : i32
      %parallel_loop3A_408 = arith.index_cast %parallel_loop3A_407 : i32 to index
      %parallel_loop3A_409 = arith.index_cast %parallel_loop3A_402 : i32 to index
      %parallel_loop3A_410 = tpu.vector_load %arg6[%parallel_loop3A_408, %parallel_loop3A_409] {strides = array<i32>} : memref<26x512xf32, #tpu.memory_space<vmem>>, vector<16xf32>,
      tpu.vector_store_idx %arg11[%parallel_loop3A_110, %parallel_loop3A_406], %parallel_loop3A_410 {add = true} : memref<64x128xf32, #tpu.memory_space<vmem>>[vector<16xi32>, vector<16xi32>], vector<16xf32>,
      %parallel_loop3A_411 = arith.constant 16 : i32
      %parallel_loop3A_412 = arith.muli %parallel_loop3A_106, %parallel_loop3A_411 : i32
      %parallel_loop3A_413 = arith.constant 320 : i32
      %parallel_loop3A_414 = arith.addi %parallel_loop3A_413, %parallel_loop3A_412 : i32
      %parallel_loop3A_415 = arith.constant 6 : i32
      %parallel_loop3A_416 = arith.index_cast %parallel_loop3A_415 : i32 to index
      %parallel_loop3A_417 = arith.index_cast %parallel_loop3A_414 : i32 to index
      %parallel_loop3A_418 = tpu.vector_load %arg5[%parallel_loop3A_416, %parallel_loop3A_417] {strides = array<i32>} : memref<26x512xi32, #tpu.memory_space<vmem>>, vector<16xi32>,
      %parallel_loop3A_419 = arith.constant 6 : i32
      %parallel_loop3A_420 = arith.index_cast %parallel_loop3A_419 : i32 to index
      %parallel_loop3A_421 = arith.index_cast %parallel_loop3A_414 : i32 to index
      %parallel_loop3A_422 = tpu.vector_load %arg6[%parallel_loop3A_420, %parallel_loop3A_421] {strides = array<i32>} : memref<26x512xf32, #tpu.memory_space<vmem>>, vector<16xf32>,
      tpu.vector_store_idx %arg12[%parallel_loop3A_110, %parallel_loop3A_418], %parallel_loop3A_422 {add = true} : memref<64x128xf32, #tpu.memory_space<vmem>>[vector<16xi32>, vector<16xi32>], vector<16xf32>,
      %parallel_loop3A_423 = arith.constant 16 : i32
      %parallel_loop3A_424 = arith.muli %parallel_loop3A_106, %parallel_loop3A_423 : i32
      %parallel_loop3A_425 = arith.constant 384 : i32
      %parallel_loop3A_426 = arith.addi %parallel_loop3A_425, %parallel_loop3A_424 : i32
      %parallel_loop3A_427 = arith.constant 6 : i32
      %parallel_loop3A_428 = arith.index_cast %parallel_loop3A_427 : i32 to index
      %parallel_loop3A_429 = arith.index_cast %parallel_loop3A_426 : i32 to index
      %parallel_loop3A_430 = tpu.vector_load %arg5[%parallel_loop3A_428, %parallel_loop3A_429] {strides = array<i32>} : memref<26x512xi32, #tpu.memory_space<vmem>>, vector<16xi32>,
      %parallel_loop3A_431 = arith.constant 6 : i32
      %parallel_loop3A_432 = arith.index_cast %parallel_loop3A_431 : i32 to index
      %parallel_loop3A_433 = arith.index_cast %parallel_loop3A_426 : i32 to index
      %parallel_loop3A_434 = tpu.vector_load %arg6[%parallel_loop3A_432, %parallel_loop3A_433] {strides = array<i32>} : memref<26x512xf32, #tpu.memory_space<vmem>>, vector<16xf32>,
      tpu.vector_store_idx %arg13[%parallel_loop3A_110, %parallel_loop3A_430], %parallel_loop3A_434 {add = true} : memref<64x128xf32, #tpu.memory_space<vmem>>[vector<16xi32>, vector<16xi32>], vector<16xf32>,
      %parallel_loop3A_435 = arith.constant 16 : i32
      %parallel_loop3A_436 = arith.muli %parallel_loop3A_106, %parallel_loop3A_435 : i32
      %parallel_loop3A_437 = arith.constant 448 : i32
      %parallel_loop3A_438 = arith.addi %parallel_loop3A_437, %parallel_loop3A_436 : i32
      %parallel_loop3A_439 = arith.constant 6 : i32
      %parallel_loop3A_440 = arith.index_cast %parallel_loop3A_439 : i32 to index
      %parallel_loop3A_441 = arith.index_cast %parallel_loop3A_438 : i32 to index
      %parallel_loop3A_442 = tpu.vector_load %arg5[%parallel_loop3A_440, %parallel_loop3A_441] {strides = array<i32>} : memref<26x512xi32, #tpu.memory_space<vmem>>, vector<16xi32>,
      %parallel_loop3A_443 = arith.constant 6 : i32
      %parallel_loop3A_444 = arith.index_cast %parallel_loop3A_443 : i32 to index
      %parallel_loop3A_445 = arith.index_cast %parallel_loop3A_438 : i32 to index
      %parallel_loop3A_446 = tpu.vector_load %arg6[%parallel_loop3A_444, %parallel_loop3A_445] {strides = array<i32>} : memref<26x512xf32, #tpu.memory_space<vmem>>, vector<16xf32>,
      tpu.vector_store_idx %arg14[%parallel_loop3A_110, %parallel_loop3A_442], %parallel_loop3A_446 {add = true} : memref<64x128xf32, #tpu.memory_space<vmem>>[vector<16xi32>, vector<16xi32>], vector<16xf32>,
      %parallel_loop3A_447 = arith.constant 16 : i32
      %parallel_loop3A_448 = arith.muli %parallel_loop3A_106, %parallel_loop3A_447 : i32
      %parallel_loop3A_449 = arith.constant 256 : i32
      %parallel_loop3A_450 = arith.addi %parallel_loop3A_449, %parallel_loop3A_448 : i32
      %parallel_loop3A_451 = arith.constant 7 : i32
      %parallel_loop3A_452 = arith.index_cast %parallel_loop3A_451 : i32 to index
      %parallel_loop3A_453 = arith.index_cast %parallel_loop3A_450 : i32 to index
      %parallel_loop3A_454 = tpu.vector_load %arg5[%parallel_loop3A_452, %parallel_loop3A_453] {strides = array<i32>} : memref<26x512xi32, #tpu.memory_space<vmem>>, vector<16xi32>,
      %parallel_loop3A_455 = arith.constant 7 : i32
      %parallel_loop3A_456 = arith.index_cast %parallel_loop3A_455 : i32 to index
      %parallel_loop3A_457 = arith.index_cast %parallel_loop3A_450 : i32 to index
      %parallel_loop3A_458 = tpu.vector_load %arg6[%parallel_loop3A_456, %parallel_loop3A_457] {strides = array<i32>} : memref<26x512xf32, #tpu.memory_space<vmem>>, vector<16xf32>,
      tpu.vector_store_idx %arg11[%parallel_loop3A_110, %parallel_loop3A_454], %parallel_loop3A_458 {add = true} : memref<64x128xf32, #tpu.memory_space<vmem>>[vector<16xi32>, vector<16xi32>], vector<16xf32>,
      %parallel_loop3A_459 = arith.constant 16 : i32
      %parallel_loop3A_460 = arith.muli %parallel_loop3A_106, %parallel_loop3A_459 : i32
      %parallel_loop3A_461 = arith.constant 320 : i32
      %parallel_loop3A_462 = arith.addi %parallel_loop3A_461, %parallel_loop3A_460 : i32
      %parallel_loop3A_463 = arith.constant 7 : i32
      %parallel_loop3A_464 = arith.index_cast %parallel_loop3A_463 : i32 to index
      %parallel_loop3A_465 = arith.index_cast %parallel_loop3A_462 : i32 to index
      %parallel_loop3A_466 = tpu.vector_load %arg5[%parallel_loop3A_464, %parallel_loop3A_465] {strides = array<i32>} : memref<26x512xi32, #tpu.memory_space<vmem>>, vector<16xi32>,
      %parallel_loop3A_467 = arith.constant 7 : i32
      %parallel_loop3A_468 = arith.index_cast %parallel_loop3A_467 : i32 to index
      %parallel_loop3A_469 = arith.index_cast %parallel_loop3A_462 : i32 to index
      %parallel_loop3A_470 = tpu.vector_load %arg6[%parallel_loop3A_468, %parallel_loop3A_469] {strides = array<i32>} : memref<26x512xf32, #tpu.memory_space<vmem>>, vector<16xf32>,
      tpu.vector_store_idx %arg12[%parallel_loop3A_110, %parallel_loop3A_466], %parallel_loop3A_470 {add = true} : memref<64x128xf32, #tpu.memory_space<vmem>>[vector<16xi32>, vector<16xi32>], vector<16xf32>,
      %parallel_loop3A_471 = arith.constant 16 : i32
      %parallel_loop3A_472 = arith.muli %parallel_loop3A_106, %parallel_loop3A_471 : i32
      %parallel_loop3A_473 = arith.constant 384 : i32
      %parallel_loop3A_474 = arith.addi %parallel_loop3A_473, %parallel_loop3A_472 : i32
      %parallel_loop3A_475 = arith.constant 7 : i32
      %parallel_loop3A_476 = arith.index_cast %parallel_loop3A_475 : i32 to index
      %parallel_loop3A_477 = arith.index_cast %parallel_loop3A_474 : i32 to index
      %parallel_loop3A_478 = tpu.vector_load %arg5[%parallel_loop3A_476, %parallel_loop3A_477] {strides = array<i32>} : memref<26x512xi32, #tpu.memory_space<vmem>>, vector<16xi32>,
      %parallel_loop3A_479 = arith.constant 7 : i32
      %parallel_loop3A_480 = arith.index_cast %parallel_loop3A_479 : i32 to index
      %parallel_loop3A_481 = arith.index_cast %parallel_loop3A_474 : i32 to index
      %parallel_loop3A_482 = tpu.vector_load %arg6[%parallel_loop3A_480, %parallel_loop3A_481] {strides = array<i32>} : memref<26x512xf32, #tpu.memory_space<vmem>>, vector<16xf32>,
      tpu.vector_store_idx %arg13[%parallel_loop3A_110, %parallel_loop3A_478], %parallel_loop3A_482 {add = true} : memref<64x128xf32, #tpu.memory_space<vmem>>[vector<16xi32>, vector<16xi32>], vector<16xf32>,
      %parallel_loop3A_483 = arith.constant 16 : i32
      %parallel_loop3A_484 = arith.muli %parallel_loop3A_106, %parallel_loop3A_483 : i32
      %parallel_loop3A_485 = arith.constant 448 : i32
      %parallel_loop3A_486 = arith.addi %parallel_loop3A_485, %parallel_loop3A_484 : i32
      %parallel_loop3A_487 = arith.constant 7 : i32
      %parallel_loop3A_488 = arith.index_cast %parallel_loop3A_487 : i32 to index
      %parallel_loop3A_489 = arith.index_cast %parallel_loop3A_486 : i32 to index
      %parallel_loop3A_490 = tpu.vector_load %arg5[%parallel_loop3A_488, %parallel_loop3A_489] {strides = array<i32>} : memref<26x512xi32, #tpu.memory_space<vmem>>, vector<16xi32>,
      %parallel_loop3A_491 = arith.constant 7 : i32
      %parallel_loop3A_492 = arith.index_cast %parallel_loop3A_491 : i32 to index
      %parallel_loop3A_493 = arith.index_cast %parallel_loop3A_486 : i32 to index
      %parallel_loop3A_494 = tpu.vector_load %arg6[%parallel_loop3A_492, %parallel_loop3A_493] {strides = array<i32>} : memref<26x512xf32, #tpu.memory_space<vmem>>, vector<16xf32>,
      tpu.vector_store_idx %arg14[%parallel_loop3A_110, %parallel_loop3A_490], %parallel_loop3A_494 {add = true} : memref<64x128xf32, #tpu.memory_space<vmem>>[vector<16xi32>, vector<16xi32>], vector<16xf32>,
      %parallel_loop3A_495 = arith.constant 16 : i32
      %parallel_loop3A_496 = arith.muli %parallel_loop3A_106, %parallel_loop3A_495 : i32
      %parallel_loop3A_497 = arith.constant 256 : i32
      %parallel_loop3A_498 = arith.addi %parallel_loop3A_497, %parallel_loop3A_496 : i32
      %parallel_loop3A_499 = arith.constant 8 : i32
      %parallel_loop3A_500 = arith.index_cast %parallel_loop3A_499 : i32 to index
      %parallel_loop3A_501 = arith.index_cast %parallel_loop3A_498 : i32 to index
      %parallel_loop3A_502 = tpu.vector_load %arg5[%parallel_loop3A_500, %parallel_loop3A_501] {strides = array<i32>} : memref<26x512xi32, #tpu.memory_space<vmem>>, vector<16xi32>,
      %parallel_loop3A_503 = arith.constant 8 : i32
      %parallel_loop3A_504 = arith.index_cast %parallel_loop3A_503 : i32 to index
      %parallel_loop3A_505 = arith.index_cast %parallel_loop3A_498 : i32 to index
      %parallel_loop3A_506 = tpu.vector_load %arg6[%parallel_loop3A_504, %parallel_loop3A_505] {strides = array<i32>} : memref<26x512xf32, #tpu.memory_space<vmem>>, vector<16xf32>,
      tpu.vector_store_idx %arg11[%parallel_loop3A_110, %parallel_loop3A_502], %parallel_loop3A_506 {add = true} : memref<64x128xf32, #tpu.memory_space<vmem>>[vector<16xi32>, vector<16xi32>], vector<16xf32>,
      %parallel_loop3A_507 = arith.constant 16 : i32
      %parallel_loop3A_508 = arith.muli %parallel_loop3A_106, %parallel_loop3A_507 : i32
      %parallel_loop3A_509 = arith.constant 320 : i32
      %parallel_loop3A_510 = arith.addi %parallel_loop3A_509, %parallel_loop3A_508 : i32
      %parallel_loop3A_511 = arith.constant 8 : i32
      %parallel_loop3A_512 = arith.index_cast %parallel_loop3A_511 : i32 to index
      %parallel_loop3A_513 = arith.index_cast %parallel_loop3A_510 : i32 to index
      %parallel_loop3A_514 = tpu.vector_load %arg5[%parallel_loop3A_512, %parallel_loop3A_513] {strides = array<i32>} : memref<26x512xi32, #tpu.memory_space<vmem>>, vector<16xi32>,
      %parallel_loop3A_515 = arith.constant 8 : i32
      %parallel_loop3A_516 = arith.index_cast %parallel_loop3A_515 : i32 to index
      %parallel_loop3A_517 = arith.index_cast %parallel_loop3A_510 : i32 to index
      %parallel_loop3A_518 = tpu.vector_load %arg6[%parallel_loop3A_516, %parallel_loop3A_517] {strides = array<i32>} : memref<26x512xf32, #tpu.memory_space<vmem>>, vector<16xf32>,
      tpu.vector_store_idx %arg12[%parallel_loop3A_110, %parallel_loop3A_514], %parallel_loop3A_518 {add = true} : memref<64x128xf32, #tpu.memory_space<vmem>>[vector<16xi32>, vector<16xi32>], vector<16xf32>,
      %parallel_loop3A_519 = arith.constant 16 : i32
      %parallel_loop3A_520 = arith.muli %parallel_loop3A_106, %parallel_loop3A_519 : i32
      %parallel_loop3A_521 = arith.constant 384 : i32
      %parallel_loop3A_522 = arith.addi %parallel_loop3A_521, %parallel_loop3A_520 : i32
      %parallel_loop3A_523 = arith.constant 8 : i32
      %parallel_loop3A_524 = arith.index_cast %parallel_loop3A_523 : i32 to index
      %parallel_loop3A_525 = arith.index_cast %parallel_loop3A_522 : i32 to index
      %parallel_loop3A_526 = tpu.vector_load %arg5[%parallel_loop3A_524, %parallel_loop3A_525] {strides = array<i32>} : memref<26x512xi32, #tpu.memory_space<vmem>>, vector<16xi32>,
      %parallel_loop3A_527 = arith.constant 8 : i32
      %parallel_loop3A_528 = arith.index_cast %parallel_loop3A_527 : i32 to index
      %parallel_loop3A_529 = arith.index_cast %parallel_loop3A_522 : i32 to index
      %parallel_loop3A_530 = tpu.vector_load %arg6[%parallel_loop3A_528, %parallel_loop3A_529] {strides = array<i32>} : memref<26x512xf32, #tpu.memory_space<vmem>>, vector<16xf32>,
      tpu.vector_store_idx %arg13[%parallel_loop3A_110, %parallel_loop3A_526], %parallel_loop3A_530 {add = true} : memref<64x128xf32, #tpu.memory_space<vmem>>[vector<16xi32>, vector<16xi32>], vector<16xf32>,
      %parallel_loop3A_531 = arith.constant 16 : i32
      %parallel_loop3A_532 = arith.muli %parallel_loop3A_106, %parallel_loop3A_531 : i32
      %parallel_loop3A_533 = arith.constant 448 : i32
      %parallel_loop3A_534 = arith.addi %parallel_loop3A_533, %parallel_loop3A_532 : i32
      %parallel_loop3A_535 = arith.constant 8 : i32
      %parallel_loop3A_536 = arith.index_cast %parallel_loop3A_535 : i32 to index
      %parallel_loop3A_537 = arith.index_cast %parallel_loop3A_534 : i32 to index
      %parallel_loop3A_538 = tpu.vector_load %arg5[%parallel_loop3A_536, %parallel_loop3A_537] {strides = array<i32>} : memref<26x512xi32, #tpu.memory_space<vmem>>, vector<16xi32>,
      %parallel_loop3A_539 = arith.constant 8 : i32
      %parallel_loop3A_540 = arith.index_cast %parallel_loop3A_539 : i32 to index
      %parallel_loop3A_541 = arith.index_cast %parallel_loop3A_534 : i32 to index
      %parallel_loop3A_542 = tpu.vector_load %arg6[%parallel_loop3A_540, %parallel_loop3A_541] {strides = array<i32>} : memref<26x512xf32, #tpu.memory_space<vmem>>, vector<16xf32>,
      tpu.vector_store_idx %arg14[%parallel_loop3A_110, %parallel_loop3A_538], %parallel_loop3A_542 {add = true} : memref<64x128xf32, #tpu.memory_space<vmem>>[vector<16xi32>, vector<16xi32>], vector<16xf32>,
      %parallel_loop3A_543 = arith.constant 16 : i32
      %parallel_loop3A_544 = arith.muli %parallel_loop3A_106, %parallel_loop3A_543 : i32
      %parallel_loop3A_545 = arith.constant 256 : i32
      %parallel_loop3A_546 = arith.addi %parallel_loop3A_545, %parallel_loop3A_544 : i32
      %parallel_loop3A_547 = arith.constant 9 : i32
      %parallel_loop3A_548 = arith.index_cast %parallel_loop3A_547 : i32 to index
      %parallel_loop3A_549 = arith.index_cast %parallel_loop3A_546 : i32 to index
      %parallel_loop3A_550 = tpu.vector_load %arg5[%parallel_loop3A_548, %parallel_loop3A_549] {strides = array<i32>} : memref<26x512xi32, #tpu.memory_space<vmem>>, vector<16xi32>,
      %parallel_loop3A_551 = arith.constant 9 : i32
      %parallel_loop3A_552 = arith.index_cast %parallel_loop3A_551 : i32 to index
      %parallel_loop3A_553 = arith.index_cast %parallel_loop3A_546 : i32 to index
      %parallel_loop3A_554 = tpu.vector_load %arg6[%parallel_loop3A_552, %parallel_loop3A_553] {strides = array<i32>} : memref<26x512xf32, #tpu.memory_space<vmem>>, vector<16xf32>,
      tpu.vector_store_idx %arg11[%parallel_loop3A_110, %parallel_loop3A_550], %parallel_loop3A_554 {add = true} : memref<64x128xf32, #tpu.memory_space<vmem>>[vector<16xi32>, vector<16xi32>], vector<16xf32>,
      %parallel_loop3A_555 = arith.constant 16 : i32
      %parallel_loop3A_556 = arith.muli %parallel_loop3A_106, %parallel_loop3A_555 : i32
      %parallel_loop3A_557 = arith.constant 320 : i32
      %parallel_loop3A_558 = arith.addi %parallel_loop3A_557, %parallel_loop3A_556 : i32
      %parallel_loop3A_559 = arith.constant 9 : i32
      %parallel_loop3A_560 = arith.index_cast %parallel_loop3A_559 : i32 to index
      %parallel_loop3A_561 = arith.index_cast %parallel_loop3A_558 : i32 to index
      %parallel_loop3A_562 = tpu.vector_load %arg5[%parallel_loop3A_560, %parallel_loop3A_561] {strides = array<i32>} : memref<26x512xi32, #tpu.memory_space<vmem>>, vector<16xi32>,
      %parallel_loop3A_563 = arith.constant 9 : i32
      %parallel_loop3A_564 = arith.index_cast %parallel_loop3A_563 : i32 to index
      %parallel_loop3A_565 = arith.index_cast %parallel_loop3A_558 : i32 to index
      %parallel_loop3A_566 = tpu.vector_load %arg6[%parallel_loop3A_564, %parallel_loop3A_565] {strides = array<i32>} : memref<26x512xf32, #tpu.memory_space<vmem>>, vector<16xf32>,
      tpu.vector_store_idx %arg12[%parallel_loop3A_110, %parallel_loop3A_562], %parallel_loop3A_566 {add = true} : memref<64x128xf32, #tpu.memory_space<vmem>>[vector<16xi32>, vector<16xi32>], vector<16xf32>,
      %parallel_loop3A_567 = arith.constant 16 : i32
      %parallel_loop3A_568 = arith.muli %parallel_loop3A_106, %parallel_loop3A_567 : i32
      %parallel_loop3A_569 = arith.constant 384 : i32
      %parallel_loop3A_570 = arith.addi %parallel_loop3A_569, %parallel_loop3A_568 : i32
      %parallel_loop3A_571 = arith.constant 9 : i32
      %parallel_loop3A_572 = arith.index_cast %parallel_loop3A_571 : i32 to index
      %parallel_loop3A_573 = arith.index_cast %parallel_loop3A_570 : i32 to index
      %parallel_loop3A_574 = tpu.vector_load %arg5[%parallel_loop3A_572, %parallel_loop3A_573] {strides = array<i32>} : memref<26x512xi32, #tpu.memory_space<vmem>>, vector<16xi32>,
      %parallel_loop3A_575 = arith.constant 9 : i32
      %parallel_loop3A_576 = arith.index_cast %parallel_loop3A_575 : i32 to index
      %parallel_loop3A_577 = arith.index_cast %parallel_loop3A_570 : i32 to index
      %parallel_loop3A_578 = tpu.vector_load %arg6[%parallel_loop3A_576, %parallel_loop3A_577] {strides = array<i32>} : memref<26x512xf32, #tpu.memory_space<vmem>>, vector<16xf32>,
      tpu.vector_store_idx %arg13[%parallel_loop3A_110, %parallel_loop3A_574], %parallel_loop3A_578 {add = true} : memref<64x128xf32, #tpu.memory_space<vmem>>[vector<16xi32>, vector<16xi32>], vector<16xf32>,
      %parallel_loop3A_579 = arith.constant 16 : i32
      %parallel_loop3A_580 = arith.muli %parallel_loop3A_106, %parallel_loop3A_579 : i32
      %parallel_loop3A_581 = arith.constant 448 : i32
      %parallel_loop3A_582 = arith.addi %parallel_loop3A_581, %parallel_loop3A_580 : i32
      %parallel_loop3A_583 = arith.constant 9 : i32
      %parallel_loop3A_584 = arith.index_cast %parallel_loop3A_583 : i32 to index
      %parallel_loop3A_585 = arith.index_cast %parallel_loop3A_582 : i32 to index
      %parallel_loop3A_586 = tpu.vector_load %arg5[%parallel_loop3A_584, %parallel_loop3A_585] {strides = array<i32>} : memref<26x512xi32, #tpu.memory_space<vmem>>, vector<16xi32>,
      %parallel_loop3A_587 = arith.constant 9 : i32
      %parallel_loop3A_588 = arith.index_cast %parallel_loop3A_587 : i32 to index
      %parallel_loop3A_589 = arith.index_cast %parallel_loop3A_582 : i32 to index
      %parallel_loop3A_590 = tpu.vector_load %arg6[%parallel_loop3A_588, %parallel_loop3A_589] {strides = array<i32>} : memref<26x512xf32, #tpu.memory_space<vmem>>, vector<16xf32>,
      tpu.vector_store_idx %arg14[%parallel_loop3A_110, %parallel_loop3A_586], %parallel_loop3A_590 {add = true} : memref<64x128xf32, #tpu.memory_space<vmem>>[vector<16xi32>, vector<16xi32>], vector<16xf32>,
      %parallel_loop3A_591 = arith.constant 16 : i32
      %parallel_loop3A_592 = arith.muli %parallel_loop3A_106, %parallel_loop3A_591 : i32
      %parallel_loop3A_593 = arith.constant 256 : i32
      %parallel_loop3A_594 = arith.addi %parallel_loop3A_593, %parallel_loop3A_592 : i32
      %parallel_loop3A_595 = arith.constant 10 : i32
      %parallel_loop3A_596 = arith.index_cast %parallel_loop3A_595 : i32 to index
      %parallel_loop3A_597 = arith.index_cast %parallel_loop3A_594 : i32 to index
      %parallel_loop3A_598 = tpu.vector_load %arg5[%parallel_loop3A_596, %parallel_loop3A_597] {strides = array<i32>} : memref<26x512xi32, #tpu.memory_space<vmem>>, vector<16xi32>,
      %parallel_loop3A_599 = arith.constant 10 : i32
      %parallel_loop3A_600 = arith.index_cast %parallel_loop3A_599 : i32 to index
      %parallel_loop3A_601 = arith.index_cast %parallel_loop3A_594 : i32 to index
      %parallel_loop3A_602 = tpu.vector_load %arg6[%parallel_loop3A_600, %parallel_loop3A_601] {strides = array<i32>} : memref<26x512xf32, #tpu.memory_space<vmem>>, vector<16xf32>,
      tpu.vector_store_idx %arg11[%parallel_loop3A_110, %parallel_loop3A_598], %parallel_loop3A_602 {add = true} : memref<64x128xf32, #tpu.memory_space<vmem>>[vector<16xi32>, vector<16xi32>], vector<16xf32>,
      %parallel_loop3A_603 = arith.constant 16 : i32
      %parallel_loop3A_604 = arith.muli %parallel_loop3A_106, %parallel_loop3A_603 : i32
      %parallel_loop3A_605 = arith.constant 320 : i32
      %parallel_loop3A_606 = arith.addi %parallel_loop3A_605, %parallel_loop3A_604 : i32
      %parallel_loop3A_607 = arith.constant 10 : i32
      %parallel_loop3A_608 = arith.index_cast %parallel_loop3A_607 : i32 to index
      %parallel_loop3A_609 = arith.index_cast %parallel_loop3A_606 : i32 to index
      %parallel_loop3A_610 = tpu.vector_load %arg5[%parallel_loop3A_608, %parallel_loop3A_609] {strides = array<i32>} : memref<26x512xi32, #tpu.memory_space<vmem>>, vector<16xi32>,
      %parallel_loop3A_611 = arith.constant 10 : i32
      %parallel_loop3A_612 = arith.index_cast %parallel_loop3A_611 : i32 to index
      %parallel_loop3A_613 = arith.index_cast %parallel_loop3A_606 : i32 to index
      %parallel_loop3A_614 = tpu.vector_load %arg6[%parallel_loop3A_612, %parallel_loop3A_613] {strides = array<i32>} : memref<26x512xf32, #tpu.memory_space<vmem>>, vector<16xf32>,
      tpu.vector_store_idx %arg12[%parallel_loop3A_110, %parallel_loop3A_610], %parallel_loop3A_614 {add = true} : memref<64x128xf32, #tpu.memory_space<vmem>>[vector<16xi32>, vector<16xi32>], vector<16xf32>,
      %parallel_loop3A_615 = arith.constant 16 : i32
      %parallel_loop3A_616 = arith.muli %parallel_loop3A_106, %parallel_loop3A_615 : i32
      %parallel_loop3A_617 = arith.constant 384 : i32
      %parallel_loop3A_618 = arith.addi %parallel_loop3A_617, %parallel_loop3A_616 : i32
      %parallel_loop3A_619 = arith.constant 10 : i32
      %parallel_loop3A_620 = arith.index_cast %parallel_loop3A_619 : i32 to index
      %parallel_loop3A_621 = arith.index_cast %parallel_loop3A_618 : i32 to index
      %parallel_loop3A_622 = tpu.vector_load %arg5[%parallel_loop3A_620, %parallel_loop3A_621] {strides = array<i32>} : memref<26x512xi32, #tpu.memory_space<vmem>>, vector<16xi32>,
      %parallel_loop3A_623 = arith.constant 10 : i32
      %parallel_loop3A_624 = arith.index_cast %parallel_loop3A_623 : i32 to index
      %parallel_loop3A_625 = arith.index_cast %parallel_loop3A_618 : i32 to index
      %parallel_loop3A_626 = tpu.vector_load %arg6[%parallel_loop3A_624, %parallel_loop3A_625] {strides = array<i32>} : memref<26x512xf32, #tpu.memory_space<vmem>>, vector<16xf32>,
      tpu.vector_store_idx %arg13[%parallel_loop3A_110, %parallel_loop3A_622], %parallel_loop3A_626 {add = true} : memref<64x128xf32, #tpu.memory_space<vmem>>[vector<16xi32>, vector<16xi32>], vector<16xf32>,
      %parallel_loop3A_627 = arith.constant 16 : i32
      %parallel_loop3A_628 = arith.muli %parallel_loop3A_106, %parallel_loop3A_627 : i32
      %parallel_loop3A_629 = arith.constant 448 : i32
      %parallel_loop3A_630 = arith.addi %parallel_loop3A_629, %parallel_loop3A_628 : i32
      %parallel_loop3A_631 = arith.constant 10 : i32
      %parallel_loop3A_632 = arith.index_cast %parallel_loop3A_631 : i32 to index
      %parallel_loop3A_633 = arith.index_cast %parallel_loop3A_630 : i32 to index
      %parallel_loop3A_634 = tpu.vector_load %arg5[%parallel_loop3A_632, %parallel_loop3A_633] {strides = array<i32>} : memref<26x512xi32, #tpu.memory_space<vmem>>, vector<16xi32>,
      %parallel_loop3A_635 = arith.constant 10 : i32
      %parallel_loop3A_636 = arith.index_cast %parallel_loop3A_635 : i32 to index
      %parallel_loop3A_637 = arith.index_cast %parallel_loop3A_630 : i32 to index
      %parallel_loop3A_638 = tpu.vector_load %arg6[%parallel_loop3A_636, %parallel_loop3A_637] {strides = array<i32>} : memref<26x512xf32, #tpu.memory_space<vmem>>, vector<16xf32>,
      tpu.vector_store_idx %arg14[%parallel_loop3A_110, %parallel_loop3A_634], %parallel_loop3A_638 {add = true} : memref<64x128xf32, #tpu.memory_space<vmem>>[vector<16xi32>, vector<16xi32>], vector<16xf32>,
      %parallel_loop3A_639 = arith.constant 16 : i32
      %parallel_loop3A_640 = arith.muli %parallel_loop3A_106, %parallel_loop3A_639 : i32
      %parallel_loop3A_641 = arith.constant 256 : i32
      %parallel_loop3A_642 = arith.addi %parallel_loop3A_641, %parallel_loop3A_640 : i32
      %parallel_loop3A_643 = arith.constant 11 : i32
      %parallel_loop3A_644 = arith.index_cast %parallel_loop3A_643 : i32 to index
      %parallel_loop3A_645 = arith.index_cast %parallel_loop3A_642 : i32 to index
      %parallel_loop3A_646 = tpu.vector_load %arg5[%parallel_loop3A_644, %parallel_loop3A_645] {strides = array<i32>} : memref<26x512xi32, #tpu.memory_space<vmem>>, vector<16xi32>,
      %parallel_loop3A_647 = arith.constant 11 : i32
      %parallel_loop3A_648 = arith.index_cast %parallel_loop3A_647 : i32 to index
      %parallel_loop3A_649 = arith.index_cast %parallel_loop3A_642 : i32 to index
      %parallel_loop3A_650 = tpu.vector_load %arg6[%parallel_loop3A_648, %parallel_loop3A_649] {strides = array<i32>} : memref<26x512xf32, #tpu.memory_space<vmem>>, vector<16xf32>,
      tpu.vector_store_idx %arg11[%parallel_loop3A_110, %parallel_loop3A_646], %parallel_loop3A_650 {add = true} : memref<64x128xf32, #tpu.memory_space<vmem>>[vector<16xi32>, vector<16xi32>], vector<16xf32>,
      %parallel_loop3A_651 = arith.constant 16 : i32
      %parallel_loop3A_652 = arith.muli %parallel_loop3A_106, %parallel_loop3A_651 : i32
      %parallel_loop3A_653 = arith.constant 320 : i32
      %parallel_loop3A_654 = arith.addi %parallel_loop3A_653, %parallel_loop3A_652 : i32
      %parallel_loop3A_655 = arith.constant 11 : i32
      %parallel_loop3A_656 = arith.index_cast %parallel_loop3A_655 : i32 to index
      %parallel_loop3A_657 = arith.index_cast %parallel_loop3A_654 : i32 to index
      %parallel_loop3A_658 = tpu.vector_load %arg5[%parallel_loop3A_656, %parallel_loop3A_657] {strides = array<i32>} : memref<26x512xi32, #tpu.memory_space<vmem>>, vector<16xi32>,
      %parallel_loop3A_659 = arith.constant 11 : i32
      %parallel_loop3A_660 = arith.index_cast %parallel_loop3A_659 : i32 to index
      %parallel_loop3A_661 = arith.index_cast %parallel_loop3A_654 : i32 to index
      %parallel_loop3A_662 = tpu.vector_load %arg6[%parallel_loop3A_660, %parallel_loop3A_661] {strides = array<i32>} : memref<26x512xf32, #tpu.memory_space<vmem>>, vector<16xf32>,
      tpu.vector_store_idx %arg12[%parallel_loop3A_110, %parallel_loop3A_658], %parallel_loop3A_662 {add = true} : memref<64x128xf32, #tpu.memory_space<vmem>>[vector<16xi32>, vector<16xi32>], vector<16xf32>,
      %parallel_loop3A_663 = arith.constant 16 : i32
      %parallel_loop3A_664 = arith.muli %parallel_loop3A_106, %parallel_loop3A_663 : i32
      %parallel_loop3A_665 = arith.constant 384 : i32
      %parallel_loop3A_666 = arith.addi %parallel_loop3A_665, %parallel_loop3A_664 : i32
      %parallel_loop3A_667 = arith.constant 11 : i32
      %parallel_loop3A_668 = arith.index_cast %parallel_loop3A_667 : i32 to index
      %parallel_loop3A_669 = arith.index_cast %parallel_loop3A_666 : i32 to index
      %parallel_loop3A_670 = tpu.vector_load %arg5[%parallel_loop3A_668, %parallel_loop3A_669] {strides = array<i32>} : memref<26x512xi32, #tpu.memory_space<vmem>>, vector<16xi32>,
      %parallel_loop3A_671 = arith.constant 11 : i32
      %parallel_loop3A_672 = arith.index_cast %parallel_loop3A_671 : i32 to index
      %parallel_loop3A_673 = arith.index_cast %parallel_loop3A_666 : i32 to index
      %parallel_loop3A_674 = tpu.vector_load %arg6[%parallel_loop3A_672, %parallel_loop3A_673] {strides = array<i32>} : memref<26x512xf32, #tpu.memory_space<vmem>>, vector<16xf32>,
      tpu.vector_store_idx %arg13[%parallel_loop3A_110, %parallel_loop3A_670], %parallel_loop3A_674 {add = true} : memref<64x128xf32, #tpu.memory_space<vmem>>[vector<16xi32>, vector<16xi32>], vector<16xf32>,
      %parallel_loop3A_675 = arith.constant 16 : i32
      %parallel_loop3A_676 = arith.muli %parallel_loop3A_106, %parallel_loop3A_675 : i32
      %parallel_loop3A_677 = arith.constant 448 : i32
      %parallel_loop3A_678 = arith.addi %parallel_loop3A_677, %parallel_loop3A_676 : i32
      %parallel_loop3A_679 = arith.constant 11 : i32
      %parallel_loop3A_680 = arith.index_cast %parallel_loop3A_679 : i32 to index
      %parallel_loop3A_681 = arith.index_cast %parallel_loop3A_678 : i32 to index
      %parallel_loop3A_682 = tpu.vector_load %arg5[%parallel_loop3A_680, %parallel_loop3A_681] {strides = array<i32>} : memref<26x512xi32, #tpu.memory_space<vmem>>, vector<16xi32>,
      %parallel_loop3A_683 = arith.constant 11 : i32
      %parallel_loop3A_684 = arith.index_cast %parallel_loop3A_683 : i32 to index
      %parallel_loop3A_685 = arith.index_cast %parallel_loop3A_678 : i32 to index
      %parallel_loop3A_686 = tpu.vector_load %arg6[%parallel_loop3A_684, %parallel_loop3A_685] {strides = array<i32>} : memref<26x512xf32, #tpu.memory_space<vmem>>, vector<16xf32>,
      tpu.vector_store_idx %arg14[%parallel_loop3A_110, %parallel_loop3A_682], %parallel_loop3A_686 {add = true} : memref<64x128xf32, #tpu.memory_space<vmem>>[vector<16xi32>, vector<16xi32>], vector<16xf32>,
      %parallel_loop3A_687 = arith.constant 16 : i32
      %parallel_loop3A_688 = arith.muli %parallel_loop3A_106, %parallel_loop3A_687 : i32
      %parallel_loop3A_689 = arith.constant 256 : i32
      %parallel_loop3A_690 = arith.addi %parallel_loop3A_689, %parallel_loop3A_688 : i32
      %parallel_loop3A_691 = arith.constant 12 : i32
      %parallel_loop3A_692 = arith.index_cast %parallel_loop3A_691 : i32 to index
      %parallel_loop3A_693 = arith.index_cast %parallel_loop3A_690 : i32 to index
      %parallel_loop3A_694 = tpu.vector_load %arg5[%parallel_loop3A_692, %parallel_loop3A_693] {strides = array<i32>} : memref<26x512xi32, #tpu.memory_space<vmem>>, vector<16xi32>,
      %parallel_loop3A_695 = arith.constant 12 : i32
      %parallel_loop3A_696 = arith.index_cast %parallel_loop3A_695 : i32 to index
      %parallel_loop3A_697 = arith.index_cast %parallel_loop3A_690 : i32 to index
      %parallel_loop3A_698 = tpu.vector_load %arg6[%parallel_loop3A_696, %parallel_loop3A_697] {strides = array<i32>} : memref<26x512xf32, #tpu.memory_space<vmem>>, vector<16xf32>,
      tpu.vector_store_idx %arg11[%parallel_loop3A_110, %parallel_loop3A_694], %parallel_loop3A_698 {add = true} : memref<64x128xf32, #tpu.memory_space<vmem>>[vector<16xi32>, vector<16xi32>], vector<16xf32>,
      %parallel_loop3A_699 = arith.constant 16 : i32
      %parallel_loop3A_700 = arith.muli %parallel_loop3A_106, %parallel_loop3A_699 : i32
      %parallel_loop3A_701 = arith.constant 320 : i32
      %parallel_loop3A_702 = arith.addi %parallel_loop3A_701, %parallel_loop3A_700 : i32
      %parallel_loop3A_703 = arith.constant 12 : i32
      %parallel_loop3A_704 = arith.index_cast %parallel_loop3A_703 : i32 to index
      %parallel_loop3A_705 = arith.index_cast %parallel_loop3A_702 : i32 to index
      %parallel_loop3A_706 = tpu.vector_load %arg5[%parallel_loop3A_704, %parallel_loop3A_705] {strides = array<i32>} : memref<26x512xi32, #tpu.memory_space<vmem>>, vector<16xi32>,
      %parallel_loop3A_707 = arith.constant 12 : i32
      %parallel_loop3A_708 = arith.index_cast %parallel_loop3A_707 : i32 to index
      %parallel_loop3A_709 = arith.index_cast %parallel_loop3A_702 : i32 to index
      %parallel_loop3A_710 = tpu.vector_load %arg6[%parallel_loop3A_708, %parallel_loop3A_709] {strides = array<i32>} : memref<26x512xf32, #tpu.memory_space<vmem>>, vector<16xf32>,
      tpu.vector_store_idx %arg12[%parallel_loop3A_110, %parallel_loop3A_706], %parallel_loop3A_710 {add = true} : memref<64x128xf32, #tpu.memory_space<vmem>>[vector<16xi32>, vector<16xi32>], vector<16xf32>,
      %parallel_loop3A_711 = arith.constant 16 : i32
      %parallel_loop3A_712 = arith.muli %parallel_loop3A_106, %parallel_loop3A_711 : i32
      %parallel_loop3A_713 = arith.constant 384 : i32
      %parallel_loop3A_714 = arith.addi %parallel_loop3A_713, %parallel_loop3A_712 : i32
      %parallel_loop3A_715 = arith.constant 12 : i32
      %parallel_loop3A_716 = arith.index_cast %parallel_loop3A_715 : i32 to index
      %parallel_loop3A_717 = arith.index_cast %parallel_loop3A_714 : i32 to index
      %parallel_loop3A_718 = tpu.vector_load %arg5[%parallel_loop3A_716, %parallel_loop3A_717] {strides = array<i32>} : memref<26x512xi32, #tpu.memory_space<vmem>>, vector<16xi32>,
      %parallel_loop3A_719 = arith.constant 12 : i32
      %parallel_loop3A_720 = arith.index_cast %parallel_loop3A_719 : i32 to index
      %parallel_loop3A_721 = arith.index_cast %parallel_loop3A_714 : i32 to index
      %parallel_loop3A_722 = tpu.vector_load %arg6[%parallel_loop3A_720, %parallel_loop3A_721] {strides = array<i32>} : memref<26x512xf32, #tpu.memory_space<vmem>>, vector<16xf32>,
      tpu.vector_store_idx %arg13[%parallel_loop3A_110, %parallel_loop3A_718], %parallel_loop3A_722 {add = true} : memref<64x128xf32, #tpu.memory_space<vmem>>[vector<16xi32>, vector<16xi32>], vector<16xf32>,
      %parallel_loop3A_723 = arith.constant 16 : i32
      %parallel_loop3A_724 = arith.muli %parallel_loop3A_106, %parallel_loop3A_723 : i32
      %parallel_loop3A_725 = arith.constant 448 : i32
      %parallel_loop3A_726 = arith.addi %parallel_loop3A_725, %parallel_loop3A_724 : i32
      %parallel_loop3A_727 = arith.constant 12 : i32
      %parallel_loop3A_728 = arith.index_cast %parallel_loop3A_727 : i32 to index
      %parallel_loop3A_729 = arith.index_cast %parallel_loop3A_726 : i32 to index
      %parallel_loop3A_730 = tpu.vector_load %arg5[%parallel_loop3A_728, %parallel_loop3A_729] {strides = array<i32>} : memref<26x512xi32, #tpu.memory_space<vmem>>, vector<16xi32>,
      %parallel_loop3A_731 = arith.constant 12 : i32
      %parallel_loop3A_732 = arith.index_cast %parallel_loop3A_731 : i32 to index
      %parallel_loop3A_733 = arith.index_cast %parallel_loop3A_726 : i32 to index
      %parallel_loop3A_734 = tpu.vector_load %arg6[%parallel_loop3A_732, %parallel_loop3A_733] {strides = array<i32>} : memref<26x512xf32, #tpu.memory_space<vmem>>, vector<16xf32>,
      tpu.vector_store_idx %arg14[%parallel_loop3A_110, %parallel_loop3A_730], %parallel_loop3A_734 {add = true} : memref<64x128xf32, #tpu.memory_space<vmem>>[vector<16xi32>, vector<16xi32>], vector<16xf32>,
      %parallel_loop3A_735 = arith.constant 16 : i32
      %parallel_loop3A_736 = arith.muli %parallel_loop3A_106, %parallel_loop3A_735 : i32
      %parallel_loop3A_737 = arith.constant 256 : i32
      %parallel_loop3A_738 = arith.addi %parallel_loop3A_737, %parallel_loop3A_736 : i32
      %parallel_loop3A_739 = arith.constant 13 : i32
      %parallel_loop3A_740 = arith.index_cast %parallel_loop3A_739 : i32 to index
      %parallel_loop3A_741 = arith.index_cast %parallel_loop3A_738 : i32 to index
      %parallel_loop3A_742 = tpu.vector_load %arg5[%parallel_loop3A_740, %parallel_loop3A_741] {strides = array<i32>} : memref<26x512xi32, #tpu.memory_space<vmem>>, vector<16xi32>,
      %parallel_loop3A_743 = arith.constant 13 : i32
      %parallel_loop3A_744 = arith.index_cast %parallel_loop3A_743 : i32 to index
      %parallel_loop3A_745 = arith.index_cast %parallel_loop3A_738 : i32 to index
      %parallel_loop3A_746 = tpu.vector_load %arg6[%parallel_loop3A_744, %parallel_loop3A_745] {strides = array<i32>} : memref<26x512xf32, #tpu.memory_space<vmem>>, vector<16xf32>,
      tpu.vector_store_idx %arg11[%parallel_loop3A_110, %parallel_loop3A_742], %parallel_loop3A_746 {add = true} : memref<64x128xf32, #tpu.memory_space<vmem>>[vector<16xi32>, vector<16xi32>], vector<16xf32>,
      %parallel_loop3A_747 = arith.constant 16 : i32
      %parallel_loop3A_748 = arith.muli %parallel_loop3A_106, %parallel_loop3A_747 : i32
      %parallel_loop3A_749 = arith.constant 320 : i32
      %parallel_loop3A_750 = arith.addi %parallel_loop3A_749, %parallel_loop3A_748 : i32
      %parallel_loop3A_751 = arith.constant 13 : i32
      %parallel_loop3A_752 = arith.index_cast %parallel_loop3A_751 : i32 to index
      %parallel_loop3A_753 = arith.index_cast %parallel_loop3A_750 : i32 to index
      %parallel_loop3A_754 = tpu.vector_load %arg5[%parallel_loop3A_752, %parallel_loop3A_753] {strides = array<i32>} : memref<26x512xi32, #tpu.memory_space<vmem>>, vector<16xi32>,
      %parallel_loop3A_755 = arith.constant 13 : i32
      %parallel_loop3A_756 = arith.index_cast %parallel_loop3A_755 : i32 to index
      %parallel_loop3A_757 = arith.index_cast %parallel_loop3A_750 : i32 to index
      %parallel_loop3A_758 = tpu.vector_load %arg6[%parallel_loop3A_756, %parallel_loop3A_757] {strides = array<i32>} : memref<26x512xf32, #tpu.memory_space<vmem>>, vector<16xf32>,
      tpu.vector_store_idx %arg12[%parallel_loop3A_110, %parallel_loop3A_754], %parallel_loop3A_758 {add = true} : memref<64x128xf32, #tpu.memory_space<vmem>>[vector<16xi32>, vector<16xi32>], vector<16xf32>,
      %parallel_loop3A_759 = arith.constant 16 : i32
      %parallel_loop3A_760 = arith.muli %parallel_loop3A_106, %parallel_loop3A_759 : i32
      %parallel_loop3A_761 = arith.constant 384 : i32
      %parallel_loop3A_762 = arith.addi %parallel_loop3A_761, %parallel_loop3A_760 : i32
      %parallel_loop3A_763 = arith.constant 13 : i32
      %parallel_loop3A_764 = arith.index_cast %parallel_loop3A_763 : i32 to index
      %parallel_loop3A_765 = arith.index_cast %parallel_loop3A_762 : i32 to index
      %parallel_loop3A_766 = tpu.vector_load %arg5[%parallel_loop3A_764, %parallel_loop3A_765] {strides = array<i32>} : memref<26x512xi32, #tpu.memory_space<vmem>>, vector<16xi32>,
      %parallel_loop3A_767 = arith.constant 13 : i32
      %parallel_loop3A_768 = arith.index_cast %parallel_loop3A_767 : i32 to index
      %parallel_loop3A_769 = arith.index_cast %parallel_loop3A_762 : i32 to index
      %parallel_loop3A_770 = tpu.vector_load %arg6[%parallel_loop3A_768, %parallel_loop3A_769] {strides = array<i32>} : memref<26x512xf32, #tpu.memory_space<vmem>>, vector<16xf32>,
      tpu.vector_store_idx %arg13[%parallel_loop3A_110, %parallel_loop3A_766], %parallel_loop3A_770 {add = true} : memref<64x128xf32, #tpu.memory_space<vmem>>[vector<16xi32>, vector<16xi32>], vector<16xf32>,
      %parallel_loop3A_771 = arith.constant 16 : i32
      %parallel_loop3A_772 = arith.muli %parallel_loop3A_106, %parallel_loop3A_771 : i32
      %parallel_loop3A_773 = arith.constant 448 : i32
      %parallel_loop3A_774 = arith.addi %parallel_loop3A_773, %parallel_loop3A_772 : i32
      %parallel_loop3A_775 = arith.constant 13 : i32
      %parallel_loop3A_776 = arith.index_cast %parallel_loop3A_775 : i32 to index
      %parallel_loop3A_777 = arith.index_cast %parallel_loop3A_774 : i32 to index
      %parallel_loop3A_778 = tpu.vector_load %arg5[%parallel_loop3A_776, %parallel_loop3A_777] {strides = array<i32>} : memref<26x512xi32, #tpu.memory_space<vmem>>, vector<16xi32>,
      %parallel_loop3A_779 = arith.constant 13 : i32
      %parallel_loop3A_780 = arith.index_cast %parallel_loop3A_779 : i32 to index
      %parallel_loop3A_781 = arith.index_cast %parallel_loop3A_774 : i32 to index
      %parallel_loop3A_782 = tpu.vector_load %arg6[%parallel_loop3A_780, %parallel_loop3A_781] {strides = array<i32>} : memref<26x512xf32, #tpu.memory_space<vmem>>, vector<16xf32>,
      tpu.vector_store_idx %arg14[%parallel_loop3A_110, %parallel_loop3A_778], %parallel_loop3A_782 {add = true} : memref<64x128xf32, #tpu.memory_space<vmem>>[vector<16xi32>, vector<16xi32>], vector<16xf32>,
      %parallel_loop3A_783 = arith.constant 16 : i32
      %parallel_loop3A_784 = arith.muli %parallel_loop3A_106, %parallel_loop3A_783 : i32
      %parallel_loop3A_785 = arith.constant 256 : i32
      %parallel_loop3A_786 = arith.addi %parallel_loop3A_785, %parallel_loop3A_784 : i32
      %parallel_loop3A_787 = arith.constant 14 : i32
      %parallel_loop3A_788 = arith.index_cast %parallel_loop3A_787 : i32 to index
      %parallel_loop3A_789 = arith.index_cast %parallel_loop3A_786 : i32 to index
      %parallel_loop3A_790 = tpu.vector_load %arg5[%parallel_loop3A_788, %parallel_loop3A_789] {strides = array<i32>} : memref<26x512xi32, #tpu.memory_space<vmem>>, vector<16xi32>,
      %parallel_loop3A_791 = arith.constant 14 : i32
      %parallel_loop3A_792 = arith.index_cast %parallel_loop3A_791 : i32 to index
      %parallel_loop3A_793 = arith.index_cast %parallel_loop3A_786 : i32 to index
      %parallel_loop3A_794 = tpu.vector_load %arg6[%parallel_loop3A_792, %parallel_loop3A_793] {strides = array<i32>} : memref<26x512xf32, #tpu.memory_space<vmem>>, vector<16xf32>,
      tpu.vector_store_idx %arg11[%parallel_loop3A_110, %parallel_loop3A_790], %parallel_loop3A_794 {add = true} : memref<64x128xf32, #tpu.memory_space<vmem>>[vector<16xi32>, vector<16xi32>], vector<16xf32>,
      %parallel_loop3A_795 = arith.constant 16 : i32
      %parallel_loop3A_796 = arith.muli %parallel_loop3A_106, %parallel_loop3A_795 : i32
      %parallel_loop3A_797 = arith.constant 320 : i32
      %parallel_loop3A_798 = arith.addi %parallel_loop3A_797, %parallel_loop3A_796 : i32
      %parallel_loop3A_799 = arith.constant 14 : i32
      %parallel_loop3A_800 = arith.index_cast %parallel_loop3A_799 : i32 to index
      %parallel_loop3A_801 = arith.index_cast %parallel_loop3A_798 : i32 to index
      %parallel_loop3A_802 = tpu.vector_load %arg5[%parallel_loop3A_800, %parallel_loop3A_801] {strides = array<i32>} : memref<26x512xi32, #tpu.memory_space<vmem>>, vector<16xi32>,
      %parallel_loop3A_803 = arith.constant 14 : i32
      %parallel_loop3A_804 = arith.index_cast %parallel_loop3A_803 : i32 to index
      %parallel_loop3A_805 = arith.index_cast %parallel_loop3A_798 : i32 to index
      %parallel_loop3A_806 = tpu.vector_load %arg6[%parallel_loop3A_804, %parallel_loop3A_805] {strides = array<i32>} : memref<26x512xf32, #tpu.memory_space<vmem>>, vector<16xf32>,
      tpu.vector_store_idx %arg12[%parallel_loop3A_110, %parallel_loop3A_802], %parallel_loop3A_806 {add = true} : memref<64x128xf32, #tpu.memory_space<vmem>>[vector<16xi32>, vector<16xi32>], vector<16xf32>,
      %parallel_loop3A_807 = arith.constant 16 : i32
      %parallel_loop3A_808 = arith.muli %parallel_loop3A_106, %parallel_loop3A_807 : i32
      %parallel_loop3A_809 = arith.constant 384 : i32
      %parallel_loop3A_810 = arith.addi %parallel_loop3A_809, %parallel_loop3A_808 : i32
      %parallel_loop3A_811 = arith.constant 14 : i32
      %parallel_loop3A_812 = arith.index_cast %parallel_loop3A_811 : i32 to index
      %parallel_loop3A_813 = arith.index_cast %parallel_loop3A_810 : i32 to index
      %parallel_loop3A_814 = tpu.vector_load %arg5[%parallel_loop3A_812, %parallel_loop3A_813] {strides = array<i32>} : memref<26x512xi32, #tpu.memory_space<vmem>>, vector<16xi32>,
      %parallel_loop3A_815 = arith.constant 14 : i32
      %parallel_loop3A_816 = arith.index_cast %parallel_loop3A_815 : i32 to index
      %parallel_loop3A_817 = arith.index_cast %parallel_loop3A_810 : i32 to index
      %parallel_loop3A_818 = tpu.vector_load %arg6[%parallel_loop3A_816, %parallel_loop3A_817] {strides = array<i32>} : memref<26x512xf32, #tpu.memory_space<vmem>>, vector<16xf32>,
      tpu.vector_store_idx %arg13[%parallel_loop3A_110, %parallel_loop3A_814], %parallel_loop3A_818 {add = true} : memref<64x128xf32, #tpu.memory_space<vmem>>[vector<16xi32>, vector<16xi32>], vector<16xf32>,
      %parallel_loop3A_819 = arith.constant 16 : i32
      %parallel_loop3A_820 = arith.muli %parallel_loop3A_106, %parallel_loop3A_819 : i32
      %parallel_loop3A_821 = arith.constant 448 : i32
      %parallel_loop3A_822 = arith.addi %parallel_loop3A_821, %parallel_loop3A_820 : i32
      %parallel_loop3A_823 = arith.constant 14 : i32
      %parallel_loop3A_824 = arith.index_cast %parallel_loop3A_823 : i32 to index
      %parallel_loop3A_825 = arith.index_cast %parallel_loop3A_822 : i32 to index
      %parallel_loop3A_826 = tpu.vector_load %arg5[%parallel_loop3A_824, %parallel_loop3A_825] {strides = array<i32>} : memref<26x512xi32, #tpu.memory_space<vmem>>, vector<16xi32>,
      %parallel_loop3A_827 = arith.constant 14 : i32
      %parallel_loop3A_828 = arith.index_cast %parallel_loop3A_827 : i32 to index
      %parallel_loop3A_829 = arith.index_cast %parallel_loop3A_822 : i32 to index
      %parallel_loop3A_830 = tpu.vector_load %arg6[%parallel_loop3A_828, %parallel_loop3A_829] {strides = array<i32>} : memref<26x512xf32, #tpu.memory_space<vmem>>, vector<16xf32>,
      tpu.vector_store_idx %arg14[%parallel_loop3A_110, %parallel_loop3A_826], %parallel_loop3A_830 {add = true} : memref<64x128xf32, #tpu.memory_space<vmem>>[vector<16xi32>, vector<16xi32>], vector<16xf32>,
      %parallel_loop3A_831 = arith.constant 16 : i32
      %parallel_loop3A_832 = arith.muli %parallel_loop3A_106, %parallel_loop3A_831 : i32
      %parallel_loop3A_833 = arith.constant 256 : i32
      %parallel_loop3A_834 = arith.addi %parallel_loop3A_833, %parallel_loop3A_832 : i32
      %parallel_loop3A_835 = arith.constant 15 : i32
      %parallel_loop3A_836 = arith.index_cast %parallel_loop3A_835 : i32 to index
      %parallel_loop3A_837 = arith.index_cast %parallel_loop3A_834 : i32 to index
      %parallel_loop3A_838 = tpu.vector_load %arg5[%parallel_loop3A_836, %parallel_loop3A_837] {strides = array<i32>} : memref<26x512xi32, #tpu.memory_space<vmem>>, vector<16xi32>,
      %parallel_loop3A_839 = arith.constant 15 : i32
      %parallel_loop3A_840 = arith.index_cast %parallel_loop3A_839 : i32 to index
      %parallel_loop3A_841 = arith.index_cast %parallel_loop3A_834 : i32 to index
      %parallel_loop3A_842 = tpu.vector_load %arg6[%parallel_loop3A_840, %parallel_loop3A_841] {strides = array<i32>} : memref<26x512xf32, #tpu.memory_space<vmem>>, vector<16xf32>,
      tpu.vector_store_idx %arg11[%parallel_loop3A_110, %parallel_loop3A_838], %parallel_loop3A_842 {add = true} : memref<64x128xf32, #tpu.memory_space<vmem>>[vector<16xi32>, vector<16xi32>], vector<16xf32>,
      %parallel_loop3A_843 = arith.constant 16 : i32
      %parallel_loop3A_844 = arith.muli %parallel_loop3A_106, %parallel_loop3A_843 : i32
      %parallel_loop3A_845 = arith.constant 320 : i32
      %parallel_loop3A_846 = arith.addi %parallel_loop3A_845, %parallel_loop3A_844 : i32
      %parallel_loop3A_847 = arith.constant 15 : i32
      %parallel_loop3A_848 = arith.index_cast %parallel_loop3A_847 : i32 to index
      %parallel_loop3A_849 = arith.index_cast %parallel_loop3A_846 : i32 to index
      %parallel_loop3A_850 = tpu.vector_load %arg5[%parallel_loop3A_848, %parallel_loop3A_849] {strides = array<i32>} : memref<26x512xi32, #tpu.memory_space<vmem>>, vector<16xi32>,
      %parallel_loop3A_851 = arith.constant 15 : i32
      %parallel_loop3A_852 = arith.index_cast %parallel_loop3A_851 : i32 to index
      %parallel_loop3A_853 = arith.index_cast %parallel_loop3A_846 : i32 to index
      %parallel_loop3A_854 = tpu.vector_load %arg6[%parallel_loop3A_852, %parallel_loop3A_853] {strides = array<i32>} : memref<26x512xf32, #tpu.memory_space<vmem>>, vector<16xf32>,
      tpu.vector_store_idx %arg12[%parallel_loop3A_110, %parallel_loop3A_850], %parallel_loop3A_854 {add = true} : memref<64x128xf32, #tpu.memory_space<vmem>>[vector<16xi32>, vector<16xi32>], vector<16xf32>,
      %parallel_loop3A_855 = arith.constant 16 : i32
      %parallel_loop3A_856 = arith.muli %parallel_loop3A_106, %parallel_loop3A_855 : i32
      %parallel_loop3A_857 = arith.constant 384 : i32
      %parallel_loop3A_858 = arith.addi %parallel_loop3A_857, %parallel_loop3A_856 : i32
      %parallel_loop3A_859 = arith.constant 15 : i32
      %parallel_loop3A_860 = arith.index_cast %parallel_loop3A_859 : i32 to index
      %parallel_loop3A_861 = arith.index_cast %parallel_loop3A_858 : i32 to index
      %parallel_loop3A_862 = tpu.vector_load %arg5[%parallel_loop3A_860, %parallel_loop3A_861] {strides = array<i32>} : memref<26x512xi32, #tpu.memory_space<vmem>>, vector<16xi32>,
      %parallel_loop3A_863 = arith.constant 15 : i32
      %parallel_loop3A_864 = arith.index_cast %parallel_loop3A_863 : i32 to index
      %parallel_loop3A_865 = arith.index_cast %parallel_loop3A_858 : i32 to index
      %parallel_loop3A_866 = tpu.vector_load %arg6[%parallel_loop3A_864, %parallel_loop3A_865] {strides = array<i32>} : memref<26x512xf32, #tpu.memory_space<vmem>>, vector<16xf32>,
      tpu.vector_store_idx %arg13[%parallel_loop3A_110, %parallel_loop3A_862], %parallel_loop3A_866 {add = true} : memref<64x128xf32, #tpu.memory_space<vmem>>[vector<16xi32>, vector<16xi32>], vector<16xf32>,
      %parallel_loop3A_867 = arith.constant 16 : i32
      %parallel_loop3A_868 = arith.muli %parallel_loop3A_106, %parallel_loop3A_867 : i32
      %parallel_loop3A_869 = arith.constant 448 : i32
      %parallel_loop3A_870 = arith.addi %parallel_loop3A_869, %parallel_loop3A_868 : i32
      %parallel_loop3A_871 = arith.constant 15 : i32
      %parallel_loop3A_872 = arith.index_cast %parallel_loop3A_871 : i32 to index
      %parallel_loop3A_873 = arith.index_cast %parallel_loop3A_870 : i32 to index
      %parallel_loop3A_874 = tpu.vector_load %arg5[%parallel_loop3A_872, %parallel_loop3A_873] {strides = array<i32>} : memref<26x512xi32, #tpu.memory_space<vmem>>, vector<16xi32>,
      %parallel_loop3A_875 = arith.constant 15 : i32
      %parallel_loop3A_876 = arith.index_cast %parallel_loop3A_875 : i32 to index
      %parallel_loop3A_877 = arith.index_cast %parallel_loop3A_870 : i32 to index
      %parallel_loop3A_878 = tpu.vector_load %arg6[%parallel_loop3A_876, %parallel_loop3A_877] {strides = array<i32>} : memref<26x512xf32, #tpu.memory_space<vmem>>, vector<16xf32>,
      tpu.vector_store_idx %arg14[%parallel_loop3A_110, %parallel_loop3A_874], %parallel_loop3A_878 {add = true} : memref<64x128xf32, #tpu.memory_space<vmem>>[vector<16xi32>, vector<16xi32>], vector<16xf32>,
      %parallel_loop3A_879 = arith.constant 16 : i32
      %parallel_loop3A_880 = arith.muli %parallel_loop3A_106, %parallel_loop3A_879 : i32
      %parallel_loop3A_881 = arith.constant 256 : i32
      %parallel_loop3A_882 = arith.addi %parallel_loop3A_881, %parallel_loop3A_880 : i32
      %parallel_loop3A_883 = arith.constant 16 : i32
      %parallel_loop3A_884 = arith.index_cast %parallel_loop3A_883 : i32 to index
      %parallel_loop3A_885 = arith.index_cast %parallel_loop3A_882 : i32 to index
      %parallel_loop3A_886 = tpu.vector_load %arg5[%parallel_loop3A_884, %parallel_loop3A_885] {strides = array<i32>} : memref<26x512xi32, #tpu.memory_space<vmem>>, vector<16xi32>,
      %parallel_loop3A_887 = arith.constant 16 : i32
      %parallel_loop3A_888 = arith.index_cast %parallel_loop3A_887 : i32 to index
      %parallel_loop3A_889 = arith.index_cast %parallel_loop3A_882 : i32 to index
      %parallel_loop3A_890 = tpu.vector_load %arg6[%parallel_loop3A_888, %parallel_loop3A_889] {strides = array<i32>} : memref<26x512xf32, #tpu.memory_space<vmem>>, vector<16xf32>,
      tpu.vector_store_idx %arg11[%parallel_loop3A_110, %parallel_loop3A_886], %parallel_loop3A_890 {add = true} : memref<64x128xf32, #tpu.memory_space<vmem>>[vector<16xi32>, vector<16xi32>], vector<16xf32>,
      %parallel_loop3A_891 = arith.constant 16 : i32
      %parallel_loop3A_892 = arith.muli %parallel_loop3A_106, %parallel_loop3A_891 : i32
      %parallel_loop3A_893 = arith.constant 320 : i32
      %parallel_loop3A_894 = arith.addi %parallel_loop3A_893, %parallel_loop3A_892 : i32
      %parallel_loop3A_895 = arith.constant 16 : i32
      %parallel_loop3A_896 = arith.index_cast %parallel_loop3A_895 : i32 to index
      %parallel_loop3A_897 = arith.index_cast %parallel_loop3A_894 : i32 to index
      %parallel_loop3A_898 = tpu.vector_load %arg5[%parallel_loop3A_896, %parallel_loop3A_897] {strides = array<i32>} : memref<26x512xi32, #tpu.memory_space<vmem>>, vector<16xi32>,
      %parallel_loop3A_899 = arith.constant 16 : i32
      %parallel_loop3A_900 = arith.index_cast %parallel_loop3A_899 : i32 to index
      %parallel_loop3A_901 = arith.index_cast %parallel_loop3A_894 : i32 to index
      %parallel_loop3A_902 = tpu.vector_load %arg6[%parallel_loop3A_900, %parallel_loop3A_901] {strides = array<i32>} : memref<26x512xf32, #tpu.memory_space<vmem>>, vector<16xf32>,
      tpu.vector_store_idx %arg12[%parallel_loop3A_110, %parallel_loop3A_898], %parallel_loop3A_902 {add = true} : memref<64x128xf32, #tpu.memory_space<vmem>>[vector<16xi32>, vector<16xi32>], vector<16xf32>,
      %parallel_loop3A_903 = arith.constant 16 : i32
      %parallel_loop3A_904 = arith.muli %parallel_loop3A_106, %parallel_loop3A_903 : i32
      %parallel_loop3A_905 = arith.constant 384 : i32
      %parallel_loop3A_906 = arith.addi %parallel_loop3A_905, %parallel_loop3A_904 : i32
      %parallel_loop3A_907 = arith.constant 16 : i32
      %parallel_loop3A_908 = arith.index_cast %parallel_loop3A_907 : i32 to index
      %parallel_loop3A_909 = arith.index_cast %parallel_loop3A_906 : i32 to index
      %parallel_loop3A_910 = tpu.vector_load %arg5[%parallel_loop3A_908, %parallel_loop3A_909] {strides = array<i32>} : memref<26x512xi32, #tpu.memory_space<vmem>>, vector<16xi32>,
      %parallel_loop3A_911 = arith.constant 16 : i32
      %parallel_loop3A_912 = arith.index_cast %parallel_loop3A_911 : i32 to index
      %parallel_loop3A_913 = arith.index_cast %parallel_loop3A_906 : i32 to index
      %parallel_loop3A_914 = tpu.vector_load %arg6[%parallel_loop3A_912, %parallel_loop3A_913] {strides = array<i32>} : memref<26x512xf32, #tpu.memory_space<vmem>>, vector<16xf32>,
      tpu.vector_store_idx %arg13[%parallel_loop3A_110, %parallel_loop3A_910], %parallel_loop3A_914 {add = true} : memref<64x128xf32, #tpu.memory_space<vmem>>[vector<16xi32>, vector<16xi32>], vector<16xf32>,
      %parallel_loop3A_915 = arith.constant 16 : i32
      %parallel_loop3A_916 = arith.muli %parallel_loop3A_106, %parallel_loop3A_915 : i32
      %parallel_loop3A_917 = arith.constant 448 : i32
      %parallel_loop3A_918 = arith.addi %parallel_loop3A_917, %parallel_loop3A_916 : i32
      %parallel_loop3A_919 = arith.constant 16 : i32
      %parallel_loop3A_920 = arith.index_cast %parallel_loop3A_919 : i32 to index
      %parallel_loop3A_921 = arith.index_cast %parallel_loop3A_918 : i32 to index
      %parallel_loop3A_922 = tpu.vector_load %arg5[%parallel_loop3A_920, %parallel_loop3A_921] {strides = array<i32>} : memref<26x512xi32, #tpu.memory_space<vmem>>, vector<16xi32>,
      %parallel_loop3A_923 = arith.constant 16 : i32
      %parallel_loop3A_924 = arith.index_cast %parallel_loop3A_923 : i32 to index
      %parallel_loop3A_925 = arith.index_cast %parallel_loop3A_918 : i32 to index
      %parallel_loop3A_926 = tpu.vector_load %arg6[%parallel_loop3A_924, %parallel_loop3A_925] {strides = array<i32>} : memref<26x512xf32, #tpu.memory_space<vmem>>, vector<16xf32>,
      tpu.vector_store_idx %arg14[%parallel_loop3A_110, %parallel_loop3A_922], %parallel_loop3A_926 {add = true} : memref<64x128xf32, #tpu.memory_space<vmem>>[vector<16xi32>, vector<16xi32>], vector<16xf32>,
      %parallel_loop3A_927 = arith.constant 16 : i32
      %parallel_loop3A_928 = arith.muli %parallel_loop3A_106, %parallel_loop3A_927 : i32
      %parallel_loop3A_929 = arith.constant 256 : i32
      %parallel_loop3A_930 = arith.addi %parallel_loop3A_929, %parallel_loop3A_928 : i32
      %parallel_loop3A_931 = arith.constant 17 : i32
      %parallel_loop3A_932 = arith.index_cast %parallel_loop3A_931 : i32 to index
      %parallel_loop3A_933 = arith.index_cast %parallel_loop3A_930 : i32 to index
      %parallel_loop3A_934 = tpu.vector_load %arg5[%parallel_loop3A_932, %parallel_loop3A_933] {strides = array<i32>} : memref<26x512xi32, #tpu.memory_space<vmem>>, vector<16xi32>,
      %parallel_loop3A_935 = arith.constant 17 : i32
      %parallel_loop3A_936 = arith.index_cast %parallel_loop3A_935 : i32 to index
      %parallel_loop3A_937 = arith.index_cast %parallel_loop3A_930 : i32 to index
      %parallel_loop3A_938 = tpu.vector_load %arg6[%parallel_loop3A_936, %parallel_loop3A_937] {strides = array<i32>} : memref<26x512xf32, #tpu.memory_space<vmem>>, vector<16xf32>,
      tpu.vector_store_idx %arg11[%parallel_loop3A_110, %parallel_loop3A_934], %parallel_loop3A_938 {add = true} : memref<64x128xf32, #tpu.memory_space<vmem>>[vector<16xi32>, vector<16xi32>], vector<16xf32>,
      %parallel_loop3A_939 = arith.constant 16 : i32
      %parallel_loop3A_940 = arith.muli %parallel_loop3A_106, %parallel_loop3A_939 : i32
      %parallel_loop3A_941 = arith.constant 320 : i32
      %parallel_loop3A_942 = arith.addi %parallel_loop3A_941, %parallel_loop3A_940 : i32
      %parallel_loop3A_943 = arith.constant 17 : i32
      %parallel_loop3A_944 = arith.index_cast %parallel_loop3A_943 : i32 to index
      %parallel_loop3A_945 = arith.index_cast %parallel_loop3A_942 : i32 to index
      %parallel_loop3A_946 = tpu.vector_load %arg5[%parallel_loop3A_944, %parallel_loop3A_945] {strides = array<i32>} : memref<26x512xi32, #tpu.memory_space<vmem>>, vector<16xi32>,
      %parallel_loop3A_947 = arith.constant 17 : i32
      %parallel_loop3A_948 = arith.index_cast %parallel_loop3A_947 : i32 to index
      %parallel_loop3A_949 = arith.index_cast %parallel_loop3A_942 : i32 to index
      %parallel_loop3A_950 = tpu.vector_load %arg6[%parallel_loop3A_948, %parallel_loop3A_949] {strides = array<i32>} : memref<26x512xf32, #tpu.memory_space<vmem>>, vector<16xf32>,
      tpu.vector_store_idx %arg12[%parallel_loop3A_110, %parallel_loop3A_946], %parallel_loop3A_950 {add = true} : memref<64x128xf32, #tpu.memory_space<vmem>>[vector<16xi32>, vector<16xi32>], vector<16xf32>,
      %parallel_loop3A_951 = arith.constant 16 : i32
      %parallel_loop3A_952 = arith.muli %parallel_loop3A_106, %parallel_loop3A_951 : i32
      %parallel_loop3A_953 = arith.constant 384 : i32
      %parallel_loop3A_954 = arith.addi %parallel_loop3A_953, %parallel_loop3A_952 : i32
      %parallel_loop3A_955 = arith.constant 17 : i32
      %parallel_loop3A_956 = arith.index_cast %parallel_loop3A_955 : i32 to index
      %parallel_loop3A_957 = arith.index_cast %parallel_loop3A_954 : i32 to index
      %parallel_loop3A_958 = tpu.vector_load %arg5[%parallel_loop3A_956, %parallel_loop3A_957] {strides = array<i32>} : memref<26x512xi32, #tpu.memory_space<vmem>>, vector<16xi32>,
      %parallel_loop3A_959 = arith.constant 17 : i32
      %parallel_loop3A_960 = arith.index_cast %parallel_loop3A_959 : i32 to index
      %parallel_loop3A_961 = arith.index_cast %parallel_loop3A_954 : i32 to index
      %parallel_loop3A_962 = tpu.vector_load %arg6[%parallel_loop3A_960, %parallel_loop3A_961] {strides = array<i32>} : memref<26x512xf32, #tpu.memory_space<vmem>>, vector<16xf32>,
      tpu.vector_store_idx %arg13[%parallel_loop3A_110, %parallel_loop3A_958], %parallel_loop3A_962 {add = true} : memref<64x128xf32, #tpu.memory_space<vmem>>[vector<16xi32>, vector<16xi32>], vector<16xf32>,
      %parallel_loop3A_963 = arith.constant 16 : i32
      %parallel_loop3A_964 = arith.muli %parallel_loop3A_106, %parallel_loop3A_963 : i32
      %parallel_loop3A_965 = arith.constant 448 : i32
      %parallel_loop3A_966 = arith.addi %parallel_loop3A_965, %parallel_loop3A_964 : i32
      %parallel_loop3A_967 = arith.constant 17 : i32
      %parallel_loop3A_968 = arith.index_cast %parallel_loop3A_967 : i32 to index
      %parallel_loop3A_969 = arith.index_cast %parallel_loop3A_966 : i32 to index
      %parallel_loop3A_970 = tpu.vector_load %arg5[%parallel_loop3A_968, %parallel_loop3A_969] {strides = array<i32>} : memref<26x512xi32, #tpu.memory_space<vmem>>, vector<16xi32>,
      %parallel_loop3A_971 = arith.constant 17 : i32
      %parallel_loop3A_972 = arith.index_cast %parallel_loop3A_971 : i32 to index
      %parallel_loop3A_973 = arith.index_cast %parallel_loop3A_966 : i32 to index
      %parallel_loop3A_974 = tpu.vector_load %arg6[%parallel_loop3A_972, %parallel_loop3A_973] {strides = array<i32>} : memref<26x512xf32, #tpu.memory_space<vmem>>, vector<16xf32>,
      tpu.vector_store_idx %arg14[%parallel_loop3A_110, %parallel_loop3A_970], %parallel_loop3A_974 {add = true} : memref<64x128xf32, #tpu.memory_space<vmem>>[vector<16xi32>, vector<16xi32>], vector<16xf32>,
      %parallel_loop3A_975 = arith.constant 16 : i32
      %parallel_loop3A_976 = arith.muli %parallel_loop3A_106, %parallel_loop3A_975 : i32
      %parallel_loop3A_977 = arith.constant 256 : i32
      %parallel_loop3A_978 = arith.addi %parallel_loop3A_977, %parallel_loop3A_976 : i32
      %parallel_loop3A_979 = arith.constant 18 : i32
      %parallel_loop3A_980 = arith.index_cast %parallel_loop3A_979 : i32 to index
      %parallel_loop3A_981 = arith.index_cast %parallel_loop3A_978 : i32 to index
      %parallel_loop3A_982 = tpu.vector_load %arg5[%parallel_loop3A_980, %parallel_loop3A_981] {strides = array<i32>} : memref<26x512xi32, #tpu.memory_space<vmem>>, vector<16xi32>,
      %parallel_loop3A_983 = arith.constant 18 : i32
      %parallel_loop3A_984 = arith.index_cast %parallel_loop3A_983 : i32 to index
      %parallel_loop3A_985 = arith.index_cast %parallel_loop3A_978 : i32 to index
      %parallel_loop3A_986 = tpu.vector_load %arg6[%parallel_loop3A_984, %parallel_loop3A_985] {strides = array<i32>} : memref<26x512xf32, #tpu.memory_space<vmem>>, vector<16xf32>,
      tpu.vector_store_idx %arg11[%parallel_loop3A_110, %parallel_loop3A_982], %parallel_loop3A_986 {add = true} : memref<64x128xf32, #tpu.memory_space<vmem>>[vector<16xi32>, vector<16xi32>], vector<16xf32>,
      %parallel_loop3A_987 = arith.constant 16 : i32
      %parallel_loop3A_988 = arith.muli %parallel_loop3A_106, %parallel_loop3A_987 : i32
      %parallel_loop3A_989 = arith.constant 320 : i32
      %parallel_loop3A_990 = arith.addi %parallel_loop3A_989, %parallel_loop3A_988 : i32
      %parallel_loop3A_991 = arith.constant 18 : i32
      %parallel_loop3A_992 = arith.index_cast %parallel_loop3A_991 : i32 to index
      %parallel_loop3A_993 = arith.index_cast %parallel_loop3A_990 : i32 to index
      %parallel_loop3A_994 = tpu.vector_load %arg5[%parallel_loop3A_992, %parallel_loop3A_993] {strides = array<i32>} : memref<26x512xi32, #tpu.memory_space<vmem>>, vector<16xi32>,
      %parallel_loop3A_995 = arith.constant 18 : i32
      %parallel_loop3A_996 = arith.index_cast %parallel_loop3A_995 : i32 to index
      %parallel_loop3A_997 = arith.index_cast %parallel_loop3A_990 : i32 to index
      %parallel_loop3A_998 = tpu.vector_load %arg6[%parallel_loop3A_996, %parallel_loop3A_997] {strides = array<i32>} : memref<26x512xf32, #tpu.memory_space<vmem>>, vector<16xf32>,
      tpu.vector_store_idx %arg12[%parallel_loop3A_110, %parallel_loop3A_994], %parallel_loop3A_998 {add = true} : memref<64x128xf32, #tpu.memory_space<vmem>>[vector<16xi32>, vector<16xi32>], vector<16xf32>,
      %parallel_loop3A_999 = arith.constant 16 : i32
      %parallel_loop3A_1000 = arith.muli %parallel_loop3A_106, %parallel_loop3A_999 : i32
      %parallel_loop3A_1001 = arith.constant 384 : i32
      %parallel_loop3A_1002 = arith.addi %parallel_loop3A_1001, %parallel_loop3A_1000 : i32
      %parallel_loop3A_1003 = arith.constant 18 : i32
      %parallel_loop3A_1004 = arith.index_cast %parallel_loop3A_1003 : i32 to index
      %parallel_loop3A_1005 = arith.index_cast %parallel_loop3A_1002 : i32 to index
      %parallel_loop3A_1006 = tpu.vector_load %arg5[%parallel_loop3A_1004, %parallel_loop3A_1005] {strides = array<i32>} : memref<26x512xi32, #tpu.memory_space<vmem>>, vector<16xi32>,
      %parallel_loop3A_1007 = arith.constant 18 : i32
      %parallel_loop3A_1008 = arith.index_cast %parallel_loop3A_1007 : i32 to index
      %parallel_loop3A_1009 = arith.index_cast %parallel_loop3A_1002 : i32 to index
      %parallel_loop3A_1010 = tpu.vector_load %arg6[%parallel_loop3A_1008, %parallel_loop3A_1009] {strides = array<i32>} : memref<26x512xf32, #tpu.memory_space<vmem>>, vector<16xf32>,
      tpu.vector_store_idx %arg13[%parallel_loop3A_110, %parallel_loop3A_1006], %parallel_loop3A_1010 {add = true} : memref<64x128xf32, #tpu.memory_space<vmem>>[vector<16xi32>, vector<16xi32>], vector<16xf32>,
      %parallel_loop3A_1011 = arith.constant 16 : i32
      %parallel_loop3A_1012 = arith.muli %parallel_loop3A_106, %parallel_loop3A_1011 : i32
      %parallel_loop3A_1013 = arith.constant 448 : i32
      %parallel_loop3A_1014 = arith.addi %parallel_loop3A_1013, %parallel_loop3A_1012 : i32
      %parallel_loop3A_1015 = arith.constant 18 : i32
      %parallel_loop3A_1016 = arith.index_cast %parallel_loop3A_1015 : i32 to index
      %parallel_loop3A_1017 = arith.index_cast %parallel_loop3A_1014 : i32 to index
      %parallel_loop3A_1018 = tpu.vector_load %arg5[%parallel_loop3A_1016, %parallel_loop3A_1017] {strides = array<i32>} : memref<26x512xi32, #tpu.memory_space<vmem>>, vector<16xi32>,
      %parallel_loop3A_1019 = arith.constant 18 : i32
      %parallel_loop3A_1020 = arith.index_cast %parallel_loop3A_1019 : i32 to index
      %parallel_loop3A_1021 = arith.index_cast %parallel_loop3A_1014 : i32 to index
      %parallel_loop3A_1022 = tpu.vector_load %arg6[%parallel_loop3A_1020, %parallel_loop3A_1021] {strides = array<i32>} : memref<26x512xf32, #tpu.memory_space<vmem>>, vector<16xf32>,
      tpu.vector_store_idx %arg14[%parallel_loop3A_110, %parallel_loop3A_1018], %parallel_loop3A_1022 {add = true} : memref<64x128xf32, #tpu.memory_space<vmem>>[vector<16xi32>, vector<16xi32>], vector<16xf32>,
      %parallel_loop3A_1023 = arith.constant 16 : i32
      %parallel_loop3A_1024 = arith.muli %parallel_loop3A_106, %parallel_loop3A_1023 : i32
      %parallel_loop3A_1025 = arith.constant 256 : i32
      %parallel_loop3A_1026 = arith.addi %parallel_loop3A_1025, %parallel_loop3A_1024 : i32
      %parallel_loop3A_1027 = arith.constant 19 : i32
      %parallel_loop3A_1028 = arith.index_cast %parallel_loop3A_1027 : i32 to index
      %parallel_loop3A_1029 = arith.index_cast %parallel_loop3A_1026 : i32 to index
      %parallel_loop3A_1030 = tpu.vector_load %arg5[%parallel_loop3A_1028, %parallel_loop3A_1029] {strides = array<i32>} : memref<26x512xi32, #tpu.memory_space<vmem>>, vector<16xi32>,
      %parallel_loop3A_1031 = arith.constant 19 : i32
      %parallel_loop3A_1032 = arith.index_cast %parallel_loop3A_1031 : i32 to index
      %parallel_loop3A_1033 = arith.index_cast %parallel_loop3A_1026 : i32 to index
      %parallel_loop3A_1034 = tpu.vector_load %arg6[%parallel_loop3A_1032, %parallel_loop3A_1033] {strides = array<i32>} : memref<26x512xf32, #tpu.memory_space<vmem>>, vector<16xf32>,
      tpu.vector_store_idx %arg11[%parallel_loop3A_110, %parallel_loop3A_1030], %parallel_loop3A_1034 {add = true} : memref<64x128xf32, #tpu.memory_space<vmem>>[vector<16xi32>, vector<16xi32>], vector<16xf32>,
      %parallel_loop3A_1035 = arith.constant 16 : i32
      %parallel_loop3A_1036 = arith.muli %parallel_loop3A_106, %parallel_loop3A_1035 : i32
      %parallel_loop3A_1037 = arith.constant 320 : i32
      %parallel_loop3A_1038 = arith.addi %parallel_loop3A_1037, %parallel_loop3A_1036 : i32
      %parallel_loop3A_1039 = arith.constant 19 : i32
      %parallel_loop3A_1040 = arith.index_cast %parallel_loop3A_1039 : i32 to index
      %parallel_loop3A_1041 = arith.index_cast %parallel_loop3A_1038 : i32 to index
      %parallel_loop3A_1042 = tpu.vector_load %arg5[%parallel_loop3A_1040, %parallel_loop3A_1041] {strides = array<i32>} : memref<26x512xi32, #tpu.memory_space<vmem>>, vector<16xi32>,
      %parallel_loop3A_1043 = arith.constant 19 : i32
      %parallel_loop3A_1044 = arith.index_cast %parallel_loop3A_1043 : i32 to index
      %parallel_loop3A_1045 = arith.index_cast %parallel_loop3A_1038 : i32 to index
      %parallel_loop3A_1046 = tpu.vector_load %arg6[%parallel_loop3A_1044, %parallel_loop3A_1045] {strides = array<i32>} : memref<26x512xf32, #tpu.memory_space<vmem>>, vector<16xf32>,
      tpu.vector_store_idx %arg12[%parallel_loop3A_110, %parallel_loop3A_1042], %parallel_loop3A_1046 {add = true} : memref<64x128xf32, #tpu.memory_space<vmem>>[vector<16xi32>, vector<16xi32>], vector<16xf32>,
      %parallel_loop3A_1047 = arith.constant 16 : i32
      %parallel_loop3A_1048 = arith.muli %parallel_loop3A_106, %parallel_loop3A_1047 : i32
      %parallel_loop3A_1049 = arith.constant 384 : i32
      %parallel_loop3A_1050 = arith.addi %parallel_loop3A_1049, %parallel_loop3A_1048 : i32
      %parallel_loop3A_1051 = arith.constant 19 : i32
      %parallel_loop3A_1052 = arith.index_cast %parallel_loop3A_1051 : i32 to index
      %parallel_loop3A_1053 = arith.index_cast %parallel_loop3A_1050 : i32 to index
      %parallel_loop3A_1054 = tpu.vector_load %arg5[%parallel_loop3A_1052, %parallel_loop3A_1053] {strides = array<i32>} : memref<26x512xi32, #tpu.memory_space<vmem>>, vector<16xi32>,
      %parallel_loop3A_1055 = arith.constant 19 : i32
      %parallel_loop3A_1056 = arith.index_cast %parallel_loop3A_1055 : i32 to index
      %parallel_loop3A_1057 = arith.index_cast %parallel_loop3A_1050 : i32 to index
      %parallel_loop3A_1058 = tpu.vector_load %arg6[%parallel_loop3A_1056, %parallel_loop3A_1057] {strides = array<i32>} : memref<26x512xf32, #tpu.memory_space<vmem>>, vector<16xf32>,
      tpu.vector_store_idx %arg13[%parallel_loop3A_110, %parallel_loop3A_1054], %parallel_loop3A_1058 {add = true} : memref<64x128xf32, #tpu.memory_space<vmem>>[vector<16xi32>, vector<16xi32>], vector<16xf32>,
      %parallel_loop3A_1059 = arith.constant 16 : i32
      %parallel_loop3A_1060 = arith.muli %parallel_loop3A_106, %parallel_loop3A_1059 : i32
      %parallel_loop3A_1061 = arith.constant 448 : i32
      %parallel_loop3A_1062 = arith.addi %parallel_loop3A_1061, %parallel_loop3A_1060 : i32
      %parallel_loop3A_1063 = arith.constant 19 : i32
      %parallel_loop3A_1064 = arith.index_cast %parallel_loop3A_1063 : i32 to index
      %parallel_loop3A_1065 = arith.index_cast %parallel_loop3A_1062 : i32 to index
      %parallel_loop3A_1066 = tpu.vector_load %arg5[%parallel_loop3A_1064, %parallel_loop3A_1065] {strides = array<i32>} : memref<26x512xi32, #tpu.memory_space<vmem>>, vector<16xi32>,
      %parallel_loop3A_1067 = arith.constant 19 : i32
      %parallel_loop3A_1068 = arith.index_cast %parallel_loop3A_1067 : i32 to index
      %parallel_loop3A_1069 = arith.index_cast %parallel_loop3A_1062 : i32 to index
      %parallel_loop3A_1070 = tpu.vector_load %arg6[%parallel_loop3A_1068, %parallel_loop3A_1069] {strides = array<i32>} : memref<26x512xf32, #tpu.memory_space<vmem>>, vector<16xf32>,
      tpu.vector_store_idx %arg14[%parallel_loop3A_110, %parallel_loop3A_1066], %parallel_loop3A_1070 {add = true} : memref<64x128xf32, #tpu.memory_space<vmem>>[vector<16xi32>, vector<16xi32>], vector<16xf32>,
      %parallel_loop3A_1071 = arith.constant 16 : i32
      %parallel_loop3A_1072 = arith.muli %parallel_loop3A_106, %parallel_loop3A_1071 : i32
      %parallel_loop3A_1073 = arith.constant 256 : i32
      %parallel_loop3A_1074 = arith.addi %parallel_loop3A_1073, %parallel_loop3A_1072 : i32
      %parallel_loop3A_1075 = arith.constant 20 : i32
      %parallel_loop3A_1076 = arith.index_cast %parallel_loop3A_1075 : i32 to index
      %parallel_loop3A_1077 = arith.index_cast %parallel_loop3A_1074 : i32 to index
      %parallel_loop3A_1078 = tpu.vector_load %arg5[%parallel_loop3A_1076, %parallel_loop3A_1077] {strides = array<i32>} : memref<26x512xi32, #tpu.memory_space<vmem>>, vector<16xi32>,
      %parallel_loop3A_1079 = arith.constant 20 : i32
      %parallel_loop3A_1080 = arith.index_cast %parallel_loop3A_1079 : i32 to index
      %parallel_loop3A_1081 = arith.index_cast %parallel_loop3A_1074 : i32 to index
      %parallel_loop3A_1082 = tpu.vector_load %arg6[%parallel_loop3A_1080, %parallel_loop3A_1081] {strides = array<i32>} : memref<26x512xf32, #tpu.memory_space<vmem>>, vector<16xf32>,
      tpu.vector_store_idx %arg11[%parallel_loop3A_110, %parallel_loop3A_1078], %parallel_loop3A_1082 {add = true} : memref<64x128xf32, #tpu.memory_space<vmem>>[vector<16xi32>, vector<16xi32>], vector<16xf32>,
      %parallel_loop3A_1083 = arith.constant 16 : i32
      %parallel_loop3A_1084 = arith.muli %parallel_loop3A_106, %parallel_loop3A_1083 : i32
      %parallel_loop3A_1085 = arith.constant 320 : i32
      %parallel_loop3A_1086 = arith.addi %parallel_loop3A_1085, %parallel_loop3A_1084 : i32
      %parallel_loop3A_1087 = arith.constant 20 : i32
      %parallel_loop3A_1088 = arith.index_cast %parallel_loop3A_1087 : i32 to index
      %parallel_loop3A_1089 = arith.index_cast %parallel_loop3A_1086 : i32 to index
      %parallel_loop3A_1090 = tpu.vector_load %arg5[%parallel_loop3A_1088, %parallel_loop3A_1089] {strides = array<i32>} : memref<26x512xi32, #tpu.memory_space<vmem>>, vector<16xi32>,
      %parallel_loop3A_1091 = arith.constant 20 : i32
      %parallel_loop3A_1092 = arith.index_cast %parallel_loop3A_1091 : i32 to index
      %parallel_loop3A_1093 = arith.index_cast %parallel_loop3A_1086 : i32 to index
      %parallel_loop3A_1094 = tpu.vector_load %arg6[%parallel_loop3A_1092, %parallel_loop3A_1093] {strides = array<i32>} : memref<26x512xf32, #tpu.memory_space<vmem>>, vector<16xf32>,
      tpu.vector_store_idx %arg12[%parallel_loop3A_110, %parallel_loop3A_1090], %parallel_loop3A_1094 {add = true} : memref<64x128xf32, #tpu.memory_space<vmem>>[vector<16xi32>, vector<16xi32>], vector<16xf32>,
      %parallel_loop3A_1095 = arith.constant 16 : i32
      %parallel_loop3A_1096 = arith.muli %parallel_loop3A_106, %parallel_loop3A_1095 : i32
      %parallel_loop3A_1097 = arith.constant 384 : i32
      %parallel_loop3A_1098 = arith.addi %parallel_loop3A_1097, %parallel_loop3A_1096 : i32
      %parallel_loop3A_1099 = arith.constant 20 : i32
      %parallel_loop3A_1100 = arith.index_cast %parallel_loop3A_1099 : i32 to index
      %parallel_loop3A_1101 = arith.index_cast %parallel_loop3A_1098 : i32 to index
      %parallel_loop3A_1102 = tpu.vector_load %arg5[%parallel_loop3A_1100, %parallel_loop3A_1101] {strides = array<i32>} : memref<26x512xi32, #tpu.memory_space<vmem>>, vector<16xi32>,
      %parallel_loop3A_1103 = arith.constant 20 : i32
      %parallel_loop3A_1104 = arith.index_cast %parallel_loop3A_1103 : i32 to index
      %parallel_loop3A_1105 = arith.index_cast %parallel_loop3A_1098 : i32 to index
      %parallel_loop3A_1106 = tpu.vector_load %arg6[%parallel_loop3A_1104, %parallel_loop3A_1105] {strides = array<i32>} : memref<26x512xf32, #tpu.memory_space<vmem>>, vector<16xf32>,
      tpu.vector_store_idx %arg13[%parallel_loop3A_110, %parallel_loop3A_1102], %parallel_loop3A_1106 {add = true} : memref<64x128xf32, #tpu.memory_space<vmem>>[vector<16xi32>, vector<16xi32>], vector<16xf32>,
      %parallel_loop3A_1107 = arith.constant 16 : i32
      %parallel_loop3A_1108 = arith.muli %parallel_loop3A_106, %parallel_loop3A_1107 : i32
      %parallel_loop3A_1109 = arith.constant 448 : i32
      %parallel_loop3A_1110 = arith.addi %parallel_loop3A_1109, %parallel_loop3A_1108 : i32
      %parallel_loop3A_1111 = arith.constant 20 : i32
      %parallel_loop3A_1112 = arith.index_cast %parallel_loop3A_1111 : i32 to index
      %parallel_loop3A_1113 = arith.index_cast %parallel_loop3A_1110 : i32 to index
      %parallel_loop3A_1114 = tpu.vector_load %arg5[%parallel_loop3A_1112, %parallel_loop3A_1113] {strides = array<i32>} : memref<26x512xi32, #tpu.memory_space<vmem>>, vector<16xi32>,
      %parallel_loop3A_1115 = arith.constant 20 : i32
      %parallel_loop3A_1116 = arith.index_cast %parallel_loop3A_1115 : i32 to index
      %parallel_loop3A_1117 = arith.index_cast %parallel_loop3A_1110 : i32 to index
      %parallel_loop3A_1118 = tpu.vector_load %arg6[%parallel_loop3A_1116, %parallel_loop3A_1117] {strides = array<i32>} : memref<26x512xf32, #tpu.memory_space<vmem>>, vector<16xf32>,
      tpu.vector_store_idx %arg14[%parallel_loop3A_110, %parallel_loop3A_1114], %parallel_loop3A_1118 {add = true} : memref<64x128xf32, #tpu.memory_space<vmem>>[vector<16xi32>, vector<16xi32>], vector<16xf32>,
      %parallel_loop3A_1119 = arith.constant 16 : i32
      %parallel_loop3A_1120 = arith.muli %parallel_loop3A_106, %parallel_loop3A_1119 : i32
      %parallel_loop3A_1121 = arith.constant 256 : i32
      %parallel_loop3A_1122 = arith.addi %parallel_loop3A_1121, %parallel_loop3A_1120 : i32
      %parallel_loop3A_1123 = arith.constant 21 : i32
      %parallel_loop3A_1124 = arith.index_cast %parallel_loop3A_1123 : i32 to index
      %parallel_loop3A_1125 = arith.index_cast %parallel_loop3A_1122 : i32 to index
      %parallel_loop3A_1126 = tpu.vector_load %arg5[%parallel_loop3A_1124, %parallel_loop3A_1125] {strides = array<i32>} : memref<26x512xi32, #tpu.memory_space<vmem>>, vector<16xi32>,
      %parallel_loop3A_1127 = arith.constant 21 : i32
      %parallel_loop3A_1128 = arith.index_cast %parallel_loop3A_1127 : i32 to index
      %parallel_loop3A_1129 = arith.index_cast %parallel_loop3A_1122 : i32 to index
      %parallel_loop3A_1130 = tpu.vector_load %arg6[%parallel_loop3A_1128, %parallel_loop3A_1129] {strides = array<i32>} : memref<26x512xf32, #tpu.memory_space<vmem>>, vector<16xf32>,
      tpu.vector_store_idx %arg11[%parallel_loop3A_110, %parallel_loop3A_1126], %parallel_loop3A_1130 {add = true} : memref<64x128xf32, #tpu.memory_space<vmem>>[vector<16xi32>, vector<16xi32>], vector<16xf32>,
      %parallel_loop3A_1131 = arith.constant 16 : i32
      %parallel_loop3A_1132 = arith.muli %parallel_loop3A_106, %parallel_loop3A_1131 : i32
      %parallel_loop3A_1133 = arith.constant 320 : i32
      %parallel_loop3A_1134 = arith.addi %parallel_loop3A_1133, %parallel_loop3A_1132 : i32
      %parallel_loop3A_1135 = arith.constant 21 : i32
      %parallel_loop3A_1136 = arith.index_cast %parallel_loop3A_1135 : i32 to index
      %parallel_loop3A_1137 = arith.index_cast %parallel_loop3A_1134 : i32 to index
      %parallel_loop3A_1138 = tpu.vector_load %arg5[%parallel_loop3A_1136, %parallel_loop3A_1137] {strides = array<i32>} : memref<26x512xi32, #tpu.memory_space<vmem>>, vector<16xi32>,
      %parallel_loop3A_1139 = arith.constant 21 : i32
      %parallel_loop3A_1140 = arith.index_cast %parallel_loop3A_1139 : i32 to index
      %parallel_loop3A_1141 = arith.index_cast %parallel_loop3A_1134 : i32 to index
      %parallel_loop3A_1142 = tpu.vector_load %arg6[%parallel_loop3A_1140, %parallel_loop3A_1141] {strides = array<i32>} : memref<26x512xf32, #tpu.memory_space<vmem>>, vector<16xf32>,
      tpu.vector_store_idx %arg12[%parallel_loop3A_110, %parallel_loop3A_1138], %parallel_loop3A_1142 {add = true} : memref<64x128xf32, #tpu.memory_space<vmem>>[vector<16xi32>, vector<16xi32>], vector<16xf32>,
      %parallel_loop3A_1143 = arith.constant 16 : i32
      %parallel_loop3A_1144 = arith.muli %parallel_loop3A_106, %parallel_loop3A_1143 : i32
      %parallel_loop3A_1145 = arith.constant 384 : i32
      %parallel_loop3A_1146 = arith.addi %parallel_loop3A_1145, %parallel_loop3A_1144 : i32
      %parallel_loop3A_1147 = arith.constant 21 : i32
      %parallel_loop3A_1148 = arith.index_cast %parallel_loop3A_1147 : i32 to index
      %parallel_loop3A_1149 = arith.index_cast %parallel_loop3A_1146 : i32 to index
      %parallel_loop3A_1150 = tpu.vector_load %arg5[%parallel_loop3A_1148, %parallel_loop3A_1149] {strides = array<i32>} : memref<26x512xi32, #tpu.memory_space<vmem>>, vector<16xi32>,
      %parallel_loop3A_1151 = arith.constant 21 : i32
      %parallel_loop3A_1152 = arith.index_cast %parallel_loop3A_1151 : i32 to index
      %parallel_loop3A_1153 = arith.index_cast %parallel_loop3A_1146 : i32 to index
      %parallel_loop3A_1154 = tpu.vector_load %arg6[%parallel_loop3A_1152, %parallel_loop3A_1153] {strides = array<i32>} : memref<26x512xf32, #tpu.memory_space<vmem>>, vector<16xf32>,
      tpu.vector_store_idx %arg13[%parallel_loop3A_110, %parallel_loop3A_1150], %parallel_loop3A_1154 {add = true} : memref<64x128xf32, #tpu.memory_space<vmem>>[vector<16xi32>, vector<16xi32>], vector<16xf32>,
      %parallel_loop3A_1155 = arith.constant 16 : i32
      %parallel_loop3A_1156 = arith.muli %parallel_loop3A_106, %parallel_loop3A_1155 : i32
      %parallel_loop3A_1157 = arith.constant 448 : i32
      %parallel_loop3A_1158 = arith.addi %parallel_loop3A_1157, %parallel_loop3A_1156 : i32
      %parallel_loop3A_1159 = arith.constant 21 : i32
      %parallel_loop3A_1160 = arith.index_cast %parallel_loop3A_1159 : i32 to index
      %parallel_loop3A_1161 = arith.index_cast %parallel_loop3A_1158 : i32 to index
      %parallel_loop3A_1162 = tpu.vector_load %arg5[%parallel_loop3A_1160, %parallel_loop3A_1161] {strides = array<i32>} : memref<26x512xi32, #tpu.memory_space<vmem>>, vector<16xi32>,
      %parallel_loop3A_1163 = arith.constant 21 : i32
      %parallel_loop3A_1164 = arith.index_cast %parallel_loop3A_1163 : i32 to index
      %parallel_loop3A_1165 = arith.index_cast %parallel_loop3A_1158 : i32 to index
      %parallel_loop3A_1166 = tpu.vector_load %arg6[%parallel_loop3A_1164, %parallel_loop3A_1165] {strides = array<i32>} : memref<26x512xf32, #tpu.memory_space<vmem>>, vector<16xf32>,
      tpu.vector_store_idx %arg14[%parallel_loop3A_110, %parallel_loop3A_1162], %parallel_loop3A_1166 {add = true} : memref<64x128xf32, #tpu.memory_space<vmem>>[vector<16xi32>, vector<16xi32>], vector<16xf32>,
      %parallel_loop3A_1167 = arith.constant 16 : i32
      %parallel_loop3A_1168 = arith.muli %parallel_loop3A_106, %parallel_loop3A_1167 : i32
      %parallel_loop3A_1169 = arith.constant 256 : i32
      %parallel_loop3A_1170 = arith.addi %parallel_loop3A_1169, %parallel_loop3A_1168 : i32
      %parallel_loop3A_1171 = arith.constant 22 : i32
      %parallel_loop3A_1172 = arith.index_cast %parallel_loop3A_1171 : i32 to index
      %parallel_loop3A_1173 = arith.index_cast %parallel_loop3A_1170 : i32 to index
      %parallel_loop3A_1174 = tpu.vector_load %arg5[%parallel_loop3A_1172, %parallel_loop3A_1173] {strides = array<i32>} : memref<26x512xi32, #tpu.memory_space<vmem>>, vector<16xi32>,
      %parallel_loop3A_1175 = arith.constant 22 : i32
      %parallel_loop3A_1176 = arith.index_cast %parallel_loop3A_1175 : i32 to index
      %parallel_loop3A_1177 = arith.index_cast %parallel_loop3A_1170 : i32 to index
      %parallel_loop3A_1178 = tpu.vector_load %arg6[%parallel_loop3A_1176, %parallel_loop3A_1177] {strides = array<i32>} : memref<26x512xf32, #tpu.memory_space<vmem>>, vector<16xf32>,
      tpu.vector_store_idx %arg11[%parallel_loop3A_110, %parallel_loop3A_1174], %parallel_loop3A_1178 {add = true} : memref<64x128xf32, #tpu.memory_space<vmem>>[vector<16xi32>, vector<16xi32>], vector<16xf32>,
      %parallel_loop3A_1179 = arith.constant 16 : i32
      %parallel_loop3A_1180 = arith.muli %parallel_loop3A_106, %parallel_loop3A_1179 : i32
      %parallel_loop3A_1181 = arith.constant 320 : i32
      %parallel_loop3A_1182 = arith.addi %parallel_loop3A_1181, %parallel_loop3A_1180 : i32
      %parallel_loop3A_1183 = arith.constant 22 : i32
      %parallel_loop3A_1184 = arith.index_cast %parallel_loop3A_1183 : i32 to index
      %parallel_loop3A_1185 = arith.index_cast %parallel_loop3A_1182 : i32 to index
      %parallel_loop3A_1186 = tpu.vector_load %arg5[%parallel_loop3A_1184, %parallel_loop3A_1185] {strides = array<i32>} : memref<26x512xi32, #tpu.memory_space<vmem>>, vector<16xi32>,
      %parallel_loop3A_1187 = arith.constant 22 : i32
      %parallel_loop3A_1188 = arith.index_cast %parallel_loop3A_1187 : i32 to index
      %parallel_loop3A_1189 = arith.index_cast %parallel_loop3A_1182 : i32 to index
      %parallel_loop3A_1190 = tpu.vector_load %arg6[%parallel_loop3A_1188, %parallel_loop3A_1189] {strides = array<i32>} : memref<26x512xf32, #tpu.memory_space<vmem>>, vector<16xf32>,
      tpu.vector_store_idx %arg12[%parallel_loop3A_110, %parallel_loop3A_1186], %parallel_loop3A_1190 {add = true} : memref<64x128xf32, #tpu.memory_space<vmem>>[vector<16xi32>, vector<16xi32>], vector<16xf32>,
      %parallel_loop3A_1191 = arith.constant 16 : i32
      %parallel_loop3A_1192 = arith.muli %parallel_loop3A_106, %parallel_loop3A_1191 : i32
      %parallel_loop3A_1193 = arith.constant 384 : i32
      %parallel_loop3A_1194 = arith.addi %parallel_loop3A_1193, %parallel_loop3A_1192 : i32
      %parallel_loop3A_1195 = arith.constant 22 : i32
      %parallel_loop3A_1196 = arith.index_cast %parallel_loop3A_1195 : i32 to index
      %parallel_loop3A_1197 = arith.index_cast %parallel_loop3A_1194 : i32 to index
      %parallel_loop3A_1198 = tpu.vector_load %arg5[%parallel_loop3A_1196, %parallel_loop3A_1197] {strides = array<i32>} : memref<26x512xi32, #tpu.memory_space<vmem>>, vector<16xi32>,
      %parallel_loop3A_1199 = arith.constant 22 : i32
      %parallel_loop3A_1200 = arith.index_cast %parallel_loop3A_1199 : i32 to index
      %parallel_loop3A_1201 = arith.index_cast %parallel_loop3A_1194 : i32 to index
      %parallel_loop3A_1202 = tpu.vector_load %arg6[%parallel_loop3A_1200, %parallel_loop3A_1201] {strides = array<i32>} : memref<26x512xf32, #tpu.memory_space<vmem>>, vector<16xf32>,
      tpu.vector_store_idx %arg13[%parallel_loop3A_110, %parallel_loop3A_1198], %parallel_loop3A_1202 {add = true} : memref<64x128xf32, #tpu.memory_space<vmem>>[vector<16xi32>, vector<16xi32>], vector<16xf32>,
      %parallel_loop3A_1203 = arith.constant 16 : i32
      %parallel_loop3A_1204 = arith.muli %parallel_loop3A_106, %parallel_loop3A_1203 : i32
      %parallel_loop3A_1205 = arith.constant 448 : i32
      %parallel_loop3A_1206 = arith.addi %parallel_loop3A_1205, %parallel_loop3A_1204 : i32
      %parallel_loop3A_1207 = arith.constant 22 : i32
      %parallel_loop3A_1208 = arith.index_cast %parallel_loop3A_1207 : i32 to index
      %parallel_loop3A_1209 = arith.index_cast %parallel_loop3A_1206 : i32 to index
      %parallel_loop3A_1210 = tpu.vector_load %arg5[%parallel_loop3A_1208, %parallel_loop3A_1209] {strides = array<i32>} : memref<26x512xi32, #tpu.memory_space<vmem>>, vector<16xi32>,
      %parallel_loop3A_1211 = arith.constant 22 : i32
      %parallel_loop3A_1212 = arith.index_cast %parallel_loop3A_1211 : i32 to index
      %parallel_loop3A_1213 = arith.index_cast %parallel_loop3A_1206 : i32 to index
      %parallel_loop3A_1214 = tpu.vector_load %arg6[%parallel_loop3A_1212, %parallel_loop3A_1213] {strides = array<i32>} : memref<26x512xf32, #tpu.memory_space<vmem>>, vector<16xf32>,
      tpu.vector_store_idx %arg14[%parallel_loop3A_110, %parallel_loop3A_1210], %parallel_loop3A_1214 {add = true} : memref<64x128xf32, #tpu.memory_space<vmem>>[vector<16xi32>, vector<16xi32>], vector<16xf32>,
      %parallel_loop3A_1215 = arith.constant 16 : i32
      %parallel_loop3A_1216 = arith.muli %parallel_loop3A_106, %parallel_loop3A_1215 : i32
      %parallel_loop3A_1217 = arith.constant 256 : i32
      %parallel_loop3A_1218 = arith.addi %parallel_loop3A_1217, %parallel_loop3A_1216 : i32
      %parallel_loop3A_1219 = arith.constant 23 : i32
      %parallel_loop3A_1220 = arith.index_cast %parallel_loop3A_1219 : i32 to index
      %parallel_loop3A_1221 = arith.index_cast %parallel_loop3A_1218 : i32 to index
      %parallel_loop3A_1222 = tpu.vector_load %arg5[%parallel_loop3A_1220, %parallel_loop3A_1221] {strides = array<i32>} : memref<26x512xi32, #tpu.memory_space<vmem>>, vector<16xi32>,
      %parallel_loop3A_1223 = arith.constant 23 : i32
      %parallel_loop3A_1224 = arith.index_cast %parallel_loop3A_1223 : i32 to index
      %parallel_loop3A_1225 = arith.index_cast %parallel_loop3A_1218 : i32 to index
      %parallel_loop3A_1226 = tpu.vector_load %arg6[%parallel_loop3A_1224, %parallel_loop3A_1225] {strides = array<i32>} : memref<26x512xf32, #tpu.memory_space<vmem>>, vector<16xf32>,
      tpu.vector_store_idx %arg11[%parallel_loop3A_110, %parallel_loop3A_1222], %parallel_loop3A_1226 {add = true} : memref<64x128xf32, #tpu.memory_space<vmem>>[vector<16xi32>, vector<16xi32>], vector<16xf32>,
      %parallel_loop3A_1227 = arith.constant 16 : i32
      %parallel_loop3A_1228 = arith.muli %parallel_loop3A_106, %parallel_loop3A_1227 : i32
      %parallel_loop3A_1229 = arith.constant 320 : i32
      %parallel_loop3A_1230 = arith.addi %parallel_loop3A_1229, %parallel_loop3A_1228 : i32
      %parallel_loop3A_1231 = arith.constant 23 : i32
      %parallel_loop3A_1232 = arith.index_cast %parallel_loop3A_1231 : i32 to index
      %parallel_loop3A_1233 = arith.index_cast %parallel_loop3A_1230 : i32 to index
      %parallel_loop3A_1234 = tpu.vector_load %arg5[%parallel_loop3A_1232, %parallel_loop3A_1233] {strides = array<i32>} : memref<26x512xi32, #tpu.memory_space<vmem>>, vector<16xi32>,
      %parallel_loop3A_1235 = arith.constant 23 : i32
      %parallel_loop3A_1236 = arith.index_cast %parallel_loop3A_1235 : i32 to index
      %parallel_loop3A_1237 = arith.index_cast %parallel_loop3A_1230 : i32 to index
      %parallel_loop3A_1238 = tpu.vector_load %arg6[%parallel_loop3A_1236, %parallel_loop3A_1237] {strides = array<i32>} : memref<26x512xf32, #tpu.memory_space<vmem>>, vector<16xf32>,
      tpu.vector_store_idx %arg12[%parallel_loop3A_110, %parallel_loop3A_1234], %parallel_loop3A_1238 {add = true} : memref<64x128xf32, #tpu.memory_space<vmem>>[vector<16xi32>, vector<16xi32>], vector<16xf32>,
      %parallel_loop3A_1239 = arith.constant 16 : i32
      %parallel_loop3A_1240 = arith.muli %parallel_loop3A_106, %parallel_loop3A_1239 : i32
      %parallel_loop3A_1241 = arith.constant 384 : i32
      %parallel_loop3A_1242 = arith.addi %parallel_loop3A_1241, %parallel_loop3A_1240 : i32
      %parallel_loop3A_1243 = arith.constant 23 : i32
      %parallel_loop3A_1244 = arith.index_cast %parallel_loop3A_1243 : i32 to index
      %parallel_loop3A_1245 = arith.index_cast %parallel_loop3A_1242 : i32 to index
      %parallel_loop3A_1246 = tpu.vector_load %arg5[%parallel_loop3A_1244, %parallel_loop3A_1245] {strides = array<i32>} : memref<26x512xi32, #tpu.memory_space<vmem>>, vector<16xi32>,
      %parallel_loop3A_1247 = arith.constant 23 : i32
      %parallel_loop3A_1248 = arith.index_cast %parallel_loop3A_1247 : i32 to index
      %parallel_loop3A_1249 = arith.index_cast %parallel_loop3A_1242 : i32 to index
      %parallel_loop3A_1250 = tpu.vector_load %arg6[%parallel_loop3A_1248, %parallel_loop3A_1249] {strides = array<i32>} : memref<26x512xf32, #tpu.memory_space<vmem>>, vector<16xf32>,
      tpu.vector_store_idx %arg13[%parallel_loop3A_110, %parallel_loop3A_1246], %parallel_loop3A_1250 {add = true} : memref<64x128xf32, #tpu.memory_space<vmem>>[vector<16xi32>, vector<16xi32>], vector<16xf32>,
      %parallel_loop3A_1251 = arith.constant 16 : i32
      %parallel_loop3A_1252 = arith.muli %parallel_loop3A_106, %parallel_loop3A_1251 : i32
      %parallel_loop3A_1253 = arith.constant 448 : i32
      %parallel_loop3A_1254 = arith.addi %parallel_loop3A_1253, %parallel_loop3A_1252 : i32
      %parallel_loop3A_1255 = arith.constant 23 : i32
      %parallel_loop3A_1256 = arith.index_cast %parallel_loop3A_1255 : i32 to index
      %parallel_loop3A_1257 = arith.index_cast %parallel_loop3A_1254 : i32 to index
      %parallel_loop3A_1258 = tpu.vector_load %arg5[%parallel_loop3A_1256, %parallel_loop3A_1257] {strides = array<i32>} : memref<26x512xi32, #tpu.memory_space<vmem>>, vector<16xi32>,
      %parallel_loop3A_1259 = arith.constant 23 : i32
      %parallel_loop3A_1260 = arith.index_cast %parallel_loop3A_1259 : i32 to index
      %parallel_loop3A_1261 = arith.index_cast %parallel_loop3A_1254 : i32 to index
      %parallel_loop3A_1262 = tpu.vector_load %arg6[%parallel_loop3A_1260, %parallel_loop3A_1261] {strides = array<i32>} : memref<26x512xf32, #tpu.memory_space<vmem>>, vector<16xf32>,
      tpu.vector_store_idx %arg14[%parallel_loop3A_110, %parallel_loop3A_1258], %parallel_loop3A_1262 {add = true} : memref<64x128xf32, #tpu.memory_space<vmem>>[vector<16xi32>, vector<16xi32>], vector<16xf32>,
      %parallel_loop3A_1263 = arith.constant 16 : i32
      %parallel_loop3A_1264 = arith.muli %parallel_loop3A_106, %parallel_loop3A_1263 : i32
      %parallel_loop3A_1265 = arith.constant 256 : i32
      %parallel_loop3A_1266 = arith.addi %parallel_loop3A_1265, %parallel_loop3A_1264 : i32
      %parallel_loop3A_1267 = arith.constant 24 : i32
      %parallel_loop3A_1268 = arith.index_cast %parallel_loop3A_1267 : i32 to index
      %parallel_loop3A_1269 = arith.index_cast %parallel_loop3A_1266 : i32 to index
      %parallel_loop3A_1270 = tpu.vector_load %arg5[%parallel_loop3A_1268, %parallel_loop3A_1269] {strides = array<i32>} : memref<26x512xi32, #tpu.memory_space<vmem>>, vector<16xi32>,
      %parallel_loop3A_1271 = arith.constant 24 : i32
      %parallel_loop3A_1272 = arith.index_cast %parallel_loop3A_1271 : i32 to index
      %parallel_loop3A_1273 = arith.index_cast %parallel_loop3A_1266 : i32 to index
      %parallel_loop3A_1274 = tpu.vector_load %arg6[%parallel_loop3A_1272, %parallel_loop3A_1273] {strides = array<i32>} : memref<26x512xf32, #tpu.memory_space<vmem>>, vector<16xf32>,
      tpu.vector_store_idx %arg11[%parallel_loop3A_110, %parallel_loop3A_1270], %parallel_loop3A_1274 {add = true} : memref<64x128xf32, #tpu.memory_space<vmem>>[vector<16xi32>, vector<16xi32>], vector<16xf32>,
      %parallel_loop3A_1275 = arith.constant 16 : i32
      %parallel_loop3A_1276 = arith.muli %parallel_loop3A_106, %parallel_loop3A_1275 : i32
      %parallel_loop3A_1277 = arith.constant 320 : i32
      %parallel_loop3A_1278 = arith.addi %parallel_loop3A_1277, %parallel_loop3A_1276 : i32
      %parallel_loop3A_1279 = arith.constant 24 : i32
      %parallel_loop3A_1280 = arith.index_cast %parallel_loop3A_1279 : i32 to index
      %parallel_loop3A_1281 = arith.index_cast %parallel_loop3A_1278 : i32 to index
      %parallel_loop3A_1282 = tpu.vector_load %arg5[%parallel_loop3A_1280, %parallel_loop3A_1281] {strides = array<i32>} : memref<26x512xi32, #tpu.memory_space<vmem>>, vector<16xi32>,
      %parallel_loop3A_1283 = arith.constant 24 : i32
      %parallel_loop3A_1284 = arith.index_cast %parallel_loop3A_1283 : i32 to index
      %parallel_loop3A_1285 = arith.index_cast %parallel_loop3A_1278 : i32 to index
      %parallel_loop3A_1286 = tpu.vector_load %arg6[%parallel_loop3A_1284, %parallel_loop3A_1285] {strides = array<i32>} : memref<26x512xf32, #tpu.memory_space<vmem>>, vector<16xf32>,
      tpu.vector_store_idx %arg12[%parallel_loop3A_110, %parallel_loop3A_1282], %parallel_loop3A_1286 {add = true} : memref<64x128xf32, #tpu.memory_space<vmem>>[vector<16xi32>, vector<16xi32>], vector<16xf32>,
      %parallel_loop3A_1287 = arith.constant 16 : i32
      %parallel_loop3A_1288 = arith.muli %parallel_loop3A_106, %parallel_loop3A_1287 : i32
      %parallel_loop3A_1289 = arith.constant 384 : i32
      %parallel_loop3A_1290 = arith.addi %parallel_loop3A_1289, %parallel_loop3A_1288 : i32
      %parallel_loop3A_1291 = arith.constant 24 : i32
      %parallel_loop3A_1292 = arith.index_cast %parallel_loop3A_1291 : i32 to index
      %parallel_loop3A_1293 = arith.index_cast %parallel_loop3A_1290 : i32 to index
      %parallel_loop3A_1294 = tpu.vector_load %arg5[%parallel_loop3A_1292, %parallel_loop3A_1293] {strides = array<i32>} : memref<26x512xi32, #tpu.memory_space<vmem>>, vector<16xi32>,
      %parallel_loop3A_1295 = arith.constant 24 : i32
      %parallel_loop3A_1296 = arith.index_cast %parallel_loop3A_1295 : i32 to index
      %parallel_loop3A_1297 = arith.index_cast %parallel_loop3A_1290 : i32 to index
      %parallel_loop3A_1298 = tpu.vector_load %arg6[%parallel_loop3A_1296, %parallel_loop3A_1297] {strides = array<i32>} : memref<26x512xf32, #tpu.memory_space<vmem>>, vector<16xf32>,
      tpu.vector_store_idx %arg13[%parallel_loop3A_110, %parallel_loop3A_1294], %parallel_loop3A_1298 {add = true} : memref<64x128xf32, #tpu.memory_space<vmem>>[vector<16xi32>, vector<16xi32>], vector<16xf32>,
      %parallel_loop3A_1299 = arith.constant 16 : i32
      %parallel_loop3A_1300 = arith.muli %parallel_loop3A_106, %parallel_loop3A_1299 : i32
      %parallel_loop3A_1301 = arith.constant 448 : i32
      %parallel_loop3A_1302 = arith.addi %parallel_loop3A_1301, %parallel_loop3A_1300 : i32
      %parallel_loop3A_1303 = arith.constant 24 : i32
      %parallel_loop3A_1304 = arith.index_cast %parallel_loop3A_1303 : i32 to index
      %parallel_loop3A_1305 = arith.index_cast %parallel_loop3A_1302 : i32 to index
      %parallel_loop3A_1306 = tpu.vector_load %arg5[%parallel_loop3A_1304, %parallel_loop3A_1305] {strides = array<i32>} : memref<26x512xi32, #tpu.memory_space<vmem>>, vector<16xi32>,
      %parallel_loop3A_1307 = arith.constant 24 : i32
      %parallel_loop3A_1308 = arith.index_cast %parallel_loop3A_1307 : i32 to index
      %parallel_loop3A_1309 = arith.index_cast %parallel_loop3A_1302 : i32 to index
      %parallel_loop3A_1310 = tpu.vector_load %arg6[%parallel_loop3A_1308, %parallel_loop3A_1309] {strides = array<i32>} : memref<26x512xf32, #tpu.memory_space<vmem>>, vector<16xf32>,
      tpu.vector_store_idx %arg14[%parallel_loop3A_110, %parallel_loop3A_1306], %parallel_loop3A_1310 {add = true} : memref<64x128xf32, #tpu.memory_space<vmem>>[vector<16xi32>, vector<16xi32>], vector<16xf32>,
      %parallel_loop3A_1311 = arith.constant 16 : i32
      %parallel_loop3A_1312 = arith.muli %parallel_loop3A_106, %parallel_loop3A_1311 : i32
      %parallel_loop3A_1313 = arith.constant 256 : i32
      %parallel_loop3A_1314 = arith.addi %parallel_loop3A_1313, %parallel_loop3A_1312 : i32
      %parallel_loop3A_1315 = arith.constant 25 : i32
      %parallel_loop3A_1316 = arith.index_cast %parallel_loop3A_1315 : i32 to index
      %parallel_loop3A_1317 = arith.index_cast %parallel_loop3A_1314 : i32 to index
      %parallel_loop3A_1318 = tpu.vector_load %arg5[%parallel_loop3A_1316, %parallel_loop3A_1317] {strides = array<i32>} : memref<26x512xi32, #tpu.memory_space<vmem>>, vector<16xi32>,
      %parallel_loop3A_1319 = arith.constant 25 : i32
      %parallel_loop3A_1320 = arith.index_cast %parallel_loop3A_1319 : i32 to index
      %parallel_loop3A_1321 = arith.index_cast %parallel_loop3A_1314 : i32 to index
      %parallel_loop3A_1322 = tpu.vector_load %arg6[%parallel_loop3A_1320, %parallel_loop3A_1321] {strides = array<i32>} : memref<26x512xf32, #tpu.memory_space<vmem>>, vector<16xf32>,
      tpu.vector_store_idx %arg11[%parallel_loop3A_110, %parallel_loop3A_1318], %parallel_loop3A_1322 {add = true} : memref<64x128xf32, #tpu.memory_space<vmem>>[vector<16xi32>, vector<16xi32>], vector<16xf32>,
      %parallel_loop3A_1323 = arith.constant 16 : i32
      %parallel_loop3A_1324 = arith.muli %parallel_loop3A_106, %parallel_loop3A_1323 : i32
      %parallel_loop3A_1325 = arith.constant 320 : i32
      %parallel_loop3A_1326 = arith.addi %parallel_loop3A_1325, %parallel_loop3A_1324 : i32
      %parallel_loop3A_1327 = arith.constant 25 : i32
      %parallel_loop3A_1328 = arith.index_cast %parallel_loop3A_1327 : i32 to index
      %parallel_loop3A_1329 = arith.index_cast %parallel_loop3A_1326 : i32 to index
      %parallel_loop3A_1330 = tpu.vector_load %arg5[%parallel_loop3A_1328, %parallel_loop3A_1329] {strides = array<i32>} : memref<26x512xi32, #tpu.memory_space<vmem>>, vector<16xi32>,
      %parallel_loop3A_1331 = arith.constant 25 : i32
      %parallel_loop3A_1332 = arith.index_cast %parallel_loop3A_1331 : i32 to index
      %parallel_loop3A_1333 = arith.index_cast %parallel_loop3A_1326 : i32 to index
      %parallel_loop3A_1334 = tpu.vector_load %arg6[%parallel_loop3A_1332, %parallel_loop3A_1333] {strides = array<i32>} : memref<26x512xf32, #tpu.memory_space<vmem>>, vector<16xf32>,
      tpu.vector_store_idx %arg12[%parallel_loop3A_110, %parallel_loop3A_1330], %parallel_loop3A_1334 {add = true} : memref<64x128xf32, #tpu.memory_space<vmem>>[vector<16xi32>, vector<16xi32>], vector<16xf32>,
      %parallel_loop3A_1335 = arith.constant 16 : i32
      %parallel_loop3A_1336 = arith.muli %parallel_loop3A_106, %parallel_loop3A_1335 : i32
      %parallel_loop3A_1337 = arith.constant 384 : i32
      %parallel_loop3A_1338 = arith.addi %parallel_loop3A_1337, %parallel_loop3A_1336 : i32
      %parallel_loop3A_1339 = arith.constant 25 : i32
      %parallel_loop3A_1340 = arith.index_cast %parallel_loop3A_1339 : i32 to index
      %parallel_loop3A_1341 = arith.index_cast %parallel_loop3A_1338 : i32 to index
      %parallel_loop3A_1342 = tpu.vector_load %arg5[%parallel_loop3A_1340, %parallel_loop3A_1341] {strides = array<i32>} : memref<26x512xi32, #tpu.memory_space<vmem>>, vector<16xi32>,
      %parallel_loop3A_1343 = arith.constant 25 : i32
      %parallel_loop3A_1344 = arith.index_cast %parallel_loop3A_1343 : i32 to index
      %parallel_loop3A_1345 = arith.index_cast %parallel_loop3A_1338 : i32 to index
      %parallel_loop3A_1346 = tpu.vector_load %arg6[%parallel_loop3A_1344, %parallel_loop3A_1345] {strides = array<i32>} : memref<26x512xf32, #tpu.memory_space<vmem>>, vector<16xf32>,
      tpu.vector_store_idx %arg13[%parallel_loop3A_110, %parallel_loop3A_1342], %parallel_loop3A_1346 {add = true} : memref<64x128xf32, #tpu.memory_space<vmem>>[vector<16xi32>, vector<16xi32>], vector<16xf32>,
      %parallel_loop3A_1347 = arith.constant 16 : i32
      %parallel_loop3A_1348 = arith.muli %parallel_loop3A_106, %parallel_loop3A_1347 : i32
      %parallel_loop3A_1349 = arith.constant 448 : i32
      %parallel_loop3A_1350 = arith.addi %parallel_loop3A_1349, %parallel_loop3A_1348 : i32
      %parallel_loop3A_1351 = arith.constant 25 : i32
      %parallel_loop3A_1352 = arith.index_cast %parallel_loop3A_1351 : i32 to index
      %parallel_loop3A_1353 = arith.index_cast %parallel_loop3A_1350 : i32 to index
      %parallel_loop3A_1354 = tpu.vector_load %arg5[%parallel_loop3A_1352, %parallel_loop3A_1353] {strides = array<i32>} : memref<26x512xi32, #tpu.memory_space<vmem>>, vector<16xi32>,
      %parallel_loop3A_1355 = arith.constant 25 : i32
      %parallel_loop3A_1356 = arith.index_cast %parallel_loop3A_1355 : i32 to index
      %parallel_loop3A_1357 = arith.index_cast %parallel_loop3A_1350 : i32 to index
      %parallel_loop3A_1358 = tpu.vector_load %arg6[%parallel_loop3A_1356, %parallel_loop3A_1357] {strides = array<i32>} : memref<26x512xf32, #tpu.memory_space<vmem>>, vector<16xf32>,
      tpu.vector_store_idx %arg14[%parallel_loop3A_110, %parallel_loop3A_1354], %parallel_loop3A_1358 {add = true} : memref<64x128xf32, #tpu.memory_space<vmem>>[vector<16xi32>, vector<16xi32>], vector<16xf32>,
    } {sc.loop_unroll_factor = 2 : i64, sc.parallel_access}
    %add3A_50 = arith.constant 256 : i32
    %add3A_51 = arith.addi %mul3A_2, %add3A_50 : i32
    %dma_start3A_52 = arith.constant 0 : i32
    %dma_start3A_53 = tpu.memref_slice %arg4[%add3A_51, %dma_start3A_52] : memref<16384x128xf32, #tpu.memory_space<hbm>> -> memref<64x128xf32, #tpu.memory_space<hbm>>
    %dma_start3A_54 = arith.constant 0 : i32
    %dma_start3A_55 = tpu.memref_slice %arg4[%add3A_51, %dma_start3A_54] : memref<16384x128xf32, #tpu.memory_space<hbm>> -> memref<64x128xf32, #tpu.memory_space<hbm>>
    tpu.enqueue_dma source(%arg11 : memref<64x128xf32, #tpu.memory_space<vmem>>) target(%dma_start3A_55 : memref<64x128xf32, #tpu.memory_space<hbm>>) target_semaphore(%arg17 : memref<!tpu.dma_semaphore, #tpu.memory_space<semaphore_mem>>)
    %add3A_56 = arith.constant 320 : i32
    %add3A_57 = arith.addi %mul3A_2, %add3A_56 : i32
    %dma_start3A_58 = arith.constant 0 : i32
    %dma_start3A_59 = tpu.memref_slice %arg4[%add3A_57, %dma_start3A_58] : memref<16384x128xf32, #tpu.memory_space<hbm>> -> memref<64x128xf32, #tpu.memory_space<hbm>>
    %dma_start3A_60 = arith.constant 0 : i32
    %dma_start3A_61 = tpu.memref_slice %arg4[%add3A_57, %dma_start3A_60] : memref<16384x128xf32, #tpu.memory_space<hbm>> -> memref<64x128xf32, #tpu.memory_space<hbm>>
    tpu.enqueue_dma source(%arg12 : memref<64x128xf32, #tpu.memory_space<vmem>>) target(%dma_start3A_61 : memref<64x128xf32, #tpu.memory_space<hbm>>) target_semaphore(%arg17 : memref<!tpu.dma_semaphore, #tpu.memory_space<semaphore_mem>>)
    %add3A_62 = arith.constant 384 : i32
    %add3A_63 = arith.addi %mul3A_2, %add3A_62 : i32
    %dma_start3A_64 = arith.constant 0 : i32
    %dma_start3A_65 = tpu.memref_slice %arg4[%add3A_63, %dma_start3A_64] : memref<16384x128xf32, #tpu.memory_space<hbm>> -> memref<64x128xf32, #tpu.memory_space<hbm>>
    %dma_start3A_66 = arith.constant 0 : i32
    %dma_start3A_67 = tpu.memref_slice %arg4[%add3A_63, %dma_start3A_66] : memref<16384x128xf32, #tpu.memory_space<hbm>> -> memref<64x128xf32, #tpu.memory_space<hbm>>
    tpu.enqueue_dma source(%arg13 : memref<64x128xf32, #tpu.memory_space<vmem>>) target(%dma_start3A_67 : memref<64x128xf32, #tpu.memory_space<hbm>>) target_semaphore(%arg17 : memref<!tpu.dma_semaphore, #tpu.memory_space<semaphore_mem>>)
    %add3A_68 = arith.constant 448 : i32
    %add3A_69 = arith.addi %mul3A_2, %add3A_68 : i32
    %dma_start3A_70 = arith.constant 0 : i32
    %dma_start3A_71 = tpu.memref_slice %arg4[%add3A_69, %dma_start3A_70] : memref<16384x128xf32, #tpu.memory_space<hbm>> -> memref<64x128xf32, #tpu.memory_space<hbm>>
    %dma_start3A_72 = arith.constant 0 : i32
    %dma_start3A_73 = tpu.memref_slice %arg4[%add3A_69, %dma_start3A_72] : memref<16384x128xf32, #tpu.memory_space<hbm>> -> memref<64x128xf32, #tpu.memory_space<hbm>>
    tpu.enqueue_dma source(%arg14 : memref<64x128xf32, #tpu.memory_space<vmem>>) target(%dma_start3A_73 : memref<64x128xf32, #tpu.memory_space<hbm>>) target_semaphore(%arg17 : memref<!tpu.dma_semaphore, #tpu.memory_space<semaphore_mem>>)
    %dma_wait3A_74 = arith.constant 0 : i32
    %dma_wait3A_75 = tpu.memref_slice %arg4[%add3A_24, %dma_wait3A_74] : memref<16384x128xf32, #tpu.memory_space<hbm>> -> memref<64x128xf32, #tpu.memory_space<hbm>>
    %dma_wait3A_76 = arith.constant 0 : i32
    %dma_wait3A_77 = tpu.memref_slice %arg4[%add3A_24, %dma_wait3A_76] : memref<16384x128xf32, #tpu.memory_space<hbm>> -> memref<64x128xf32, #tpu.memory_space<hbm>>
    tpu.wait_dma2 semaphore(%arg17 : memref<!tpu.dma_semaphore, #tpu.memory_space<semaphore_mem>>) src(%arg7 : memref<64x128xf32, #tpu.memory_space<vmem>>) dst(%dma_wait3A_77 : memref<64x128xf32, #tpu.memory_space<hbm>>)
    %dma_wait3A_78 = arith.constant 0 : i32
    %dma_wait3A_79 = tpu.memref_slice %arg4[%add3A_30, %dma_wait3A_78] : memref<16384x128xf32, #tpu.memory_space<hbm>> -> memref<64x128xf32, #tpu.memory_space<hbm>>
    %dma_wait3A_80 = arith.constant 0 : i32
    %dma_wait3A_81 = tpu.memref_slice %arg4[%add3A_30, %dma_wait3A_80] : memref<16384x128xf32, #tpu.memory_space<hbm>> -> memref<64x128xf32, #tpu.memory_space<hbm>>
    tpu.wait_dma2 semaphore(%arg17 : memref<!tpu.dma_semaphore, #tpu.memory_space<semaphore_mem>>) src(%arg8 : memref<64x128xf32, #tpu.memory_space<vmem>>) dst(%dma_wait3A_81 : memref<64x128xf32, #tpu.memory_space<hbm>>)
    %dma_wait3A_82 = arith.constant 0 : i32
    %dma_wait3A_83 = tpu.memref_slice %arg4[%add3A_36, %dma_wait3A_82] : memref<16384x128xf32, #tpu.memory_space<hbm>> -> memref<64x128xf32, #tpu.memory_space<hbm>>
    %dma_wait3A_84 = arith.constant 0 : i32
    %dma_wait3A_85 = tpu.memref_slice %arg4[%add3A_36, %dma_wait3A_84] : memref<16384x128xf32, #tpu.memory_space<hbm>> -> memref<64x128xf32, #tpu.memory_space<hbm>>
    tpu.wait_dma2 semaphore(%arg17 : memref<!tpu.dma_semaphore, #tpu.memory_space<semaphore_mem>>) src(%arg9 : memref<64x128xf32, #tpu.memory_space<vmem>>) dst(%dma_wait3A_85 : memref<64x128xf32, #tpu.memory_space<hbm>>)
    %dma_wait3A_86 = arith.constant 0 : i32
    %dma_wait3A_87 = tpu.memref_slice %arg4[%add3A_42, %dma_wait3A_86] : memref<16384x128xf32, #tpu.memory_space<hbm>> -> memref<64x128xf32, #tpu.memory_space<hbm>>
    %dma_wait3A_88 = arith.constant 0 : i32
    %dma_wait3A_89 = tpu.memref_slice %arg4[%add3A_42, %dma_wait3A_88] : memref<16384x128xf32, #tpu.memory_space<hbm>> -> memref<64x128xf32, #tpu.memory_space<hbm>>
    tpu.wait_dma2 semaphore(%arg17 : memref<!tpu.dma_semaphore, #tpu.memory_space<semaphore_mem>>) src(%arg10 : memref<64x128xf32, #tpu.memory_space<vmem>>) dst(%dma_wait3A_89 : memref<64x128xf32, #tpu.memory_space<hbm>>)
    %dma_wait3A_90 = arith.constant 0 : i32
    %dma_wait3A_91 = tpu.memref_slice %arg4[%add3A_51, %dma_wait3A_90] : memref<16384x128xf32, #tpu.memory_space<hbm>> -> memref<64x128xf32, #tpu.memory_space<hbm>>
    %dma_wait3A_92 = arith.constant 0 : i32
    %dma_wait3A_93 = tpu.memref_slice %arg4[%add3A_51, %dma_wait3A_92] : memref<16384x128xf32, #tpu.memory_space<hbm>> -> memref<64x128xf32, #tpu.memory_space<hbm>>
    tpu.wait_dma2 semaphore(%arg17 : memref<!tpu.dma_semaphore, #tpu.memory_space<semaphore_mem>>) src(%arg11 : memref<64x128xf32, #tpu.memory_space<vmem>>) dst(%dma_wait3A_93 : memref<64x128xf32, #tpu.memory_space<hbm>>)
    %dma_wait3A_94 = arith.constant 0 : i32
    %dma_wait3A_95 = tpu.memref_slice %arg4[%add3A_57, %dma_wait3A_94] : memref<16384x128xf32, #tpu.memory_space<hbm>> -> memref<64x128xf32, #tpu.memory_space<hbm>>
    %dma_wait3A_96 = arith.constant 0 : i32
    %dma_wait3A_97 = tpu.memref_slice %arg4[%add3A_57, %dma_wait3A_96] : memref<16384x128xf32, #tpu.memory_space<hbm>> -> memref<64x128xf32, #tpu.memory_space<hbm>>
    tpu.wait_dma2 semaphore(%arg17 : memref<!tpu.dma_semaphore, #tpu.memory_space<semaphore_mem>>) src(%arg12 : memref<64x128xf32, #tpu.memory_space<vmem>>) dst(%dma_wait3A_97 : memref<64x128xf32, #tpu.memory_space<hbm>>)
    %dma_wait3A_98 = arith.constant 0 : i32
    %dma_wait3A_99 = tpu.memref_slice %arg4[%add3A_63, %dma_wait3A_98] : memref<16384x128xf32, #tpu.memory_space<hbm>> -> memref<64x128xf32, #tpu.memory_space<hbm>>
    %dma_wait3A_100 = arith.constant 0 : i32
    %dma_wait3A_101 = tpu.memref_slice %arg4[%add3A_63, %dma_wait3A_100] : memref<16384x128xf32, #tpu.memory_space<hbm>> -> memref<64x128xf32, #tpu.memory_space<hbm>>
    tpu.wait_dma2 semaphore(%arg17 : memref<!tpu.dma_semaphore, #tpu.memory_space<semaphore_mem>>) src(%arg13 : memref<64x128xf32, #tpu.memory_space<vmem>>) dst(%dma_wait3A_101 : memref<64x128xf32, #tpu.memory_space<hbm>>)
    %dma_wait3A_102 = arith.constant 0 : i32
    %dma_wait3A_103 = tpu.memref_slice %arg4[%add3A_69, %dma_wait3A_102] : memref<16384x128xf32, #tpu.memory_space<hbm>> -> memref<64x128xf32, #tpu.memory_space<hbm>>
    %dma_wait3A_104 = arith.constant 0 : i32
    %dma_wait3A_105 = tpu.memref_slice %arg4[%add3A_69, %dma_wait3A_104] : memref<16384x128xf32, #tpu.memory_space<hbm>> -> memref<64x128xf32, #tpu.memory_space<hbm>>
    tpu.wait_dma2 semaphore(%arg17 : memref<!tpu.dma_semaphore, #tpu.memory_space<semaphore_mem>>) src(%arg14 : memref<64x128xf32, #tpu.memory_space<vmem>>) dst(%dma_wait3A_105 : memref<64x128xf32, #tpu.memory_space<hbm>>)
    return
  }
}

module attributes {stable_mosaic.version = 14 : i64} {
  func.func @_mm_body(%arg0: i32, %arg1: memref<8192x128xf32, #tpu.memory_space<vmem>>, %arg2: memref<100x128xf32, #tpu.memory_space<vmem>>, %arg3: memref<8192x128xf32, #tpu.memory_space<vmem>>) attributes {dimension_semantics = [#tpu.dimension_semantics<arbitrary>], iteration_bounds = array<i64: 2>, scalar_prefetch = 0 : i64, scratch_operands = 0 : i64, tpu.core_type = #tpu.core_type<tc>, window_params = [{transform_indices = @transform_0, window_bounds = array<i64: 8192, 128>}, {pipeline_mode = #tpu.pipeline_mode<synchronous>, transform_indices = @transform_1, window_bounds = array<i64: 100, 128>}, {transform_indices = @transform_2, window_bounds = array<i64: 8192, 128>}]} {
    %get3A = arith.constant 0 : index
    %get3A_0 = arith.constant 0 : index
    %get3A_1 = vector.load %arg2[%get3A, %get3A_0] : memref<100x128xf32, #tpu.memory_space<vmem>>, vector<100x128xf32>
    %broadcast_in_dim3A = arith.constant 0.000000e+00 : f32
    %broadcast_in_dim3A_2 = vector.broadcast %broadcast_in_dim3A : f32 to vector<28x128xf32>
    %concatenate3A = tpu.concatenate %get3A_1, %broadcast_in_dim3A_2 in 0 : vector<100x128xf32>, vector<28x128xf32> -> vector<128x128xf32>
    %get3A_3 = arith.constant 0 : index
    %get3A_4 = arith.constant 0 : index
    %get3A_5 = vector.load %arg1[%get3A_3, %get3A_4] : memref<8192x128xf32, #tpu.memory_space<vmem>>, vector<8192x128xf32>
    %dot_general3A = arith.constant dense<0.000000e+00> : vector<8192x128xf32>
    %dot_general3A_6 = tpu.matmul %get3A_5, %concatenate3A, %dot_general3A {dimension_numbers = #tpu.dot_dimension_numbers<[1], [0], [0], [1], [0, 0, 1, 1], [], []>, transpose_lhs_hint = false} : vector<8192x128xf32>, vector<128x128xf32>, vector<8192x128xf32> -> vector<8192x128xf32>
    %swap3A = arith.constant 0 : index
    %swap3A_7 = arith.constant 0 : index
    %swap3A_8 = vector.load %arg3[%swap3A, %swap3A_7] : memref<8192x128xf32, #tpu.memory_space<vmem>>, vector<8192x128xf32>
    tpu.vector_store %arg3[%swap3A, %swap3A_7], %dot_general3A_6 {strides = array<i32>} : memref<8192x128xf32, #tpu.memory_space<vmem>>, vector<8192x128xf32>,
    return
  }
  func.func @transform_0(%arg0: i32) -> (i32, i32) {
    %c0_i32 = arith.constant 0 : i32
    %c0_i32_0 = arith.constant 0 : i32
    return %arg0, %c0_i32 : i32, i32
  }
  func.func @transform_1(%arg0: i32) -> (i32, i32) {
    %c0_i32 = arith.constant 0 : i32
    %c0_i32_0 = arith.constant 0 : i32
    %c0_i32_1 = arith.constant 0 : i32
    return %c0_i32, %c0_i32_0 : i32, i32
  }
  func.func @transform_2(%arg0: i32) -> (i32, i32) {
    %c0_i32 = arith.constant 0 : i32
    %c0_i32_0 = arith.constant 0 : i32
    return %arg0, %c0_i32 : i32, i32
  }
}

</mosaic_0001>

<sc_bundles>
// kernel: kernel.4.cloned.1.call-start
scs
__scs_entry_jumppad:
0x0: {  	(pc) =	sbr.rel $0x88, $3  }
0x1: {  	(tag) =	ssettag $0x0;
	lr =	simm.s32 $0x1  }
0x2: {  	[smem:$0x3F9E] =	sst lr;
	_ =	strace $0xD0000000  }
0x3: {  	_ = 	snop  }
0x4: {  	_ = 	snop  }
0x5: {  	_ = 	snop  }
0x6: {  	_ = 	snop  }
0x7: {  	_ = 	snop  }
__scs_overlays_trampoline_lowered:
0x8: {  	[smem:$0x3FAD] =	sst s0  }
0x9: {  	[smem:$0x3FAE] =	sst s1  }
0xa: {  	[smem:$0x3FAF] =	sst s2  }
0xb: {  	[smem:$0x3FB0] =	sst s3  }
0xc: {  	[smem:$0x3FB1] =	sst s4  }
0xd: {  	[smem:$0x3FB2] =	sst s5  }
0xe: {  	[smem:$0x3FB3] =	sst s6  }
0xf: {  	[smem:$0x3FB4] =	sst s7  }
0x10: {  	[smem:$0x3FB5] =	sst s8  }
0x11: {  	[smem:$0x3FB6] =	sst s9;
	s0 =	simm.s32 @!p0 $0x0  }
0x12: {  	s1 =	sld [smem:$0x3F9C];
	s0 =	simm.s32 @p0 $0x1  }
0x13: {  	[smem:$0x3FB7] =	sst s0;
	s0 =	simm.s32 @!p1 $0x0  }
0x14: {  	s2 =	sld [smem:$0x3F9B];
	s0 =	simm.s32 @p1 $0x1  }
0x15: {  	[smem:$0x3FB8] =	sst s0;
	s0 =	simm.s32 @!p2 $0x0  }
0x16: {  	s3 =	sld [smem:$0x3FDB];
	s0 =	simm.s32 @p2 $0x1  }
0x17: {  	s4 =	simm.s32 $0x1BF5;
	[smem:$0x3FBA] =	sst s0  }
0x18: {  	s0 =	sld [smem:$0x3F9D];
	_ =	swait.ge [sflag:s4], $0x0  }
0x19: {  	s7 =	sld [smem:$0x3F9E]  }
0x1a: {  	s8 =	sadd.s32 $0xFFFFE003, lr  }
0x1b: {  	s9 =	sadd.s32 $0xFFFFFEF7, lr;
	s5 =	simm.s32 $0xFFFFFFFF;
	p2 =	slt.u32 s8, $0xFFFFF086  }
0x1c: {  	p1 =	slt.u32 s9, $0xF7A;
	s5 =	simm.s32 @!p2 $0x0  }
0x1d: {  	s5 =	simm.s32 @p1 $0x1;
	p0 =	seq.s32 s7, s2  }
0x1e: {  	s7 =	smul.u32 @!p0 $0xF7A, s2;
	p2 =	seq.s32 @!p0 s5, $0x0  }
0x1f: {  	s9 =	smul.u32 $0xF7A, s1;
	s8 =	simm.s32 @!p0 $0x1BF5;
	p2 =	por !p2, p0  }
0x20: {  	[sflag:s8] =	ssyncset.s32 @!p0 $0xFFFFF086;
	s6 =	sadd.s32 @!p0 s3, s7;
	s7 =	simm.s32 @!p0 $0x108  }
0x21: {  	s3 =	sadd.s32 s3, s9;
	s6 =	sadd.s32 @!p0 $0x88, s6;
	s7 =	simm.s32 @p2 $0x1082  }
0x22: {  	[simem:s7], [sflag:s8] =	dma.local @!p0 [hbm:s6], $0xF7A  }
0x23: {  	s9 =	sor.u32 $0xD0000000, s2;
	s6 =	simm.s32 $0x108;
	_ =	swait.ge @!p0 [sflag:s8], $0x0  }
0x24: {  	s3 =	sadd.s32 $0x88, s3;
	s6 =	simm.s32 @!p1 $0x1082;
	[sflag:s4] =	ssyncset.s32 $0xFFFFF086  }
0x25: {  	[simem:s6], [sflag:s4] =	dma.local [hbm:s3], $0xF7A  }
0x26: {  	[smem:$0x3F9E] =	sst s1;
	(tag) =	ssettag s2;
	_ =	strace s9  }
0x27: {  	s1 =	sld [smem:$0x3FAE]  }
0x28: {  	s2 =	sld [smem:$0x3FAF]  }
0x29: {  	s4 =	sld [smem:$0x3FB1]  }
0x2a: {  	p0 =	seq.s32 s5, $0x0;
	s5 =	sld [smem:$0x3FB2]  }
0x2b: {  	s6 =	sld [smem:$0x3FB3]  }
0x2c: {  	s7 =	sld [smem:$0x3FB4]  }
0x2d: {  	s3 =	simm.s32 $0x108;
	s8 =	sld [smem:$0x3FB5]  }
0x2e: {  	s3 =	simm.s32 @!p0 $0x1082;
	s9 =	sld [smem:$0x3FB6]  }
0x2f: {  	lr =	sadd.s32 s0, s3;
	s0 =	sld [smem:$0x3FAD]  }
0x30: {  	s3 =	sld [smem:$0x3FB0]  }
0x31: {  	[smem:$0x3FB9] =	sst s10  }
0x32: {  	s10 =	sld [smem:$0x3FB7];
	_ =	sdelay $0x3  }
0x33: {  	p0 =	seq.s32 s10, $0x1;
	s10 =	sld [smem:$0x3FB9];
	_ =	sdelay $0x3  }
0x34: {  	[smem:$0x3FB9] =	sst s10  }
0x35: {  	s10 =	sld [smem:$0x3FB8];
	_ =	sdelay $0x3  }
0x36: {  	p1 =	seq.s32 s10, $0x1;
	s10 =	sld [smem:$0x3FB9];
	_ =	sdelay $0x3  }
0x37: {  	[smem:$0x3FB9] =	sst s10  }
0x38: {  	s10 =	sld [smem:$0x3FBA]  }
0x39: {  	_ = 	snop;
	(pc) =	sbr.ind lr, $3  }
0x3a: {  	_ = 	snop  }
0x3b: {  	_ = 	snop  }
0x3c: {  	p2 =	seq.s32 s10, $0x1;
	s10 =	sld [smem:$0x3FB9]  }
0x3d: {  	_ =	shalt  }
0x3e: {  	_ =	shalt  }
0x3f: {  	_ =	shalt  }
0x40: {  	_ =	shalt  }
0x41: {  	_ =	shalt  }
0x42: {  	_ =	shalt  }
0x43: {  	_ =	shalt  }
0x44: {  	_ =	shalt  }
0x45: {  	_ =	shalt  }
0x46: {  	_ =	shalt  }
0x47: {  	_ =	shalt  }
0x48: {  	_ =	shalt  }
0x49: {  	_ =	shalt  }
0x4a: {  	_ =	shalt  }
0x4b: {  	_ =	shalt  }
0x4c: {  	_ =	shalt  }
0x4d: {  	_ =	shalt  }
0x4e: {  	_ =	shalt  }
0x4f: {  	_ =	shalt  }
0x50: {  	_ =	shalt  }
0x51: {  	_ =	shalt  }
0x52: {  	_ =	shalt  }
0x53: {  	_ =	shalt  }
0x54: {  	_ =	shalt  }
0x55: {  	_ =	shalt  }
0x56: {  	_ =	shalt  }
0x57: {  	_ =	shalt  }
0x58: {  	_ =	shalt  }
0x59: {  	_ =	shalt  }
0x5a: {  	_ =	shalt  }
0x5b: {  	_ =	shalt  }
0x5c: {  	_ =	shalt  }
0x5d: {  	_ =	shalt  }
0x5e: {  	_ =	shalt  }
0x5f: {  	_ =	shalt  }
0x60: {  	_ =	shalt  }
0x61: {  	_ =	shalt  }
0x62: {  	_ =	shalt  }
0x63: {  	_ =	shalt  }
0x64: {  	_ =	shalt  }
0x65: {  	_ =	shalt  }
0x66: {  	_ =	shalt  }
0x67: {  	_ =	shalt  }
0x68: {  	_ =	shalt  }
0x69: {  	_ =	shalt  }
0x6a: {  	_ =	shalt  }
0x6b: {  	_ =	shalt  }
0x6c: {  	_ =	shalt  }
0x6d: {  	_ =	shalt  }
0x6e: {  	_ =	shalt  }
0x6f: {  	_ =	shalt  }
0x70: {  	_ =	shalt  }
0x71: {  	_ =	shalt  }
0x72: {  	_ =	shalt  }
0x73: {  	_ =	shalt  }
0x74: {  	_ =	shalt  }
0x75: {  	_ =	shalt  }
0x76: {  	_ =	shalt  }
0x77: {  	_ =	shalt  }
0x78: {  	_ =	shalt  }
0x79: {  	_ =	shalt  }
0x7a: {  	_ =	shalt  }
0x7b: {  	_ =	shalt  }
0x7c: {  	_ =	shalt  }
0x7d: {  	_ =	shalt  }
0x7e: {  	_ =	shalt  }
0x7f: {  	_ =	shalt  }
0x80: {  	_ =	shalt  }
0x81: {  	_ =	shalt  }
0x82: {  	_ =	shalt  }
0x83: {  	_ =	shalt  }
0x84: {  	_ =	shalt  }
0x85: {  	_ =	shalt  }
0x86: {  	_ =	shalt  }
0x87: {  	_ =	shalt  }
.Lfunc_end0:
.L_simem_size_0:
called_computation_lowered:
.L_overlay_start_0:
0x88: {  	s2 =	sld [smem:$0x3FD9]  }
0x89: {  	s3 =	sld [smem:$0x3FFE];
	_ =	sdelay $0x1  }
0x8a: {  	s1 =	srdreg.scid  }
0x8b: {  	s0 =	sand.u32 $0x1, s1  }
0x8c: {  	s17 =	sshll.u32 s0, $0xA;
	s2 =	sadd.s32 s3, s2  }
0x8d: {  	s2 =	sadd.s32 s2, s17  }
0x8e: {  	[smem:$0x3FC5] =	sst s2  }
0x8f: {  	_ = 	snop  }
0x90: {  	s2 =	sld [smem:$0x3FD0];
	(tm) =	ssettm $0x1  }
0x91: {  	s18 =	sld [smem:$0x3FFB];
	_ =	sdelay $0x3  }
0x92: {  	_ =	strace s18  }
0x93: {  	s3 =	sld [smem:$0x3FFC];
	_ =	sdelay $0x3  }
0x94: {  	_ =	strace s3  }
0x95: {  	s3 =	sld [smem:$0x3FFD];
	_ =	sdelay $0x3  }
0x96: {  	_ =	strace s3  }
0x97: {  	_ =	strace $0x8FFFFFFF  }
0x98: {  	s19 =	sld [smem:$0x3FDB];
	_ =	sdelay $0x1  }
0x99: {  	s4 =	simm.s32 $_scs_section_size  }
0x9a: {  	s5 =	simm.s32 $_size__tile_overlayer_lowered;
	s6 =	simm.s32 $_tile_overlayer_lowered  }
0x9b: {  	s22 =	simm.s32 $0x1BFF;
	s21 =	sshll.u32 s6, $0x1;
	s3 =	sadd.s32 s4, s19  }
0x9c: {  	s7 =	simm.s32 $0x0;
	s20 =	sshll.u32 s5, $0x1;
	s5 =	sadd.s32 s21, s3  }
0x9d: {  	[timem:s7], [sflag:s22] =	dma.local [hbm:s5], s20  }
0x9e: {  	_ =	swait.ge [sflag:s22], s20  }
0x9f: {  	s4 =	ssub.s32 $0x0, s20;
	[sflag:s22] =	ssyncset.done $0x0  }
0xa0: {  	[sflag:s22] =	ssyncadd.s32 s4;
	_ =	sdelay $0x1  }
0xa1: {  	s23 =	simm.s32 $0x1B8B  }
0xa2: {  	_ =	swait.ge [sflag:s23], $0x1  }
0xa3: {  	[sflag:s23] =	ssyncset.done $0x0  }
0xa4: {  	s25 =	simm.s32 $0x1B8E;
	s24 =	sld [smem:$0x3FFE];
	[sflag:s23] =	ssyncadd.s32 $0xFFFFFFFF  }
0xa5: {  	s26 =	simm.s32 $execute0_lowered;
	[smem:$0x3FD2] =	sst s25  }
0xa6: {  	s5 =	sshll.u32 s26, $0x1;
	_ =	strace $0x80000046;
	[dreg:$0x1] =	wrdreg $0xFFFFFFFF  }
0xa7: {  	s28 =	simm.s32 $_size_execute0_lowered;
	s3 =	sadd.s32 s3, s5;
	[dreg:$0x0] =	wrdreg $0x0  }
0xa8: {  	s5 =	sshll.u32 s28, $0x1;
	[dreg:$0x2] =	wrdreg s3  }
0xa9: {  	[dreg:$0x3] =	wrdreg s5  }
0xaa: {  	[dreg:$0x4] =	wrdreg $0xC0  }
0xab: {  	_ =	task [dreg:s7], $0x5FFFF  }
0xac: {  	[dreg:$0x1] =	wrdreg $0xFFFFFFFF  }
0xad: {  	[dreg:$0x0] =	wrdreg $0x60  }
0xae: {  	[dreg:$0x2] =	wrdreg s24  }
0xaf: {  	[dreg:$0x3] =	wrdreg s2  }
0xb0: {  	[dreg:$0x4] =	wrdreg $0x9  }
0xb1: {  	_ =	task.clear_ibuf [dreg:s7], $0x5FFFF;
	_ =	strace $0x90000046  }
0xb2: {  	s29 =	simm.s32 $0x9;
	_ =	strace $0x80000048  }
0xb3: {  	_ =	swait.ge [sflag:s29], $0x1  }
0xb4: {  	[sflag:s29] =	ssyncadd.s32 $0xFFFFFFFF  }
0xb5: {  	_ =	strace $0x90000048  }
0xb6: {  	_ =	sfence  }
0xb7: {  	s30 =	sld [smem:$0x0];
	_ =	sdelay $0x2  }
0xb8: {  	s31 =	sshll.u32 s1, $0xD;
	s1 =	sshrl.u32 s1, $0x2  }
0xb9: {  	s3 =	sand.u32 $0x4000, s31;
	s1 =	sadd.s32 s1, s30  }
0xba: {  	s0 =	sor.u32 s3, s0;
	s1 =	sshll.u32 s1, $0x11  }
0xbb: {  	s0 =	sor.u32 s1, s0  }
0xbc: {  	s0 =	sadd.s32 $0x8F2B, s0  }
0xbd: {  	[sflag:s0] =	ssyncadd.remote.s32 $0x1  }
0xbe: {  	_ =	sfence.sel $0xFFFF  }
0xbf: {  	[dreg:$0x0] =	wrdreg $0xFFFFFFFF;
	(pc) =	sbr.abs _section_cstart, $3  }
0xc0: {  	[dreg:$0x1] =	wrdreg $0xFFFFFFFF  }
0xc1: {  	_ =	task.clear_ibuf [dreg:s7], $0x2FFFF;
	_ =	strace $0x9FFFFFFF  }
0xc2: {  	(tm) =	ssettm $0x7FFFFFFF  }
0xc3: {  	_ =	shalt  }
tec
execute0_lowered:
.L_overlay_start_1:
0x0: {  	(tag) =	ssettag $0x1  }
0x1: {  	s0 =	rddreg [dreg:$0x0]  }
0x2: {  	s1 =	rddreg [dreg:$0x1];
	s2 =	srdreg.scid  }
0x3: {  	s4 =	stileid.u32;
	s17 =	simm.s32 $0x1;
	s18 =	simm.s32 $0x2  }
0x4: {  	s19 =	simm.s32 $0x6800;
	s20 =	simm.s32 $0x8800;
	s21 =	simm.s32 $0xA800  }
0x5: {  	s22 =	simm.s32 $0xC800;
	s23 =	simm.s32 $0xE800;
	s24 =	simm.s32 $0x10800  }
0x6: {  	s25 =	simm.s32 $0x12800;
	s26 =	simm.s32 $0x14800;
	s28 =	simm.s32 $0x3  }
0x7: {  	s29 =	simm.s32 $0x0;
	s3 =	sand.u32 $0x1, s2;
	s2 =	simm.s32 $0x0  }
0x8: {  	s4 =	sshll.u32 s4, $0xA;
	s5 =	sshll.u32 s3, $0x9;
	[smem:$0x7FF] =	sst s2  }
0x9: {  	s3 =	ssub.s32 $0x2, s3;
	s4 =	sor.u32 s5, s4;
	_ =	strace $0x80000047  }
0xa: {  	s30 =	sshrl.u32 s3, $0x1;
	s5 =	sshrl.u32 s4, $0x3;
	s4 =	sshll.u32 s4, $0x4  }
0xb: {  	s3 =	ssub.s32 s3, s30;
	s0 =	sadd.s32 s5, s0;
	s4 =	sadd.s32 s1, s4  }
0xc: {  	s13 =	smax.u32 s3, $0x1;
	s31 =	sadd.s32 $0xA00, s0;
	s0 =	sadd.s32 $0xDA00, s0  }
0xd: {  	s6 =	sadd.s32 $0x400, s4;
	s7 =	sadd.s32 $0x800, s4;
	s8 =	sadd.s32 $0xC00, s4  }
0xe: {  	v1 =	vlaneseq.u32;
	s9 =	sadd.s32 $0x1000, s4;
	s10 =	sadd.s32 $0x1400, s4;
	[dreg:$0x3] =	wrdreg s31  }
0xf: {  	v0 =	vimm.f32 $0.0e+00;
	v1 =	vmul.u32 $0x80, v1;
	s11 =	sadd.s32 $0x1800, s4;
	s12 =	sadd.s32 $0x1C00, s4;
	[dreg:$0x4] =	wrdreg s0  }
.LBB2_1:
0x10: {  	s0 =	rddreg [dreg:$0x3];
	s1 =	simm.s32 $0x200  }
0x11: {  	s3 =	simm.s32 $0x4000;
	s16 =	rddreg [dreg:$0x4];
	s5 =	simm.s32 $0x3400  }
0x12: {  	[tilespmem:s2], [sflag:$0x1] =	stream.strided.gather [hbm4b:s0+s1], $0x3400, s3, s1, $0x38;
	[tilespmem:$0x16800] =	vst v63  }
0x13: {  	s30 =	simm.s32 $0xFFFFFFFE;
	s31 =	simm.s32 $0x14880;
	s14 =	simm.s32 $0xC880  }
0x14: {  	[tilespmem:s5], [sflag:$0x2] =	stream.strided.gather [hbm4b:s16+s1], $0x3400, s3, s1, $0x38;
	[tilespmem:$0x16800] =	vst v63  }
0x15: {  	s15 =	simm.s32 $0xA880;
	s0 =	simm.s32 $0x12880;
	s1 =	simm.s32 $0x10880  }
0x16: {  	s16 =	simm.s32 $0xE880;
	s3 =	simm.s32 $0x8880;
	s5 =	simm.s32 $0x6880  }
.LBB2_2:
0x17: {  	[tilespmem:s5+$0xFFFFFF80] =	vst v0  }
0x18: {  	[tilespmem:s5+$0xFFFFFF90] =	vst v0  }
0x19: {  	[tilespmem:s5+$0xFFFFFFA0] =	vst v0  }
0x1a: {  	[tilespmem:s5+$0xFFFFFFB0] =	vst v0  }
0x1b: {  	[tilespmem:s5+$0xFFFFFFC0] =	vst v0  }
0x1c: {  	[tilespmem:s5+$0xFFFFFFD0] =	vst v0  }
0x1d: {  	[tilespmem:s5+$0xFFFFFFE0] =	vst v0  }
0x1e: {  	[tilespmem:s5+$0xFFFFFFF0] =	vst v0  }
0x1f: {  	[tilespmem:s5+$0x0] =	vst v0  }
0x20: {  	[tilespmem:s5+$0x10] =	vst v0  }
0x21: {  	[tilespmem:s5+$0x20] =	vst v0  }
0x22: {  	[tilespmem:s5+$0x30] =	vst v0  }
0x23: {  	[tilespmem:s5+$0x40] =	vst v0  }
0x24: {  	[tilespmem:s5+$0x50] =	vst v0  }
0x25: {  	[tilespmem:s5+$0x60] =	vst v0  }
0x26: {  	[tilespmem:s5+$0x70] =	vst v0  }
0x27: {  	[tilespmem:s3+$0xFFFFFF80] =	vst v0  }
0x28: {  	[tilespmem:s3+$0xFFFFFF90] =	vst v0  }
0x29: {  	[tilespmem:s3+$0xFFFFFFA0] =	vst v0  }
0x2a: {  	[tilespmem:s3+$0xFFFFFFB0] =	vst v0  }
0x2b: {  	[tilespmem:s3+$0xFFFFFFC0] =	vst v0  }
0x2c: {  	[tilespmem:s3+$0xFFFFFFD0] =	vst v0  }
0x2d: {  	[tilespmem:s3+$0xFFFFFFE0] =	vst v0  }
0x2e: {  	[tilespmem:s3+$0xFFFFFFF0] =	vst v0  }
0x2f: {  	[tilespmem:s3+$0x0] =	vst v0  }
0x30: {  	[tilespmem:s3+$0x10] =	vst v0  }
0x31: {  	[tilespmem:s3+$0x20] =	vst v0  }
0x32: {  	[tilespmem:s3+$0x30] =	vst v0  }
0x33: {  	[tilespmem:s3+$0x40] =	vst v0  }
0x34: {  	[tilespmem:s3+$0x50] =	vst v0  }
0x35: {  	[tilespmem:s3+$0x60] =	vst v0  }
0x36: {  	[tilespmem:s3+$0x70] =	vst v0  }
0x37: {  	[tilespmem:s15+$0xFFFFFF80] =	vst v0  }
0x38: {  	[tilespmem:s15+$0xFFFFFF90] =	vst v0  }
0x39: {  	[tilespmem:s15+$0xFFFFFFA0] =	vst v0  }
0x3a: {  	[tilespmem:s15+$0xFFFFFFB0] =	vst v0  }
0x3b: {  	[tilespmem:s15+$0xFFFFFFC0] =	vst v0  }
0x3c: {  	[tilespmem:s15+$0xFFFFFFD0] =	vst v0  }
0x3d: {  	[tilespmem:s15+$0xFFFFFFE0] =	vst v0  }
0x3e: {  	[tilespmem:s15+$0xFFFFFFF0] =	vst v0  }
0x3f: {  	[tilespmem:s15+$0x0] =	vst v0  }
0x40: {  	[tilespmem:s15+$0x10] =	vst v0  }
0x41: {  	[tilespmem:s15+$0x20] =	vst v0  }
0x42: {  	[tilespmem:s15+$0x30] =	vst v0  }
0x43: {  	[tilespmem:s15+$0x40] =	vst v0  }
0x44: {  	[tilespmem:s15+$0x50] =	vst v0  }
0x45: {  	[tilespmem:s15+$0x60] =	vst v0  }
0x46: {  	[tilespmem:s15+$0x70] =	vst v0  }
0x47: {  	[tilespmem:s14+$0xFFFFFF80] =	vst v0  }
0x48: {  	[tilespmem:s14+$0xFFFFFF90] =	vst v0  }
0x49: {  	[tilespmem:s14+$0xFFFFFFA0] =	vst v0  }
0x4a: {  	[tilespmem:s14+$0xFFFFFFB0] =	vst v0  }
0x4b: {  	[tilespmem:s14+$0xFFFFFFC0] =	vst v0  }
0x4c: {  	[tilespmem:s14+$0xFFFFFFD0] =	vst v0  }
0x4d: {  	[tilespmem:s14+$0xFFFFFFE0] =	vst v0  }
0x4e: {  	[tilespmem:s14+$0xFFFFFFF0] =	vst v0  }
0x4f: {  	[tilespmem:s14+$0x0] =	vst v0  }
0x50: {  	[tilespmem:s14+$0x10] =	vst v0  }
0x51: {  	[tilespmem:s14+$0x20] =	vst v0  }
0x52: {  	[tilespmem:s14+$0x30] =	vst v0  }
0x53: {  	[tilespmem:s14+$0x40] =	vst v0  }
0x54: {  	[tilespmem:s14+$0x50] =	vst v0  }
0x55: {  	[tilespmem:s14+$0x60] =	vst v0  }
0x56: {  	[tilespmem:s14+$0x70] =	vst v0  }
0x57: {  	[tilespmem:s16+$0xFFFFFF80] =	vst v0  }
0x58: {  	[tilespmem:s16+$0xFFFFFF90] =	vst v0  }
0x59: {  	[tilespmem:s16+$0xFFFFFFA0] =	vst v0  }
0x5a: {  	[tilespmem:s16+$0xFFFFFFB0] =	vst v0  }
0x5b: {  	[tilespmem:s16+$0xFFFFFFC0] =	vst v0  }
0x5c: {  	[tilespmem:s16+$0xFFFFFFD0] =	vst v0  }
0x5d: {  	[tilespmem:s16+$0xFFFFFFE0] =	vst v0  }
0x5e: {  	[tilespmem:s16+$0xFFFFFFF0] =	vst v0  }
0x5f: {  	[tilespmem:s16+$0x0] =	vst v0  }
0x60: {  	[tilespmem:s16+$0x10] =	vst v0  }
0x61: {  	[tilespmem:s16+$0x20] =	vst v0  }
0x62: {  	[tilespmem:s16+$0x30] =	vst v0  }
0x63: {  	[tilespmem:s16+$0x40] =	vst v0  }
0x64: {  	[tilespmem:s16+$0x50] =	vst v0  }
0x65: {  	[tilespmem:s16+$0x60] =	vst v0  }
0x66: {  	[tilespmem:s16+$0x70] =	vst v0  }
0x67: {  	[tilespmem:s1+$0xFFFFFF80] =	vst v0  }
0x68: {  	[tilespmem:s1+$0xFFFFFF90] =	vst v0  }
0x69: {  	[tilespmem:s1+$0xFFFFFFA0] =	vst v0  }
0x6a: {  	[tilespmem:s1+$0xFFFFFFB0] =	vst v0  }
0x6b: {  	[tilespmem:s1+$0xFFFFFFC0] =	vst v0  }
0x6c: {  	[tilespmem:s1+$0xFFFFFFD0] =	vst v0  }
0x6d: {  	[tilespmem:s1+$0xFFFFFFE0] =	vst v0  }
0x6e: {  	[tilespmem:s1+$0xFFFFFFF0] =	vst v0  }
0x6f: {  	[tilespmem:s1+$0x0] =	vst v0  }
0x70: {  	[tilespmem:s1+$0x10] =	vst v0  }
0x71: {  	[tilespmem:s1+$0x20] =	vst v0  }
0x72: {  	[tilespmem:s1+$0x30] =	vst v0  }
0x73: {  	[tilespmem:s1+$0x40] =	vst v0  }
0x74: {  	[tilespmem:s1+$0x50] =	vst v0  }
0x75: {  	[tilespmem:s1+$0x60] =	vst v0  }
0x76: {  	[tilespmem:s1+$0x70] =	vst v0  }
0x77: {  	[tilespmem:s0+$0xFFFFFF80] =	vst v0  }
0x78: {  	[tilespmem:s0+$0xFFFFFF90] =	vst v0  }
0x79: {  	[tilespmem:s0+$0xFFFFFFA0] =	vst v0  }
0x7a: {  	[tilespmem:s0+$0xFFFFFFB0] =	vst v0  }
0x7b: {  	[tilespmem:s0+$0xFFFFFFC0] =	vst v0  }
0x7c: {  	[tilespmem:s0+$0xFFFFFFD0] =	vst v0  }
0x7d: {  	[tilespmem:s0+$0xFFFFFFE0] =	vst v0  }
0x7e: {  	[tilespmem:s0+$0xFFFFFFF0] =	vst v0  }
0x7f: {  	[tilespmem:s0+$0x0] =	vst v0  }
0x80: {  	[tilespmem:s0+$0x10] =	vst v0  }
0x81: {  	[tilespmem:s0+$0x20] =	vst v0  }
0x82: {  	[tilespmem:s0+$0x30] =	vst v0  }
0x83: {  	[tilespmem:s0+$0x40] =	vst v0  }
0x84: {  	[tilespmem:s0+$0x50] =	vst v0  }
0x85: {  	[tilespmem:s0+$0x60] =	vst v0  }
0x86: {  	[tilespmem:s0+$0x70] =	vst v0  }
0x87: {  	[tilespmem:s31+$0xFFFFFF80] =	vst v0  }
0x88: {  	[tilespmem:s31+$0xFFFFFF90] =	vst v0  }
0x89: {  	[tilespmem:s31+$0xFFFFFFA0] =	vst v0  }
0x8a: {  	[tilespmem:s31+$0xFFFFFFB0] =	vst v0  }
0x8b: {  	[tilespmem:s31+$0xFFFFFFC0] =	vst v0  }
0x8c: {  	[tilespmem:s31+$0xFFFFFFD0] =	vst v0  }
0x8d: {  	[tilespmem:s31+$0xFFFFFFE0] =	vst v0  }
0x8e: {  	[tilespmem:s31+$0xFFFFFFF0] =	vst v0  }
0x8f: {  	[tilespmem:s31+$0x0] =	vst v0  }
0x90: {  	s30 =	sadd.s32 $0x2, s30;
	[tilespmem:s31+$0x10] =	vst v0  }
0x91: {  	p0 =	slt.u32 s30, $0x3E;
	[tilespmem:s31+$0x20] =	vst v0  }
.Ltmp0:
0x92: {  	[tilespmem:s31+$0x30] =	vst v0;
	(pc) =	sbr.rel @p0 .LBB2_2-.Ltmp0, $4  }
0x93: {  	[tilespmem:s31+$0x40] =	vst v0  }
0x94: {  	s5 =	sadd.s32 $0x100, s5;
	s3 =	sadd.s32 $0x100, s3;
	[tilespmem:s31+$0x50] =	vst v0  }
0x95: {  	s15 =	sadd.s32 $0x100, s15;
	s14 =	sadd.s32 $0x100, s14;
	s16 =	sadd.s32 $0x100, s16;
	[tilespmem:s31+$0x60] =	vst v0  }
0x96: {  	s1 =	sadd.s32 $0x100, s1;
	s0 =	sadd.s32 $0x100, s0;
	[tilespmem:s31+$0x70] =	vst v0;
	s31 =	sadd.s32 $0x100, s31  }
0x97: {  	_ =	swait.ge [sflag:s17], $0x3400  }
0x98: {  	[sflag:s17] =	ssyncset.done $0x0  }
0x99: {  	[sflag:s17] =	ssyncadd.s32 $0xFFFFCC00  }
0x9a: {  	_ =	swait.ge [sflag:s18], $0x3400  }
0x9b: {  	[sflag:s18] =	ssyncset.done $0x0  }
0x9c: {  	s30 =	simm.s32 $0x0;
	p0 =	por $0x1, $0x1;
	[sflag:s18] =	ssyncadd.s32 $0xFFFFCC00  }
.LBB2_4:
0x9d: {  	v3 =	vld [tilespmem:s30+$0x0];
	_ =	sdelay $0x2  }
0x9e: {  	v2 =	vmov s30  }
0x9f: {  	v2 =	vshll.u32 v2, $0x7  }
0xa0: {  	v2 =	vor.u32 v1, v2;
	v4 =	vand.u32 $0xFFFFFFF8, v3  }
0xa1: {  	v3 =	vand.u32 $0x7, v3;
	v4 =	vadd.s32 v2, v4  }
0xa2: {  	v5 =	vld [tilespmem:s30+$0x3400];
	v3 =	vor.u32 v3, v4;
	_ =	sdelay $0x4  }
0xa3: {  	s0 =	sor.u32 $0x40, s30;
	[tilespmem:v3+s19+$0x0] =	vst.idx.add.f32.msk $0xffff, v5  }
0xa4: {  	v3 =	vld [tilespmem:s0+$0x0];
	_ =	sdelay $0x4  }
0xa5: {  	v27 =	vand.u32 $0xFFFFFFF8, v3  }
0xa6: {  	v3 =	vand.u32 $0x7, v3;
	v4 =	vadd.s32 v2, v27  }
0xa7: {  	v5 =	vld [tilespmem:s30+$0x3440];
	v3 =	vor.u32 v3, v4;
	_ =	sdelay $0x4  }
0xa8: {  	s15 =	sor.u32 $0x80, s30;
	[tilespmem:v3+s20+$0x0] =	vst.idx.add.f32.msk $0xffff, v5  }
0xa9: {  	v3 =	vld [tilespmem:s15+$0x0];
	_ =	sdelay $0x4  }
0xaa: {  	v28 =	vand.u32 $0xFFFFFFF8, v3  }
0xab: {  	v3 =	vand.u32 $0x7, v3;
	v4 =	vadd.s32 v2, v28  }
0xac: {  	v5 =	vld [tilespmem:s30+$0x3480];
	v3 =	vor.u32 v3, v4;
	_ =	sdelay $0x4  }
0xad: {  	s16 =	sor.u32 $0xC0, s30;
	[tilespmem:v3+s21+$0x0] =	vst.idx.add.f32.msk $0xffff, v5  }
0xae: {  	v3 =	vld [tilespmem:s16+$0x0];
	_ =	sdelay $0x4  }
0xaf: {  	v29 =	vand.u32 $0xFFFFFFF8, v3  }
0xb0: {  	v3 =	vand.u32 $0x7, v3;
	v4 =	vadd.s32 v2, v29  }
0xb1: {  	v5 =	vld [tilespmem:s30+$0x34C0];
	v3 =	vor.u32 v3, v4;
	_ =	sdelay $0x4  }
0xb2: {  	s31 =	sor.u32 $0x200, s30;
	[tilespmem:v3+s22+$0x0] =	vst.idx.add.f32.msk $0xffff, v5  }
0xb3: {  	v3 =	vld [tilespmem:s31+$0x0];
	_ =	sdelay $0x4  }
0xb4: {  	v30 =	vand.u32 $0xFFFFFFF8, v3  }
0xb5: {  	v3 =	vand.u32 $0x7, v3;
	v4 =	vadd.s32 v2, v30  }
0xb6: {  	v5 =	vld [tilespmem:s30+$0x3600];
	v3 =	vor.u32 v3, v4;
	_ =	sdelay $0x4  }
0xb7: {  	s1 =	sor.u32 $0x240, s30;
	[tilespmem:v3+s19+$0x0] =	vst.idx.add.f32.msk $0xffff, v5  }
0xb8: {  	v3 =	vld [tilespmem:s1+$0x0];
	_ =	sdelay $0x4  }
0xb9: {  	v31 =	vand.u32 $0xFFFFFFF8, v3  }
0xba: {  	v3 =	vand.u32 $0x7, v3;
	v4 =	vadd.s32 v2, v31  }
0xbb: {  	v5 =	vld [tilespmem:s30+$0x3640];
	v3 =	vor.u32 v3, v4;
	_ =	sdelay $0x4  }
0xbc: {  	s3 =	sor.u32 $0x280, s30;
	[tilespmem:v3+s20+$0x0] =	vst.idx.add.f32.msk $0xffff, v5  }
0xbd: {  	v3 =	vld [tilespmem:s3+$0x0];
	_ =	sdelay $0x4  }
0xbe: {  	v32 =	vand.u32 $0xFFFFFFF8, v3  }
0xbf: {  	v3 =	vand.u32 $0x7, v3;
	v4 =	vadd.s32 v2, v32  }
0xc0: {  	v5 =	vld [tilespmem:s30+$0x3680];
	v3 =	vor.u32 v3, v4;
	_ =	sdelay $0x4  }
0xc1: {  	s5 =	sor.u32 $0x2C0, s30;
	[tilespmem:v3+s21+$0x0] =	vst.idx.add.f32.msk $0xffff, v5  }
0xc2: {  	v3 =	vld [tilespmem:s5+$0x0];
	_ =	sdelay $0x4  }
0xc3: {  	v33 =	vand.u32 $0xFFFFFFF8, v3  }
0xc4: {  	v3 =	vand.u32 $0x7, v3;
	v4 =	vadd.s32 v2, v33  }
0xc5: {  	v5 =	vld [tilespmem:s30+$0x36C0];
	v3 =	vor.u32 v3, v4;
	_ =	sdelay $0x4  }
0xc6: {  	s14 =	sor.u32 $0x400, s30;
	[tilespmem:v3+s22+$0x0] =	vst.idx.add.f32.msk $0xffff, v5  }
0xc7: {  	v3 =	vld [tilespmem:s14+$0x0];
	_ =	sdelay $0x4  }
0xc8: {  	v34 =	vand.u32 $0xFFFFFFF8, v3  }
0xc9: {  	v3 =	vand.u32 $0x7, v3;
	v4 =	vadd.s32 v2, v34  }
0xca: {  	v5 =	vld [tilespmem:s30+$0x3800];
	v3 =	vor.u32 v3, v4;
	_ =	sdelay $0x4  }
0xcb: {  	s15 =	sor.u32 $0x440, s30;
	[tilespmem:v3+s19+$0x0] =	vst.idx.add.f32.msk $0xffff, v5  }
0xcc: {  	v3 =	vld [tilespmem:s15+$0x0];
	_ =	sdelay $0x4  }
0xcd: {  	v35 =	vand.u32 $0xFFFFFFF8, v3  }
0xce: {  	v3 =	vand.u32 $0x7, v3;
	v4 =	vadd.s32 v2, v35  }
0xcf: {  	v5 =	vld [tilespmem:s30+$0x3840];
	v3 =	vor.u32 v3, v4;
	_ =	sdelay $0x4  }
0xd0: {  	s16 =	sor.u32 $0x480, s30;
	[tilespmem:v3+s20+$0x0] =	vst.idx.add.f32.msk $0xffff, v5  }
0xd1: {  	v3 =	vld [tilespmem:s16+$0x0];
	_ =	sdelay $0x4  }
0xd2: {  	v36 =	vand.u32 $0xFFFFFFF8, v3  }
0xd3: {  	v3 =	vand.u32 $0x7, v3;
	v4 =	vadd.s32 v2, v36  }
0xd4: {  	v5 =	vld [tilespmem:s30+$0x3880];
	v3 =	vor.u32 v3, v4;
	_ =	sdelay $0x4  }
0xd5: {  	s31 =	sor.u32 $0x4C0, s30;
	[tilespmem:v3+s21+$0x0] =	vst.idx.add.f32.msk $0xffff, v5  }
0xd6: {  	v3 =	vld [tilespmem:s31+$0x0];
	_ =	sdelay $0x4  }
0xd7: {  	v37 =	vand.u32 $0xFFFFFFF8, v3  }
0xd8: {  	v3 =	vand.u32 $0x7, v3;
	v4 =	vadd.s32 v2, v37  }
0xd9: {  	v5 =	vld [tilespmem:s30+$0x38C0];
	v3 =	vor.u32 v3, v4;
	_ =	sdelay $0x4  }
0xda: {  	s1 =	sor.u32 $0x600, s30;
	[tilespmem:v3+s22+$0x0] =	vst.idx.add.f32.msk $0xffff, v5  }
0xdb: {  	v3 =	vld [tilespmem:s1+$0x0];
	_ =	sdelay $0x4  }
0xdc: {  	v38 =	vand.u32 $0xFFFFFFF8, v3  }
0xdd: {  	v3 =	vand.u32 $0x7, v3;
	v4 =	vadd.s32 v2, v38  }
0xde: {  	v5 =	vld [tilespmem:s30+$0x3A00];
	v3 =	vor.u32 v3, v4;
	_ =	sdelay $0x4  }
0xdf: {  	s3 =	sor.u32 $0x640, s30;
	[tilespmem:v3+s19+$0x0] =	vst.idx.add.f32.msk $0xffff, v5  }
0xe0: {  	v3 =	vld [tilespmem:s3+$0x0];
	_ =	sdelay $0x4  }
0xe1: {  	v39 =	vand.u32 $0xFFFFFFF8, v3  }
0xe2: {  	v3 =	vand.u32 $0x7, v3;
	v4 =	vadd.s32 v2, v39  }
0xe3: {  	v5 =	vld [tilespmem:s30+$0x3A40];
	v3 =	vor.u32 v3, v4;
	_ =	sdelay $0x4  }
0xe4: {  	s5 =	sor.u32 $0x680, s30;
	[tilespmem:v3+s20+$0x0] =	vst.idx.add.f32.msk $0xffff, v5  }
0xe5: {  	v3 =	vld [tilespmem:s5+$0x0];
	_ =	sdelay $0x4  }
0xe6: {  	v40 =	vand.u32 $0xFFFFFFF8, v3  }
0xe7: {  	v3 =	vand.u32 $0x7, v3;
	v4 =	vadd.s32 v2, v40  }
0xe8: {  	v5 =	vld [tilespmem:s30+$0x3A80];
	v3 =	vor.u32 v3, v4;
	_ =	sdelay $0x4  }
0xe9: {  	s14 =	sor.u32 $0x6C0, s30;
	[tilespmem:v3+s21+$0x0] =	vst.idx.add.f32.msk $0xffff, v5  }
0xea: {  	v3 =	vld [tilespmem:s14+$0x0];
	_ =	sdelay $0x4  }
0xeb: {  	v41 =	vand.u32 $0xFFFFFFF8, v3  }
0xec: {  	v3 =	vand.u32 $0x7, v3;
	v4 =	vadd.s32 v2, v41  }
0xed: {  	v5 =	vld [tilespmem:s30+$0x3AC0];
	v3 =	vor.u32 v3, v4;
	_ =	sdelay $0x4  }
0xee: {  	s15 =	sor.u32 $0x800, s30;
	[tilespmem:v3+s22+$0x0] =	vst.idx.add.f32.msk $0xffff, v5  }
0xef: {  	v3 =	vld [tilespmem:s15+$0x0];
	_ =	sdelay $0x4  }
0xf0: {  	v42 =	vand.u32 $0xFFFFFFF8, v3  }
0xf1: {  	v3 =	vand.u32 $0x7, v3;
	v4 =	vadd.s32 v2, v42  }
0xf2: {  	v5 =	vld [tilespmem:s30+$0x3C00];
	v3 =	vor.u32 v3, v4;
	_ =	sdelay $0x4  }
0xf3: {  	s16 =	sor.u32 $0x840, s30;
	[tilespmem:v3+s19+$0x0] =	vst.idx.add.f32.msk $0xffff, v5  }
0xf4: {  	v3 =	vld [tilespmem:s16+$0x0];
	_ =	sdelay $0x4  }
0xf5: {  	v43 =	vand.u32 $0xFFFFFFF8, v3  }
0xf6: {  	v3 =	vand.u32 $0x7, v3;
	v4 =	vadd.s32 v2, v43  }
0xf7: {  	v5 =	vld [tilespmem:s30+$0x3C40];
	v3 =	vor.u32 v3, v4;
	_ =	sdelay $0x4  }
0xf8: {  	s31 =	sor.u32 $0x880, s30;
	[tilespmem:v3+s20+$0x0] =	vst.idx.add.f32.msk $0xffff, v5  }
0xf9: {  	v3 =	vld [tilespmem:s31+$0x0];
	_ =	sdelay $0x4  }
0xfa: {  	v44 =	vand.u32 $0xFFFFFFF8, v3  }
0xfb: {  	v3 =	vand.u32 $0x7, v3;
	v4 =	vadd.s32 v2, v44  }
0xfc: {  	v5 =	vld [tilespmem:s30+$0x3C80];
	v3 =	vor.u32 v3, v4;
	_ =	sdelay $0x4  }
0xfd: {  	s1 =	sor.u32 $0x8C0, s30;
	[tilespmem:v3+s21+$0x0] =	vst.idx.add.f32.msk $0xffff, v5  }
0xfe: {  	v3 =	vld [tilespmem:s1+$0x0];
	_ =	sdelay $0x4  }
0xff: {  	v45 =	vand.u32 $0xFFFFFFF8, v3  }
0x100: {  	v3 =	vand.u32 $0x7, v3;
	v4 =	vadd.s32 v2, v45  }
0x101: {  	v5 =	vld [tilespmem:s30+$0x3CC0];
	v3 =	vor.u32 v3, v4;
	_ =	sdelay $0x4  }
0x102: {  	s3 =	sor.u32 $0xA00, s30;
	[tilespmem:v3+s22+$0x0] =	vst.idx.add.f32.msk $0xffff, v5  }
0x103: {  	v3 =	vld [tilespmem:s3+$0x0];
	_ =	sdelay $0x4  }
0x104: {  	v46 =	vand.u32 $0xFFFFFFF8, v3  }
0x105: {  	v3 =	vand.u32 $0x7, v3;
	v4 =	vadd.s32 v2, v46  }
0x106: {  	v5 =	vld [tilespmem:s30+$0x3E00];
	v3 =	vor.u32 v3, v4;
	_ =	sdelay $0x4  }
0x107: {  	s5 =	sor.u32 $0xA40, s30;
	[tilespmem:v3+s19+$0x0] =	vst.idx.add.f32.msk $0xffff, v5  }
0x108: {  	v3 =	vld [tilespmem:s5+$0x0];
	_ =	sdelay $0x4  }
0x109: {  	v47 =	vand.u32 $0xFFFFFFF8, v3  }
0x10a: {  	v3 =	vand.u32 $0x7, v3;
	v4 =	vadd.s32 v2, v47  }
0x10b: {  	v5 =	vld [tilespmem:s30+$0x3E40];
	v3 =	vor.u32 v3, v4;
	_ =	sdelay $0x4  }
0x10c: {  	s14 =	sor.u32 $0xA80, s30;
	[tilespmem:v3+s20+$0x0] =	vst.idx.add.f32.msk $0xffff, v5  }
0x10d: {  	v3 =	vld [tilespmem:s14+$0x0];
	_ =	sdelay $0x4  }
0x10e: {  	v48 =	vand.u32 $0xFFFFFFF8, v3  }
0x10f: {  	v3 =	vand.u32 $0x7, v3;
	v4 =	vadd.s32 v2, v48  }
0x110: {  	v5 =	vld [tilespmem:s30+$0x3E80];
	v3 =	vor.u32 v3, v4;
	_ =	sdelay $0x4  }
0x111: {  	s15 =	sor.u32 $0xAC0, s30;
	[tilespmem:v3+s21+$0x0] =	vst.idx.add.f32.msk $0xffff, v5  }
0x112: {  	v3 =	vld [tilespmem:s15+$0x0];
	_ =	sdelay $0x4  }
0x113: {  	v49 =	vand.u32 $0xFFFFFFF8, v3  }
0x114: {  	v3 =	vand.u32 $0x7, v3;
	v4 =	vadd.s32 v2, v49  }
0x115: {  	v5 =	vld [tilespmem:s30+$0x3EC0];
	v3 =	vor.u32 v3, v4;
	_ =	sdelay $0x4  }
0x116: {  	s16 =	sor.u32 $0xC00, s30;
	[tilespmem:v3+s22+$0x0] =	vst.idx.add.f32.msk $0xffff, v5  }
0x117: {  	v3 =	vld [tilespmem:s16+$0x0];
	_ =	sdelay $0x4  }
0x118: {  	v50 =	vand.u32 $0xFFFFFFF8, v3  }
0x119: {  	v3 =	vand.u32 $0x7, v3;
	v4 =	vadd.s32 v2, v50  }
0x11a: {  	v5 =	vld [tilespmem:s30+$0x4000];
	v3 =	vor.u32 v3, v4;
	_ =	sdelay $0x4  }
0x11b: {  	s31 =	sor.u32 $0xC40, s30;
	[tilespmem:v3+s19+$0x0] =	vst.idx.add.f32.msk $0xffff, v5  }
0x11c: {  	v3 =	vld [tilespmem:s31+$0x0];
	_ =	sdelay $0x4  }
0x11d: {  	v51 =	vand.u32 $0xFFFFFFF8, v3  }
0x11e: {  	v3 =	vand.u32 $0x7, v3;
	v4 =	vadd.s32 v2, v51  }
0x11f: {  	v5 =	vld [tilespmem:s30+$0x4040];
	v3 =	vor.u32 v3, v4;
	_ =	sdelay $0x4  }
0x120: {  	s1 =	sor.u32 $0xC80, s30;
	[tilespmem:v3+s20+$0x0] =	vst.idx.add.f32.msk $0xffff, v5  }
0x121: {  	v3 =	vld [tilespmem:s1+$0x0];
	_ =	sdelay $0x4  }
0x122: {  	v52 =	vand.u32 $0xFFFFFFF8, v3  }
0x123: {  	v3 =	vand.u32 $0x7, v3;
	v4 =	vadd.s32 v2, v52  }
0x124: {  	v5 =	vld [tilespmem:s30+$0x4080];
	v3 =	vor.u32 v3, v4;
	_ =	sdelay $0x4  }
0x125: {  	s3 =	sor.u32 $0xCC0, s30;
	[tilespmem:v3+s21+$0x0] =	vst.idx.add.f32.msk $0xffff, v5  }
0x126: {  	v3 =	vld [tilespmem:s3+$0x0];
	_ =	sdelay $0x4  }
0x127: {  	v53 =	vand.u32 $0xFFFFFFF8, v3  }
0x128: {  	v3 =	vand.u32 $0x7, v3;
	v4 =	vadd.s32 v2, v53  }
0x129: {  	v5 =	vld [tilespmem:s30+$0x40C0];
	v3 =	vor.u32 v3, v4;
	_ =	sdelay $0x4  }
0x12a: {  	s5 =	sor.u32 $0xE00, s30;
	[tilespmem:v3+s22+$0x0] =	vst.idx.add.f32.msk $0xffff, v5  }
0x12b: {  	v3 =	vld [tilespmem:s5+$0x0];
	_ =	sdelay $0x4  }
0x12c: {  	v54 =	vand.u32 $0xFFFFFFF8, v3  }
0x12d: {  	v3 =	vand.u32 $0x7, v3;
	v4 =	vadd.s32 v2, v54  }
0x12e: {  	v5 =	vld [tilespmem:s30+$0x4200];
	v3 =	vor.u32 v3, v4;
	_ =	sdelay $0x4  }
0x12f: {  	s14 =	sor.u32 $0xE40, s30;
	[tilespmem:v3+s19+$0x0] =	vst.idx.add.f32.msk $0xffff, v5  }
0x130: {  	v3 =	vld [tilespmem:s14+$0x0];
	_ =	sdelay $0x4  }
0x131: {  	v55 =	vand.u32 $0xFFFFFFF8, v3  }
0x132: {  	v3 =	vand.u32 $0x7, v3;
	v4 =	vadd.s32 v2, v55  }
0x133: {  	v5 =	vld [tilespmem:s30+$0x4240];
	v3 =	vor.u32 v3, v4;
	_ =	sdelay $0x4  }
0x134: {  	s15 =	sor.u32 $0xE80, s30;
	[tilespmem:v3+s20+$0x0] =	vst.idx.add.f32.msk $0xffff, v5  }
0x135: {  	v3 =	vld [tilespmem:s15+$0x0];
	_ =	sdelay $0x4  }
0x136: {  	v56 =	vand.u32 $0xFFFFFFF8, v3  }
0x137: {  	v3 =	vand.u32 $0x7, v3;
	v4 =	vadd.s32 v2, v56  }
0x138: {  	v5 =	vld [tilespmem:s30+$0x4280];
	v3 =	vor.u32 v3, v4;
	_ =	sdelay $0x4  }
0x139: {  	s16 =	sor.u32 $0xEC0, s30;
	[tilespmem:v3+s21+$0x0] =	vst.idx.add.f32.msk $0xffff, v5  }
0x13a: {  	v3 =	vld [tilespmem:s16+$0x0];
	_ =	sdelay $0x4  }
0x13b: {  	v57 =	vand.u32 $0xFFFFFFF8, v3  }
0x13c: {  	v3 =	vand.u32 $0x7, v3;
	v4 =	vadd.s32 v2, v57  }
0x13d: {  	v5 =	vld [tilespmem:s30+$0x42C0];
	v3 =	vor.u32 v3, v4;
	_ =	sdelay $0x4  }
0x13e: {  	s31 =	sor.u32 $0x1000, s30;
	[tilespmem:v3+s22+$0x0] =	vst.idx.add.f32.msk $0xffff, v5  }
0x13f: {  	v3 =	vld [tilespmem:s31+$0x0];
	_ =	sdelay $0x4  }
0x140: {  	v58 =	vand.u32 $0xFFFFFFF8, v3  }
0x141: {  	v3 =	vand.u32 $0x7, v3;
	v4 =	vadd.s32 v2, v58  }
0x142: {  	v5 =	vld [tilespmem:s30+$0x4400];
	v3 =	vor.u32 v3, v4;
	_ =	sdelay $0x4  }
0x143: {  	s1 =	sor.u32 $0x1040, s30;
	[tilespmem:v3+s19+$0x0] =	vst.idx.add.f32.msk $0xffff, v5  }
0x144: {  	v3 =	vld [tilespmem:s1+$0x0];
	_ =	sdelay $0x4  }
0x145: {  	v59 =	vand.u32 $0xFFFFFFF8, v3  }
0x146: {  	v3 =	vand.u32 $0x7, v3;
	v4 =	vadd.s32 v2, v59  }
0x147: {  	v5 =	vld [tilespmem:s30+$0x4440];
	v3 =	vor.u32 v3, v4;
	_ =	sdelay $0x4  }
0x148: {  	s3 =	sor.u32 $0x1080, s30;
	[tilespmem:v3+s20+$0x0] =	vst.idx.add.f32.msk $0xffff, v5  }
0x149: {  	v3 =	vld [tilespmem:s3+$0x0];
	_ =	sdelay $0x4  }
0x14a: {  	v60 =	vand.u32 $0xFFFFFFF8, v3  }
0x14b: {  	v3 =	vand.u32 $0x7, v3;
	v4 =	vadd.s32 v2, v60  }
0x14c: {  	v5 =	vld [tilespmem:s30+$0x4480];
	v3 =	vor.u32 v3, v4;
	_ =	sdelay $0x4  }
0x14d: {  	s5 =	sor.u32 $0x10C0, s30;
	[tilespmem:v3+s21+$0x0] =	vst.idx.add.f32.msk $0xffff, v5  }
0x14e: {  	v3 =	vld [tilespmem:s5+$0x0];
	_ =	sdelay $0x4  }
0x14f: {  	v61 =	vand.u32 $0xFFFFFFF8, v3  }
0x150: {  	v3 =	vand.u32 $0x7, v3;
	v4 =	vadd.s32 v2, v61  }
0x151: {  	v5 =	vld [tilespmem:s30+$0x44C0];
	v3 =	vor.u32 v3, v4;
	_ =	sdelay $0x4  }
0x152: {  	s14 =	sor.u32 $0x1200, s30;
	[tilespmem:v3+s22+$0x0] =	vst.idx.add.f32.msk $0xffff, v5  }
0x153: {  	v3 =	vld [tilespmem:s14+$0x0];
	_ =	sdelay $0x4  }
0x154: {  	v62 =	vand.u32 $0xFFFFFFF8, v3  }
0x155: {  	v3 =	vand.u32 $0x7, v3;
	v4 =	vadd.s32 v2, v62  }
0x156: {  	v5 =	vld [tilespmem:s30+$0x4600];
	v3 =	vor.u32 v3, v4;
	_ =	sdelay $0x4  }
0x157: {  	s15 =	sor.u32 $0x1240, s30;
	[tilespmem:v3+s19+$0x0] =	vst.idx.add.f32.msk $0xffff, v5  }
0x158: {  	v3 =	vld [tilespmem:s15+$0x0];
	_ =	sdelay $0x4  }
0x159: {  	v63 =	vand.u32 $0xFFFFFFF8, v3  }
0x15a: {  	v3 =	vand.u32 $0x7, v3;
	v4 =	vadd.s32 v2, v63  }
0x15b: {  	v5 =	vld [tilespmem:s30+$0x4640];
	v3 =	vor.u32 v3, v4;
	_ =	sdelay $0x4  }
0x15c: {  	s16 =	sor.u32 $0x1280, s30;
	[tilespmem:v3+s20+$0x0] =	vst.idx.add.f32.msk $0xffff, v5  }
0x15d: {  	v3 =	vld [tilespmem:s16+$0x0];
	_ =	sdelay $0x4  }
0x15e: {  	v8 =	vand.u32 $0xFFFFFFF8, v3  }
0x15f: {  	v3 =	vand.u32 $0x7, v3;
	v4 =	vadd.s32 v2, v8  }
0x160: {  	v5 =	vld [tilespmem:s30+$0x4680];
	v3 =	vor.u32 v3, v4;
	_ =	sdelay $0x4  }
0x161: {  	s31 =	sor.u32 $0x12C0, s30;
	[tilespmem:v3+s21+$0x0] =	vst.idx.add.f32.msk $0xffff, v5  }
0x162: {  	v3 =	vld [tilespmem:s31+$0x0];
	_ =	sdelay $0x4  }
0x163: {  	v9 =	vand.u32 $0xFFFFFFF8, v3  }
0x164: {  	v3 =	vand.u32 $0x7, v3;
	v4 =	vadd.s32 v2, v9  }
0x165: {  	v5 =	vld [tilespmem:s30+$0x46C0];
	v3 =	vor.u32 v3, v4;
	_ =	sdelay $0x4  }
0x166: {  	s1 =	sor.u32 $0x1400, s30;
	[tilespmem:v3+s22+$0x0] =	vst.idx.add.f32.msk $0xffff, v5  }
0x167: {  	v3 =	vld [tilespmem:s1+$0x0];
	_ =	sdelay $0x4  }
0x168: {  	v10 =	vand.u32 $0xFFFFFFF8, v3  }
0x169: {  	v3 =	vand.u32 $0x7, v3;
	v4 =	vadd.s32 v2, v10  }
0x16a: {  	v5 =	vld [tilespmem:s30+$0x4800];
	v3 =	vor.u32 v3, v4;
	_ =	sdelay $0x4  }
0x16b: {  	s3 =	sor.u32 $0x1440, s30;
	[tilespmem:v3+s19+$0x0] =	vst.idx.add.f32.msk $0xffff, v5  }
0x16c: {  	v5 =	vld [tilespmem:s3+$0x0]  }
0x16d: {  	s5 =	sor.u32 $0x10, s30;
	v4 =	vld [tilespmem:s30+$0x4840]  }
0x16e: {  	v6 =	vld [tilespmem:s5+$0x0];
	_ =	sdelay $0x2  }
0x16f: {  	v3 =	vmov s5  }
0x170: {  	v3 =	vshll.u32 v3, $0x7  }
0x171: {  	v3 =	vor.u32 v1, v3;
	v7 =	vand.u32 $0xFFFFFFF8, v6  }
0x172: {  	v6 =	vand.u32 $0x7, v6;
	v7 =	vadd.s32 v3, v7  }
0x173: {  	v11 =	vld [tilespmem:s30+$0x3410];
	v6 =	vor.u32 v6, v7;
	_ =	sdelay $0x4  }
0x174: {  	s14 =	sor.u32 $0x50, s30;
	[tilespmem:v6+s19+$0x0] =	vst.idx.add.f32.msk $0xffff, v11  }
0x175: {  	v6 =	vld [tilespmem:s14+$0x0];
	_ =	sdelay $0x4  }
0x176: {  	v12 =	vand.u32 $0xFFFFFFF8, v6  }
0x177: {  	v6 =	vand.u32 $0x7, v6;
	v7 =	vadd.s32 v3, v12  }
0x178: {  	v13 =	vld [tilespmem:s30+$0x3450];
	v6 =	vor.u32 v6, v7;
	_ =	sdelay $0x4  }
0x179: {  	s15 =	sor.u32 $0x90, s30;
	[tilespmem:v6+s20+$0x0] =	vst.idx.add.f32.msk $0xffff, v13  }
0x17a: {  	v6 =	vld [tilespmem:s15+$0x0];
	_ =	sdelay $0x4  }
0x17b: {  	v14 =	vand.u32 $0xFFFFFFF8, v6  }
0x17c: {  	v6 =	vand.u32 $0x7, v6;
	v7 =	vadd.s32 v3, v14  }
0x17d: {  	v15 =	vld [tilespmem:s30+$0x3490];
	v6 =	vor.u32 v6, v7;
	_ =	sdelay $0x4  }
0x17e: {  	s16 =	sor.u32 $0xD0, s30;
	[tilespmem:v6+s21+$0x0] =	vst.idx.add.f32.msk $0xffff, v15  }
0x17f: {  	v6 =	vld [tilespmem:s16+$0x0];
	_ =	sdelay $0x4  }
0x180: {  	v16 =	vand.u32 $0xFFFFFFF8, v6  }
0x181: {  	v6 =	vand.u32 $0x7, v6;
	v7 =	vadd.s32 v3, v16  }
0x182: {  	v17 =	vld [tilespmem:s30+$0x34D0];
	v6 =	vor.u32 v6, v7;
	_ =	sdelay $0x4  }
0x183: {  	s31 =	sor.u32 $0x210, s30;
	[tilespmem:v6+s22+$0x0] =	vst.idx.add.f32.msk $0xffff, v17  }
0x184: {  	v6 =	vld [tilespmem:s31+$0x0];
	_ =	sdelay $0x4  }
0x185: {  	v18 =	vand.u32 $0xFFFFFFF8, v6  }
0x186: {  	v6 =	vand.u32 $0x7, v6;
	v7 =	vadd.s32 v3, v18  }
0x187: {  	v19 =	vld [tilespmem:s30+$0x3610];
	v6 =	vor.u32 v6, v7;
	_ =	sdelay $0x4  }
0x188: {  	s1 =	sor.u32 $0x250, s30;
	[tilespmem:v6+s19+$0x0] =	vst.idx.add.f32.msk $0xffff, v19  }
0x189: {  	v6 =	vld [tilespmem:s1+$0x0];
	_ =	sdelay $0x4  }
0x18a: {  	v20 =	vand.u32 $0xFFFFFFF8, v6  }
0x18b: {  	v6 =	vand.u32 $0x7, v6;
	v7 =	vadd.s32 v3, v20  }
0x18c: {  	v21 =	vld [tilespmem:s30+$0x3650];
	v6 =	vor.u32 v6, v7;
	_ =	sdelay $0x4  }
0x18d: {  	s3 =	sor.u32 $0x290, s30;
	[tilespmem:v6+s20+$0x0] =	vst.idx.add.f32.msk $0xffff, v21  }
0x18e: {  	v6 =	vld [tilespmem:s3+$0x0];
	_ =	sdelay $0x4  }
0x18f: {  	v22 =	vand.u32 $0xFFFFFFF8, v6  }
0x190: {  	v6 =	vand.u32 $0x7, v6;
	v7 =	vadd.s32 v3, v22  }
0x191: {  	v23 =	vld [tilespmem:s30+$0x3690];
	v6 =	vor.u32 v6, v7;
	_ =	sdelay $0x4  }
0x192: {  	s5 =	sor.u32 $0x2D0, s30;
	[tilespmem:v6+s21+$0x0] =	vst.idx.add.f32.msk $0xffff, v23  }
0x193: {  	v6 =	vld [tilespmem:s5+$0x0];
	_ =	sdelay $0x4  }
0x194: {  	v24 =	vand.u32 $0xFFFFFFF8, v6  }
0x195: {  	v6 =	vand.u32 $0x7, v6;
	v7 =	vadd.s32 v3, v24  }
0x196: {  	v25 =	vld [tilespmem:s30+$0x36D0];
	v6 =	vor.u32 v6, v7;
	_ =	sdelay $0x4  }
0x197: {  	s14 =	sor.u32 $0x410, s30;
	[tilespmem:v6+s22+$0x0] =	vst.idx.add.f32.msk $0xffff, v25  }
0x198: {  	v6 =	vld [tilespmem:s14+$0x0];
	_ =	sdelay $0x4  }
0x199: {  	v26 =	vand.u32 $0xFFFFFFF8, v6  }
0x19a: {  	v6 =	vand.u32 $0x7, v6;
	v7 =	vadd.s32 v3, v26  }
0x19b: {  	v27 =	vld [tilespmem:s30+$0x3810];
	v6 =	vor.u32 v6, v7;
	_ =	sdelay $0x4  }
0x19c: {  	s15 =	sor.u32 $0x450, s30;
	[tilespmem:v6+s19+$0x0] =	vst.idx.add.f32.msk $0xffff, v27  }
0x19d: {  	v6 =	vld [tilespmem:s15+$0x0];
	_ =	sdelay $0x4  }
0x19e: {  	v28 =	vand.u32 $0xFFFFFFF8, v6  }
0x19f: {  	v6 =	vand.u32 $0x7, v6;
	v7 =	vadd.s32 v3, v28  }
0x1a0: {  	v29 =	vld [tilespmem:s30+$0x3850];
	v6 =	vor.u32 v6, v7;
	_ =	sdelay $0x4  }
0x1a1: {  	s16 =	sor.u32 $0x490, s30;
	[tilespmem:v6+s20+$0x0] =	vst.idx.add.f32.msk $0xffff, v29  }
0x1a2: {  	v6 =	vld [tilespmem:s16+$0x0];
	_ =	sdelay $0x4  }
0x1a3: {  	v30 =	vand.u32 $0xFFFFFFF8, v6  }
0x1a4: {  	v6 =	vand.u32 $0x7, v6;
	v7 =	vadd.s32 v3, v30  }
0x1a5: {  	v31 =	vld [tilespmem:s30+$0x3890];
	v6 =	vor.u32 v6, v7;
	_ =	sdelay $0x4  }
0x1a6: {  	s31 =	sor.u32 $0x4D0, s30;
	[tilespmem:v6+s21+$0x0] =	vst.idx.add.f32.msk $0xffff, v31  }
0x1a7: {  	v6 =	vld [tilespmem:s31+$0x0];
	_ =	sdelay $0x4  }
0x1a8: {  	v32 =	vand.u32 $0xFFFFFFF8, v6  }
0x1a9: {  	v6 =	vand.u32 $0x7, v6;
	v7 =	vadd.s32 v3, v32  }
0x1aa: {  	v33 =	vld [tilespmem:s30+$0x38D0];
	v6 =	vor.u32 v6, v7;
	_ =	sdelay $0x4  }
0x1ab: {  	s1 =	sor.u32 $0x610, s30;
	[tilespmem:v6+s22+$0x0] =	vst.idx.add.f32.msk $0xffff, v33  }
0x1ac: {  	v6 =	vld [tilespmem:s1+$0x0];
	_ =	sdelay $0x4  }
0x1ad: {  	v34 =	vand.u32 $0xFFFFFFF8, v6  }
0x1ae: {  	v6 =	vand.u32 $0x7, v6;
	v7 =	vadd.s32 v3, v34  }
0x1af: {  	v35 =	vld [tilespmem:s30+$0x3A10];
	v6 =	vor.u32 v6, v7;
	_ =	sdelay $0x4  }
0x1b0: {  	s3 =	sor.u32 $0x650, s30;
	[tilespmem:v6+s19+$0x0] =	vst.idx.add.f32.msk $0xffff, v35  }
0x1b1: {  	v6 =	vld [tilespmem:s3+$0x0];
	_ =	sdelay $0x4  }
0x1b2: {  	v36 =	vand.u32 $0xFFFFFFF8, v6  }
0x1b3: {  	v6 =	vand.u32 $0x7, v6;
	v7 =	vadd.s32 v3, v36  }
0x1b4: {  	v37 =	vld [tilespmem:s30+$0x3A50];
	v6 =	vor.u32 v6, v7;
	_ =	sdelay $0x4  }
0x1b5: {  	s5 =	sor.u32 $0x690, s30;
	[tilespmem:v6+s20+$0x0] =	vst.idx.add.f32.msk $0xffff, v37  }
0x1b6: {  	v6 =	vld [tilespmem:s5+$0x0];
	_ =	sdelay $0x4  }
0x1b7: {  	v38 =	vand.u32 $0xFFFFFFF8, v6  }
0x1b8: {  	v6 =	vand.u32 $0x7, v6;
	v7 =	vadd.s32 v3, v38  }
0x1b9: {  	v39 =	vld [tilespmem:s30+$0x3A90];
	v6 =	vor.u32 v6, v7;
	_ =	sdelay $0x4  }
0x1ba: {  	s14 =	sor.u32 $0x6D0, s30;
	[tilespmem:v6+s21+$0x0] =	vst.idx.add.f32.msk $0xffff, v39  }
0x1bb: {  	v6 =	vld [tilespmem:s14+$0x0];
	_ =	sdelay $0x4  }
0x1bc: {  	v40 =	vand.u32 $0xFFFFFFF8, v6  }
0x1bd: {  	v6 =	vand.u32 $0x7, v6;
	v7 =	vadd.s32 v3, v40  }
0x1be: {  	v41 =	vld [tilespmem:s30+$0x3AD0];
	v6 =	vor.u32 v6, v7;
	_ =	sdelay $0x4  }
0x1bf: {  	s15 =	sor.u32 $0x810, s30;
	[tilespmem:v6+s22+$0x0] =	vst.idx.add.f32.msk $0xffff, v41  }
0x1c0: {  	v6 =	vld [tilespmem:s15+$0x0];
	_ =	sdelay $0x4  }
0x1c1: {  	v42 =	vand.u32 $0xFFFFFFF8, v6  }
0x1c2: {  	v6 =	vand.u32 $0x7, v6;
	v7 =	vadd.s32 v3, v42  }
0x1c3: {  	v43 =	vld [tilespmem:s30+$0x3C10];
	v6 =	vor.u32 v6, v7;
	_ =	sdelay $0x4  }
0x1c4: {  	s16 =	sor.u32 $0x850, s30;
	[tilespmem:v6+s19+$0x0] =	vst.idx.add.f32.msk $0xffff, v43  }
0x1c5: {  	v6 =	vld [tilespmem:s16+$0x0];
	_ =	sdelay $0x4  }
0x1c6: {  	v44 =	vand.u32 $0xFFFFFFF8, v6  }
0x1c7: {  	v6 =	vand.u32 $0x7, v6;
	v7 =	vadd.s32 v3, v44  }
0x1c8: {  	v45 =	vld [tilespmem:s30+$0x3C50];
	v6 =	vor.u32 v6, v7;
	_ =	sdelay $0x4  }
0x1c9: {  	s31 =	sor.u32 $0x890, s30;
	[tilespmem:v6+s20+$0x0] =	vst.idx.add.f32.msk $0xffff, v45  }
0x1ca: {  	v6 =	vld [tilespmem:s31+$0x0];
	_ =	sdelay $0x4  }
0x1cb: {  	v46 =	vand.u32 $0xFFFFFFF8, v6  }
0x1cc: {  	v6 =	vand.u32 $0x7, v6;
	v7 =	vadd.s32 v3, v46  }
0x1cd: {  	v47 =	vld [tilespmem:s30+$0x3C90];
	v6 =	vor.u32 v6, v7;
	_ =	sdelay $0x4  }
0x1ce: {  	s1 =	sor.u32 $0x8D0, s30;
	[tilespmem:v6+s21+$0x0] =	vst.idx.add.f32.msk $0xffff, v47  }
0x1cf: {  	v6 =	vld [tilespmem:s1+$0x0];
	_ =	sdelay $0x4  }
0x1d0: {  	v48 =	vand.u32 $0xFFFFFFF8, v6  }
0x1d1: {  	v6 =	vand.u32 $0x7, v6;
	v7 =	vadd.s32 v3, v48  }
0x1d2: {  	v49 =	vld [tilespmem:s30+$0x3CD0];
	v6 =	vor.u32 v6, v7;
	_ =	sdelay $0x4  }
0x1d3: {  	s3 =	sor.u32 $0xA10, s30;
	[tilespmem:v6+s22+$0x0] =	vst.idx.add.f32.msk $0xffff, v49  }
0x1d4: {  	v6 =	vld [tilespmem:s3+$0x0];
	_ =	sdelay $0x4  }
0x1d5: {  	v50 =	vand.u32 $0xFFFFFFF8, v6  }
0x1d6: {  	v6 =	vand.u32 $0x7, v6;
	v7 =	vadd.s32 v3, v50  }
0x1d7: {  	v51 =	vld [tilespmem:s30+$0x3E10];
	v6 =	vor.u32 v6, v7;
	_ =	sdelay $0x4  }
0x1d8: {  	s5 =	sor.u32 $0xA50, s30;
	[tilespmem:v6+s19+$0x0] =	vst.idx.add.f32.msk $0xffff, v51  }
0x1d9: {  	v6 =	vld [tilespmem:s5+$0x0];
	_ =	sdelay $0x4  }
0x1da: {  	v52 =	vand.u32 $0xFFFFFFF8, v6  }
0x1db: {  	v6 =	vand.u32 $0x7, v6;
	v7 =	vadd.s32 v3, v52  }
0x1dc: {  	v53 =	vld [tilespmem:s30+$0x3E50];
	v6 =	vor.u32 v6, v7;
	_ =	sdelay $0x4  }
0x1dd: {  	s14 =	sor.u32 $0xA90, s30;
	[tilespmem:v6+s20+$0x0] =	vst.idx.add.f32.msk $0xffff, v53  }
0x1de: {  	v6 =	vld [tilespmem:s14+$0x0];
	_ =	sdelay $0x4  }
0x1df: {  	v54 =	vand.u32 $0xFFFFFFF8, v6  }
0x1e0: {  	v6 =	vand.u32 $0x7, v6;
	v7 =	vadd.s32 v3, v54  }
0x1e1: {  	v55 =	vld [tilespmem:s30+$0x3E90];
	v6 =	vor.u32 v6, v7;
	_ =	sdelay $0x4  }
0x1e2: {  	s15 =	sor.u32 $0xAD0, s30;
	[tilespmem:v6+s21+$0x0] =	vst.idx.add.f32.msk $0xffff, v55  }
0x1e3: {  	v6 =	vld [tilespmem:s15+$0x0];
	_ =	sdelay $0x4  }
0x1e4: {  	v56 =	vand.u32 $0xFFFFFFF8, v6  }
0x1e5: {  	v6 =	vand.u32 $0x7, v6;
	v7 =	vadd.s32 v3, v56  }
0x1e6: {  	v57 =	vld [tilespmem:s30+$0x3ED0];
	v6 =	vor.u32 v6, v7;
	_ =	sdelay $0x4  }
0x1e7: {  	s16 =	sor.u32 $0xC10, s30;
	[tilespmem:v6+s22+$0x0] =	vst.idx.add.f32.msk $0xffff, v57  }
0x1e8: {  	v6 =	vld [tilespmem:s16+$0x0];
	_ =	sdelay $0x4  }
0x1e9: {  	v58 =	vand.u32 $0xFFFFFFF8, v6  }
0x1ea: {  	v6 =	vand.u32 $0x7, v6;
	v7 =	vadd.s32 v3, v58  }
0x1eb: {  	v59 =	vld [tilespmem:s30+$0x4010];
	v6 =	vor.u32 v6, v7;
	_ =	sdelay $0x4  }
0x1ec: {  	s31 =	sor.u32 $0xC50, s30;
	[tilespmem:v6+s19+$0x0] =	vst.idx.add.f32.msk $0xffff, v59  }
0x1ed: {  	v6 =	vld [tilespmem:s31+$0x0];
	_ =	sdelay $0x4  }
0x1ee: {  	v60 =	vand.u32 $0xFFFFFFF8, v6  }
0x1ef: {  	v6 =	vand.u32 $0x7, v6;
	v7 =	vadd.s32 v3, v60  }
0x1f0: {  	v61 =	vld [tilespmem:s30+$0x4050];
	v6 =	vor.u32 v6, v7;
	_ =	sdelay $0x4  }
0x1f1: {  	s1 =	sor.u32 $0xC90, s30;
	[tilespmem:v6+s20+$0x0] =	vst.idx.add.f32.msk $0xffff, v61  }
0x1f2: {  	v6 =	vld [tilespmem:s1+$0x0];
	_ =	sdelay $0x4  }
0x1f3: {  	v62 =	vand.u32 $0xFFFFFFF8, v6  }
0x1f4: {  	v6 =	vand.u32 $0x7, v6;
	v7 =	vadd.s32 v3, v62  }
0x1f5: {  	v63 =	vld [tilespmem:s30+$0x4090];
	v6 =	vor.u32 v6, v7;
	_ =	sdelay $0x4  }
0x1f6: {  	s3 =	sor.u32 $0xCD0, s30;
	[tilespmem:v6+s21+$0x0] =	vst.idx.add.f32.msk $0xffff, v63  }
0x1f7: {  	v6 =	vld [tilespmem:s3+$0x0];
	_ =	sdelay $0x4  }
0x1f8: {  	v9 =	vand.u32 $0xFFFFFFF8, v6  }
0x1f9: {  	v6 =	vand.u32 $0x7, v6;
	v7 =	vadd.s32 v3, v9  }
0x1fa: {  	v10 =	vld [tilespmem:s30+$0x40D0];
	v6 =	vor.u32 v6, v7;
	_ =	sdelay $0x4  }
0x1fb: {  	s5 =	sor.u32 $0xE10, s30;
	[tilespmem:v6+s22+$0x0] =	vst.idx.add.f32.msk $0xffff, v10  }
0x1fc: {  	v6 =	vld [tilespmem:s5+$0x0];
	_ =	sdelay $0x4  }
0x1fd: {  	v11 =	vand.u32 $0xFFFFFFF8, v6  }
0x1fe: {  	v6 =	vand.u32 $0x7, v6;
	v7 =	vadd.s32 v3, v11  }
0x1ff: {  	v12 =	vld [tilespmem:s30+$0x4210];
	v6 =	vor.u32 v6, v7;
	_ =	sdelay $0x4  }
0x200: {  	s14 =	sor.u32 $0xE50, s30;
	[tilespmem:v6+s19+$0x0] =	vst.idx.add.f32.msk $0xffff, v12  }
0x201: {  	v6 =	vld [tilespmem:s14+$0x0];
	_ =	sdelay $0x4  }
0x202: {  	v13 =	vand.u32 $0xFFFFFFF8, v6  }
0x203: {  	v6 =	vand.u32 $0x7, v6;
	v7 =	vadd.s32 v3, v13  }
0x204: {  	v14 =	vld [tilespmem:s30+$0x4250];
	v6 =	vor.u32 v6, v7;
	_ =	sdelay $0x4  }
0x205: {  	s15 =	sor.u32 $0xE90, s30;
	[tilespmem:v6+s20+$0x0] =	vst.idx.add.f32.msk $0xffff, v14  }
0x206: {  	v6 =	vld [tilespmem:s15+$0x0];
	_ =	sdelay $0x4  }
0x207: {  	v15 =	vand.u32 $0xFFFFFFF8, v6  }
0x208: {  	v6 =	vand.u32 $0x7, v6;
	v7 =	vadd.s32 v3, v15  }
0x209: {  	v16 =	vld [tilespmem:s30+$0x4290];
	v6 =	vor.u32 v6, v7;
	_ =	sdelay $0x4  }
0x20a: {  	s16 =	sor.u32 $0xED0, s30;
	[tilespmem:v6+s21+$0x0] =	vst.idx.add.f32.msk $0xffff, v16  }
0x20b: {  	v6 =	vld [tilespmem:s16+$0x0];
	_ =	sdelay $0x4  }
0x20c: {  	v17 =	vand.u32 $0xFFFFFFF8, v6  }
0x20d: {  	v6 =	vand.u32 $0x7, v6;
	v7 =	vadd.s32 v3, v17  }
0x20e: {  	v18 =	vld [tilespmem:s30+$0x42D0];
	v6 =	vor.u32 v6, v7;
	_ =	sdelay $0x4  }
0x20f: {  	s31 =	sor.u32 $0x1010, s30;
	[tilespmem:v6+s22+$0x0] =	vst.idx.add.f32.msk $0xffff, v18  }
0x210: {  	v6 =	vld [tilespmem:s31+$0x0];
	_ =	sdelay $0x4  }
0x211: {  	v19 =	vand.u32 $0xFFFFFFF8, v6  }
0x212: {  	v6 =	vand.u32 $0x7, v6;
	v7 =	vadd.s32 v3, v19  }
0x213: {  	v20 =	vld [tilespmem:s30+$0x4410];
	v6 =	vor.u32 v6, v7;
	_ =	sdelay $0x4  }
0x214: {  	s1 =	sor.u32 $0x1050, s30;
	[tilespmem:v6+s19+$0x0] =	vst.idx.add.f32.msk $0xffff, v20  }
0x215: {  	v6 =	vld [tilespmem:s1+$0x0];
	_ =	sdelay $0x4  }
0x216: {  	v21 =	vand.u32 $0xFFFFFFF8, v6  }
0x217: {  	v6 =	vand.u32 $0x7, v6;
	v7 =	vadd.s32 v3, v21  }
0x218: {  	v22 =	vld [tilespmem:s30+$0x4450];
	v6 =	vor.u32 v6, v7;
	_ =	sdelay $0x4  }
0x219: {  	s3 =	sor.u32 $0x1090, s30;
	[tilespmem:v6+s20+$0x0] =	vst.idx.add.f32.msk $0xffff, v22  }
0x21a: {  	v6 =	vld [tilespmem:s3+$0x0];
	_ =	sdelay $0x4  }
0x21b: {  	v23 =	vand.u32 $0xFFFFFFF8, v6  }
0x21c: {  	v6 =	vand.u32 $0x7, v6;
	v7 =	vadd.s32 v3, v23  }
0x21d: {  	v24 =	vld [tilespmem:s30+$0x4490];
	v6 =	vor.u32 v6, v7;
	_ =	sdelay $0x4  }
0x21e: {  	s5 =	sor.u32 $0x10D0, s30;
	[tilespmem:v6+s21+$0x0] =	vst.idx.add.f32.msk $0xffff, v24  }
0x21f: {  	v6 =	vld [tilespmem:s5+$0x0];
	_ =	sdelay $0x4  }
0x220: {  	v25 =	vand.u32 $0xFFFFFFF8, v6  }
0x221: {  	v6 =	vand.u32 $0x7, v6;
	v7 =	vadd.s32 v3, v25  }
0x222: {  	v26 =	vld [tilespmem:s30+$0x44D0];
	v6 =	vor.u32 v6, v7;
	_ =	sdelay $0x4  }
0x223: {  	s14 =	sor.u32 $0x1210, s30;
	[tilespmem:v6+s22+$0x0] =	vst.idx.add.f32.msk $0xffff, v26  }
0x224: {  	v6 =	vld [tilespmem:s14+$0x0];
	_ =	sdelay $0x4  }
0x225: {  	v27 =	vand.u32 $0xFFFFFFF8, v6  }
0x226: {  	v6 =	vand.u32 $0x7, v6;
	v7 =	vadd.s32 v3, v27  }
0x227: {  	v28 =	vld [tilespmem:s30+$0x4610];
	v6 =	vor.u32 v6, v7;
	_ =	sdelay $0x4  }
0x228: {  	s15 =	sor.u32 $0x1250, s30;
	[tilespmem:v6+s19+$0x0] =	vst.idx.add.f32.msk $0xffff, v28  }
0x229: {  	v6 =	vld [tilespmem:s15+$0x0];
	_ =	sdelay $0x4  }
0x22a: {  	v29 =	vand.u32 $0xFFFFFFF8, v6  }
0x22b: {  	v6 =	vand.u32 $0x7, v6;
	v7 =	vadd.s32 v3, v29  }
0x22c: {  	v30 =	vld [tilespmem:s30+$0x4650];
	v6 =	vor.u32 v6, v7;
	_ =	sdelay $0x4  }
0x22d: {  	s16 =	sor.u32 $0x1290, s30;
	[tilespmem:v6+s20+$0x0] =	vst.idx.add.f32.msk $0xffff, v30  }
0x22e: {  	v6 =	vld [tilespmem:s16+$0x0];
	_ =	sdelay $0x4  }
0x22f: {  	v31 =	vand.u32 $0xFFFFFFF8, v6  }
0x230: {  	v6 =	vand.u32 $0x7, v6;
	v7 =	vadd.s32 v3, v31  }
0x231: {  	v32 =	vld [tilespmem:s30+$0x4690];
	v6 =	vor.u32 v6, v7;
	_ =	sdelay $0x4  }
0x232: {  	s31 =	sor.u32 $0x12D0, s30;
	[tilespmem:v6+s21+$0x0] =	vst.idx.add.f32.msk $0xffff, v32  }
0x233: {  	v6 =	vld [tilespmem:s31+$0x0];
	_ =	sdelay $0x4  }
0x234: {  	v33 =	vand.u32 $0xFFFFFFF8, v6  }
0x235: {  	v6 =	vand.u32 $0x7, v6;
	v7 =	vadd.s32 v3, v33  }
0x236: {  	v34 =	vld [tilespmem:s30+$0x46D0];
	v6 =	vor.u32 v6, v7;
	_ =	sdelay $0x4  }
0x237: {  	s1 =	sor.u32 $0x1410, s30;
	[tilespmem:v6+s22+$0x0] =	vst.idx.add.f32.msk $0xffff, v34  }
0x238: {  	v6 =	vld [tilespmem:s1+$0x0];
	_ =	sdelay $0x4  }
0x239: {  	v35 =	vand.u32 $0xFFFFFFF8, v6  }
0x23a: {  	v6 =	vand.u32 $0x7, v6;
	v7 =	vadd.s32 v3, v35  }
0x23b: {  	v36 =	vld [tilespmem:s30+$0x4810];
	v6 =	vor.u32 v6, v7;
	_ =	sdelay $0x4  }
0x23c: {  	s3 =	sor.u32 $0x1450, s30;
	[tilespmem:v6+s19+$0x0] =	vst.idx.add.f32.msk $0xffff, v36  }
0x23d: {  	v6 =	vld [tilespmem:s3+$0x0];
	_ =	sdelay $0x2  }
0x23e: {  	v37 =	vand.u32 $0xFFFFFFF8, v5  }
0x23f: {  	v5 =	vand.u32 $0x7, v5;
	v7 =	vadd.s32 v2, v37  }
0x240: {  	v5 =	vor.u32 v5, v7;
	v38 =	vand.u32 $0xFFFFFFF8, v6  }
0x241: {  	v6 =	vand.u32 $0x7, v6;
	v7 =	vadd.s32 v3, v38  }
0x242: {  	v39 =	vld [tilespmem:s30+$0x4850];
	v6 =	vor.u32 v6, v7;
	_ =	sdelay $0x2  }
0x243: {  	s5 =	sor.u32 $0x1480, s30;
	[tilespmem:v5+s20+$0x0] =	vst.idx.add.f32.msk $0xffff, v4  }
0x244: {  	v4 =	vld [tilespmem:s5+$0x0]  }
0x245: {  	s14 =	sor.u32 $0x1490, s30;
	[tilespmem:v6+s20+$0x0] =	vst.idx.add.f32.msk $0xffff, v39  }
0x246: {  	v40 =	vld [tilespmem:s14+$0x0];
	_ =	sdelay $0x2  }
0x247: {  	v41 =	vand.u32 $0xFFFFFFF8, v4  }
0x248: {  	v4 =	vand.u32 $0x7, v4;
	v6 =	vadd.s32 v2, v41  }
0x249: {  	v42 =	vld [tilespmem:s30+$0x4880];
	v4 =	vor.u32 v4, v6;
	v43 =	vand.u32 $0xFFFFFFF8, v40  }
0x24a: {  	v5 =	vand.u32 $0x7, v40;
	v6 =	vadd.s32 v3, v43  }
0x24b: {  	v44 =	vld [tilespmem:s30+$0x4890];
	v5 =	vor.u32 v5, v6;
	_ =	sdelay $0x2  }
0x24c: {  	s15 =	sor.u32 $0x14C0, s30;
	[tilespmem:v4+s21+$0x0] =	vst.idx.add.f32.msk $0xffff, v42  }
0x24d: {  	v4 =	vld [tilespmem:s15+$0x0]  }
0x24e: {  	s16 =	sor.u32 $0x14D0, s30;
	[tilespmem:v5+s21+$0x0] =	vst.idx.add.f32.msk $0xffff, v44  }
0x24f: {  	v5 =	vld [tilespmem:s16+$0x0];
	_ =	sdelay $0x2  }
0x250: {  	v45 =	vand.u32 $0xFFFFFFF8, v4  }
0x251: {  	v4 =	vand.u32 $0x7, v4;
	v6 =	vadd.s32 v2, v45  }
0x252: {  	v7 =	vld [tilespmem:s30+$0x48C0];
	v4 =	vor.u32 v4, v6;
	v46 =	vand.u32 $0xFFFFFFF8, v5  }
0x253: {  	v5 =	vand.u32 $0x7, v5;
	v6 =	vadd.s32 v3, v46  }
0x254: {  	v47 =	vld [tilespmem:s30+$0x48D0];
	v5 =	vor.u32 v5, v6;
	_ =	sdelay $0x2  }
0x255: {  	s31 =	sor.u32 $0x1600, s30;
	[tilespmem:v4+s22+$0x0] =	vst.idx.add.f32.msk $0xffff, v7  }
0x256: {  	v4 =	vld [tilespmem:s31+$0x0]  }
0x257: {  	s1 =	sor.u32 $0x1610, s30;
	[tilespmem:v5+s22+$0x0] =	vst.idx.add.f32.msk $0xffff, v47  }
0x258: {  	v5 =	vld [tilespmem:s1+$0x0];
	_ =	sdelay $0x2  }
0x259: {  	v48 =	vand.u32 $0xFFFFFFF8, v4  }
0x25a: {  	v4 =	vand.u32 $0x7, v4;
	v6 =	vadd.s32 v2, v48  }
0x25b: {  	v7 =	vld [tilespmem:s30+$0x4A00];
	v4 =	vor.u32 v4, v6;
	v49 =	vand.u32 $0xFFFFFFF8, v5  }
0x25c: {  	v5 =	vand.u32 $0x7, v5;
	v6 =	vadd.s32 v3, v49  }
0x25d: {  	v50 =	vld [tilespmem:s30+$0x4A10];
	v5 =	vor.u32 v5, v6;
	_ =	sdelay $0x2  }
0x25e: {  	s3 =	sor.u32 $0x1640, s30;
	[tilespmem:v4+s19+$0x0] =	vst.idx.add.f32.msk $0xffff, v7  }
0x25f: {  	v4 =	vld [tilespmem:s3+$0x0]  }
0x260: {  	s5 =	sor.u32 $0x1650, s30;
	[tilespmem:v5+s19+$0x0] =	vst.idx.add.f32.msk $0xffff, v50  }
0x261: {  	v5 =	vld [tilespmem:s5+$0x0];
	_ =	sdelay $0x2  }
0x262: {  	v51 =	vand.u32 $0xFFFFFFF8, v4  }
0x263: {  	v4 =	vand.u32 $0x7, v4;
	v6 =	vadd.s32 v2, v51  }
0x264: {  	v7 =	vld [tilespmem:s30+$0x4A40];
	v4 =	vor.u32 v4, v6;
	v52 =	vand.u32 $0xFFFFFFF8, v5  }
0x265: {  	v5 =	vand.u32 $0x7, v5;
	v6 =	vadd.s32 v3, v52  }
0x266: {  	v53 =	vld [tilespmem:s30+$0x4A50];
	v5 =	vor.u32 v5, v6;
	_ =	sdelay $0x2  }
0x267: {  	s14 =	sor.u32 $0x1680, s30;
	[tilespmem:v4+s20+$0x0] =	vst.idx.add.f32.msk $0xffff, v7  }
0x268: {  	v4 =	vld [tilespmem:s14+$0x0]  }
0x269: {  	s15 =	sor.u32 $0x1690, s30;
	[tilespmem:v5+s20+$0x0] =	vst.idx.add.f32.msk $0xffff, v53  }
0x26a: {  	v5 =	vld [tilespmem:s15+$0x0];
	_ =	sdelay $0x2  }
0x26b: {  	v54 =	vand.u32 $0xFFFFFFF8, v4  }
0x26c: {  	v4 =	vand.u32 $0x7, v4;
	v6 =	vadd.s32 v2, v54  }
0x26d: {  	v7 =	vld [tilespmem:s30+$0x4A80];
	v4 =	vor.u32 v4, v6;
	v55 =	vand.u32 $0xFFFFFFF8, v5  }
0x26e: {  	v5 =	vand.u32 $0x7, v5;
	v6 =	vadd.s32 v3, v55  }
0x26f: {  	v56 =	vld [tilespmem:s30+$0x4A90];
	v5 =	vor.u32 v5, v6;
	_ =	sdelay $0x2  }
0x270: {  	s16 =	sor.u32 $0x16C0, s30;
	[tilespmem:v4+s21+$0x0] =	vst.idx.add.f32.msk $0xffff, v7  }
0x271: {  	v4 =	vld [tilespmem:s16+$0x0]  }
0x272: {  	s31 =	sor.u32 $0x16D0, s30;
	[tilespmem:v5+s21+$0x0] =	vst.idx.add.f32.msk $0xffff, v56  }
0x273: {  	v5 =	vld [tilespmem:s31+$0x0];
	_ =	sdelay $0x2  }
0x274: {  	v57 =	vand.u32 $0xFFFFFFF8, v4  }
0x275: {  	v4 =	vand.u32 $0x7, v4;
	v6 =	vadd.s32 v2, v57  }
0x276: {  	v7 =	vld [tilespmem:s30+$0x4AC0];
	v4 =	vor.u32 v4, v6;
	v58 =	vand.u32 $0xFFFFFFF8, v5  }
0x277: {  	v5 =	vand.u32 $0x7, v5;
	v6 =	vadd.s32 v3, v58  }
0x278: {  	v59 =	vld [tilespmem:s30+$0x4AD0];
	v5 =	vor.u32 v5, v6;
	_ =	sdelay $0x2  }
0x279: {  	s1 =	sor.u32 $0x1800, s30;
	[tilespmem:v4+s22+$0x0] =	vst.idx.add.f32.msk $0xffff, v7  }
0x27a: {  	v4 =	vld [tilespmem:s1+$0x0]  }
0x27b: {  	s3 =	sor.u32 $0x1810, s30;
	[tilespmem:v5+s22+$0x0] =	vst.idx.add.f32.msk $0xffff, v59  }
0x27c: {  	v5 =	vld [tilespmem:s3+$0x0];
	_ =	sdelay $0x2  }
0x27d: {  	v60 =	vand.u32 $0xFFFFFFF8, v4  }
0x27e: {  	v4 =	vand.u32 $0x7, v4;
	v6 =	vadd.s32 v2, v60  }
0x27f: {  	v7 =	vld [tilespmem:s30+$0x4C00];
	v4 =	vor.u32 v4, v6;
	v61 =	vand.u32 $0xFFFFFFF8, v5  }
0x280: {  	v5 =	vand.u32 $0x7, v5;
	v6 =	vadd.s32 v3, v61  }
0x281: {  	v62 =	vld [tilespmem:s30+$0x4C10];
	v5 =	vor.u32 v5, v6;
	_ =	sdelay $0x2  }
0x282: {  	s5 =	sor.u32 $0x1840, s30;
	[tilespmem:v4+s19+$0x0] =	vst.idx.add.f32.msk $0xffff, v7  }
0x283: {  	v4 =	vld [tilespmem:s5+$0x0]  }
0x284: {  	s14 =	sor.u32 $0x1850, s30;
	[tilespmem:v5+s19+$0x0] =	vst.idx.add.f32.msk $0xffff, v62  }
0x285: {  	v5 =	vld [tilespmem:s14+$0x0];
	_ =	sdelay $0x2  }
0x286: {  	v63 =	vand.u32 $0xFFFFFFF8, v4  }
0x287: {  	v4 =	vand.u32 $0x7, v4;
	v6 =	vadd.s32 v2, v63  }
0x288: {  	v7 =	vld [tilespmem:s30+$0x4C40];
	v4 =	vor.u32 v4, v6;
	v9 =	vand.u32 $0xFFFFFFF8, v5  }
0x289: {  	v5 =	vand.u32 $0x7, v5;
	v6 =	vadd.s32 v3, v9  }
0x28a: {  	v10 =	vld [tilespmem:s30+$0x4C50];
	v5 =	vor.u32 v5, v6;
	_ =	sdelay $0x2  }
0x28b: {  	s15 =	sor.u32 $0x1880, s30;
	[tilespmem:v4+s20+$0x0] =	vst.idx.add.f32.msk $0xffff, v7  }
0x28c: {  	v4 =	vld [tilespmem:s15+$0x0]  }
0x28d: {  	s16 =	sor.u32 $0x1890, s30;
	[tilespmem:v5+s20+$0x0] =	vst.idx.add.f32.msk $0xffff, v10  }
0x28e: {  	v5 =	vld [tilespmem:s16+$0x0];
	_ =	sdelay $0x2  }
0x28f: {  	v11 =	vand.u32 $0xFFFFFFF8, v4  }
0x290: {  	v4 =	vand.u32 $0x7, v4;
	v6 =	vadd.s32 v2, v11  }
0x291: {  	v7 =	vld [tilespmem:s30+$0x4C80];
	v4 =	vor.u32 v4, v6;
	v12 =	vand.u32 $0xFFFFFFF8, v5  }
0x292: {  	v5 =	vand.u32 $0x7, v5;
	v6 =	vadd.s32 v3, v12  }
0x293: {  	v13 =	vld [tilespmem:s30+$0x4C90];
	v5 =	vor.u32 v5, v6;
	_ =	sdelay $0x2  }
0x294: {  	s31 =	sor.u32 $0x18C0, s30;
	[tilespmem:v4+s21+$0x0] =	vst.idx.add.f32.msk $0xffff, v7  }
0x295: {  	v4 =	vld [tilespmem:s31+$0x0]  }
0x296: {  	s1 =	sor.u32 $0x18D0, s30;
	[tilespmem:v5+s21+$0x0] =	vst.idx.add.f32.msk $0xffff, v13  }
0x297: {  	v5 =	vld [tilespmem:s1+$0x0];
	_ =	sdelay $0x2  }
0x298: {  	v14 =	vand.u32 $0xFFFFFFF8, v4  }
0x299: {  	v4 =	vand.u32 $0x7, v4;
	v6 =	vadd.s32 v2, v14  }
0x29a: {  	v7 =	vld [tilespmem:s30+$0x4CC0];
	v4 =	vor.u32 v4, v6;
	v15 =	vand.u32 $0xFFFFFFF8, v5  }
0x29b: {  	v5 =	vand.u32 $0x7, v5;
	v6 =	vadd.s32 v3, v15  }
0x29c: {  	v16 =	vld [tilespmem:s30+$0x4CD0];
	v5 =	vor.u32 v5, v6;
	_ =	sdelay $0x2  }
0x29d: {  	s3 =	sor.u32 $0x1A00, s30;
	[tilespmem:v4+s22+$0x0] =	vst.idx.add.f32.msk $0xffff, v7  }
0x29e: {  	v4 =	vld [tilespmem:s3+$0x0]  }
0x29f: {  	s5 =	sor.u32 $0x1A10, s30;
	[tilespmem:v5+s22+$0x0] =	vst.idx.add.f32.msk $0xffff, v16  }
0x2a0: {  	v5 =	vld [tilespmem:s5+$0x0];
	_ =	sdelay $0x2  }
0x2a1: {  	v17 =	vand.u32 $0xFFFFFFF8, v4  }
0x2a2: {  	v4 =	vand.u32 $0x7, v4;
	v6 =	vadd.s32 v2, v17  }
0x2a3: {  	v7 =	vld [tilespmem:s30+$0x4E00];
	v4 =	vor.u32 v4, v6;
	v18 =	vand.u32 $0xFFFFFFF8, v5  }
0x2a4: {  	v5 =	vand.u32 $0x7, v5;
	v6 =	vadd.s32 v3, v18  }
0x2a5: {  	v19 =	vld [tilespmem:s30+$0x4E10];
	v5 =	vor.u32 v5, v6;
	_ =	sdelay $0x2  }
0x2a6: {  	s14 =	sor.u32 $0x1A40, s30;
	[tilespmem:v4+s19+$0x0] =	vst.idx.add.f32.msk $0xffff, v7  }
0x2a7: {  	v4 =	vld [tilespmem:s14+$0x0]  }
0x2a8: {  	s15 =	sor.u32 $0x1A50, s30;
	[tilespmem:v5+s19+$0x0] =	vst.idx.add.f32.msk $0xffff, v19  }
0x2a9: {  	v5 =	vld [tilespmem:s15+$0x0];
	_ =	sdelay $0x2  }
0x2aa: {  	v20 =	vand.u32 $0xFFFFFFF8, v4  }
0x2ab: {  	v4 =	vand.u32 $0x7, v4;
	v6 =	vadd.s32 v2, v20  }
0x2ac: {  	v7 =	vld [tilespmem:s30+$0x4E40];
	v4 =	vor.u32 v4, v6;
	v21 =	vand.u32 $0xFFFFFFF8, v5  }
0x2ad: {  	v5 =	vand.u32 $0x7, v5;
	v6 =	vadd.s32 v3, v21  }
0x2ae: {  	v22 =	vld [tilespmem:s30+$0x4E50];
	v5 =	vor.u32 v5, v6;
	_ =	sdelay $0x2  }
0x2af: {  	s16 =	sor.u32 $0x1A80, s30;
	[tilespmem:v4+s20+$0x0] =	vst.idx.add.f32.msk $0xffff, v7  }
0x2b0: {  	v4 =	vld [tilespmem:s16+$0x0]  }
0x2b1: {  	s31 =	sor.u32 $0x1A90, s30;
	[tilespmem:v5+s20+$0x0] =	vst.idx.add.f32.msk $0xffff, v22  }
0x2b2: {  	v5 =	vld [tilespmem:s31+$0x0];
	_ =	sdelay $0x2  }
0x2b3: {  	v23 =	vand.u32 $0xFFFFFFF8, v4  }
0x2b4: {  	v4 =	vand.u32 $0x7, v4;
	v6 =	vadd.s32 v2, v23  }
0x2b5: {  	v7 =	vld [tilespmem:s30+$0x4E80];
	v4 =	vor.u32 v4, v6;
	v24 =	vand.u32 $0xFFFFFFF8, v5  }
0x2b6: {  	v5 =	vand.u32 $0x7, v5;
	v6 =	vadd.s32 v3, v24  }
0x2b7: {  	v25 =	vld [tilespmem:s30+$0x4E90];
	v5 =	vor.u32 v5, v6;
	_ =	sdelay $0x2  }
0x2b8: {  	s1 =	sor.u32 $0x1AC0, s30;
	[tilespmem:v4+s21+$0x0] =	vst.idx.add.f32.msk $0xffff, v7  }
0x2b9: {  	v4 =	vld [tilespmem:s1+$0x0]  }
0x2ba: {  	s3 =	sor.u32 $0x1AD0, s30;
	[tilespmem:v5+s21+$0x0] =	vst.idx.add.f32.msk $0xffff, v25  }
0x2bb: {  	v5 =	vld [tilespmem:s3+$0x0];
	_ =	sdelay $0x2  }
0x2bc: {  	v26 =	vand.u32 $0xFFFFFFF8, v4  }
0x2bd: {  	v4 =	vand.u32 $0x7, v4;
	v6 =	vadd.s32 v2, v26  }
0x2be: {  	v7 =	vld [tilespmem:s30+$0x4EC0];
	v4 =	vor.u32 v4, v6;
	v27 =	vand.u32 $0xFFFFFFF8, v5  }
0x2bf: {  	v5 =	vand.u32 $0x7, v5;
	v6 =	vadd.s32 v3, v27  }
0x2c0: {  	v28 =	vld [tilespmem:s30+$0x4ED0];
	v5 =	vor.u32 v5, v6;
	_ =	sdelay $0x2  }
0x2c1: {  	s5 =	sor.u32 $0x1C00, s30;
	[tilespmem:v4+s22+$0x0] =	vst.idx.add.f32.msk $0xffff, v7  }
0x2c2: {  	v4 =	vld [tilespmem:s5+$0x0]  }
0x2c3: {  	s14 =	sor.u32 $0x1C10, s30;
	[tilespmem:v5+s22+$0x0] =	vst.idx.add.f32.msk $0xffff, v28  }
0x2c4: {  	v5 =	vld [tilespmem:s14+$0x0];
	_ =	sdelay $0x2  }
0x2c5: {  	v29 =	vand.u32 $0xFFFFFFF8, v4  }
0x2c6: {  	v4 =	vand.u32 $0x7, v4;
	v6 =	vadd.s32 v2, v29  }
0x2c7: {  	v7 =	vld [tilespmem:s30+$0x5000];
	v4 =	vor.u32 v4, v6;
	v30 =	vand.u32 $0xFFFFFFF8, v5  }
0x2c8: {  	v5 =	vand.u32 $0x7, v5;
	v6 =	vadd.s32 v3, v30  }
0x2c9: {  	v31 =	vld [tilespmem:s30+$0x5010];
	v5 =	vor.u32 v5, v6;
	_ =	sdelay $0x2  }
0x2ca: {  	s15 =	sor.u32 $0x1C40, s30;
	[tilespmem:v4+s19+$0x0] =	vst.idx.add.f32.msk $0xffff, v7  }
0x2cb: {  	v4 =	vld [tilespmem:s15+$0x0]  }
0x2cc: {  	s16 =	sor.u32 $0x1C50, s30;
	[tilespmem:v5+s19+$0x0] =	vst.idx.add.f32.msk $0xffff, v31  }
0x2cd: {  	v5 =	vld [tilespmem:s16+$0x0];
	_ =	sdelay $0x2  }
0x2ce: {  	v32 =	vand.u32 $0xFFFFFFF8, v4  }
0x2cf: {  	v4 =	vand.u32 $0x7, v4;
	v6 =	vadd.s32 v2, v32  }
0x2d0: {  	v7 =	vld [tilespmem:s30+$0x5040];
	v4 =	vor.u32 v4, v6;
	v33 =	vand.u32 $0xFFFFFFF8, v5  }
0x2d1: {  	v5 =	vand.u32 $0x7, v5;
	v6 =	vadd.s32 v3, v33  }
0x2d2: {  	v34 =	vld [tilespmem:s30+$0x5050];
	v5 =	vor.u32 v5, v6;
	_ =	sdelay $0x2  }
0x2d3: {  	s31 =	sor.u32 $0x1C80, s30;
	[tilespmem:v4+s20+$0x0] =	vst.idx.add.f32.msk $0xffff, v7  }
0x2d4: {  	v4 =	vld [tilespmem:s31+$0x0]  }
0x2d5: {  	s1 =	sor.u32 $0x1C90, s30;
	[tilespmem:v5+s20+$0x0] =	vst.idx.add.f32.msk $0xffff, v34  }
0x2d6: {  	v5 =	vld [tilespmem:s1+$0x0];
	_ =	sdelay $0x2  }
0x2d7: {  	v35 =	vand.u32 $0xFFFFFFF8, v4  }
0x2d8: {  	v4 =	vand.u32 $0x7, v4;
	v6 =	vadd.s32 v2, v35  }
0x2d9: {  	v7 =	vld [tilespmem:s30+$0x5080];
	v4 =	vor.u32 v4, v6;
	v36 =	vand.u32 $0xFFFFFFF8, v5  }
0x2da: {  	v5 =	vand.u32 $0x7, v5;
	v6 =	vadd.s32 v3, v36  }
0x2db: {  	v37 =	vld [tilespmem:s30+$0x5090];
	v5 =	vor.u32 v5, v6;
	_ =	sdelay $0x2  }
0x2dc: {  	s3 =	sor.u32 $0x1CC0, s30;
	[tilespmem:v4+s21+$0x0] =	vst.idx.add.f32.msk $0xffff, v7  }
0x2dd: {  	v4 =	vld [tilespmem:s3+$0x0]  }
0x2de: {  	s5 =	sor.u32 $0x1CD0, s30;
	[tilespmem:v5+s21+$0x0] =	vst.idx.add.f32.msk $0xffff, v37  }
0x2df: {  	v5 =	vld [tilespmem:s5+$0x0];
	_ =	sdelay $0x2  }
0x2e0: {  	v38 =	vand.u32 $0xFFFFFFF8, v4  }
0x2e1: {  	v4 =	vand.u32 $0x7, v4;
	v6 =	vadd.s32 v2, v38  }
0x2e2: {  	v7 =	vld [tilespmem:s30+$0x50C0];
	v4 =	vor.u32 v4, v6;
	v39 =	vand.u32 $0xFFFFFFF8, v5  }
0x2e3: {  	v5 =	vand.u32 $0x7, v5;
	v6 =	vadd.s32 v3, v39  }
0x2e4: {  	v40 =	vld [tilespmem:s30+$0x50D0];
	v5 =	vor.u32 v5, v6;
	_ =	sdelay $0x2  }
0x2e5: {  	s14 =	sor.u32 $0x1E00, s30;
	[tilespmem:v4+s22+$0x0] =	vst.idx.add.f32.msk $0xffff, v7  }
0x2e6: {  	v4 =	vld [tilespmem:s14+$0x0]  }
0x2e7: {  	s15 =	sor.u32 $0x1E10, s30;
	[tilespmem:v5+s22+$0x0] =	vst.idx.add.f32.msk $0xffff, v40  }
0x2e8: {  	v5 =	vld [tilespmem:s15+$0x0];
	_ =	sdelay $0x2  }
0x2e9: {  	v41 =	vand.u32 $0xFFFFFFF8, v4  }
0x2ea: {  	v4 =	vand.u32 $0x7, v4;
	v6 =	vadd.s32 v2, v41  }
0x2eb: {  	v7 =	vld [tilespmem:s30+$0x5200];
	v4 =	vor.u32 v4, v6;
	v42 =	vand.u32 $0xFFFFFFF8, v5  }
0x2ec: {  	v5 =	vand.u32 $0x7, v5;
	v6 =	vadd.s32 v3, v42  }
0x2ed: {  	v43 =	vld [tilespmem:s30+$0x5210];
	v5 =	vor.u32 v5, v6;
	_ =	sdelay $0x2  }
0x2ee: {  	s16 =	sor.u32 $0x1E40, s30;
	[tilespmem:v4+s19+$0x0] =	vst.idx.add.f32.msk $0xffff, v7  }
0x2ef: {  	v4 =	vld [tilespmem:s16+$0x0]  }
0x2f0: {  	s31 =	sor.u32 $0x1E50, s30;
	[tilespmem:v5+s19+$0x0] =	vst.idx.add.f32.msk $0xffff, v43  }
0x2f1: {  	v5 =	vld [tilespmem:s31+$0x0];
	_ =	sdelay $0x2  }
0x2f2: {  	v44 =	vand.u32 $0xFFFFFFF8, v4  }
0x2f3: {  	v4 =	vand.u32 $0x7, v4;
	v6 =	vadd.s32 v2, v44  }
0x2f4: {  	v7 =	vld [tilespmem:s30+$0x5240];
	v4 =	vor.u32 v4, v6;
	v45 =	vand.u32 $0xFFFFFFF8, v5  }
0x2f5: {  	v5 =	vand.u32 $0x7, v5;
	v6 =	vadd.s32 v3, v45  }
0x2f6: {  	v46 =	vld [tilespmem:s30+$0x5250];
	v5 =	vor.u32 v5, v6;
	_ =	sdelay $0x2  }
0x2f7: {  	s1 =	sor.u32 $0x1E80, s30;
	[tilespmem:v4+s20+$0x0] =	vst.idx.add.f32.msk $0xffff, v7  }
0x2f8: {  	v4 =	vld [tilespmem:s1+$0x0]  }
0x2f9: {  	s3 =	sor.u32 $0x1E90, s30;
	[tilespmem:v5+s20+$0x0] =	vst.idx.add.f32.msk $0xffff, v46  }
0x2fa: {  	v5 =	vld [tilespmem:s3+$0x0];
	_ =	sdelay $0x2  }
0x2fb: {  	v47 =	vand.u32 $0xFFFFFFF8, v4  }
0x2fc: {  	v4 =	vand.u32 $0x7, v4;
	v6 =	vadd.s32 v2, v47  }
0x2fd: {  	v7 =	vld [tilespmem:s30+$0x5280];
	v4 =	vor.u32 v4, v6;
	v48 =	vand.u32 $0xFFFFFFF8, v5  }
0x2fe: {  	v5 =	vand.u32 $0x7, v5;
	v6 =	vadd.s32 v3, v48  }
0x2ff: {  	v49 =	vld [tilespmem:s30+$0x5290];
	v5 =	vor.u32 v5, v6;
	_ =	sdelay $0x2  }
0x300: {  	s5 =	sor.u32 $0x1EC0, s30;
	[tilespmem:v4+s21+$0x0] =	vst.idx.add.f32.msk $0xffff, v7  }
0x301: {  	v4 =	vld [tilespmem:s5+$0x0]  }
0x302: {  	s14 =	sor.u32 $0x1ED0, s30;
	[tilespmem:v5+s21+$0x0] =	vst.idx.add.f32.msk $0xffff, v49  }
0x303: {  	v5 =	vld [tilespmem:s14+$0x0];
	_ =	sdelay $0x2  }
0x304: {  	v50 =	vand.u32 $0xFFFFFFF8, v4  }
0x305: {  	v4 =	vand.u32 $0x7, v4;
	v6 =	vadd.s32 v2, v50  }
0x306: {  	v7 =	vld [tilespmem:s30+$0x52C0];
	v4 =	vor.u32 v4, v6;
	v51 =	vand.u32 $0xFFFFFFF8, v5  }
0x307: {  	v5 =	vand.u32 $0x7, v5;
	v6 =	vadd.s32 v3, v51  }
0x308: {  	v52 =	vld [tilespmem:s30+$0x52D0];
	v5 =	vor.u32 v5, v6;
	_ =	sdelay $0x2  }
0x309: {  	s15 =	sor.u32 $0x2000, s30;
	[tilespmem:v4+s22+$0x0] =	vst.idx.add.f32.msk $0xffff, v7  }
0x30a: {  	v4 =	vld [tilespmem:s15+$0x0]  }
0x30b: {  	s16 =	sor.u32 $0x2010, s30;
	[tilespmem:v5+s22+$0x0] =	vst.idx.add.f32.msk $0xffff, v52  }
0x30c: {  	v5 =	vld [tilespmem:s16+$0x0];
	_ =	sdelay $0x2  }
0x30d: {  	v53 =	vand.u32 $0xFFFFFFF8, v4  }
0x30e: {  	v4 =	vand.u32 $0x7, v4;
	v6 =	vadd.s32 v2, v53  }
0x30f: {  	v7 =	vld [tilespmem:s30+$0x5400];
	v4 =	vor.u32 v4, v6;
	v54 =	vand.u32 $0xFFFFFFF8, v5  }
0x310: {  	v5 =	vand.u32 $0x7, v5;
	v6 =	vadd.s32 v3, v54  }
0x311: {  	v55 =	vld [tilespmem:s30+$0x5410];
	v5 =	vor.u32 v5, v6;
	_ =	sdelay $0x2  }
0x312: {  	s31 =	sor.u32 $0x2040, s30;
	[tilespmem:v4+s19+$0x0] =	vst.idx.add.f32.msk $0xffff, v7  }
0x313: {  	v4 =	vld [tilespmem:s31+$0x0]  }
0x314: {  	s1 =	sor.u32 $0x2050, s30;
	[tilespmem:v5+s19+$0x0] =	vst.idx.add.f32.msk $0xffff, v55  }
0x315: {  	v5 =	vld [tilespmem:s1+$0x0];
	_ =	sdelay $0x2  }
0x316: {  	v56 =	vand.u32 $0xFFFFFFF8, v4  }
0x317: {  	v4 =	vand.u32 $0x7, v4;
	v6 =	vadd.s32 v2, v56  }
0x318: {  	v7 =	vld [tilespmem:s30+$0x5440];
	v4 =	vor.u32 v4, v6;
	v57 =	vand.u32 $0xFFFFFFF8, v5  }
0x319: {  	v5 =	vand.u32 $0x7, v5;
	v6 =	vadd.s32 v3, v57  }
0x31a: {  	v58 =	vld [tilespmem:s30+$0x5450];
	v5 =	vor.u32 v5, v6;
	_ =	sdelay $0x2  }
0x31b: {  	s3 =	sor.u32 $0x2080, s30;
	[tilespmem:v4+s20+$0x0] =	vst.idx.add.f32.msk $0xffff, v7  }
0x31c: {  	v4 =	vld [tilespmem:s3+$0x0]  }
0x31d: {  	s5 =	sor.u32 $0x2090, s30;
	[tilespmem:v5+s20+$0x0] =	vst.idx.add.f32.msk $0xffff, v58  }
0x31e: {  	v5 =	vld [tilespmem:s5+$0x0];
	_ =	sdelay $0x2  }
0x31f: {  	v59 =	vand.u32 $0xFFFFFFF8, v4  }
0x320: {  	v4 =	vand.u32 $0x7, v4;
	v6 =	vadd.s32 v2, v59  }
0x321: {  	v7 =	vld [tilespmem:s30+$0x5480];
	v4 =	vor.u32 v4, v6;
	v60 =	vand.u32 $0xFFFFFFF8, v5  }
0x322: {  	v5 =	vand.u32 $0x7, v5;
	v6 =	vadd.s32 v3, v60  }
0x323: {  	v61 =	vld [tilespmem:s30+$0x5490];
	v5 =	vor.u32 v5, v6;
	_ =	sdelay $0x2  }
0x324: {  	s14 =	sor.u32 $0x20C0, s30;
	[tilespmem:v4+s21+$0x0] =	vst.idx.add.f32.msk $0xffff, v7  }
0x325: {  	v4 =	vld [tilespmem:s14+$0x0]  }
0x326: {  	s15 =	sor.u32 $0x20D0, s30;
	[tilespmem:v5+s21+$0x0] =	vst.idx.add.f32.msk $0xffff, v61  }
0x327: {  	v5 =	vld [tilespmem:s15+$0x0];
	_ =	sdelay $0x2  }
0x328: {  	v62 =	vand.u32 $0xFFFFFFF8, v4  }
0x329: {  	v4 =	vand.u32 $0x7, v4;
	v6 =	vadd.s32 v2, v62  }
0x32a: {  	v7 =	vld [tilespmem:s30+$0x54C0];
	v4 =	vor.u32 v4, v6;
	v63 =	vand.u32 $0xFFFFFFF8, v5  }
0x32b: {  	v5 =	vand.u32 $0x7, v5;
	v6 =	vadd.s32 v3, v63  }
0x32c: {  	v9 =	vld [tilespmem:s30+$0x54D0];
	v5 =	vor.u32 v5, v6;
	_ =	sdelay $0x2  }
0x32d: {  	s16 =	sor.u32 $0x2200, s30;
	[tilespmem:v4+s22+$0x0] =	vst.idx.add.f32.msk $0xffff, v7  }
0x32e: {  	v4 =	vld [tilespmem:s16+$0x0]  }
0x32f: {  	s31 =	sor.u32 $0x2210, s30;
	[tilespmem:v5+s22+$0x0] =	vst.idx.add.f32.msk $0xffff, v9  }
0x330: {  	v5 =	vld [tilespmem:s31+$0x0];
	_ =	sdelay $0x2  }
0x331: {  	v10 =	vand.u32 $0xFFFFFFF8, v4  }
0x332: {  	v4 =	vand.u32 $0x7, v4;
	v6 =	vadd.s32 v2, v10  }
0x333: {  	v7 =	vld [tilespmem:s30+$0x5600];
	v4 =	vor.u32 v4, v6;
	v11 =	vand.u32 $0xFFFFFFF8, v5  }
0x334: {  	v5 =	vand.u32 $0x7, v5;
	v6 =	vadd.s32 v3, v11  }
0x335: {  	v12 =	vld [tilespmem:s30+$0x5610];
	v5 =	vor.u32 v5, v6;
	_ =	sdelay $0x2  }
0x336: {  	s1 =	sor.u32 $0x2240, s30;
	[tilespmem:v4+s19+$0x0] =	vst.idx.add.f32.msk $0xffff, v7  }
0x337: {  	v4 =	vld [tilespmem:s1+$0x0]  }
0x338: {  	s3 =	sor.u32 $0x2250, s30;
	[tilespmem:v5+s19+$0x0] =	vst.idx.add.f32.msk $0xffff, v12  }
0x339: {  	v5 =	vld [tilespmem:s3+$0x0];
	_ =	sdelay $0x2  }
0x33a: {  	v13 =	vand.u32 $0xFFFFFFF8, v4  }
0x33b: {  	v4 =	vand.u32 $0x7, v4;
	v6 =	vadd.s32 v2, v13  }
0x33c: {  	v7 =	vld [tilespmem:s30+$0x5640];
	v4 =	vor.u32 v4, v6;
	v14 =	vand.u32 $0xFFFFFFF8, v5  }
0x33d: {  	v5 =	vand.u32 $0x7, v5;
	v6 =	vadd.s32 v3, v14  }
0x33e: {  	v15 =	vld [tilespmem:s30+$0x5650];
	v5 =	vor.u32 v5, v6;
	_ =	sdelay $0x2  }
0x33f: {  	s5 =	sor.u32 $0x2280, s30;
	[tilespmem:v4+s20+$0x0] =	vst.idx.add.f32.msk $0xffff, v7  }
0x340: {  	v4 =	vld [tilespmem:s5+$0x0]  }
0x341: {  	s14 =	sor.u32 $0x2290, s30;
	[tilespmem:v5+s20+$0x0] =	vst.idx.add.f32.msk $0xffff, v15  }
0x342: {  	v5 =	vld [tilespmem:s14+$0x0];
	_ =	sdelay $0x2  }
0x343: {  	v16 =	vand.u32 $0xFFFFFFF8, v4  }
0x344: {  	v4 =	vand.u32 $0x7, v4;
	v6 =	vadd.s32 v2, v16  }
0x345: {  	v7 =	vld [tilespmem:s30+$0x5680];
	v4 =	vor.u32 v4, v6;
	v17 =	vand.u32 $0xFFFFFFF8, v5  }
0x346: {  	v5 =	vand.u32 $0x7, v5;
	v6 =	vadd.s32 v3, v17  }
0x347: {  	v18 =	vld [tilespmem:s30+$0x5690];
	v5 =	vor.u32 v5, v6;
	_ =	sdelay $0x2  }
0x348: {  	s15 =	sor.u32 $0x22C0, s30;
	[tilespmem:v4+s21+$0x0] =	vst.idx.add.f32.msk $0xffff, v7  }
0x349: {  	v4 =	vld [tilespmem:s15+$0x0]  }
0x34a: {  	s16 =	sor.u32 $0x22D0, s30;
	[tilespmem:v5+s21+$0x0] =	vst.idx.add.f32.msk $0xffff, v18  }
0x34b: {  	v5 =	vld [tilespmem:s16+$0x0];
	_ =	sdelay $0x2  }
0x34c: {  	v19 =	vand.u32 $0xFFFFFFF8, v4  }
0x34d: {  	v4 =	vand.u32 $0x7, v4;
	v6 =	vadd.s32 v2, v19  }
0x34e: {  	v7 =	vld [tilespmem:s30+$0x56C0];
	v4 =	vor.u32 v4, v6;
	v20 =	vand.u32 $0xFFFFFFF8, v5  }
0x34f: {  	v5 =	vand.u32 $0x7, v5;
	v6 =	vadd.s32 v3, v20  }
0x350: {  	v21 =	vld [tilespmem:s30+$0x56D0];
	v5 =	vor.u32 v5, v6;
	_ =	sdelay $0x2  }
0x351: {  	s31 =	sor.u32 $0x2400, s30;
	[tilespmem:v4+s22+$0x0] =	vst.idx.add.f32.msk $0xffff, v7  }
0x352: {  	v4 =	vld [tilespmem:s31+$0x0]  }
0x353: {  	s1 =	sor.u32 $0x2410, s30;
	[tilespmem:v5+s22+$0x0] =	vst.idx.add.f32.msk $0xffff, v21  }
0x354: {  	v5 =	vld [tilespmem:s1+$0x0];
	_ =	sdelay $0x2  }
0x355: {  	v22 =	vand.u32 $0xFFFFFFF8, v4  }
0x356: {  	v4 =	vand.u32 $0x7, v4;
	v6 =	vadd.s32 v2, v22  }
0x357: {  	v7 =	vld [tilespmem:s30+$0x5800];
	v4 =	vor.u32 v4, v6;
	v23 =	vand.u32 $0xFFFFFFF8, v5  }
0x358: {  	v5 =	vand.u32 $0x7, v5;
	v6 =	vadd.s32 v3, v23  }
0x359: {  	v24 =	vld [tilespmem:s30+$0x5810];
	v5 =	vor.u32 v5, v6;
	_ =	sdelay $0x2  }
0x35a: {  	s3 =	sor.u32 $0x2440, s30;
	[tilespmem:v4+s19+$0x0] =	vst.idx.add.f32.msk $0xffff, v7  }
0x35b: {  	v4 =	vld [tilespmem:s3+$0x0]  }
0x35c: {  	s5 =	sor.u32 $0x2450, s30;
	[tilespmem:v5+s19+$0x0] =	vst.idx.add.f32.msk $0xffff, v24  }
0x35d: {  	v5 =	vld [tilespmem:s5+$0x0];
	_ =	sdelay $0x2  }
0x35e: {  	v25 =	vand.u32 $0xFFFFFFF8, v4  }
0x35f: {  	v4 =	vand.u32 $0x7, v4;
	v6 =	vadd.s32 v2, v25  }
0x360: {  	v7 =	vld [tilespmem:s30+$0x5840];
	v4 =	vor.u32 v4, v6;
	v26 =	vand.u32 $0xFFFFFFF8, v5  }
0x361: {  	v5 =	vand.u32 $0x7, v5;
	v6 =	vadd.s32 v3, v26  }
0x362: {  	v27 =	vld [tilespmem:s30+$0x5850];
	v5 =	vor.u32 v5, v6;
	_ =	sdelay $0x2  }
0x363: {  	s14 =	sor.u32 $0x2480, s30;
	[tilespmem:v4+s20+$0x0] =	vst.idx.add.f32.msk $0xffff, v7  }
0x364: {  	v4 =	vld [tilespmem:s14+$0x0]  }
0x365: {  	s15 =	sor.u32 $0x2490, s30;
	[tilespmem:v5+s20+$0x0] =	vst.idx.add.f32.msk $0xffff, v27  }
0x366: {  	v5 =	vld [tilespmem:s15+$0x0];
	_ =	sdelay $0x2  }
0x367: {  	v28 =	vand.u32 $0xFFFFFFF8, v4  }
0x368: {  	v4 =	vand.u32 $0x7, v4;
	v6 =	vadd.s32 v2, v28  }
0x369: {  	v7 =	vld [tilespmem:s30+$0x5880];
	v4 =	vor.u32 v4, v6;
	v29 =	vand.u32 $0xFFFFFFF8, v5  }
0x36a: {  	v5 =	vand.u32 $0x7, v5;
	v6 =	vadd.s32 v3, v29  }
0x36b: {  	v30 =	vld [tilespmem:s30+$0x5890];
	v5 =	vor.u32 v5, v6;
	_ =	sdelay $0x2  }
0x36c: {  	s16 =	sor.u32 $0x24C0, s30;
	[tilespmem:v4+s21+$0x0] =	vst.idx.add.f32.msk $0xffff, v7  }
0x36d: {  	v4 =	vld [tilespmem:s16+$0x0]  }
0x36e: {  	s31 =	sor.u32 $0x24D0, s30;
	[tilespmem:v5+s21+$0x0] =	vst.idx.add.f32.msk $0xffff, v30  }
0x36f: {  	v5 =	vld [tilespmem:s31+$0x0];
	_ =	sdelay $0x2  }
0x370: {  	v31 =	vand.u32 $0xFFFFFFF8, v4  }
0x371: {  	v4 =	vand.u32 $0x7, v4;
	v6 =	vadd.s32 v2, v31  }
0x372: {  	v7 =	vld [tilespmem:s30+$0x58C0];
	v4 =	vor.u32 v4, v6;
	v32 =	vand.u32 $0xFFFFFFF8, v5  }
0x373: {  	v5 =	vand.u32 $0x7, v5;
	v6 =	vadd.s32 v3, v32  }
0x374: {  	v33 =	vld [tilespmem:s30+$0x58D0];
	v5 =	vor.u32 v5, v6;
	_ =	sdelay $0x2  }
0x375: {  	s1 =	sor.u32 $0x2600, s30;
	[tilespmem:v4+s22+$0x0] =	vst.idx.add.f32.msk $0xffff, v7  }
0x376: {  	v4 =	vld [tilespmem:s1+$0x0]  }
0x377: {  	s3 =	sor.u32 $0x2610, s30;
	[tilespmem:v5+s22+$0x0] =	vst.idx.add.f32.msk $0xffff, v33  }
0x378: {  	v5 =	vld [tilespmem:s3+$0x0];
	_ =	sdelay $0x2  }
0x379: {  	v34 =	vand.u32 $0xFFFFFFF8, v4  }
0x37a: {  	v4 =	vand.u32 $0x7, v4;
	v6 =	vadd.s32 v2, v34  }
0x37b: {  	v7 =	vld [tilespmem:s30+$0x5A00];
	v4 =	vor.u32 v4, v6;
	v35 =	vand.u32 $0xFFFFFFF8, v5  }
0x37c: {  	v5 =	vand.u32 $0x7, v5;
	v6 =	vadd.s32 v3, v35  }
0x37d: {  	v36 =	vld [tilespmem:s30+$0x5A10];
	v5 =	vor.u32 v5, v6;
	_ =	sdelay $0x2  }
0x37e: {  	s5 =	sor.u32 $0x2640, s30;
	[tilespmem:v4+s19+$0x0] =	vst.idx.add.f32.msk $0xffff, v7  }
0x37f: {  	v4 =	vld [tilespmem:s5+$0x0]  }
0x380: {  	s14 =	sor.u32 $0x2650, s30;
	[tilespmem:v5+s19+$0x0] =	vst.idx.add.f32.msk $0xffff, v36  }
0x381: {  	v5 =	vld [tilespmem:s14+$0x0];
	_ =	sdelay $0x2  }
0x382: {  	v37 =	vand.u32 $0xFFFFFFF8, v4  }
0x383: {  	v4 =	vand.u32 $0x7, v4;
	v6 =	vadd.s32 v2, v37  }
0x384: {  	v7 =	vld [tilespmem:s30+$0x5A40];
	v4 =	vor.u32 v4, v6;
	v38 =	vand.u32 $0xFFFFFFF8, v5  }
0x385: {  	v5 =	vand.u32 $0x7, v5;
	v6 =	vadd.s32 v3, v38  }
0x386: {  	v39 =	vld [tilespmem:s30+$0x5A50];
	v5 =	vor.u32 v5, v6;
	_ =	sdelay $0x2  }
0x387: {  	s15 =	sor.u32 $0x2680, s30;
	[tilespmem:v4+s20+$0x0] =	vst.idx.add.f32.msk $0xffff, v7  }
0x388: {  	v4 =	vld [tilespmem:s15+$0x0]  }
0x389: {  	s16 =	sor.u32 $0x2690, s30;
	[tilespmem:v5+s20+$0x0] =	vst.idx.add.f32.msk $0xffff, v39  }
0x38a: {  	v5 =	vld [tilespmem:s16+$0x0];
	_ =	sdelay $0x2  }
0x38b: {  	v40 =	vand.u32 $0xFFFFFFF8, v4  }
0x38c: {  	v4 =	vand.u32 $0x7, v4;
	v6 =	vadd.s32 v2, v40  }
0x38d: {  	v7 =	vld [tilespmem:s30+$0x5A80];
	v4 =	vor.u32 v4, v6;
	v41 =	vand.u32 $0xFFFFFFF8, v5  }
0x38e: {  	v5 =	vand.u32 $0x7, v5;
	v6 =	vadd.s32 v3, v41  }
0x38f: {  	v42 =	vld [tilespmem:s30+$0x5A90];
	v5 =	vor.u32 v5, v6;
	_ =	sdelay $0x2  }
0x390: {  	s31 =	sor.u32 $0x26C0, s30;
	[tilespmem:v4+s21+$0x0] =	vst.idx.add.f32.msk $0xffff, v7  }
0x391: {  	v4 =	vld [tilespmem:s31+$0x0]  }
0x392: {  	s1 =	sor.u32 $0x26D0, s30;
	[tilespmem:v5+s21+$0x0] =	vst.idx.add.f32.msk $0xffff, v42  }
0x393: {  	v5 =	vld [tilespmem:s1+$0x0];
	_ =	sdelay $0x2  }
0x394: {  	v43 =	vand.u32 $0xFFFFFFF8, v4  }
0x395: {  	v4 =	vand.u32 $0x7, v4;
	v6 =	vadd.s32 v2, v43  }
0x396: {  	v7 =	vld [tilespmem:s30+$0x5AC0];
	v4 =	vor.u32 v4, v6;
	v44 =	vand.u32 $0xFFFFFFF8, v5  }
0x397: {  	v5 =	vand.u32 $0x7, v5;
	v6 =	vadd.s32 v3, v44  }
0x398: {  	v45 =	vld [tilespmem:s30+$0x5AD0];
	v5 =	vor.u32 v5, v6;
	_ =	sdelay $0x2  }
0x399: {  	s3 =	sor.u32 $0x2800, s30;
	[tilespmem:v4+s22+$0x0] =	vst.idx.add.f32.msk $0xffff, v7  }
0x39a: {  	v4 =	vld [tilespmem:s3+$0x0]  }
0x39b: {  	s5 =	sor.u32 $0x2810, s30;
	[tilespmem:v5+s22+$0x0] =	vst.idx.add.f32.msk $0xffff, v45  }
0x39c: {  	v5 =	vld [tilespmem:s5+$0x0];
	_ =	sdelay $0x2  }
0x39d: {  	v46 =	vand.u32 $0xFFFFFFF8, v4  }
0x39e: {  	v4 =	vand.u32 $0x7, v4;
	v6 =	vadd.s32 v2, v46  }
0x39f: {  	v7 =	vld [tilespmem:s30+$0x5C00];
	v4 =	vor.u32 v4, v6;
	v47 =	vand.u32 $0xFFFFFFF8, v5  }
0x3a0: {  	v5 =	vand.u32 $0x7, v5;
	v6 =	vadd.s32 v3, v47  }
0x3a1: {  	v48 =	vld [tilespmem:s30+$0x5C10];
	v5 =	vor.u32 v5, v6;
	_ =	sdelay $0x2  }
0x3a2: {  	s14 =	sor.u32 $0x2840, s30;
	[tilespmem:v4+s19+$0x0] =	vst.idx.add.f32.msk $0xffff, v7  }
0x3a3: {  	v4 =	vld [tilespmem:s14+$0x0]  }
0x3a4: {  	s15 =	sor.u32 $0x2850, s30;
	[tilespmem:v5+s19+$0x0] =	vst.idx.add.f32.msk $0xffff, v48  }
0x3a5: {  	v5 =	vld [tilespmem:s15+$0x0];
	_ =	sdelay $0x2  }
0x3a6: {  	v49 =	vand.u32 $0xFFFFFFF8, v4  }
0x3a7: {  	v4 =	vand.u32 $0x7, v4;
	v6 =	vadd.s32 v2, v49  }
0x3a8: {  	v7 =	vld [tilespmem:s30+$0x5C40];
	v4 =	vor.u32 v4, v6;
	v50 =	vand.u32 $0xFFFFFFF8, v5  }
0x3a9: {  	v5 =	vand.u32 $0x7, v5;
	v6 =	vadd.s32 v3, v50  }
0x3aa: {  	v51 =	vld [tilespmem:s30+$0x5C50];
	v5 =	vor.u32 v5, v6;
	_ =	sdelay $0x2  }
0x3ab: {  	s16 =	sor.u32 $0x2880, s30;
	[tilespmem:v4+s20+$0x0] =	vst.idx.add.f32.msk $0xffff, v7  }
0x3ac: {  	v4 =	vld [tilespmem:s16+$0x0]  }
0x3ad: {  	s31 =	sor.u32 $0x2890, s30;
	[tilespmem:v5+s20+$0x0] =	vst.idx.add.f32.msk $0xffff, v51  }
0x3ae: {  	v5 =	vld [tilespmem:s31+$0x0];
	_ =	sdelay $0x2  }
0x3af: {  	v52 =	vand.u32 $0xFFFFFFF8, v4  }
0x3b0: {  	v4 =	vand.u32 $0x7, v4;
	v6 =	vadd.s32 v2, v52  }
0x3b1: {  	v7 =	vld [tilespmem:s30+$0x5C80];
	v4 =	vor.u32 v4, v6;
	v53 =	vand.u32 $0xFFFFFFF8, v5  }
0x3b2: {  	v5 =	vand.u32 $0x7, v5;
	v6 =	vadd.s32 v3, v53  }
0x3b3: {  	v54 =	vld [tilespmem:s30+$0x5C90];
	v5 =	vor.u32 v5, v6;
	_ =	sdelay $0x2  }
0x3b4: {  	s1 =	sor.u32 $0x28C0, s30;
	[tilespmem:v4+s21+$0x0] =	vst.idx.add.f32.msk $0xffff, v7  }
0x3b5: {  	v4 =	vld [tilespmem:s1+$0x0]  }
0x3b6: {  	s3 =	sor.u32 $0x28D0, s30;
	[tilespmem:v5+s21+$0x0] =	vst.idx.add.f32.msk $0xffff, v54  }
0x3b7: {  	v5 =	vld [tilespmem:s3+$0x0];
	_ =	sdelay $0x2  }
0x3b8: {  	v55 =	vand.u32 $0xFFFFFFF8, v4  }
0x3b9: {  	v4 =	vand.u32 $0x7, v4;
	v6 =	vadd.s32 v2, v55  }
0x3ba: {  	v7 =	vld [tilespmem:s30+$0x5CC0];
	v4 =	vor.u32 v4, v6;
	v56 =	vand.u32 $0xFFFFFFF8, v5  }
0x3bb: {  	v5 =	vand.u32 $0x7, v5;
	v6 =	vadd.s32 v3, v56  }
0x3bc: {  	v57 =	vld [tilespmem:s30+$0x5CD0];
	v5 =	vor.u32 v5, v6;
	_ =	sdelay $0x2  }
0x3bd: {  	s5 =	sor.u32 $0x2A00, s30;
	[tilespmem:v4+s22+$0x0] =	vst.idx.add.f32.msk $0xffff, v7  }
0x3be: {  	v4 =	vld [tilespmem:s5+$0x0]  }
0x3bf: {  	s14 =	sor.u32 $0x2A10, s30;
	[tilespmem:v5+s22+$0x0] =	vst.idx.add.f32.msk $0xffff, v57  }
0x3c0: {  	v5 =	vld [tilespmem:s14+$0x0];
	_ =	sdelay $0x2  }
0x3c1: {  	v58 =	vand.u32 $0xFFFFFFF8, v4  }
0x3c2: {  	v4 =	vand.u32 $0x7, v4;
	v6 =	vadd.s32 v2, v58  }
0x3c3: {  	v7 =	vld [tilespmem:s30+$0x5E00];
	v4 =	vor.u32 v4, v6;
	v59 =	vand.u32 $0xFFFFFFF8, v5  }
0x3c4: {  	v5 =	vand.u32 $0x7, v5;
	v6 =	vadd.s32 v3, v59  }
0x3c5: {  	v60 =	vld [tilespmem:s30+$0x5E10];
	v5 =	vor.u32 v5, v6;
	_ =	sdelay $0x2  }
0x3c6: {  	s15 =	sor.u32 $0x2A40, s30;
	[tilespmem:v4+s19+$0x0] =	vst.idx.add.f32.msk $0xffff, v7  }
0x3c7: {  	v4 =	vld [tilespmem:s15+$0x0]  }
0x3c8: {  	s16 =	sor.u32 $0x2A50, s30;
	[tilespmem:v5+s19+$0x0] =	vst.idx.add.f32.msk $0xffff, v60  }
0x3c9: {  	v5 =	vld [tilespmem:s16+$0x0];
	_ =	sdelay $0x2  }
0x3ca: {  	v61 =	vand.u32 $0xFFFFFFF8, v4  }
0x3cb: {  	v4 =	vand.u32 $0x7, v4;
	v6 =	vadd.s32 v2, v61  }
0x3cc: {  	v7 =	vld [tilespmem:s30+$0x5E40];
	v4 =	vor.u32 v4, v6;
	v62 =	vand.u32 $0xFFFFFFF8, v5  }
0x3cd: {  	v5 =	vand.u32 $0x7, v5;
	v6 =	vadd.s32 v3, v62  }
0x3ce: {  	v63 =	vld [tilespmem:s30+$0x5E50];
	v5 =	vor.u32 v5, v6;
	_ =	sdelay $0x2  }
0x3cf: {  	s31 =	sor.u32 $0x2A80, s30;
	[tilespmem:v4+s20+$0x0] =	vst.idx.add.f32.msk $0xffff, v7  }
0x3d0: {  	v4 =	vld [tilespmem:s31+$0x0]  }
0x3d1: {  	s1 =	sor.u32 $0x2A90, s30;
	[tilespmem:v5+s20+$0x0] =	vst.idx.add.f32.msk $0xffff, v63  }
0x3d2: {  	v5 =	vld [tilespmem:s1+$0x0];
	_ =	sdelay $0x2  }
0x3d3: {  	v9 =	vand.u32 $0xFFFFFFF8, v4  }
0x3d4: {  	v4 =	vand.u32 $0x7, v4;
	v6 =	vadd.s32 v2, v9  }
0x3d5: {  	v7 =	vld [tilespmem:s30+$0x5E80];
	v4 =	vor.u32 v4, v6;
	v10 =	vand.u32 $0xFFFFFFF8, v5  }
0x3d6: {  	v5 =	vand.u32 $0x7, v5;
	v6 =	vadd.s32 v3, v10  }
0x3d7: {  	v11 =	vld [tilespmem:s30+$0x5E90];
	v5 =	vor.u32 v5, v6;
	_ =	sdelay $0x2  }
0x3d8: {  	s3 =	sor.u32 $0x2AC0, s30;
	[tilespmem:v4+s21+$0x0] =	vst.idx.add.f32.msk $0xffff, v7  }
0x3d9: {  	v4 =	vld [tilespmem:s3+$0x0]  }
0x3da: {  	s5 =	sor.u32 $0x2AD0, s30;
	[tilespmem:v5+s21+$0x0] =	vst.idx.add.f32.msk $0xffff, v11  }
0x3db: {  	v5 =	vld [tilespmem:s5+$0x0];
	_ =	sdelay $0x2  }
0x3dc: {  	v12 =	vand.u32 $0xFFFFFFF8, v4  }
0x3dd: {  	v4 =	vand.u32 $0x7, v4;
	v6 =	vadd.s32 v2, v12  }
0x3de: {  	v7 =	vld [tilespmem:s30+$0x5EC0];
	v4 =	vor.u32 v4, v6;
	v13 =	vand.u32 $0xFFFFFFF8, v5  }
0x3df: {  	v5 =	vand.u32 $0x7, v5;
	v6 =	vadd.s32 v3, v13  }
0x3e0: {  	v14 =	vld [tilespmem:s30+$0x5ED0];
	v5 =	vor.u32 v5, v6;
	_ =	sdelay $0x2  }
0x3e1: {  	s14 =	sor.u32 $0x2C00, s30;
	[tilespmem:v4+s22+$0x0] =	vst.idx.add.f32.msk $0xffff, v7  }
0x3e2: {  	v4 =	vld [tilespmem:s14+$0x0]  }
0x3e3: {  	s15 =	sor.u32 $0x2C10, s30;
	[tilespmem:v5+s22+$0x0] =	vst.idx.add.f32.msk $0xffff, v14  }
0x3e4: {  	v5 =	vld [tilespmem:s15+$0x0];
	_ =	sdelay $0x2  }
0x3e5: {  	v15 =	vand.u32 $0xFFFFFFF8, v4  }
0x3e6: {  	v4 =	vand.u32 $0x7, v4;
	v6 =	vadd.s32 v2, v15  }
0x3e7: {  	v7 =	vld [tilespmem:s30+$0x6000];
	v4 =	vor.u32 v4, v6;
	v16 =	vand.u32 $0xFFFFFFF8, v5  }
0x3e8: {  	v5 =	vand.u32 $0x7, v5;
	v6 =	vadd.s32 v3, v16  }
0x3e9: {  	v17 =	vld [tilespmem:s30+$0x6010];
	v5 =	vor.u32 v5, v6;
	_ =	sdelay $0x2  }
0x3ea: {  	s16 =	sor.u32 $0x2C40, s30;
	[tilespmem:v4+s19+$0x0] =	vst.idx.add.f32.msk $0xffff, v7  }
0x3eb: {  	v4 =	vld [tilespmem:s16+$0x0]  }
0x3ec: {  	s31 =	sor.u32 $0x2C50, s30;
	[tilespmem:v5+s19+$0x0] =	vst.idx.add.f32.msk $0xffff, v17  }
0x3ed: {  	v5 =	vld [tilespmem:s31+$0x0];
	_ =	sdelay $0x2  }
0x3ee: {  	v18 =	vand.u32 $0xFFFFFFF8, v4  }
0x3ef: {  	v4 =	vand.u32 $0x7, v4;
	v6 =	vadd.s32 v2, v18  }
0x3f0: {  	v7 =	vld [tilespmem:s30+$0x6040];
	v4 =	vor.u32 v4, v6;
	v19 =	vand.u32 $0xFFFFFFF8, v5  }
0x3f1: {  	v5 =	vand.u32 $0x7, v5;
	v6 =	vadd.s32 v3, v19  }
0x3f2: {  	v20 =	vld [tilespmem:s30+$0x6050];
	v5 =	vor.u32 v5, v6;
	_ =	sdelay $0x2  }
0x3f3: {  	s1 =	sor.u32 $0x2C80, s30;
	[tilespmem:v4+s20+$0x0] =	vst.idx.add.f32.msk $0xffff, v7  }
0x3f4: {  	v4 =	vld [tilespmem:s1+$0x0]  }
0x3f5: {  	s3 =	sor.u32 $0x2C90, s30;
	[tilespmem:v5+s20+$0x0] =	vst.idx.add.f32.msk $0xffff, v20  }
0x3f6: {  	v5 =	vld [tilespmem:s3+$0x0];
	_ =	sdelay $0x2  }
0x3f7: {  	v21 =	vand.u32 $0xFFFFFFF8, v4  }
0x3f8: {  	v4 =	vand.u32 $0x7, v4;
	v6 =	vadd.s32 v2, v21  }
0x3f9: {  	v7 =	vld [tilespmem:s30+$0x6080];
	v4 =	vor.u32 v4, v6;
	v22 =	vand.u32 $0xFFFFFFF8, v5  }
0x3fa: {  	v5 =	vand.u32 $0x7, v5;
	v6 =	vadd.s32 v3, v22  }
0x3fb: {  	v23 =	vld [tilespmem:s30+$0x6090];
	v5 =	vor.u32 v5, v6;
	_ =	sdelay $0x2  }
0x3fc: {  	s5 =	sor.u32 $0x2CC0, s30;
	[tilespmem:v4+s21+$0x0] =	vst.idx.add.f32.msk $0xffff, v7  }
0x3fd: {  	v4 =	vld [tilespmem:s5+$0x0]  }
0x3fe: {  	s14 =	sor.u32 $0x2CD0, s30;
	[tilespmem:v5+s21+$0x0] =	vst.idx.add.f32.msk $0xffff, v23  }
0x3ff: {  	v5 =	vld [tilespmem:s14+$0x0];
	_ =	sdelay $0x2  }
0x400: {  	v24 =	vand.u32 $0xFFFFFFF8, v4  }
0x401: {  	v4 =	vand.u32 $0x7, v4;
	v6 =	vadd.s32 v2, v24  }
0x402: {  	v7 =	vld [tilespmem:s30+$0x60C0];
	v4 =	vor.u32 v4, v6;
	v25 =	vand.u32 $0xFFFFFFF8, v5  }
0x403: {  	v5 =	vand.u32 $0x7, v5;
	v6 =	vadd.s32 v3, v25  }
0x404: {  	v26 =	vld [tilespmem:s30+$0x60D0];
	v5 =	vor.u32 v5, v6;
	_ =	sdelay $0x2  }
0x405: {  	s15 =	sor.u32 $0x2E00, s30;
	[tilespmem:v4+s22+$0x0] =	vst.idx.add.f32.msk $0xffff, v7  }
0x406: {  	v4 =	vld [tilespmem:s15+$0x0]  }
0x407: {  	s16 =	sor.u32 $0x2E10, s30;
	[tilespmem:v5+s22+$0x0] =	vst.idx.add.f32.msk $0xffff, v26  }
0x408: {  	v5 =	vld [tilespmem:s16+$0x0];
	_ =	sdelay $0x2  }
0x409: {  	v27 =	vand.u32 $0xFFFFFFF8, v4  }
0x40a: {  	v4 =	vand.u32 $0x7, v4;
	v6 =	vadd.s32 v2, v27  }
0x40b: {  	v7 =	vld [tilespmem:s30+$0x6200];
	v4 =	vor.u32 v4, v6;
	v28 =	vand.u32 $0xFFFFFFF8, v5  }
0x40c: {  	v5 =	vand.u32 $0x7, v5;
	v6 =	vadd.s32 v3, v28  }
0x40d: {  	v29 =	vld [tilespmem:s30+$0x6210];
	v5 =	vor.u32 v5, v6;
	_ =	sdelay $0x2  }
0x40e: {  	s31 =	sor.u32 $0x2E40, s30;
	[tilespmem:v4+s19+$0x0] =	vst.idx.add.f32.msk $0xffff, v7  }
0x40f: {  	v4 =	vld [tilespmem:s31+$0x0]  }
0x410: {  	s1 =	sor.u32 $0x2E50, s30;
	[tilespmem:v5+s19+$0x0] =	vst.idx.add.f32.msk $0xffff, v29  }
0x411: {  	v5 =	vld [tilespmem:s1+$0x0];
	_ =	sdelay $0x2  }
0x412: {  	v30 =	vand.u32 $0xFFFFFFF8, v4  }
0x413: {  	v4 =	vand.u32 $0x7, v4;
	v6 =	vadd.s32 v2, v30  }
0x414: {  	v7 =	vld [tilespmem:s30+$0x6240];
	v4 =	vor.u32 v4, v6;
	v31 =	vand.u32 $0xFFFFFFF8, v5  }
0x415: {  	v5 =	vand.u32 $0x7, v5;
	v6 =	vadd.s32 v3, v31  }
0x416: {  	v32 =	vld [tilespmem:s30+$0x6250];
	v5 =	vor.u32 v5, v6;
	_ =	sdelay $0x2  }
0x417: {  	s3 =	sor.u32 $0x2E80, s30;
	[tilespmem:v4+s20+$0x0] =	vst.idx.add.f32.msk $0xffff, v7  }
0x418: {  	v4 =	vld [tilespmem:s3+$0x0]  }
0x419: {  	s5 =	sor.u32 $0x2E90, s30;
	[tilespmem:v5+s20+$0x0] =	vst.idx.add.f32.msk $0xffff, v32  }
0x41a: {  	v5 =	vld [tilespmem:s5+$0x0];
	_ =	sdelay $0x2  }
0x41b: {  	v33 =	vand.u32 $0xFFFFFFF8, v4  }
0x41c: {  	v4 =	vand.u32 $0x7, v4;
	v6 =	vadd.s32 v2, v33  }
0x41d: {  	v7 =	vld [tilespmem:s30+$0x6280];
	v4 =	vor.u32 v4, v6;
	v34 =	vand.u32 $0xFFFFFFF8, v5  }
0x41e: {  	v5 =	vand.u32 $0x7, v5;
	v6 =	vadd.s32 v3, v34  }
0x41f: {  	v35 =	vld [tilespmem:s30+$0x6290];
	v5 =	vor.u32 v5, v6;
	_ =	sdelay $0x2  }
0x420: {  	s14 =	sor.u32 $0x2EC0, s30;
	[tilespmem:v4+s21+$0x0] =	vst.idx.add.f32.msk $0xffff, v7  }
0x421: {  	v4 =	vld [tilespmem:s14+$0x0]  }
0x422: {  	s15 =	sor.u32 $0x2ED0, s30;
	[tilespmem:v5+s21+$0x0] =	vst.idx.add.f32.msk $0xffff, v35  }
0x423: {  	v5 =	vld [tilespmem:s15+$0x0];
	_ =	sdelay $0x2  }
0x424: {  	v36 =	vand.u32 $0xFFFFFFF8, v4  }
0x425: {  	v4 =	vand.u32 $0x7, v4;
	v6 =	vadd.s32 v2, v36  }
0x426: {  	v7 =	vld [tilespmem:s30+$0x62C0];
	v4 =	vor.u32 v4, v6;
	v37 =	vand.u32 $0xFFFFFFF8, v5  }
0x427: {  	v5 =	vand.u32 $0x7, v5;
	v6 =	vadd.s32 v3, v37  }
0x428: {  	v38 =	vld [tilespmem:s30+$0x62D0];
	v5 =	vor.u32 v5, v6;
	_ =	sdelay $0x2  }
0x429: {  	s16 =	sor.u32 $0x3000, s30;
	[tilespmem:v4+s22+$0x0] =	vst.idx.add.f32.msk $0xffff, v7  }
0x42a: {  	v4 =	vld [tilespmem:s16+$0x0]  }
0x42b: {  	s31 =	sor.u32 $0x3010, s30;
	[tilespmem:v5+s22+$0x0] =	vst.idx.add.f32.msk $0xffff, v38  }
0x42c: {  	v5 =	vld [tilespmem:s31+$0x0];
	_ =	sdelay $0x2  }
0x42d: {  	v39 =	vand.u32 $0xFFFFFFF8, v4  }
0x42e: {  	v4 =	vand.u32 $0x7, v4;
	v6 =	vadd.s32 v2, v39  }
0x42f: {  	v7 =	vld [tilespmem:s30+$0x6400];
	v4 =	vor.u32 v4, v6;
	v40 =	vand.u32 $0xFFFFFFF8, v5  }
0x430: {  	v5 =	vand.u32 $0x7, v5;
	v6 =	vadd.s32 v3, v40  }
0x431: {  	v41 =	vld [tilespmem:s30+$0x6410];
	v5 =	vor.u32 v5, v6;
	_ =	sdelay $0x2  }
0x432: {  	s1 =	sor.u32 $0x3040, s30;
	[tilespmem:v4+s19+$0x0] =	vst.idx.add.f32.msk $0xffff, v7  }
0x433: {  	v4 =	vld [tilespmem:s1+$0x0]  }
0x434: {  	s3 =	sor.u32 $0x3050, s30;
	[tilespmem:v5+s19+$0x0] =	vst.idx.add.f32.msk $0xffff, v41  }
0x435: {  	v5 =	vld [tilespmem:s3+$0x0];
	_ =	sdelay $0x2  }
0x436: {  	v42 =	vand.u32 $0xFFFFFFF8, v4  }
0x437: {  	v4 =	vand.u32 $0x7, v4;
	v6 =	vadd.s32 v2, v42  }
0x438: {  	v7 =	vld [tilespmem:s30+$0x6440];
	v4 =	vor.u32 v4, v6;
	v43 =	vand.u32 $0xFFFFFFF8, v5  }
0x439: {  	v5 =	vand.u32 $0x7, v5;
	v6 =	vadd.s32 v3, v43  }
0x43a: {  	v44 =	vld [tilespmem:s30+$0x6450];
	v5 =	vor.u32 v5, v6;
	_ =	sdelay $0x2  }
0x43b: {  	s5 =	sor.u32 $0x3080, s30;
	[tilespmem:v4+s20+$0x0] =	vst.idx.add.f32.msk $0xffff, v7  }
0x43c: {  	v4 =	vld [tilespmem:s5+$0x0]  }
0x43d: {  	s14 =	sor.u32 $0x3090, s30;
	[tilespmem:v5+s20+$0x0] =	vst.idx.add.f32.msk $0xffff, v44  }
0x43e: {  	v5 =	vld [tilespmem:s14+$0x0];
	_ =	sdelay $0x2  }
0x43f: {  	v45 =	vand.u32 $0xFFFFFFF8, v4  }
0x440: {  	v4 =	vand.u32 $0x7, v4;
	v6 =	vadd.s32 v2, v45  }
0x441: {  	v7 =	vld [tilespmem:s30+$0x6480];
	v4 =	vor.u32 v4, v6;
	v46 =	vand.u32 $0xFFFFFFF8, v5  }
0x442: {  	v5 =	vand.u32 $0x7, v5;
	v6 =	vadd.s32 v3, v46  }
0x443: {  	v47 =	vld [tilespmem:s30+$0x6490];
	v5 =	vor.u32 v5, v6;
	_ =	sdelay $0x2  }
0x444: {  	s15 =	sor.u32 $0x30C0, s30;
	[tilespmem:v4+s21+$0x0] =	vst.idx.add.f32.msk $0xffff, v7  }
0x445: {  	v4 =	vld [tilespmem:s15+$0x0]  }
0x446: {  	s16 =	sor.u32 $0x30D0, s30;
	[tilespmem:v5+s21+$0x0] =	vst.idx.add.f32.msk $0xffff, v47  }
0x447: {  	v5 =	vld [tilespmem:s16+$0x0];
	_ =	sdelay $0x2  }
0x448: {  	v48 =	vand.u32 $0xFFFFFFF8, v4  }
0x449: {  	v4 =	vand.u32 $0x7, v4;
	v6 =	vadd.s32 v2, v48  }
0x44a: {  	v7 =	vld [tilespmem:s30+$0x64C0];
	v4 =	vor.u32 v4, v6;
	v49 =	vand.u32 $0xFFFFFFF8, v5  }
0x44b: {  	v5 =	vand.u32 $0x7, v5;
	v6 =	vadd.s32 v3, v49  }
0x44c: {  	v50 =	vld [tilespmem:s30+$0x64D0];
	v5 =	vor.u32 v5, v6;
	_ =	sdelay $0x2  }
0x44d: {  	s31 =	sor.u32 $0x3200, s30;
	[tilespmem:v4+s22+$0x0] =	vst.idx.add.f32.msk $0xffff, v7  }
0x44e: {  	v4 =	vld [tilespmem:s31+$0x0]  }
0x44f: {  	s1 =	sor.u32 $0x3210, s30;
	[tilespmem:v5+s22+$0x0] =	vst.idx.add.f32.msk $0xffff, v50  }
0x450: {  	v5 =	vld [tilespmem:s1+$0x0];
	_ =	sdelay $0x2  }
0x451: {  	v51 =	vand.u32 $0xFFFFFFF8, v4  }
0x452: {  	v4 =	vand.u32 $0x7, v4;
	v6 =	vadd.s32 v2, v51  }
0x453: {  	v7 =	vld [tilespmem:s30+$0x6600];
	v4 =	vor.u32 v4, v6;
	v52 =	vand.u32 $0xFFFFFFF8, v5  }
0x454: {  	v5 =	vand.u32 $0x7, v5;
	v6 =	vadd.s32 v3, v52  }
0x455: {  	v53 =	vld [tilespmem:s30+$0x6610];
	v5 =	vor.u32 v5, v6;
	_ =	sdelay $0x2  }
0x456: {  	s3 =	sor.u32 $0x3240, s30;
	[tilespmem:v4+s19+$0x0] =	vst.idx.add.f32.msk $0xffff, v7  }
0x457: {  	v4 =	vld [tilespmem:s3+$0x0]  }
0x458: {  	s5 =	sor.u32 $0x3250, s30;
	[tilespmem:v5+s19+$0x0] =	vst.idx.add.f32.msk $0xffff, v53  }
0x459: {  	v5 =	vld [tilespmem:s5+$0x0];
	_ =	sdelay $0x2  }
0x45a: {  	v54 =	vand.u32 $0xFFFFFFF8, v4  }
0x45b: {  	v4 =	vand.u32 $0x7, v4;
	v6 =	vadd.s32 v2, v54  }
0x45c: {  	v7 =	vld [tilespmem:s30+$0x6640];
	v4 =	vor.u32 v4, v6;
	v55 =	vand.u32 $0xFFFFFFF8, v5  }
0x45d: {  	v5 =	vand.u32 $0x7, v5;
	v6 =	vadd.s32 v3, v55  }
0x45e: {  	v56 =	vld [tilespmem:s30+$0x6650];
	v5 =	vor.u32 v5, v6;
	_ =	sdelay $0x2  }
0x45f: {  	s14 =	sor.u32 $0x3280, s30;
	[tilespmem:v4+s20+$0x0] =	vst.idx.add.f32.msk $0xffff, v7  }
0x460: {  	v4 =	vld [tilespmem:s14+$0x0]  }
0x461: {  	s15 =	sor.u32 $0x3290, s30;
	[tilespmem:v5+s20+$0x0] =	vst.idx.add.f32.msk $0xffff, v56  }
0x462: {  	v5 =	vld [tilespmem:s15+$0x0];
	_ =	sdelay $0x2  }
0x463: {  	v57 =	vand.u32 $0xFFFFFFF8, v4  }
0x464: {  	v4 =	vand.u32 $0x7, v4;
	v6 =	vadd.s32 v2, v57  }
0x465: {  	v7 =	vld [tilespmem:s30+$0x6680];
	v4 =	vor.u32 v4, v6;
	v58 =	vand.u32 $0xFFFFFFF8, v5  }
0x466: {  	v5 =	vand.u32 $0x7, v5;
	v6 =	vadd.s32 v3, v58  }
0x467: {  	v59 =	vld [tilespmem:s30+$0x6690];
	v5 =	vor.u32 v5, v6;
	_ =	sdelay $0x2  }
0x468: {  	s16 =	sor.u32 $0x32C0, s30;
	[tilespmem:v4+s21+$0x0] =	vst.idx.add.f32.msk $0xffff, v7  }
0x469: {  	v4 =	vld [tilespmem:s16+$0x0]  }
0x46a: {  	s31 =	sor.u32 $0x32D0, s30;
	[tilespmem:v5+s21+$0x0] =	vst.idx.add.f32.msk $0xffff, v59  }
0x46b: {  	v5 =	vld [tilespmem:s31+$0x0];
	_ =	sdelay $0x3  }
0x46c: {  	v60 =	vand.u32 $0xFFFFFFF8, v4  }
0x46d: {  	v4 =	vand.u32 $0x7, v4;
	v2 =	vadd.s32 v2, v60;
	v61 =	vand.u32 $0xFFFFFFF8, v5  }
0x46e: {  	v62 =	vld [tilespmem:s30+$0x66C0];
	v2 =	vor.u32 v4, v2;
	v5 =	vand.u32 $0x7, v5;
	v3 =	vadd.s32 v3, v61  }
0x46f: {  	p1 =	por p0, p0;
	v63 =	vld [tilespmem:s30+$0x66D0];
	v3 =	vor.u32 v5, v3  }
.Ltmp1:
0x470: {  	_ = 	snop;
	(pc) =	sbr.rel @p1 .LBB2_4-.Ltmp1, $3  }
0x471: {  	_ =	sdelay $0x1  }
0x472: {  	[tilespmem:v2+s22+$0x0] =	vst.idx.add.f32.msk $0xffff, v62  }
0x473: {  	p0 =	por $0x0, $0x0;
	s30 =	simm.s32 $0x20;
	[tilespmem:v3+s22+$0x0] =	vst.idx.add.f32.msk $0xffff, v63  }
0x474: {  	s30 =	simm.s32 $0x0  }
0x475: {  	[hbm4b:s4+s30] =	stream.linear.scatter [tilespmem:s19], [sflag:$0x3], $0x2000, $0x38;
	[tilespmem:$0x16800] =	vst v63  }
0x476: {  	_ = 	snop  }
0x477: {  	[hbm4b:s6+s30] =	stream.linear.scatter [tilespmem:s20], [sflag:$0x3], $0x2000, $0x38;
	[tilespmem:$0x16800] =	vst v63  }
0x478: {  	_ = 	snop  }
0x479: {  	[hbm4b:s7+s30] =	stream.linear.scatter [tilespmem:s21], [sflag:$0x3], $0x2000, $0x38;
	[tilespmem:$0x16800] =	vst v63  }
0x47a: {  	p0 =	por $0x1, $0x1  }
0x47b: {  	[hbm4b:s8+s30] =	stream.linear.scatter [tilespmem:s22], [sflag:$0x3], $0x2000, $0x38;
	[tilespmem:$0x16800] =	vst v63  }
.LBB2_6:
0x47c: {  	s0 =	sor.u32 $0x100, s30  }
0x47d: {  	v3 =	vld [tilespmem:s0+$0x0];
	_ =	sdelay $0x2  }
0x47e: {  	v2 =	vmov s30  }
0x47f: {  	v2 =	vshll.u32 v2, $0x7  }
0x480: {  	v2 =	vor.u32 v1, v2;
	v4 =	vand.u32 $0xFFFFFFF8, v3  }
0x481: {  	v3 =	vand.u32 $0x7, v3;
	v4 =	vadd.s32 v2, v4  }
0x482: {  	v5 =	vld [tilespmem:s30+$0x3500];
	v3 =	vor.u32 v3, v4;
	_ =	sdelay $0x4  }
0x483: {  	s5 =	sor.u32 $0x140, s30;
	[tilespmem:v3+s23+$0x0] =	vst.idx.add.f32.msk $0xffff, v5  }
0x484: {  	v3 =	vld [tilespmem:s5+$0x0];
	_ =	sdelay $0x4  }
0x485: {  	v27 =	vand.u32 $0xFFFFFFF8, v3  }
0x486: {  	v3 =	vand.u32 $0x7, v3;
	v4 =	vadd.s32 v2, v27  }
0x487: {  	v5 =	vld [tilespmem:s30+$0x3540];
	v3 =	vor.u32 v3, v4;
	_ =	sdelay $0x4  }
0x488: {  	s14 =	sor.u32 $0x180, s30;
	[tilespmem:v3+s24+$0x0] =	vst.idx.add.f32.msk $0xffff, v5  }
0x489: {  	v3 =	vld [tilespmem:s14+$0x0];
	_ =	sdelay $0x4  }
0x48a: {  	v28 =	vand.u32 $0xFFFFFFF8, v3  }
0x48b: {  	v3 =	vand.u32 $0x7, v3;
	v4 =	vadd.s32 v2, v28  }
0x48c: {  	v5 =	vld [tilespmem:s30+$0x3580];
	v3 =	vor.u32 v3, v4;
	_ =	sdelay $0x4  }
0x48d: {  	s15 =	sor.u32 $0x1C0, s30;
	[tilespmem:v3+s25+$0x0] =	vst.idx.add.f32.msk $0xffff, v5  }
0x48e: {  	v3 =	vld [tilespmem:s15+$0x0];
	_ =	sdelay $0x4  }
0x48f: {  	v29 =	vand.u32 $0xFFFFFFF8, v3  }
0x490: {  	v3 =	vand.u32 $0x7, v3;
	v4 =	vadd.s32 v2, v29  }
0x491: {  	v5 =	vld [tilespmem:s30+$0x35C0];
	v3 =	vor.u32 v3, v4;
	_ =	sdelay $0x4  }
0x492: {  	s16 =	sor.u32 $0x300, s30;
	[tilespmem:v3+s26+$0x0] =	vst.idx.add.f32.msk $0xffff, v5  }
0x493: {  	v3 =	vld [tilespmem:s16+$0x0];
	_ =	sdelay $0x4  }
0x494: {  	v30 =	vand.u32 $0xFFFFFFF8, v3  }
0x495: {  	v3 =	vand.u32 $0x7, v3;
	v4 =	vadd.s32 v2, v30  }
0x496: {  	v5 =	vld [tilespmem:s30+$0x3700];
	v3 =	vor.u32 v3, v4;
	_ =	sdelay $0x4  }
0x497: {  	s31 =	sor.u32 $0x340, s30;
	[tilespmem:v3+s23+$0x0] =	vst.idx.add.f32.msk $0xffff, v5  }
0x498: {  	v3 =	vld [tilespmem:s31+$0x0];
	_ =	sdelay $0x4  }
0x499: {  	v31 =	vand.u32 $0xFFFFFFF8, v3  }
0x49a: {  	v3 =	vand.u32 $0x7, v3;
	v4 =	vadd.s32 v2, v31  }
0x49b: {  	v5 =	vld [tilespmem:s30+$0x3740];
	v3 =	vor.u32 v3, v4;
	_ =	sdelay $0x4  }
0x49c: {  	s1 =	sor.u32 $0x380, s30;
	[tilespmem:v3+s24+$0x0] =	vst.idx.add.f32.msk $0xffff, v5  }
0x49d: {  	v3 =	vld [tilespmem:s1+$0x0];
	_ =	sdelay $0x4  }
0x49e: {  	v32 =	vand.u32 $0xFFFFFFF8, v3  }
0x49f: {  	v3 =	vand.u32 $0x7, v3;
	v4 =	vadd.s32 v2, v32  }
0x4a0: {  	v5 =	vld [tilespmem:s30+$0x3780];
	v3 =	vor.u32 v3, v4;
	_ =	sdelay $0x4  }
0x4a1: {  	s3 =	sor.u32 $0x3C0, s30;
	[tilespmem:v3+s25+$0x0] =	vst.idx.add.f32.msk $0xffff, v5  }
0x4a2: {  	v3 =	vld [tilespmem:s3+$0x0];
	_ =	sdelay $0x4  }
0x4a3: {  	v33 =	vand.u32 $0xFFFFFFF8, v3  }
0x4a4: {  	v3 =	vand.u32 $0x7, v3;
	v4 =	vadd.s32 v2, v33  }
0x4a5: {  	v5 =	vld [tilespmem:s30+$0x37C0];
	v3 =	vor.u32 v3, v4;
	_ =	sdelay $0x4  }
0x4a6: {  	s5 =	sor.u32 $0x500, s30;
	[tilespmem:v3+s26+$0x0] =	vst.idx.add.f32.msk $0xffff, v5  }
0x4a7: {  	v3 =	vld [tilespmem:s5+$0x0];
	_ =	sdelay $0x4  }
0x4a8: {  	v34 =	vand.u32 $0xFFFFFFF8, v3  }
0x4a9: {  	v3 =	vand.u32 $0x7, v3;
	v4 =	vadd.s32 v2, v34  }
0x4aa: {  	v5 =	vld [tilespmem:s30+$0x3900];
	v3 =	vor.u32 v3, v4;
	_ =	sdelay $0x4  }
0x4ab: {  	s14 =	sor.u32 $0x540, s30;
	[tilespmem:v3+s23+$0x0] =	vst.idx.add.f32.msk $0xffff, v5  }
0x4ac: {  	v3 =	vld [tilespmem:s14+$0x0];
	_ =	sdelay $0x4  }
0x4ad: {  	v35 =	vand.u32 $0xFFFFFFF8, v3  }
0x4ae: {  	v3 =	vand.u32 $0x7, v3;
	v4 =	vadd.s32 v2, v35  }
0x4af: {  	v5 =	vld [tilespmem:s30+$0x3940];
	v3 =	vor.u32 v3, v4;
	_ =	sdelay $0x4  }
0x4b0: {  	s15 =	sor.u32 $0x580, s30;
	[tilespmem:v3+s24+$0x0] =	vst.idx.add.f32.msk $0xffff, v5  }
0x4b1: {  	v3 =	vld [tilespmem:s15+$0x0];
	_ =	sdelay $0x4  }
0x4b2: {  	v36 =	vand.u32 $0xFFFFFFF8, v3  }
0x4b3: {  	v3 =	vand.u32 $0x7, v3;
	v4 =	vadd.s32 v2, v36  }
0x4b4: {  	v5 =	vld [tilespmem:s30+$0x3980];
	v3 =	vor.u32 v3, v4;
	_ =	sdelay $0x4  }
0x4b5: {  	s16 =	sor.u32 $0x5C0, s30;
	[tilespmem:v3+s25+$0x0] =	vst.idx.add.f32.msk $0xffff, v5  }
0x4b6: {  	v3 =	vld [tilespmem:s16+$0x0];
	_ =	sdelay $0x4  }
0x4b7: {  	v37 =	vand.u32 $0xFFFFFFF8, v3  }
0x4b8: {  	v3 =	vand.u32 $0x7, v3;
	v4 =	vadd.s32 v2, v37  }
0x4b9: {  	v5 =	vld [tilespmem:s30+$0x39C0];
	v3 =	vor.u32 v3, v4;
	_ =	sdelay $0x4  }
0x4ba: {  	s31 =	sor.u32 $0x700, s30;
	[tilespmem:v3+s26+$0x0] =	vst.idx.add.f32.msk $0xffff, v5  }
0x4bb: {  	v3 =	vld [tilespmem:s31+$0x0];
	_ =	sdelay $0x4  }
0x4bc: {  	v38 =	vand.u32 $0xFFFFFFF8, v3  }
0x4bd: {  	v3 =	vand.u32 $0x7, v3;
	v4 =	vadd.s32 v2, v38  }
0x4be: {  	v5 =	vld [tilespmem:s30+$0x3B00];
	v3 =	vor.u32 v3, v4;
	_ =	sdelay $0x4  }
0x4bf: {  	s1 =	sor.u32 $0x740, s30;
	[tilespmem:v3+s23+$0x0] =	vst.idx.add.f32.msk $0xffff, v5  }
0x4c0: {  	v3 =	vld [tilespmem:s1+$0x0];
	_ =	sdelay $0x4  }
0x4c1: {  	v39 =	vand.u32 $0xFFFFFFF8, v3  }
0x4c2: {  	v3 =	vand.u32 $0x7, v3;
	v4 =	vadd.s32 v2, v39  }
0x4c3: {  	v5 =	vld [tilespmem:s30+$0x3B40];
	v3 =	vor.u32 v3, v4;
	_ =	sdelay $0x4  }
0x4c4: {  	s3 =	sor.u32 $0x780, s30;
	[tilespmem:v3+s24+$0x0] =	vst.idx.add.f32.msk $0xffff, v5  }
0x4c5: {  	v3 =	vld [tilespmem:s3+$0x0];
	_ =	sdelay $0x4  }
0x4c6: {  	v40 =	vand.u32 $0xFFFFFFF8, v3  }
0x4c7: {  	v3 =	vand.u32 $0x7, v3;
	v4 =	vadd.s32 v2, v40  }
0x4c8: {  	v5 =	vld [tilespmem:s30+$0x3B80];
	v3 =	vor.u32 v3, v4;
	_ =	sdelay $0x4  }
0x4c9: {  	s5 =	sor.u32 $0x7C0, s30;
	[tilespmem:v3+s25+$0x0] =	vst.idx.add.f32.msk $0xffff, v5  }
0x4ca: {  	v3 =	vld [tilespmem:s5+$0x0];
	_ =	sdelay $0x4  }
0x4cb: {  	v41 =	vand.u32 $0xFFFFFFF8, v3  }
0x4cc: {  	v3 =	vand.u32 $0x7, v3;
	v4 =	vadd.s32 v2, v41  }
0x4cd: {  	v5 =	vld [tilespmem:s30+$0x3BC0];
	v3 =	vor.u32 v3, v4;
	_ =	sdelay $0x4  }
0x4ce: {  	s14 =	sor.u32 $0x900, s30;
	[tilespmem:v3+s26+$0x0] =	vst.idx.add.f32.msk $0xffff, v5  }
0x4cf: {  	v3 =	vld [tilespmem:s14+$0x0];
	_ =	sdelay $0x4  }
0x4d0: {  	v42 =	vand.u32 $0xFFFFFFF8, v3  }
0x4d1: {  	v3 =	vand.u32 $0x7, v3;
	v4 =	vadd.s32 v2, v42  }
0x4d2: {  	v5 =	vld [tilespmem:s30+$0x3D00];
	v3 =	vor.u32 v3, v4;
	_ =	sdelay $0x4  }
0x4d3: {  	s15 =	sor.u32 $0x940, s30;
	[tilespmem:v3+s23+$0x0] =	vst.idx.add.f32.msk $0xffff, v5  }
0x4d4: {  	v3 =	vld [tilespmem:s15+$0x0];
	_ =	sdelay $0x4  }
0x4d5: {  	v43 =	vand.u32 $0xFFFFFFF8, v3  }
0x4d6: {  	v3 =	vand.u32 $0x7, v3;
	v4 =	vadd.s32 v2, v43  }
0x4d7: {  	v5 =	vld [tilespmem:s30+$0x3D40];
	v3 =	vor.u32 v3, v4;
	_ =	sdelay $0x4  }
0x4d8: {  	s16 =	sor.u32 $0x980, s30;
	[tilespmem:v3+s24+$0x0] =	vst.idx.add.f32.msk $0xffff, v5  }
0x4d9: {  	v3 =	vld [tilespmem:s16+$0x0];
	_ =	sdelay $0x4  }
0x4da: {  	v44 =	vand.u32 $0xFFFFFFF8, v3  }
0x4db: {  	v3 =	vand.u32 $0x7, v3;
	v4 =	vadd.s32 v2, v44  }
0x4dc: {  	v5 =	vld [tilespmem:s30+$0x3D80];
	v3 =	vor.u32 v3, v4;
	_ =	sdelay $0x4  }
0x4dd: {  	s31 =	sor.u32 $0x9C0, s30;
	[tilespmem:v3+s25+$0x0] =	vst.idx.add.f32.msk $0xffff, v5  }
0x4de: {  	v3 =	vld [tilespmem:s31+$0x0];
	_ =	sdelay $0x4  }
0x4df: {  	v45 =	vand.u32 $0xFFFFFFF8, v3  }
0x4e0: {  	v3 =	vand.u32 $0x7, v3;
	v4 =	vadd.s32 v2, v45  }
0x4e1: {  	v5 =	vld [tilespmem:s30+$0x3DC0];
	v3 =	vor.u32 v3, v4;
	_ =	sdelay $0x4  }
0x4e2: {  	s1 =	sor.u32 $0xB00, s30;
	[tilespmem:v3+s26+$0x0] =	vst.idx.add.f32.msk $0xffff, v5  }
0x4e3: {  	v3 =	vld [tilespmem:s1+$0x0];
	_ =	sdelay $0x4  }
0x4e4: {  	v46 =	vand.u32 $0xFFFFFFF8, v3  }
0x4e5: {  	v3 =	vand.u32 $0x7, v3;
	v4 =	vadd.s32 v2, v46  }
0x4e6: {  	v5 =	vld [tilespmem:s30+$0x3F00];
	v3 =	vor.u32 v3, v4;
	_ =	sdelay $0x4  }
0x4e7: {  	s3 =	sor.u32 $0xB40, s30;
	[tilespmem:v3+s23+$0x0] =	vst.idx.add.f32.msk $0xffff, v5  }
0x4e8: {  	v3 =	vld [tilespmem:s3+$0x0];
	_ =	sdelay $0x4  }
0x4e9: {  	v47 =	vand.u32 $0xFFFFFFF8, v3  }
0x4ea: {  	v3 =	vand.u32 $0x7, v3;
	v4 =	vadd.s32 v2, v47  }
0x4eb: {  	v5 =	vld [tilespmem:s30+$0x3F40];
	v3 =	vor.u32 v3, v4;
	_ =	sdelay $0x4  }
0x4ec: {  	s5 =	sor.u32 $0xB80, s30;
	[tilespmem:v3+s24+$0x0] =	vst.idx.add.f32.msk $0xffff, v5  }
0x4ed: {  	v3 =	vld [tilespmem:s5+$0x0];
	_ =	sdelay $0x4  }
0x4ee: {  	v48 =	vand.u32 $0xFFFFFFF8, v3  }
0x4ef: {  	v3 =	vand.u32 $0x7, v3;
	v4 =	vadd.s32 v2, v48  }
0x4f0: {  	v5 =	vld [tilespmem:s30+$0x3F80];
	v3 =	vor.u32 v3, v4;
	_ =	sdelay $0x4  }
0x4f1: {  	s14 =	sor.u32 $0xBC0, s30;
	[tilespmem:v3+s25+$0x0] =	vst.idx.add.f32.msk $0xffff, v5  }
0x4f2: {  	v3 =	vld [tilespmem:s14+$0x0];
	_ =	sdelay $0x4  }
0x4f3: {  	v49 =	vand.u32 $0xFFFFFFF8, v3  }
0x4f4: {  	v3 =	vand.u32 $0x7, v3;
	v4 =	vadd.s32 v2, v49  }
0x4f5: {  	v5 =	vld [tilespmem:s30+$0x3FC0];
	v3 =	vor.u32 v3, v4;
	_ =	sdelay $0x4  }
0x4f6: {  	s15 =	sor.u32 $0xD00, s30;
	[tilespmem:v3+s26+$0x0] =	vst.idx.add.f32.msk $0xffff, v5  }
0x4f7: {  	v3 =	vld [tilespmem:s15+$0x0];
	_ =	sdelay $0x4  }
0x4f8: {  	v50 =	vand.u32 $0xFFFFFFF8, v3  }
0x4f9: {  	v3 =	vand.u32 $0x7, v3;
	v4 =	vadd.s32 v2, v50  }
0x4fa: {  	v5 =	vld [tilespmem:s30+$0x4100];
	v3 =	vor.u32 v3, v4;
	_ =	sdelay $0x4  }
0x4fb: {  	s16 =	sor.u32 $0xD40, s30;
	[tilespmem:v3+s23+$0x0] =	vst.idx.add.f32.msk $0xffff, v5  }
0x4fc: {  	v3 =	vld [tilespmem:s16+$0x0];
	_ =	sdelay $0x4  }
0x4fd: {  	v51 =	vand.u32 $0xFFFFFFF8, v3  }
0x4fe: {  	v3 =	vand.u32 $0x7, v3;
	v4 =	vadd.s32 v2, v51  }
0x4ff: {  	v5 =	vld [tilespmem:s30+$0x4140];
	v3 =	vor.u32 v3, v4;
	_ =	sdelay $0x4  }
0x500: {  	s31 =	sor.u32 $0xD80, s30;
	[tilespmem:v3+s24+$0x0] =	vst.idx.add.f32.msk $0xffff, v5  }
0x501: {  	v3 =	vld [tilespmem:s31+$0x0];
	_ =	sdelay $0x4  }
0x502: {  	v52 =	vand.u32 $0xFFFFFFF8, v3  }
0x503: {  	v3 =	vand.u32 $0x7, v3;
	v4 =	vadd.s32 v2, v52  }
0x504: {  	v5 =	vld [tilespmem:s30+$0x4180];
	v3 =	vor.u32 v3, v4;
	_ =	sdelay $0x4  }
0x505: {  	s1 =	sor.u32 $0xDC0, s30;
	[tilespmem:v3+s25+$0x0] =	vst.idx.add.f32.msk $0xffff, v5  }
0x506: {  	v3 =	vld [tilespmem:s1+$0x0];
	_ =	sdelay $0x4  }
0x507: {  	v53 =	vand.u32 $0xFFFFFFF8, v3  }
0x508: {  	v3 =	vand.u32 $0x7, v3;
	v4 =	vadd.s32 v2, v53  }
0x509: {  	v5 =	vld [tilespmem:s30+$0x41C0];
	v3 =	vor.u32 v3, v4;
	_ =	sdelay $0x4  }
0x50a: {  	s3 =	sor.u32 $0xF00, s30;
	[tilespmem:v3+s26+$0x0] =	vst.idx.add.f32.msk $0xffff, v5  }
0x50b: {  	v3 =	vld [tilespmem:s3+$0x0];
	_ =	sdelay $0x4  }
0x50c: {  	v54 =	vand.u32 $0xFFFFFFF8, v3  }
0x50d: {  	v3 =	vand.u32 $0x7, v3;
	v4 =	vadd.s32 v2, v54  }
0x50e: {  	v5 =	vld [tilespmem:s30+$0x4300];
	v3 =	vor.u32 v3, v4;
	_ =	sdelay $0x4  }
0x50f: {  	s5 =	sor.u32 $0xF40, s30;
	[tilespmem:v3+s23+$0x0] =	vst.idx.add.f32.msk $0xffff, v5  }
0x510: {  	v3 =	vld [tilespmem:s5+$0x0];
	_ =	sdelay $0x4  }
0x511: {  	v55 =	vand.u32 $0xFFFFFFF8, v3  }
0x512: {  	v3 =	vand.u32 $0x7, v3;
	v4 =	vadd.s32 v2, v55  }
0x513: {  	v5 =	vld [tilespmem:s30+$0x4340];
	v3 =	vor.u32 v3, v4;
	_ =	sdelay $0x4  }
0x514: {  	s14 =	sor.u32 $0xF80, s30;
	[tilespmem:v3+s24+$0x0] =	vst.idx.add.f32.msk $0xffff, v5  }
0x515: {  	v3 =	vld [tilespmem:s14+$0x0];
	_ =	sdelay $0x4  }
0x516: {  	v56 =	vand.u32 $0xFFFFFFF8, v3  }
0x517: {  	v3 =	vand.u32 $0x7, v3;
	v4 =	vadd.s32 v2, v56  }
0x518: {  	v5 =	vld [tilespmem:s30+$0x4380];
	v3 =	vor.u32 v3, v4;
	_ =	sdelay $0x4  }
0x519: {  	s15 =	sor.u32 $0xFC0, s30;
	[tilespmem:v3+s25+$0x0] =	vst.idx.add.f32.msk $0xffff, v5  }
0x51a: {  	v3 =	vld [tilespmem:s15+$0x0];
	_ =	sdelay $0x4  }
0x51b: {  	v57 =	vand.u32 $0xFFFFFFF8, v3  }
0x51c: {  	v3 =	vand.u32 $0x7, v3;
	v4 =	vadd.s32 v2, v57  }
0x51d: {  	v5 =	vld [tilespmem:s30+$0x43C0];
	v3 =	vor.u32 v3, v4;
	_ =	sdelay $0x4  }
0x51e: {  	s16 =	sor.u32 $0x1100, s30;
	[tilespmem:v3+s26+$0x0] =	vst.idx.add.f32.msk $0xffff, v5  }
0x51f: {  	v3 =	vld [tilespmem:s16+$0x0];
	_ =	sdelay $0x4  }
0x520: {  	v58 =	vand.u32 $0xFFFFFFF8, v3  }
0x521: {  	v3 =	vand.u32 $0x7, v3;
	v4 =	vadd.s32 v2, v58  }
0x522: {  	v5 =	vld [tilespmem:s30+$0x4500];
	v3 =	vor.u32 v3, v4;
	_ =	sdelay $0x4  }
0x523: {  	s31 =	sor.u32 $0x1140, s30;
	[tilespmem:v3+s23+$0x0] =	vst.idx.add.f32.msk $0xffff, v5  }
0x524: {  	v3 =	vld [tilespmem:s31+$0x0];
	_ =	sdelay $0x4  }
0x525: {  	v59 =	vand.u32 $0xFFFFFFF8, v3  }
0x526: {  	v3 =	vand.u32 $0x7, v3;
	v4 =	vadd.s32 v2, v59  }
0x527: {  	v5 =	vld [tilespmem:s30+$0x4540];
	v3 =	vor.u32 v3, v4;
	_ =	sdelay $0x4  }
0x528: {  	s1 =	sor.u32 $0x1180, s30;
	[tilespmem:v3+s24+$0x0] =	vst.idx.add.f32.msk $0xffff, v5  }
0x529: {  	v3 =	vld [tilespmem:s1+$0x0];
	_ =	sdelay $0x4  }
0x52a: {  	v60 =	vand.u32 $0xFFFFFFF8, v3  }
0x52b: {  	v3 =	vand.u32 $0x7, v3;
	v4 =	vadd.s32 v2, v60  }
0x52c: {  	v5 =	vld [tilespmem:s30+$0x4580];
	v3 =	vor.u32 v3, v4;
	_ =	sdelay $0x4  }
0x52d: {  	s3 =	sor.u32 $0x11C0, s30;
	[tilespmem:v3+s25+$0x0] =	vst.idx.add.f32.msk $0xffff, v5  }
0x52e: {  	v3 =	vld [tilespmem:s3+$0x0];
	_ =	sdelay $0x4  }
0x52f: {  	v61 =	vand.u32 $0xFFFFFFF8, v3  }
0x530: {  	v3 =	vand.u32 $0x7, v3;
	v4 =	vadd.s32 v2, v61  }
0x531: {  	v5 =	vld [tilespmem:s30+$0x45C0];
	v3 =	vor.u32 v3, v4;
	_ =	sdelay $0x4  }
0x532: {  	s5 =	sor.u32 $0x1300, s30;
	[tilespmem:v3+s26+$0x0] =	vst.idx.add.f32.msk $0xffff, v5  }
0x533: {  	v3 =	vld [tilespmem:s5+$0x0];
	_ =	sdelay $0x4  }
0x534: {  	v62 =	vand.u32 $0xFFFFFFF8, v3  }
0x535: {  	v3 =	vand.u32 $0x7, v3;
	v4 =	vadd.s32 v2, v62  }
0x536: {  	v5 =	vld [tilespmem:s30+$0x4700];
	v3 =	vor.u32 v3, v4;
	_ =	sdelay $0x4  }
0x537: {  	s14 =	sor.u32 $0x1340, s30;
	[tilespmem:v3+s23+$0x0] =	vst.idx.add.f32.msk $0xffff, v5  }
0x538: {  	v3 =	vld [tilespmem:s14+$0x0];
	_ =	sdelay $0x4  }
0x539: {  	v63 =	vand.u32 $0xFFFFFFF8, v3  }
0x53a: {  	v3 =	vand.u32 $0x7, v3;
	v4 =	vadd.s32 v2, v63  }
0x53b: {  	v5 =	vld [tilespmem:s30+$0x4740];
	v3 =	vor.u32 v3, v4;
	_ =	sdelay $0x4  }
0x53c: {  	s15 =	sor.u32 $0x1380, s30;
	[tilespmem:v3+s24+$0x0] =	vst.idx.add.f32.msk $0xffff, v5  }
0x53d: {  	v3 =	vld [tilespmem:s15+$0x0];
	_ =	sdelay $0x4  }
0x53e: {  	v8 =	vand.u32 $0xFFFFFFF8, v3  }
0x53f: {  	v3 =	vand.u32 $0x7, v3;
	v4 =	vadd.s32 v2, v8  }
0x540: {  	v5 =	vld [tilespmem:s30+$0x4780];
	v3 =	vor.u32 v3, v4;
	_ =	sdelay $0x4  }
0x541: {  	s16 =	sor.u32 $0x13C0, s30;
	[tilespmem:v3+s25+$0x0] =	vst.idx.add.f32.msk $0xffff, v5  }
0x542: {  	v3 =	vld [tilespmem:s16+$0x0];
	_ =	sdelay $0x4  }
0x543: {  	v9 =	vand.u32 $0xFFFFFFF8, v3  }
0x544: {  	v3 =	vand.u32 $0x7, v3;
	v4 =	vadd.s32 v2, v9  }
0x545: {  	v5 =	vld [tilespmem:s30+$0x47C0];
	v3 =	vor.u32 v3, v4;
	_ =	sdelay $0x4  }
0x546: {  	s31 =	sor.u32 $0x1500, s30;
	[tilespmem:v3+s26+$0x0] =	vst.idx.add.f32.msk $0xffff, v5  }
0x547: {  	v3 =	vld [tilespmem:s31+$0x0];
	_ =	sdelay $0x4  }
0x548: {  	v10 =	vand.u32 $0xFFFFFFF8, v3  }
0x549: {  	v3 =	vand.u32 $0x7, v3;
	v4 =	vadd.s32 v2, v10  }
0x54a: {  	v5 =	vld [tilespmem:s30+$0x4900];
	v3 =	vor.u32 v3, v4;
	_ =	sdelay $0x4  }
0x54b: {  	s1 =	sor.u32 $0x1540, s30;
	[tilespmem:v3+s23+$0x0] =	vst.idx.add.f32.msk $0xffff, v5  }
0x54c: {  	v5 =	vld [tilespmem:s1+$0x0]  }
0x54d: {  	s3 =	sor.u32 $0x110, s30;
	v4 =	vld [tilespmem:s30+$0x4940]  }
0x54e: {  	v6 =	vld [tilespmem:s3+$0x0];
	_ =	sdelay $0x1  }
0x54f: {  	s5 =	sor.u32 $0x10, s30  }
0x550: {  	v3 =	vmov s5  }
0x551: {  	v3 =	vshll.u32 v3, $0x7  }
0x552: {  	v3 =	vor.u32 v1, v3;
	v7 =	vand.u32 $0xFFFFFFF8, v6  }
0x553: {  	v6 =	vand.u32 $0x7, v6;
	v7 =	vadd.s32 v3, v7  }
0x554: {  	v11 =	vld [tilespmem:s30+$0x3510];
	v6 =	vor.u32 v6, v7;
	_ =	sdelay $0x4  }
0x555: {  	s14 =	sor.u32 $0x150, s30;
	[tilespmem:v6+s23+$0x0] =	vst.idx.add.f32.msk $0xffff, v11  }
0x556: {  	v6 =	vld [tilespmem:s14+$0x0];
	_ =	sdelay $0x4  }
0x557: {  	v12 =	vand.u32 $0xFFFFFFF8, v6  }
0x558: {  	v6 =	vand.u32 $0x7, v6;
	v7 =	vadd.s32 v3, v12  }
0x559: {  	v13 =	vld [tilespmem:s30+$0x3550];
	v6 =	vor.u32 v6, v7;
	_ =	sdelay $0x4  }
0x55a: {  	s15 =	sor.u32 $0x190, s30;
	[tilespmem:v6+s24+$0x0] =	vst.idx.add.f32.msk $0xffff, v13  }
0x55b: {  	v6 =	vld [tilespmem:s15+$0x0];
	_ =	sdelay $0x4  }
0x55c: {  	v14 =	vand.u32 $0xFFFFFFF8, v6  }
0x55d: {  	v6 =	vand.u32 $0x7, v6;
	v7 =	vadd.s32 v3, v14  }
0x55e: {  	v15 =	vld [tilespmem:s30+$0x3590];
	v6 =	vor.u32 v6, v7;
	_ =	sdelay $0x4  }
0x55f: {  	s16 =	sor.u32 $0x1D0, s30;
	[tilespmem:v6+s25+$0x0] =	vst.idx.add.f32.msk $0xffff, v15  }
0x560: {  	v6 =	vld [tilespmem:s16+$0x0];
	_ =	sdelay $0x4  }
0x561: {  	v16 =	vand.u32 $0xFFFFFFF8, v6  }
0x562: {  	v6 =	vand.u32 $0x7, v6;
	v7 =	vadd.s32 v3, v16  }
0x563: {  	v17 =	vld [tilespmem:s30+$0x35D0];
	v6 =	vor.u32 v6, v7;
	_ =	sdelay $0x4  }
0x564: {  	s31 =	sor.u32 $0x310, s30;
	[tilespmem:v6+s26+$0x0] =	vst.idx.add.f32.msk $0xffff, v17  }
0x565: {  	v6 =	vld [tilespmem:s31+$0x0];
	_ =	sdelay $0x4  }
0x566: {  	v18 =	vand.u32 $0xFFFFFFF8, v6  }
0x567: {  	v6 =	vand.u32 $0x7, v6;
	v7 =	vadd.s32 v3, v18  }
0x568: {  	v19 =	vld [tilespmem:s30+$0x3710];
	v6 =	vor.u32 v6, v7;
	_ =	sdelay $0x4  }
0x569: {  	s1 =	sor.u32 $0x350, s30;
	[tilespmem:v6+s23+$0x0] =	vst.idx.add.f32.msk $0xffff, v19  }
0x56a: {  	v6 =	vld [tilespmem:s1+$0x0];
	_ =	sdelay $0x4  }
0x56b: {  	v20 =	vand.u32 $0xFFFFFFF8, v6  }
0x56c: {  	v6 =	vand.u32 $0x7, v6;
	v7 =	vadd.s32 v3, v20  }
0x56d: {  	v21 =	vld [tilespmem:s30+$0x3750];
	v6 =	vor.u32 v6, v7;
	_ =	sdelay $0x4  }
0x56e: {  	s3 =	sor.u32 $0x390, s30;
	[tilespmem:v6+s24+$0x0] =	vst.idx.add.f32.msk $0xffff, v21  }
0x56f: {  	v6 =	vld [tilespmem:s3+$0x0];
	_ =	sdelay $0x4  }
0x570: {  	v22 =	vand.u32 $0xFFFFFFF8, v6  }
0x571: {  	v6 =	vand.u32 $0x7, v6;
	v7 =	vadd.s32 v3, v22  }
0x572: {  	v23 =	vld [tilespmem:s30+$0x3790];
	v6 =	vor.u32 v6, v7;
	_ =	sdelay $0x4  }
0x573: {  	s5 =	sor.u32 $0x3D0, s30;
	[tilespmem:v6+s25+$0x0] =	vst.idx.add.f32.msk $0xffff, v23  }
0x574: {  	v6 =	vld [tilespmem:s5+$0x0];
	_ =	sdelay $0x4  }
0x575: {  	v24 =	vand.u32 $0xFFFFFFF8, v6  }
0x576: {  	v6 =	vand.u32 $0x7, v6;
	v7 =	vadd.s32 v3, v24  }
0x577: {  	v25 =	vld [tilespmem:s30+$0x37D0];
	v6 =	vor.u32 v6, v7;
	_ =	sdelay $0x4  }
0x578: {  	s14 =	sor.u32 $0x510, s30;
	[tilespmem:v6+s26+$0x0] =	vst.idx.add.f32.msk $0xffff, v25  }
0x579: {  	v6 =	vld [tilespmem:s14+$0x0];
	_ =	sdelay $0x4  }
0x57a: {  	v26 =	vand.u32 $0xFFFFFFF8, v6  }
0x57b: {  	v6 =	vand.u32 $0x7, v6;
	v7 =	vadd.s32 v3, v26  }
0x57c: {  	v27 =	vld [tilespmem:s30+$0x3910];
	v6 =	vor.u32 v6, v7;
	_ =	sdelay $0x4  }
0x57d: {  	s15 =	sor.u32 $0x550, s30;
	[tilespmem:v6+s23+$0x0] =	vst.idx.add.f32.msk $0xffff, v27  }
0x57e: {  	v6 =	vld [tilespmem:s15+$0x0];
	_ =	sdelay $0x4  }
0x57f: {  	v28 =	vand.u32 $0xFFFFFFF8, v6  }
0x580: {  	v6 =	vand.u32 $0x7, v6;
	v7 =	vadd.s32 v3, v28  }
0x581: {  	v29 =	vld [tilespmem:s30+$0x3950];
	v6 =	vor.u32 v6, v7;
	_ =	sdelay $0x4  }
0x582: {  	s16 =	sor.u32 $0x590, s30;
	[tilespmem:v6+s24+$0x0] =	vst.idx.add.f32.msk $0xffff, v29  }
0x583: {  	v6 =	vld [tilespmem:s16+$0x0];
	_ =	sdelay $0x4  }
0x584: {  	v30 =	vand.u32 $0xFFFFFFF8, v6  }
0x585: {  	v6 =	vand.u32 $0x7, v6;
	v7 =	vadd.s32 v3, v30  }
0x586: {  	v31 =	vld [tilespmem:s30+$0x3990];
	v6 =	vor.u32 v6, v7;
	_ =	sdelay $0x4  }
0x587: {  	s31 =	sor.u32 $0x5D0, s30;
	[tilespmem:v6+s25+$0x0] =	vst.idx.add.f32.msk $0xffff, v31  }
0x588: {  	v6 =	vld [tilespmem:s31+$0x0];
	_ =	sdelay $0x4  }
0x589: {  	v32 =	vand.u32 $0xFFFFFFF8, v6  }
0x58a: {  	v6 =	vand.u32 $0x7, v6;
	v7 =	vadd.s32 v3, v32  }
0x58b: {  	v33 =	vld [tilespmem:s30+$0x39D0];
	v6 =	vor.u32 v6, v7;
	_ =	sdelay $0x4  }
0x58c: {  	s1 =	sor.u32 $0x710, s30;
	[tilespmem:v6+s26+$0x0] =	vst.idx.add.f32.msk $0xffff, v33  }
0x58d: {  	v6 =	vld [tilespmem:s1+$0x0];
	_ =	sdelay $0x4  }
0x58e: {  	v34 =	vand.u32 $0xFFFFFFF8, v6  }
0x58f: {  	v6 =	vand.u32 $0x7, v6;
	v7 =	vadd.s32 v3, v34  }
0x590: {  	v35 =	vld [tilespmem:s30+$0x3B10];
	v6 =	vor.u32 v6, v7;
	_ =	sdelay $0x4  }
0x591: {  	s3 =	sor.u32 $0x750, s30;
	[tilespmem:v6+s23+$0x0] =	vst.idx.add.f32.msk $0xffff, v35  }
0x592: {  	v6 =	vld [tilespmem:s3+$0x0];
	_ =	sdelay $0x4  }
0x593: {  	v36 =	vand.u32 $0xFFFFFFF8, v6  }
0x594: {  	v6 =	vand.u32 $0x7, v6;
	v7 =	vadd.s32 v3, v36  }
0x595: {  	v37 =	vld [tilespmem:s30+$0x3B50];
	v6 =	vor.u32 v6, v7;
	_ =	sdelay $0x4  }
0x596: {  	s5 =	sor.u32 $0x790, s30;
	[tilespmem:v6+s24+$0x0] =	vst.idx.add.f32.msk $0xffff, v37  }
0x597: {  	v6 =	vld [tilespmem:s5+$0x0];
	_ =	sdelay $0x4  }
0x598: {  	v38 =	vand.u32 $0xFFFFFFF8, v6  }
0x599: {  	v6 =	vand.u32 $0x7, v6;
	v7 =	vadd.s32 v3, v38  }
0x59a: {  	v39 =	vld [tilespmem:s30+$0x3B90];
	v6 =	vor.u32 v6, v7;
	_ =	sdelay $0x4  }
0x59b: {  	s14 =	sor.u32 $0x7D0, s30;
	[tilespmem:v6+s25+$0x0] =	vst.idx.add.f32.msk $0xffff, v39  }
0x59c: {  	v6 =	vld [tilespmem:s14+$0x0];
	_ =	sdelay $0x4  }
0x59d: {  	v40 =	vand.u32 $0xFFFFFFF8, v6  }
0x59e: {  	v6 =	vand.u32 $0x7, v6;
	v7 =	vadd.s32 v3, v40  }
0x59f: {  	v41 =	vld [tilespmem:s30+$0x3BD0];
	v6 =	vor.u32 v6, v7;
	_ =	sdelay $0x4  }
0x5a0: {  	s15 =	sor.u32 $0x910, s30;
	[tilespmem:v6+s26+$0x0] =	vst.idx.add.f32.msk $0xffff, v41  }
0x5a1: {  	v6 =	vld [tilespmem:s15+$0x0];
	_ =	sdelay $0x4  }
0x5a2: {  	v42 =	vand.u32 $0xFFFFFFF8, v6  }
0x5a3: {  	v6 =	vand.u32 $0x7, v6;
	v7 =	vadd.s32 v3, v42  }
0x5a4: {  	v43 =	vld [tilespmem:s30+$0x3D10];
	v6 =	vor.u32 v6, v7;
	_ =	sdelay $0x4  }
0x5a5: {  	s16 =	sor.u32 $0x950, s30;
	[tilespmem:v6+s23+$0x0] =	vst.idx.add.f32.msk $0xffff, v43  }
0x5a6: {  	v6 =	vld [tilespmem:s16+$0x0];
	_ =	sdelay $0x4  }
0x5a7: {  	v44 =	vand.u32 $0xFFFFFFF8, v6  }
0x5a8: {  	v6 =	vand.u32 $0x7, v6;
	v7 =	vadd.s32 v3, v44  }
0x5a9: {  	v45 =	vld [tilespmem:s30+$0x3D50];
	v6 =	vor.u32 v6, v7;
	_ =	sdelay $0x4  }
0x5aa: {  	s31 =	sor.u32 $0x990, s30;
	[tilespmem:v6+s24+$0x0] =	vst.idx.add.f32.msk $0xffff, v45  }
0x5ab: {  	v6 =	vld [tilespmem:s31+$0x0];
	_ =	sdelay $0x4  }
0x5ac: {  	v46 =	vand.u32 $0xFFFFFFF8, v6  }
0x5ad: {  	v6 =	vand.u32 $0x7, v6;
	v7 =	vadd.s32 v3, v46  }
0x5ae: {  	v47 =	vld [tilespmem:s30+$0x3D90];
	v6 =	vor.u32 v6, v7;
	_ =	sdelay $0x4  }
0x5af: {  	s1 =	sor.u32 $0x9D0, s30;
	[tilespmem:v6+s25+$0x0] =	vst.idx.add.f32.msk $0xffff, v47  }
0x5b0: {  	v6 =	vld [tilespmem:s1+$0x0];
	_ =	sdelay $0x4  }
0x5b1: {  	v48 =	vand.u32 $0xFFFFFFF8, v6  }
0x5b2: {  	v6 =	vand.u32 $0x7, v6;
	v7 =	vadd.s32 v3, v48  }
0x5b3: {  	v49 =	vld [tilespmem:s30+$0x3DD0];
	v6 =	vor.u32 v6, v7;
	_ =	sdelay $0x4  }
0x5b4: {  	s3 =	sor.u32 $0xB10, s30;
	[tilespmem:v6+s26+$0x0] =	vst.idx.add.f32.msk $0xffff, v49  }
0x5b5: {  	v6 =	vld [tilespmem:s3+$0x0];
	_ =	sdelay $0x4  }
0x5b6: {  	v50 =	vand.u32 $0xFFFFFFF8, v6  }
0x5b7: {  	v6 =	vand.u32 $0x7, v6;
	v7 =	vadd.s32 v3, v50  }
0x5b8: {  	v51 =	vld [tilespmem:s30+$0x3F10];
	v6 =	vor.u32 v6, v7;
	_ =	sdelay $0x4  }
0x5b9: {  	s5 =	sor.u32 $0xB50, s30;
	[tilespmem:v6+s23+$0x0] =	vst.idx.add.f32.msk $0xffff, v51  }
0x5ba: {  	v6 =	vld [tilespmem:s5+$0x0];
	_ =	sdelay $0x4  }
0x5bb: {  	v52 =	vand.u32 $0xFFFFFFF8, v6  }
0x5bc: {  	v6 =	vand.u32 $0x7, v6;
	v7 =	vadd.s32 v3, v52  }
0x5bd: {  	v53 =	vld [tilespmem:s30+$0x3F50];
	v6 =	vor.u32 v6, v7;
	_ =	sdelay $0x4  }
0x5be: {  	s14 =	sor.u32 $0xB90, s30;
	[tilespmem:v6+s24+$0x0] =	vst.idx.add.f32.msk $0xffff, v53  }
0x5bf: {  	v6 =	vld [tilespmem:s14+$0x0];
	_ =	sdelay $0x4  }
0x5c0: {  	v54 =	vand.u32 $0xFFFFFFF8, v6  }
0x5c1: {  	v6 =	vand.u32 $0x7, v6;
	v7 =	vadd.s32 v3, v54  }
0x5c2: {  	v55 =	vld [tilespmem:s30+$0x3F90];
	v6 =	vor.u32 v6, v7;
	_ =	sdelay $0x4  }
0x5c3: {  	s15 =	sor.u32 $0xBD0, s30;
	[tilespmem:v6+s25+$0x0] =	vst.idx.add.f32.msk $0xffff, v55  }
0x5c4: {  	v6 =	vld [tilespmem:s15+$0x0];
	_ =	sdelay $0x4  }
0x5c5: {  	v56 =	vand.u32 $0xFFFFFFF8, v6  }
0x5c6: {  	v6 =	vand.u32 $0x7, v6;
	v7 =	vadd.s32 v3, v56  }
0x5c7: {  	v57 =	vld [tilespmem:s30+$0x3FD0];
	v6 =	vor.u32 v6, v7;
	_ =	sdelay $0x4  }
0x5c8: {  	s16 =	sor.u32 $0xD10, s30;
	[tilespmem:v6+s26+$0x0] =	vst.idx.add.f32.msk $0xffff, v57  }
0x5c9: {  	v6 =	vld [tilespmem:s16+$0x0];
	_ =	sdelay $0x4  }
0x5ca: {  	v58 =	vand.u32 $0xFFFFFFF8, v6  }
0x5cb: {  	v6 =	vand.u32 $0x7, v6;
	v7 =	vadd.s32 v3, v58  }
0x5cc: {  	v59 =	vld [tilespmem:s30+$0x4110];
	v6 =	vor.u32 v6, v7;
	_ =	sdelay $0x4  }
0x5cd: {  	s31 =	sor.u32 $0xD50, s30;
	[tilespmem:v6+s23+$0x0] =	vst.idx.add.f32.msk $0xffff, v59  }
0x5ce: {  	v6 =	vld [tilespmem:s31+$0x0];
	_ =	sdelay $0x4  }
0x5cf: {  	v60 =	vand.u32 $0xFFFFFFF8, v6  }
0x5d0: {  	v6 =	vand.u32 $0x7, v6;
	v7 =	vadd.s32 v3, v60  }
0x5d1: {  	v61 =	vld [tilespmem:s30+$0x4150];
	v6 =	vor.u32 v6, v7;
	_ =	sdelay $0x4  }
0x5d2: {  	s1 =	sor.u32 $0xD90, s30;
	[tilespmem:v6+s24+$0x0] =	vst.idx.add.f32.msk $0xffff, v61  }
0x5d3: {  	v6 =	vld [tilespmem:s1+$0x0];
	_ =	sdelay $0x4  }
0x5d4: {  	v62 =	vand.u32 $0xFFFFFFF8, v6  }
0x5d5: {  	v6 =	vand.u32 $0x7, v6;
	v7 =	vadd.s32 v3, v62  }
0x5d6: {  	v63 =	vld [tilespmem:s30+$0x4190];
	v6 =	vor.u32 v6, v7;
	_ =	sdelay $0x4  }
0x5d7: {  	s3 =	sor.u32 $0xDD0, s30;
	[tilespmem:v6+s25+$0x0] =	vst.idx.add.f32.msk $0xffff, v63  }
0x5d8: {  	v6 =	vld [tilespmem:s3+$0x0];
	_ =	sdelay $0x4  }
0x5d9: {  	v9 =	vand.u32 $0xFFFFFFF8, v6  }
0x5da: {  	v6 =	vand.u32 $0x7, v6;
	v7 =	vadd.s32 v3, v9  }
0x5db: {  	v10 =	vld [tilespmem:s30+$0x41D0];
	v6 =	vor.u32 v6, v7;
	_ =	sdelay $0x4  }
0x5dc: {  	s5 =	sor.u32 $0xF10, s30;
	[tilespmem:v6+s26+$0x0] =	vst.idx.add.f32.msk $0xffff, v10  }
0x5dd: {  	v6 =	vld [tilespmem:s5+$0x0];
	_ =	sdelay $0x4  }
0x5de: {  	v11 =	vand.u32 $0xFFFFFFF8, v6  }
0x5df: {  	v6 =	vand.u32 $0x7, v6;
	v7 =	vadd.s32 v3, v11  }
0x5e0: {  	v12 =	vld [tilespmem:s30+$0x4310];
	v6 =	vor.u32 v6, v7;
	_ =	sdelay $0x4  }
0x5e1: {  	s14 =	sor.u32 $0xF50, s30;
	[tilespmem:v6+s23+$0x0] =	vst.idx.add.f32.msk $0xffff, v12  }
0x5e2: {  	v6 =	vld [tilespmem:s14+$0x0];
	_ =	sdelay $0x4  }
0x5e3: {  	v13 =	vand.u32 $0xFFFFFFF8, v6  }
0x5e4: {  	v6 =	vand.u32 $0x7, v6;
	v7 =	vadd.s32 v3, v13  }
0x5e5: {  	v14 =	vld [tilespmem:s30+$0x4350];
	v6 =	vor.u32 v6, v7;
	_ =	sdelay $0x4  }
0x5e6: {  	s15 =	sor.u32 $0xF90, s30;
	[tilespmem:v6+s24+$0x0] =	vst.idx.add.f32.msk $0xffff, v14  }
0x5e7: {  	v6 =	vld [tilespmem:s15+$0x0];
	_ =	sdelay $0x4  }
0x5e8: {  	v15 =	vand.u32 $0xFFFFFFF8, v6  }
0x5e9: {  	v6 =	vand.u32 $0x7, v6;
	v7 =	vadd.s32 v3, v15  }
0x5ea: {  	v16 =	vld [tilespmem:s30+$0x4390];
	v6 =	vor.u32 v6, v7;
	_ =	sdelay $0x4  }
0x5eb: {  	s16 =	sor.u32 $0xFD0, s30;
	[tilespmem:v6+s25+$0x0] =	vst.idx.add.f32.msk $0xffff, v16  }
0x5ec: {  	v6 =	vld [tilespmem:s16+$0x0];
	_ =	sdelay $0x4  }
0x5ed: {  	v17 =	vand.u32 $0xFFFFFFF8, v6  }
0x5ee: {  	v6 =	vand.u32 $0x7, v6;
	v7 =	vadd.s32 v3, v17  }
0x5ef: {  	v18 =	vld [tilespmem:s30+$0x43D0];
	v6 =	vor.u32 v6, v7;
	_ =	sdelay $0x4  }
0x5f0: {  	s31 =	sor.u32 $0x1110, s30;
	[tilespmem:v6+s26+$0x0] =	vst.idx.add.f32.msk $0xffff, v18  }
0x5f1: {  	v6 =	vld [tilespmem:s31+$0x0];
	_ =	sdelay $0x4  }
0x5f2: {  	v19 =	vand.u32 $0xFFFFFFF8, v6  }
0x5f3: {  	v6 =	vand.u32 $0x7, v6;
	v7 =	vadd.s32 v3, v19  }
0x5f4: {  	v20 =	vld [tilespmem:s30+$0x4510];
	v6 =	vor.u32 v6, v7;
	_ =	sdelay $0x4  }
0x5f5: {  	s1 =	sor.u32 $0x1150, s30;
	[tilespmem:v6+s23+$0x0] =	vst.idx.add.f32.msk $0xffff, v20  }
0x5f6: {  	v6 =	vld [tilespmem:s1+$0x0];
	_ =	sdelay $0x4  }
0x5f7: {  	v21 =	vand.u32 $0xFFFFFFF8, v6  }
0x5f8: {  	v6 =	vand.u32 $0x7, v6;
	v7 =	vadd.s32 v3, v21  }
0x5f9: {  	v22 =	vld [tilespmem:s30+$0x4550];
	v6 =	vor.u32 v6, v7;
	_ =	sdelay $0x4  }
0x5fa: {  	s3 =	sor.u32 $0x1190, s30;
	[tilespmem:v6+s24+$0x0] =	vst.idx.add.f32.msk $0xffff, v22  }
0x5fb: {  	v6 =	vld [tilespmem:s3+$0x0];
	_ =	sdelay $0x4  }
0x5fc: {  	v23 =	vand.u32 $0xFFFFFFF8, v6  }
0x5fd: {  	v6 =	vand.u32 $0x7, v6;
	v7 =	vadd.s32 v3, v23  }
0x5fe: {  	v24 =	vld [tilespmem:s30+$0x4590];
	v6 =	vor.u32 v6, v7;
	_ =	sdelay $0x4  }
0x5ff: {  	s5 =	sor.u32 $0x11D0, s30;
	[tilespmem:v6+s25+$0x0] =	vst.idx.add.f32.msk $0xffff, v24  }
0x600: {  	v6 =	vld [tilespmem:s5+$0x0];
	_ =	sdelay $0x4  }
0x601: {  	v25 =	vand.u32 $0xFFFFFFF8, v6  }
0x602: {  	v6 =	vand.u32 $0x7, v6;
	v7 =	vadd.s32 v3, v25  }
0x603: {  	v26 =	vld [tilespmem:s30+$0x45D0];
	v6 =	vor.u32 v6, v7;
	_ =	sdelay $0x4  }
0x604: {  	s14 =	sor.u32 $0x1310, s30;
	[tilespmem:v6+s26+$0x0] =	vst.idx.add.f32.msk $0xffff, v26  }
0x605: {  	v6 =	vld [tilespmem:s14+$0x0];
	_ =	sdelay $0x4  }
0x606: {  	v27 =	vand.u32 $0xFFFFFFF8, v6  }
0x607: {  	v6 =	vand.u32 $0x7, v6;
	v7 =	vadd.s32 v3, v27  }
0x608: {  	v28 =	vld [tilespmem:s30+$0x4710];
	v6 =	vor.u32 v6, v7;
	_ =	sdelay $0x4  }
0x609: {  	s15 =	sor.u32 $0x1350, s30;
	[tilespmem:v6+s23+$0x0] =	vst.idx.add.f32.msk $0xffff, v28  }
0x60a: {  	v6 =	vld [tilespmem:s15+$0x0];
	_ =	sdelay $0x4  }
0x60b: {  	v29 =	vand.u32 $0xFFFFFFF8, v6  }
0x60c: {  	v6 =	vand.u32 $0x7, v6;
	v7 =	vadd.s32 v3, v29  }
0x60d: {  	v30 =	vld [tilespmem:s30+$0x4750];
	v6 =	vor.u32 v6, v7;
	_ =	sdelay $0x4  }
0x60e: {  	s16 =	sor.u32 $0x1390, s30;
	[tilespmem:v6+s24+$0x0] =	vst.idx.add.f32.msk $0xffff, v30  }
0x60f: {  	v6 =	vld [tilespmem:s16+$0x0];
	_ =	sdelay $0x4  }
0x610: {  	v31 =	vand.u32 $0xFFFFFFF8, v6  }
0x611: {  	v6 =	vand.u32 $0x7, v6;
	v7 =	vadd.s32 v3, v31  }
0x612: {  	v32 =	vld [tilespmem:s30+$0x4790];
	v6 =	vor.u32 v6, v7;
	_ =	sdelay $0x4  }
0x613: {  	s31 =	sor.u32 $0x13D0, s30;
	[tilespmem:v6+s25+$0x0] =	vst.idx.add.f32.msk $0xffff, v32  }
0x614: {  	v6 =	vld [tilespmem:s31+$0x0];
	_ =	sdelay $0x4  }
0x615: {  	v33 =	vand.u32 $0xFFFFFFF8, v6  }
0x616: {  	v6 =	vand.u32 $0x7, v6;
	v7 =	vadd.s32 v3, v33  }
0x617: {  	v34 =	vld [tilespmem:s30+$0x47D0];
	v6 =	vor.u32 v6, v7;
	_ =	sdelay $0x4  }
0x618: {  	s1 =	sor.u32 $0x1510, s30;
	[tilespmem:v6+s26+$0x0] =	vst.idx.add.f32.msk $0xffff, v34  }
0x619: {  	v6 =	vld [tilespmem:s1+$0x0];
	_ =	sdelay $0x4  }
0x61a: {  	v35 =	vand.u32 $0xFFFFFFF8, v6  }
0x61b: {  	v6 =	vand.u32 $0x7, v6;
	v7 =	vadd.s32 v3, v35  }
0x61c: {  	v36 =	vld [tilespmem:s30+$0x4910];
	v6 =	vor.u32 v6, v7;
	_ =	sdelay $0x4  }
0x61d: {  	s3 =	sor.u32 $0x1550, s30;
	[tilespmem:v6+s23+$0x0] =	vst.idx.add.f32.msk $0xffff, v36  }
0x61e: {  	v6 =	vld [tilespmem:s3+$0x0];
	_ =	sdelay $0x2  }
0x61f: {  	v37 =	vand.u32 $0xFFFFFFF8, v5  }
0x620: {  	v5 =	vand.u32 $0x7, v5;
	v7 =	vadd.s32 v2, v37  }
0x621: {  	v5 =	vor.u32 v5, v7;
	v38 =	vand.u32 $0xFFFFFFF8, v6  }
0x622: {  	v6 =	vand.u32 $0x7, v6;
	v7 =	vadd.s32 v3, v38  }
0x623: {  	v39 =	vld [tilespmem:s30+$0x4950];
	v6 =	vor.u32 v6, v7;
	_ =	sdelay $0x2  }
0x624: {  	s5 =	sor.u32 $0x1580, s30;
	[tilespmem:v5+s24+$0x0] =	vst.idx.add.f32.msk $0xffff, v4  }
0x625: {  	v4 =	vld [tilespmem:s5+$0x0]  }
0x626: {  	s14 =	sor.u32 $0x1590, s30;
	[tilespmem:v6+s24+$0x0] =	vst.idx.add.f32.msk $0xffff, v39  }
0x627: {  	v40 =	vld [tilespmem:s14+$0x0];
	_ =	sdelay $0x2  }
0x628: {  	v41 =	vand.u32 $0xFFFFFFF8, v4  }
0x629: {  	v4 =	vand.u32 $0x7, v4;
	v6 =	vadd.s32 v2, v41  }
0x62a: {  	v42 =	vld [tilespmem:s30+$0x4980];
	v4 =	vor.u32 v4, v6;
	v43 =	vand.u32 $0xFFFFFFF8, v40  }
0x62b: {  	v5 =	vand.u32 $0x7, v40;
	v6 =	vadd.s32 v3, v43  }
0x62c: {  	v44 =	vld [tilespmem:s30+$0x4990];
	v5 =	vor.u32 v5, v6;
	_ =	sdelay $0x2  }
0x62d: {  	s15 =	sor.u32 $0x15C0, s30;
	[tilespmem:v4+s25+$0x0] =	vst.idx.add.f32.msk $0xffff, v42  }
0x62e: {  	v4 =	vld [tilespmem:s15+$0x0]  }
0x62f: {  	s16 =	sor.u32 $0x15D0, s30;
	[tilespmem:v5+s25+$0x0] =	vst.idx.add.f32.msk $0xffff, v44  }
0x630: {  	v5 =	vld [tilespmem:s16+$0x0];
	_ =	sdelay $0x2  }
0x631: {  	v45 =	vand.u32 $0xFFFFFFF8, v4  }
0x632: {  	v4 =	vand.u32 $0x7, v4;
	v6 =	vadd.s32 v2, v45  }
0x633: {  	v7 =	vld [tilespmem:s30+$0x49C0];
	v4 =	vor.u32 v4, v6;
	v46 =	vand.u32 $0xFFFFFFF8, v5  }
0x634: {  	v5 =	vand.u32 $0x7, v5;
	v6 =	vadd.s32 v3, v46  }
0x635: {  	v47 =	vld [tilespmem:s30+$0x49D0];
	v5 =	vor.u32 v5, v6;
	_ =	sdelay $0x2  }
0x636: {  	s31 =	sor.u32 $0x1700, s30;
	[tilespmem:v4+s26+$0x0] =	vst.idx.add.f32.msk $0xffff, v7  }
0x637: {  	v4 =	vld [tilespmem:s31+$0x0]  }
0x638: {  	s1 =	sor.u32 $0x1710, s30;
	[tilespmem:v5+s26+$0x0] =	vst.idx.add.f32.msk $0xffff, v47  }
0x639: {  	v5 =	vld [tilespmem:s1+$0x0];
	_ =	sdelay $0x2  }
0x63a: {  	v48 =	vand.u32 $0xFFFFFFF8, v4  }
0x63b: {  	v4 =	vand.u32 $0x7, v4;
	v6 =	vadd.s32 v2, v48  }
0x63c: {  	v7 =	vld [tilespmem:s30+$0x4B00];
	v4 =	vor.u32 v4, v6;
	v49 =	vand.u32 $0xFFFFFFF8, v5  }
0x63d: {  	v5 =	vand.u32 $0x7, v5;
	v6 =	vadd.s32 v3, v49  }
0x63e: {  	v50 =	vld [tilespmem:s30+$0x4B10];
	v5 =	vor.u32 v5, v6;
	_ =	sdelay $0x2  }
0x63f: {  	s3 =	sor.u32 $0x1740, s30;
	[tilespmem:v4+s23+$0x0] =	vst.idx.add.f32.msk $0xffff, v7  }
0x640: {  	v4 =	vld [tilespmem:s3+$0x0]  }
0x641: {  	s5 =	sor.u32 $0x1750, s30;
	[tilespmem:v5+s23+$0x0] =	vst.idx.add.f32.msk $0xffff, v50  }
0x642: {  	v5 =	vld [tilespmem:s5+$0x0];
	_ =	sdelay $0x2  }
0x643: {  	v51 =	vand.u32 $0xFFFFFFF8, v4  }
0x644: {  	v4 =	vand.u32 $0x7, v4;
	v6 =	vadd.s32 v2, v51  }
0x645: {  	v7 =	vld [tilespmem:s30+$0x4B40];
	v4 =	vor.u32 v4, v6;
	v52 =	vand.u32 $0xFFFFFFF8, v5  }
0x646: {  	v5 =	vand.u32 $0x7, v5;
	v6 =	vadd.s32 v3, v52  }
0x647: {  	v53 =	vld [tilespmem:s30+$0x4B50];
	v5 =	vor.u32 v5, v6;
	_ =	sdelay $0x2  }
0x648: {  	s14 =	sor.u32 $0x1780, s30;
	[tilespmem:v4+s24+$0x0] =	vst.idx.add.f32.msk $0xffff, v7  }
0x649: {  	v4 =	vld [tilespmem:s14+$0x0]  }
0x64a: {  	s15 =	sor.u32 $0x1790, s30;
	[tilespmem:v5+s24+$0x0] =	vst.idx.add.f32.msk $0xffff, v53  }
0x64b: {  	v5 =	vld [tilespmem:s15+$0x0];
	_ =	sdelay $0x2  }
0x64c: {  	v54 =	vand.u32 $0xFFFFFFF8, v4  }
0x64d: {  	v4 =	vand.u32 $0x7, v4;
	v6 =	vadd.s32 v2, v54  }
0x64e: {  	v7 =	vld [tilespmem:s30+$0x4B80];
	v4 =	vor.u32 v4, v6;
	v55 =	vand.u32 $0xFFFFFFF8, v5  }
0x64f: {  	v5 =	vand.u32 $0x7, v5;
	v6 =	vadd.s32 v3, v55  }
0x650: {  	v56 =	vld [tilespmem:s30+$0x4B90];
	v5 =	vor.u32 v5, v6;
	_ =	sdelay $0x2  }
0x651: {  	s16 =	sor.u32 $0x17C0, s30;
	[tilespmem:v4+s25+$0x0] =	vst.idx.add.f32.msk $0xffff, v7  }
0x652: {  	v4 =	vld [tilespmem:s16+$0x0]  }
0x653: {  	s31 =	sor.u32 $0x17D0, s30;
	[tilespmem:v5+s25+$0x0] =	vst.idx.add.f32.msk $0xffff, v56  }
0x654: {  	v5 =	vld [tilespmem:s31+$0x0];
	_ =	sdelay $0x2  }
0x655: {  	v57 =	vand.u32 $0xFFFFFFF8, v4  }
0x656: {  	v4 =	vand.u32 $0x7, v4;
	v6 =	vadd.s32 v2, v57  }
0x657: {  	v7 =	vld [tilespmem:s30+$0x4BC0];
	v4 =	vor.u32 v4, v6;
	v58 =	vand.u32 $0xFFFFFFF8, v5  }
0x658: {  	v5 =	vand.u32 $0x7, v5;
	v6 =	vadd.s32 v3, v58  }
0x659: {  	v59 =	vld [tilespmem:s30+$0x4BD0];
	v5 =	vor.u32 v5, v6;
	_ =	sdelay $0x2  }
0x65a: {  	s1 =	sor.u32 $0x1900, s30;
	[tilespmem:v4+s26+$0x0] =	vst.idx.add.f32.msk $0xffff, v7  }
0x65b: {  	v4 =	vld [tilespmem:s1+$0x0]  }
0x65c: {  	s3 =	sor.u32 $0x1910, s30;
	[tilespmem:v5+s26+$0x0] =	vst.idx.add.f32.msk $0xffff, v59  }
0x65d: {  	v5 =	vld [tilespmem:s3+$0x0];
	_ =	sdelay $0x2  }
0x65e: {  	v60 =	vand.u32 $0xFFFFFFF8, v4  }
0x65f: {  	v4 =	vand.u32 $0x7, v4;
	v6 =	vadd.s32 v2, v60  }
0x660: {  	v7 =	vld [tilespmem:s30+$0x4D00];
	v4 =	vor.u32 v4, v6;
	v61 =	vand.u32 $0xFFFFFFF8, v5  }
0x661: {  	v5 =	vand.u32 $0x7, v5;
	v6 =	vadd.s32 v3, v61  }
0x662: {  	v62 =	vld [tilespmem:s30+$0x4D10];
	v5 =	vor.u32 v5, v6;
	_ =	sdelay $0x2  }
0x663: {  	s5 =	sor.u32 $0x1940, s30;
	[tilespmem:v4+s23+$0x0] =	vst.idx.add.f32.msk $0xffff, v7  }
0x664: {  	v4 =	vld [tilespmem:s5+$0x0]  }
0x665: {  	s14 =	sor.u32 $0x1950, s30;
	[tilespmem:v5+s23+$0x0] =	vst.idx.add.f32.msk $0xffff, v62  }
0x666: {  	v5 =	vld [tilespmem:s14+$0x0];
	_ =	sdelay $0x2  }
0x667: {  	v63 =	vand.u32 $0xFFFFFFF8, v4  }
0x668: {  	v4 =	vand.u32 $0x7, v4;
	v6 =	vadd.s32 v2, v63  }
0x669: {  	v7 =	vld [tilespmem:s30+$0x4D40];
	v4 =	vor.u32 v4, v6;
	v9 =	vand.u32 $0xFFFFFFF8, v5  }
0x66a: {  	v5 =	vand.u32 $0x7, v5;
	v6 =	vadd.s32 v3, v9  }
0x66b: {  	v10 =	vld [tilespmem:s30+$0x4D50];
	v5 =	vor.u32 v5, v6;
	_ =	sdelay $0x2  }
0x66c: {  	s15 =	sor.u32 $0x1980, s30;
	[tilespmem:v4+s24+$0x0] =	vst.idx.add.f32.msk $0xffff, v7  }
0x66d: {  	v4 =	vld [tilespmem:s15+$0x0]  }
0x66e: {  	s16 =	sor.u32 $0x1990, s30;
	[tilespmem:v5+s24+$0x0] =	vst.idx.add.f32.msk $0xffff, v10  }
0x66f: {  	v5 =	vld [tilespmem:s16+$0x0];
	_ =	sdelay $0x2  }
0x670: {  	v11 =	vand.u32 $0xFFFFFFF8, v4  }
0x671: {  	v4 =	vand.u32 $0x7, v4;
	v6 =	vadd.s32 v2, v11  }
0x672: {  	v7 =	vld [tilespmem:s30+$0x4D80];
	v4 =	vor.u32 v4, v6;
	v12 =	vand.u32 $0xFFFFFFF8, v5  }
0x673: {  	v5 =	vand.u32 $0x7, v5;
	v6 =	vadd.s32 v3, v12  }
0x674: {  	v13 =	vld [tilespmem:s30+$0x4D90];
	v5 =	vor.u32 v5, v6;
	_ =	sdelay $0x2  }
0x675: {  	s31 =	sor.u32 $0x19C0, s30;
	[tilespmem:v4+s25+$0x0] =	vst.idx.add.f32.msk $0xffff, v7  }
0x676: {  	v4 =	vld [tilespmem:s31+$0x0]  }
0x677: {  	s1 =	sor.u32 $0x19D0, s30;
	[tilespmem:v5+s25+$0x0] =	vst.idx.add.f32.msk $0xffff, v13  }
0x678: {  	v5 =	vld [tilespmem:s1+$0x0];
	_ =	sdelay $0x2  }
0x679: {  	v14 =	vand.u32 $0xFFFFFFF8, v4  }
0x67a: {  	v4 =	vand.u32 $0x7, v4;
	v6 =	vadd.s32 v2, v14  }
0x67b: {  	v7 =	vld [tilespmem:s30+$0x4DC0];
	v4 =	vor.u32 v4, v6;
	v15 =	vand.u32 $0xFFFFFFF8, v5  }
0x67c: {  	v5 =	vand.u32 $0x7, v5;
	v6 =	vadd.s32 v3, v15  }
0x67d: {  	v16 =	vld [tilespmem:s30+$0x4DD0];
	v5 =	vor.u32 v5, v6;
	_ =	sdelay $0x2  }
0x67e: {  	s3 =	sor.u32 $0x1B00, s30;
	[tilespmem:v4+s26+$0x0] =	vst.idx.add.f32.msk $0xffff, v7  }
0x67f: {  	v4 =	vld [tilespmem:s3+$0x0]  }
0x680: {  	s5 =	sor.u32 $0x1B10, s30;
	[tilespmem:v5+s26+$0x0] =	vst.idx.add.f32.msk $0xffff, v16  }
0x681: {  	v5 =	vld [tilespmem:s5+$0x0];
	_ =	sdelay $0x2  }
0x682: {  	v17 =	vand.u32 $0xFFFFFFF8, v4  }
0x683: {  	v4 =	vand.u32 $0x7, v4;
	v6 =	vadd.s32 v2, v17  }
0x684: {  	v7 =	vld [tilespmem:s30+$0x4F00];
	v4 =	vor.u32 v4, v6;
	v18 =	vand.u32 $0xFFFFFFF8, v5  }
0x685: {  	v5 =	vand.u32 $0x7, v5;
	v6 =	vadd.s32 v3, v18  }
0x686: {  	v19 =	vld [tilespmem:s30+$0x4F10];
	v5 =	vor.u32 v5, v6;
	_ =	sdelay $0x2  }
0x687: {  	s14 =	sor.u32 $0x1B40, s30;
	[tilespmem:v4+s23+$0x0] =	vst.idx.add.f32.msk $0xffff, v7  }
0x688: {  	v4 =	vld [tilespmem:s14+$0x0]  }
0x689: {  	s15 =	sor.u32 $0x1B50, s30;
	[tilespmem:v5+s23+$0x0] =	vst.idx.add.f32.msk $0xffff, v19  }
0x68a: {  	v5 =	vld [tilespmem:s15+$0x0];
	_ =	sdelay $0x2  }
0x68b: {  	v20 =	vand.u32 $0xFFFFFFF8, v4  }
0x68c: {  	v4 =	vand.u32 $0x7, v4;
	v6 =	vadd.s32 v2, v20  }
0x68d: {  	v7 =	vld [tilespmem:s30+$0x4F40];
	v4 =	vor.u32 v4, v6;
	v21 =	vand.u32 $0xFFFFFFF8, v5  }
0x68e: {  	v5 =	vand.u32 $0x7, v5;
	v6 =	vadd.s32 v3, v21  }
0x68f: {  	v22 =	vld [tilespmem:s30+$0x4F50];
	v5 =	vor.u32 v5, v6;
	_ =	sdelay $0x2  }
0x690: {  	s16 =	sor.u32 $0x1B80, s30;
	[tilespmem:v4+s24+$0x0] =	vst.idx.add.f32.msk $0xffff, v7  }
0x691: {  	v4 =	vld [tilespmem:s16+$0x0]  }
0x692: {  	s31 =	sor.u32 $0x1B90, s30;
	[tilespmem:v5+s24+$0x0] =	vst.idx.add.f32.msk $0xffff, v22  }
0x693: {  	v5 =	vld [tilespmem:s31+$0x0];
	_ =	sdelay $0x2  }
0x694: {  	v23 =	vand.u32 $0xFFFFFFF8, v4  }
0x695: {  	v4 =	vand.u32 $0x7, v4;
	v6 =	vadd.s32 v2, v23  }
0x696: {  	v7 =	vld [tilespmem:s30+$0x4F80];
	v4 =	vor.u32 v4, v6;
	v24 =	vand.u32 $0xFFFFFFF8, v5  }
0x697: {  	v5 =	vand.u32 $0x7, v5;
	v6 =	vadd.s32 v3, v24  }
0x698: {  	v25 =	vld [tilespmem:s30+$0x4F90];
	v5 =	vor.u32 v5, v6;
	_ =	sdelay $0x2  }
0x699: {  	s1 =	sor.u32 $0x1BC0, s30;
	[tilespmem:v4+s25+$0x0] =	vst.idx.add.f32.msk $0xffff, v7  }
0x69a: {  	v4 =	vld [tilespmem:s1+$0x0]  }
0x69b: {  	s3 =	sor.u32 $0x1BD0, s30;
	[tilespmem:v5+s25+$0x0] =	vst.idx.add.f32.msk $0xffff, v25  }
0x69c: {  	v5 =	vld [tilespmem:s3+$0x0];
	_ =	sdelay $0x2  }
0x69d: {  	v26 =	vand.u32 $0xFFFFFFF8, v4  }
0x69e: {  	v4 =	vand.u32 $0x7, v4;
	v6 =	vadd.s32 v2, v26  }
0x69f: {  	v7 =	vld [tilespmem:s30+$0x4FC0];
	v4 =	vor.u32 v4, v6;
	v27 =	vand.u32 $0xFFFFFFF8, v5  }
0x6a0: {  	v5 =	vand.u32 $0x7, v5;
	v6 =	vadd.s32 v3, v27  }
0x6a1: {  	v28 =	vld [tilespmem:s30+$0x4FD0];
	v5 =	vor.u32 v5, v6;
	_ =	sdelay $0x2  }
0x6a2: {  	s5 =	sor.u32 $0x1D00, s30;
	[tilespmem:v4+s26+$0x0] =	vst.idx.add.f32.msk $0xffff, v7  }
0x6a3: {  	v4 =	vld [tilespmem:s5+$0x0]  }
0x6a4: {  	s14 =	sor.u32 $0x1D10, s30;
	[tilespmem:v5+s26+$0x0] =	vst.idx.add.f32.msk $0xffff, v28  }
0x6a5: {  	v5 =	vld [tilespmem:s14+$0x0];
	_ =	sdelay $0x2  }
0x6a6: {  	v29 =	vand.u32 $0xFFFFFFF8, v4  }
0x6a7: {  	v4 =	vand.u32 $0x7, v4;
	v6 =	vadd.s32 v2, v29  }
0x6a8: {  	v7 =	vld [tilespmem:s30+$0x5100];
	v4 =	vor.u32 v4, v6;
	v30 =	vand.u32 $0xFFFFFFF8, v5  }
0x6a9: {  	v5 =	vand.u32 $0x7, v5;
	v6 =	vadd.s32 v3, v30  }
0x6aa: {  	v31 =	vld [tilespmem:s30+$0x5110];
	v5 =	vor.u32 v5, v6;
	_ =	sdelay $0x2  }
0x6ab: {  	s15 =	sor.u32 $0x1D40, s30;
	[tilespmem:v4+s23+$0x0] =	vst.idx.add.f32.msk $0xffff, v7  }
0x6ac: {  	v4 =	vld [tilespmem:s15+$0x0]  }
0x6ad: {  	s16 =	sor.u32 $0x1D50, s30;
	[tilespmem:v5+s23+$0x0] =	vst.idx.add.f32.msk $0xffff, v31  }
0x6ae: {  	v5 =	vld [tilespmem:s16+$0x0];
	_ =	sdelay $0x2  }
0x6af: {  	v32 =	vand.u32 $0xFFFFFFF8, v4  }
0x6b0: {  	v4 =	vand.u32 $0x7, v4;
	v6 =	vadd.s32 v2, v32  }
0x6b1: {  	v7 =	vld [tilespmem:s30+$0x5140];
	v4 =	vor.u32 v4, v6;
	v33 =	vand.u32 $0xFFFFFFF8, v5  }
0x6b2: {  	v5 =	vand.u32 $0x7, v5;
	v6 =	vadd.s32 v3, v33  }
0x6b3: {  	v34 =	vld [tilespmem:s30+$0x5150];
	v5 =	vor.u32 v5, v6;
	_ =	sdelay $0x2  }
0x6b4: {  	s31 =	sor.u32 $0x1D80, s30;
	[tilespmem:v4+s24+$0x0] =	vst.idx.add.f32.msk $0xffff, v7  }
0x6b5: {  	v4 =	vld [tilespmem:s31+$0x0]  }
0x6b6: {  	s1 =	sor.u32 $0x1D90, s30;
	[tilespmem:v5+s24+$0x0] =	vst.idx.add.f32.msk $0xffff, v34  }
0x6b7: {  	v5 =	vld [tilespmem:s1+$0x0];
	_ =	sdelay $0x2  }
0x6b8: {  	v35 =	vand.u32 $0xFFFFFFF8, v4  }
0x6b9: {  	v4 =	vand.u32 $0x7, v4;
	v6 =	vadd.s32 v2, v35  }
0x6ba: {  	v7 =	vld [tilespmem:s30+$0x5180];
	v4 =	vor.u32 v4, v6;
	v36 =	vand.u32 $0xFFFFFFF8, v5  }
0x6bb: {  	v5 =	vand.u32 $0x7, v5;
	v6 =	vadd.s32 v3, v36  }
0x6bc: {  	v37 =	vld [tilespmem:s30+$0x5190];
	v5 =	vor.u32 v5, v6;
	_ =	sdelay $0x2  }
0x6bd: {  	s3 =	sor.u32 $0x1DC0, s30;
	[tilespmem:v4+s25+$0x0] =	vst.idx.add.f32.msk $0xffff, v7  }
0x6be: {  	v4 =	vld [tilespmem:s3+$0x0]  }
0x6bf: {  	s5 =	sor.u32 $0x1DD0, s30;
	[tilespmem:v5+s25+$0x0] =	vst.idx.add.f32.msk $0xffff, v37  }
0x6c0: {  	v5 =	vld [tilespmem:s5+$0x0];
	_ =	sdelay $0x2  }
0x6c1: {  	v38 =	vand.u32 $0xFFFFFFF8, v4  }
0x6c2: {  	v4 =	vand.u32 $0x7, v4;
	v6 =	vadd.s32 v2, v38  }
0x6c3: {  	v7 =	vld [tilespmem:s30+$0x51C0];
	v4 =	vor.u32 v4, v6;
	v39 =	vand.u32 $0xFFFFFFF8, v5  }
0x6c4: {  	v5 =	vand.u32 $0x7, v5;
	v6 =	vadd.s32 v3, v39  }
0x6c5: {  	v40 =	vld [tilespmem:s30+$0x51D0];
	v5 =	vor.u32 v5, v6;
	_ =	sdelay $0x2  }
0x6c6: {  	s14 =	sor.u32 $0x1F00, s30;
	[tilespmem:v4+s26+$0x0] =	vst.idx.add.f32.msk $0xffff, v7  }
0x6c7: {  	v4 =	vld [tilespmem:s14+$0x0]  }
0x6c8: {  	s15 =	sor.u32 $0x1F10, s30;
	[tilespmem:v5+s26+$0x0] =	vst.idx.add.f32.msk $0xffff, v40  }
0x6c9: {  	v5 =	vld [tilespmem:s15+$0x0];
	_ =	sdelay $0x2  }
0x6ca: {  	v41 =	vand.u32 $0xFFFFFFF8, v4  }
0x6cb: {  	v4 =	vand.u32 $0x7, v4;
	v6 =	vadd.s32 v2, v41  }
0x6cc: {  	v7 =	vld [tilespmem:s30+$0x5300];
	v4 =	vor.u32 v4, v6;
	v42 =	vand.u32 $0xFFFFFFF8, v5  }
0x6cd: {  	v5 =	vand.u32 $0x7, v5;
	v6 =	vadd.s32 v3, v42  }
0x6ce: {  	v43 =	vld [tilespmem:s30+$0x5310];
	v5 =	vor.u32 v5, v6;
	_ =	sdelay $0x2  }
0x6cf: {  	s16 =	sor.u32 $0x1F40, s30;
	[tilespmem:v4+s23+$0x0] =	vst.idx.add.f32.msk $0xffff, v7  }
0x6d0: {  	v4 =	vld [tilespmem:s16+$0x0]  }
0x6d1: {  	s31 =	sor.u32 $0x1F50, s30;
	[tilespmem:v5+s23+$0x0] =	vst.idx.add.f32.msk $0xffff, v43  }
0x6d2: {  	v5 =	vld [tilespmem:s31+$0x0];
	_ =	sdelay $0x2  }
0x6d3: {  	v44 =	vand.u32 $0xFFFFFFF8, v4  }
0x6d4: {  	v4 =	vand.u32 $0x7, v4;
	v6 =	vadd.s32 v2, v44  }
0x6d5: {  	v7 =	vld [tilespmem:s30+$0x5340];
	v4 =	vor.u32 v4, v6;
	v45 =	vand.u32 $0xFFFFFFF8, v5  }
0x6d6: {  	v5 =	vand.u32 $0x7, v5;
	v6 =	vadd.s32 v3, v45  }
0x6d7: {  	v46 =	vld [tilespmem:s30+$0x5350];
	v5 =	vor.u32 v5, v6;
	_ =	sdelay $0x2  }
0x6d8: {  	s1 =	sor.u32 $0x1F80, s30;
	[tilespmem:v4+s24+$0x0] =	vst.idx.add.f32.msk $0xffff, v7  }
0x6d9: {  	v4 =	vld [tilespmem:s1+$0x0]  }
0x6da: {  	s3 =	sor.u32 $0x1F90, s30;
	[tilespmem:v5+s24+$0x0] =	vst.idx.add.f32.msk $0xffff, v46  }
0x6db: {  	v5 =	vld [tilespmem:s3+$0x0];
	_ =	sdelay $0x2  }
0x6dc: {  	v47 =	vand.u32 $0xFFFFFFF8, v4  }
0x6dd: {  	v4 =	vand.u32 $0x7, v4;
	v6 =	vadd.s32 v2, v47  }
0x6de: {  	v7 =	vld [tilespmem:s30+$0x5380];
	v4 =	vor.u32 v4, v6;
	v48 =	vand.u32 $0xFFFFFFF8, v5  }
0x6df: {  	v5 =	vand.u32 $0x7, v5;
	v6 =	vadd.s32 v3, v48  }
0x6e0: {  	v49 =	vld [tilespmem:s30+$0x5390];
	v5 =	vor.u32 v5, v6;
	_ =	sdelay $0x2  }
0x6e1: {  	s5 =	sor.u32 $0x1FC0, s30;
	[tilespmem:v4+s25+$0x0] =	vst.idx.add.f32.msk $0xffff, v7  }
0x6e2: {  	v4 =	vld [tilespmem:s5+$0x0]  }
0x6e3: {  	s14 =	sor.u32 $0x1FD0, s30;
	[tilespmem:v5+s25+$0x0] =	vst.idx.add.f32.msk $0xffff, v49  }
0x6e4: {  	v5 =	vld [tilespmem:s14+$0x0];
	_ =	sdelay $0x2  }
0x6e5: {  	v50 =	vand.u32 $0xFFFFFFF8, v4  }
0x6e6: {  	v4 =	vand.u32 $0x7, v4;
	v6 =	vadd.s32 v2, v50  }
0x6e7: {  	v7 =	vld [tilespmem:s30+$0x53C0];
	v4 =	vor.u32 v4, v6;
	v51 =	vand.u32 $0xFFFFFFF8, v5  }
0x6e8: {  	v5 =	vand.u32 $0x7, v5;
	v6 =	vadd.s32 v3, v51  }
0x6e9: {  	v52 =	vld [tilespmem:s30+$0x53D0];
	v5 =	vor.u32 v5, v6;
	_ =	sdelay $0x2  }
0x6ea: {  	s15 =	sor.u32 $0x2100, s30;
	[tilespmem:v4+s26+$0x0] =	vst.idx.add.f32.msk $0xffff, v7  }
0x6eb: {  	v4 =	vld [tilespmem:s15+$0x0]  }
0x6ec: {  	s16 =	sor.u32 $0x2110, s30;
	[tilespmem:v5+s26+$0x0] =	vst.idx.add.f32.msk $0xffff, v52  }
0x6ed: {  	v5 =	vld [tilespmem:s16+$0x0];
	_ =	sdelay $0x2  }
0x6ee: {  	v53 =	vand.u32 $0xFFFFFFF8, v4  }
0x6ef: {  	v4 =	vand.u32 $0x7, v4;
	v6 =	vadd.s32 v2, v53  }
0x6f0: {  	v7 =	vld [tilespmem:s30+$0x5500];
	v4 =	vor.u32 v4, v6;
	v54 =	vand.u32 $0xFFFFFFF8, v5  }
0x6f1: {  	v5 =	vand.u32 $0x7, v5;
	v6 =	vadd.s32 v3, v54  }
0x6f2: {  	v55 =	vld [tilespmem:s30+$0x5510];
	v5 =	vor.u32 v5, v6;
	_ =	sdelay $0x2  }
0x6f3: {  	s31 =	sor.u32 $0x2140, s30;
	[tilespmem:v4+s23+$0x0] =	vst.idx.add.f32.msk $0xffff, v7  }
0x6f4: {  	v4 =	vld [tilespmem:s31+$0x0]  }
0x6f5: {  	s1 =	sor.u32 $0x2150, s30;
	[tilespmem:v5+s23+$0x0] =	vst.idx.add.f32.msk $0xffff, v55  }
0x6f6: {  	v5 =	vld [tilespmem:s1+$0x0];
	_ =	sdelay $0x2  }
0x6f7: {  	v56 =	vand.u32 $0xFFFFFFF8, v4  }
0x6f8: {  	v4 =	vand.u32 $0x7, v4;
	v6 =	vadd.s32 v2, v56  }
0x6f9: {  	v7 =	vld [tilespmem:s30+$0x5540];
	v4 =	vor.u32 v4, v6;
	v57 =	vand.u32 $0xFFFFFFF8, v5  }
0x6fa: {  	v5 =	vand.u32 $0x7, v5;
	v6 =	vadd.s32 v3, v57  }
0x6fb: {  	v58 =	vld [tilespmem:s30+$0x5550];
	v5 =	vor.u32 v5, v6;
	_ =	sdelay $0x2  }
0x6fc: {  	s3 =	sor.u32 $0x2180, s30;
	[tilespmem:v4+s24+$0x0] =	vst.idx.add.f32.msk $0xffff, v7  }
0x6fd: {  	v4 =	vld [tilespmem:s3+$0x0]  }
0x6fe: {  	s5 =	sor.u32 $0x2190, s30;
	[tilespmem:v5+s24+$0x0] =	vst.idx.add.f32.msk $0xffff, v58  }
0x6ff: {  	v5 =	vld [tilespmem:s5+$0x0];
	_ =	sdelay $0x2  }
0x700: {  	v59 =	vand.u32 $0xFFFFFFF8, v4  }
0x701: {  	v4 =	vand.u32 $0x7, v4;
	v6 =	vadd.s32 v2, v59  }
0x702: {  	v7 =	vld [tilespmem:s30+$0x5580];
	v4 =	vor.u32 v4, v6;
	v60 =	vand.u32 $0xFFFFFFF8, v5  }
0x703: {  	v5 =	vand.u32 $0x7, v5;
	v6 =	vadd.s32 v3, v60  }
0x704: {  	v61 =	vld [tilespmem:s30+$0x5590];
	v5 =	vor.u32 v5, v6;
	_ =	sdelay $0x2  }
0x705: {  	s14 =	sor.u32 $0x21C0, s30;
	[tilespmem:v4+s25+$0x0] =	vst.idx.add.f32.msk $0xffff, v7  }
0x706: {  	v4 =	vld [tilespmem:s14+$0x0]  }
0x707: {  	s15 =	sor.u32 $0x21D0, s30;
	[tilespmem:v5+s25+$0x0] =	vst.idx.add.f32.msk $0xffff, v61  }
0x708: {  	v5 =	vld [tilespmem:s15+$0x0];
	_ =	sdelay $0x2  }
0x709: {  	v62 =	vand.u32 $0xFFFFFFF8, v4  }
0x70a: {  	v4 =	vand.u32 $0x7, v4;
	v6 =	vadd.s32 v2, v62  }
0x70b: {  	v7 =	vld [tilespmem:s30+$0x55C0];
	v4 =	vor.u32 v4, v6;
	v63 =	vand.u32 $0xFFFFFFF8, v5  }
0x70c: {  	v5 =	vand.u32 $0x7, v5;
	v6 =	vadd.s32 v3, v63  }
0x70d: {  	v9 =	vld [tilespmem:s30+$0x55D0];
	v5 =	vor.u32 v5, v6;
	_ =	sdelay $0x2  }
0x70e: {  	s16 =	sor.u32 $0x2300, s30;
	[tilespmem:v4+s26+$0x0] =	vst.idx.add.f32.msk $0xffff, v7  }
0x70f: {  	v4 =	vld [tilespmem:s16+$0x0]  }
0x710: {  	s31 =	sor.u32 $0x2310, s30;
	[tilespmem:v5+s26+$0x0] =	vst.idx.add.f32.msk $0xffff, v9  }
0x711: {  	v5 =	vld [tilespmem:s31+$0x0];
	_ =	sdelay $0x2  }
0x712: {  	v10 =	vand.u32 $0xFFFFFFF8, v4  }
0x713: {  	v4 =	vand.u32 $0x7, v4;
	v6 =	vadd.s32 v2, v10  }
0x714: {  	v7 =	vld [tilespmem:s30+$0x5700];
	v4 =	vor.u32 v4, v6;
	v11 =	vand.u32 $0xFFFFFFF8, v5  }
0x715: {  	v5 =	vand.u32 $0x7, v5;
	v6 =	vadd.s32 v3, v11  }
0x716: {  	v12 =	vld [tilespmem:s30+$0x5710];
	v5 =	vor.u32 v5, v6;
	_ =	sdelay $0x2  }
0x717: {  	s1 =	sor.u32 $0x2340, s30;
	[tilespmem:v4+s23+$0x0] =	vst.idx.add.f32.msk $0xffff, v7  }
0x718: {  	v4 =	vld [tilespmem:s1+$0x0]  }
0x719: {  	s3 =	sor.u32 $0x2350, s30;
	[tilespmem:v5+s23+$0x0] =	vst.idx.add.f32.msk $0xffff, v12  }
0x71a: {  	v5 =	vld [tilespmem:s3+$0x0];
	_ =	sdelay $0x2  }
0x71b: {  	v13 =	vand.u32 $0xFFFFFFF8, v4  }
0x71c: {  	v4 =	vand.u32 $0x7, v4;
	v6 =	vadd.s32 v2, v13  }
0x71d: {  	v7 =	vld [tilespmem:s30+$0x5740];
	v4 =	vor.u32 v4, v6;
	v14 =	vand.u32 $0xFFFFFFF8, v5  }
0x71e: {  	v5 =	vand.u32 $0x7, v5;
	v6 =	vadd.s32 v3, v14  }
0x71f: {  	v15 =	vld [tilespmem:s30+$0x5750];
	v5 =	vor.u32 v5, v6;
	_ =	sdelay $0x2  }
0x720: {  	s5 =	sor.u32 $0x2380, s30;
	[tilespmem:v4+s24+$0x0] =	vst.idx.add.f32.msk $0xffff, v7  }
0x721: {  	v4 =	vld [tilespmem:s5+$0x0]  }
0x722: {  	s14 =	sor.u32 $0x2390, s30;
	[tilespmem:v5+s24+$0x0] =	vst.idx.add.f32.msk $0xffff, v15  }
0x723: {  	v5 =	vld [tilespmem:s14+$0x0];
	_ =	sdelay $0x2  }
0x724: {  	v16 =	vand.u32 $0xFFFFFFF8, v4  }
0x725: {  	v4 =	vand.u32 $0x7, v4;
	v6 =	vadd.s32 v2, v16  }
0x726: {  	v7 =	vld [tilespmem:s30+$0x5780];
	v4 =	vor.u32 v4, v6;
	v17 =	vand.u32 $0xFFFFFFF8, v5  }
0x727: {  	v5 =	vand.u32 $0x7, v5;
	v6 =	vadd.s32 v3, v17  }
0x728: {  	v18 =	vld [tilespmem:s30+$0x5790];
	v5 =	vor.u32 v5, v6;
	_ =	sdelay $0x2  }
0x729: {  	s15 =	sor.u32 $0x23C0, s30;
	[tilespmem:v4+s25+$0x0] =	vst.idx.add.f32.msk $0xffff, v7  }
0x72a: {  	v4 =	vld [tilespmem:s15+$0x0]  }
0x72b: {  	s16 =	sor.u32 $0x23D0, s30;
	[tilespmem:v5+s25+$0x0] =	vst.idx.add.f32.msk $0xffff, v18  }
0x72c: {  	v5 =	vld [tilespmem:s16+$0x0];
	_ =	sdelay $0x2  }
0x72d: {  	v19 =	vand.u32 $0xFFFFFFF8, v4  }
0x72e: {  	v4 =	vand.u32 $0x7, v4;
	v6 =	vadd.s32 v2, v19  }
0x72f: {  	v7 =	vld [tilespmem:s30+$0x57C0];
	v4 =	vor.u32 v4, v6;
	v20 =	vand.u32 $0xFFFFFFF8, v5  }
0x730: {  	v5 =	vand.u32 $0x7, v5;
	v6 =	vadd.s32 v3, v20  }
0x731: {  	v21 =	vld [tilespmem:s30+$0x57D0];
	v5 =	vor.u32 v5, v6;
	_ =	sdelay $0x2  }
0x732: {  	s31 =	sor.u32 $0x2500, s30;
	[tilespmem:v4+s26+$0x0] =	vst.idx.add.f32.msk $0xffff, v7  }
0x733: {  	v4 =	vld [tilespmem:s31+$0x0]  }
0x734: {  	s1 =	sor.u32 $0x2510, s30;
	[tilespmem:v5+s26+$0x0] =	vst.idx.add.f32.msk $0xffff, v21  }
0x735: {  	v5 =	vld [tilespmem:s1+$0x0];
	_ =	sdelay $0x2  }
0x736: {  	v22 =	vand.u32 $0xFFFFFFF8, v4  }
0x737: {  	v4 =	vand.u32 $0x7, v4;
	v6 =	vadd.s32 v2, v22  }
0x738: {  	v7 =	vld [tilespmem:s30+$0x5900];
	v4 =	vor.u32 v4, v6;
	v23 =	vand.u32 $0xFFFFFFF8, v5  }
0x739: {  	v5 =	vand.u32 $0x7, v5;
	v6 =	vadd.s32 v3, v23  }
0x73a: {  	v24 =	vld [tilespmem:s30+$0x5910];
	v5 =	vor.u32 v5, v6;
	_ =	sdelay $0x2  }
0x73b: {  	s3 =	sor.u32 $0x2540, s30;
	[tilespmem:v4+s23+$0x0] =	vst.idx.add.f32.msk $0xffff, v7  }
0x73c: {  	v4 =	vld [tilespmem:s3+$0x0]  }
0x73d: {  	s5 =	sor.u32 $0x2550, s30;
	[tilespmem:v5+s23+$0x0] =	vst.idx.add.f32.msk $0xffff, v24  }
0x73e: {  	v5 =	vld [tilespmem:s5+$0x0];
	_ =	sdelay $0x2  }
0x73f: {  	v25 =	vand.u32 $0xFFFFFFF8, v4  }
0x740: {  	v4 =	vand.u32 $0x7, v4;
	v6 =	vadd.s32 v2, v25  }
0x741: {  	v7 =	vld [tilespmem:s30+$0x5940];
	v4 =	vor.u32 v4, v6;
	v26 =	vand.u32 $0xFFFFFFF8, v5  }
0x742: {  	v5 =	vand.u32 $0x7, v5;
	v6 =	vadd.s32 v3, v26  }
0x743: {  	v27 =	vld [tilespmem:s30+$0x5950];
	v5 =	vor.u32 v5, v6;
	_ =	sdelay $0x2  }
0x744: {  	s14 =	sor.u32 $0x2580, s30;
	[tilespmem:v4+s24+$0x0] =	vst.idx.add.f32.msk $0xffff, v7  }
0x745: {  	v4 =	vld [tilespmem:s14+$0x0]  }
0x746: {  	s15 =	sor.u32 $0x2590, s30;
	[tilespmem:v5+s24+$0x0] =	vst.idx.add.f32.msk $0xffff, v27  }
0x747: {  	v5 =	vld [tilespmem:s15+$0x0];
	_ =	sdelay $0x2  }
0x748: {  	v28 =	vand.u32 $0xFFFFFFF8, v4  }
0x749: {  	v4 =	vand.u32 $0x7, v4;
	v6 =	vadd.s32 v2, v28  }
0x74a: {  	v7 =	vld [tilespmem:s30+$0x5980];
	v4 =	vor.u32 v4, v6;
	v29 =	vand.u32 $0xFFFFFFF8, v5  }
0x74b: {  	v5 =	vand.u32 $0x7, v5;
	v6 =	vadd.s32 v3, v29  }
0x74c: {  	v30 =	vld [tilespmem:s30+$0x5990];
	v5 =	vor.u32 v5, v6;
	_ =	sdelay $0x2  }
0x74d: {  	s16 =	sor.u32 $0x25C0, s30;
	[tilespmem:v4+s25+$0x0] =	vst.idx.add.f32.msk $0xffff, v7  }
0x74e: {  	v4 =	vld [tilespmem:s16+$0x0]  }
0x74f: {  	s31 =	sor.u32 $0x25D0, s30;
	[tilespmem:v5+s25+$0x0] =	vst.idx.add.f32.msk $0xffff, v30  }
0x750: {  	v5 =	vld [tilespmem:s31+$0x0];
	_ =	sdelay $0x2  }
0x751: {  	v31 =	vand.u32 $0xFFFFFFF8, v4  }
0x752: {  	v4 =	vand.u32 $0x7, v4;
	v6 =	vadd.s32 v2, v31  }
0x753: {  	v7 =	vld [tilespmem:s30+$0x59C0];
	v4 =	vor.u32 v4, v6;
	v32 =	vand.u32 $0xFFFFFFF8, v5  }
0x754: {  	v5 =	vand.u32 $0x7, v5;
	v6 =	vadd.s32 v3, v32  }
0x755: {  	v33 =	vld [tilespmem:s30+$0x59D0];
	v5 =	vor.u32 v5, v6;
	_ =	sdelay $0x2  }
0x756: {  	s1 =	sor.u32 $0x2700, s30;
	[tilespmem:v4+s26+$0x0] =	vst.idx.add.f32.msk $0xffff, v7  }
0x757: {  	v4 =	vld [tilespmem:s1+$0x0]  }
0x758: {  	s3 =	sor.u32 $0x2710, s30;
	[tilespmem:v5+s26+$0x0] =	vst.idx.add.f32.msk $0xffff, v33  }
0x759: {  	v5 =	vld [tilespmem:s3+$0x0];
	_ =	sdelay $0x2  }
0x75a: {  	v34 =	vand.u32 $0xFFFFFFF8, v4  }
0x75b: {  	v4 =	vand.u32 $0x7, v4;
	v6 =	vadd.s32 v2, v34  }
0x75c: {  	v7 =	vld [tilespmem:s30+$0x5B00];
	v4 =	vor.u32 v4, v6;
	v35 =	vand.u32 $0xFFFFFFF8, v5  }
0x75d: {  	v5 =	vand.u32 $0x7, v5;
	v6 =	vadd.s32 v3, v35  }
0x75e: {  	v36 =	vld [tilespmem:s30+$0x5B10];
	v5 =	vor.u32 v5, v6;
	_ =	sdelay $0x2  }
0x75f: {  	s5 =	sor.u32 $0x2740, s30;
	[tilespmem:v4+s23+$0x0] =	vst.idx.add.f32.msk $0xffff, v7  }
0x760: {  	v4 =	vld [tilespmem:s5+$0x0]  }
0x761: {  	s14 =	sor.u32 $0x2750, s30;
	[tilespmem:v5+s23+$0x0] =	vst.idx.add.f32.msk $0xffff, v36  }
0x762: {  	v5 =	vld [tilespmem:s14+$0x0];
	_ =	sdelay $0x2  }
0x763: {  	v37 =	vand.u32 $0xFFFFFFF8, v4  }
0x764: {  	v4 =	vand.u32 $0x7, v4;
	v6 =	vadd.s32 v2, v37  }
0x765: {  	v7 =	vld [tilespmem:s30+$0x5B40];
	v4 =	vor.u32 v4, v6;
	v38 =	vand.u32 $0xFFFFFFF8, v5  }
0x766: {  	v5 =	vand.u32 $0x7, v5;
	v6 =	vadd.s32 v3, v38  }
0x767: {  	v39 =	vld [tilespmem:s30+$0x5B50];
	v5 =	vor.u32 v5, v6;
	_ =	sdelay $0x2  }
0x768: {  	s15 =	sor.u32 $0x2780, s30;
	[tilespmem:v4+s24+$0x0] =	vst.idx.add.f32.msk $0xffff, v7  }
0x769: {  	v4 =	vld [tilespmem:s15+$0x0]  }
0x76a: {  	s16 =	sor.u32 $0x2790, s30;
	[tilespmem:v5+s24+$0x0] =	vst.idx.add.f32.msk $0xffff, v39  }
0x76b: {  	v5 =	vld [tilespmem:s16+$0x0];
	_ =	sdelay $0x2  }
0x76c: {  	v40 =	vand.u32 $0xFFFFFFF8, v4  }
0x76d: {  	v4 =	vand.u32 $0x7, v4;
	v6 =	vadd.s32 v2, v40  }
0x76e: {  	v7 =	vld [tilespmem:s30+$0x5B80];
	v4 =	vor.u32 v4, v6;
	v41 =	vand.u32 $0xFFFFFFF8, v5  }
0x76f: {  	v5 =	vand.u32 $0x7, v5;
	v6 =	vadd.s32 v3, v41  }
0x770: {  	v42 =	vld [tilespmem:s30+$0x5B90];
	v5 =	vor.u32 v5, v6;
	_ =	sdelay $0x2  }
0x771: {  	s31 =	sor.u32 $0x27C0, s30;
	[tilespmem:v4+s25+$0x0] =	vst.idx.add.f32.msk $0xffff, v7  }
0x772: {  	v4 =	vld [tilespmem:s31+$0x0]  }
0x773: {  	s1 =	sor.u32 $0x27D0, s30;
	[tilespmem:v5+s25+$0x0] =	vst.idx.add.f32.msk $0xffff, v42  }
0x774: {  	v5 =	vld [tilespmem:s1+$0x0];
	_ =	sdelay $0x2  }
0x775: {  	v43 =	vand.u32 $0xFFFFFFF8, v4  }
0x776: {  	v4 =	vand.u32 $0x7, v4;
	v6 =	vadd.s32 v2, v43  }
0x777: {  	v7 =	vld [tilespmem:s30+$0x5BC0];
	v4 =	vor.u32 v4, v6;
	v44 =	vand.u32 $0xFFFFFFF8, v5  }
0x778: {  	v5 =	vand.u32 $0x7, v5;
	v6 =	vadd.s32 v3, v44  }
0x779: {  	v45 =	vld [tilespmem:s30+$0x5BD0];
	v5 =	vor.u32 v5, v6;
	_ =	sdelay $0x2  }
0x77a: {  	s3 =	sor.u32 $0x2900, s30;
	[tilespmem:v4+s26+$0x0] =	vst.idx.add.f32.msk $0xffff, v7  }
0x77b: {  	v4 =	vld [tilespmem:s3+$0x0]  }
0x77c: {  	s5 =	sor.u32 $0x2910, s30;
	[tilespmem:v5+s26+$0x0] =	vst.idx.add.f32.msk $0xffff, v45  }
0x77d: {  	v5 =	vld [tilespmem:s5+$0x0];
	_ =	sdelay $0x2  }
0x77e: {  	v46 =	vand.u32 $0xFFFFFFF8, v4  }
0x77f: {  	v4 =	vand.u32 $0x7, v4;
	v6 =	vadd.s32 v2, v46  }
0x780: {  	v7 =	vld [tilespmem:s30+$0x5D00];
	v4 =	vor.u32 v4, v6;
	v47 =	vand.u32 $0xFFFFFFF8, v5  }
0x781: {  	v5 =	vand.u32 $0x7, v5;
	v6 =	vadd.s32 v3, v47  }
0x782: {  	v48 =	vld [tilespmem:s30+$0x5D10];
	v5 =	vor.u32 v5, v6;
	_ =	sdelay $0x2  }
0x783: {  	s14 =	sor.u32 $0x2940, s30;
	[tilespmem:v4+s23+$0x0] =	vst.idx.add.f32.msk $0xffff, v7  }
0x784: {  	v4 =	vld [tilespmem:s14+$0x0]  }
0x785: {  	s15 =	sor.u32 $0x2950, s30;
	[tilespmem:v5+s23+$0x0] =	vst.idx.add.f32.msk $0xffff, v48  }
0x786: {  	v5 =	vld [tilespmem:s15+$0x0];
	_ =	sdelay $0x2  }
0x787: {  	v49 =	vand.u32 $0xFFFFFFF8, v4  }
0x788: {  	v4 =	vand.u32 $0x7, v4;
	v6 =	vadd.s32 v2, v49  }
0x789: {  	v7 =	vld [tilespmem:s30+$0x5D40];
	v4 =	vor.u32 v4, v6;
	v50 =	vand.u32 $0xFFFFFFF8, v5  }
0x78a: {  	v5 =	vand.u32 $0x7, v5;
	v6 =	vadd.s32 v3, v50  }
0x78b: {  	v51 =	vld [tilespmem:s30+$0x5D50];
	v5 =	vor.u32 v5, v6;
	_ =	sdelay $0x2  }
0x78c: {  	s16 =	sor.u32 $0x2980, s30;
	[tilespmem:v4+s24+$0x0] =	vst.idx.add.f32.msk $0xffff, v7  }
0x78d: {  	v4 =	vld [tilespmem:s16+$0x0]  }
0x78e: {  	s31 =	sor.u32 $0x2990, s30;
	[tilespmem:v5+s24+$0x0] =	vst.idx.add.f32.msk $0xffff, v51  }
0x78f: {  	v5 =	vld [tilespmem:s31+$0x0];
	_ =	sdelay $0x2  }
0x790: {  	v52 =	vand.u32 $0xFFFFFFF8, v4  }
0x791: {  	v4 =	vand.u32 $0x7, v4;
	v6 =	vadd.s32 v2, v52  }
0x792: {  	v7 =	vld [tilespmem:s30+$0x5D80];
	v4 =	vor.u32 v4, v6;
	v53 =	vand.u32 $0xFFFFFFF8, v5  }
0x793: {  	v5 =	vand.u32 $0x7, v5;
	v6 =	vadd.s32 v3, v53  }
0x794: {  	v54 =	vld [tilespmem:s30+$0x5D90];
	v5 =	vor.u32 v5, v6;
	_ =	sdelay $0x2  }
0x795: {  	s1 =	sor.u32 $0x29C0, s30;
	[tilespmem:v4+s25+$0x0] =	vst.idx.add.f32.msk $0xffff, v7  }
0x796: {  	v4 =	vld [tilespmem:s1+$0x0]  }
0x797: {  	s3 =	sor.u32 $0x29D0, s30;
	[tilespmem:v5+s25+$0x0] =	vst.idx.add.f32.msk $0xffff, v54  }
0x798: {  	v5 =	vld [tilespmem:s3+$0x0];
	_ =	sdelay $0x2  }
0x799: {  	v55 =	vand.u32 $0xFFFFFFF8, v4  }
0x79a: {  	v4 =	vand.u32 $0x7, v4;
	v6 =	vadd.s32 v2, v55  }
0x79b: {  	v7 =	vld [tilespmem:s30+$0x5DC0];
	v4 =	vor.u32 v4, v6;
	v56 =	vand.u32 $0xFFFFFFF8, v5  }
0x79c: {  	v5 =	vand.u32 $0x7, v5;
	v6 =	vadd.s32 v3, v56  }
0x79d: {  	v57 =	vld [tilespmem:s30+$0x5DD0];
	v5 =	vor.u32 v5, v6;
	_ =	sdelay $0x2  }
0x79e: {  	s5 =	sor.u32 $0x2B00, s30;
	[tilespmem:v4+s26+$0x0] =	vst.idx.add.f32.msk $0xffff, v7  }
0x79f: {  	v4 =	vld [tilespmem:s5+$0x0]  }
0x7a0: {  	s14 =	sor.u32 $0x2B10, s30;
	[tilespmem:v5+s26+$0x0] =	vst.idx.add.f32.msk $0xffff, v57  }
0x7a1: {  	v5 =	vld [tilespmem:s14+$0x0];
	_ =	sdelay $0x2  }
0x7a2: {  	v58 =	vand.u32 $0xFFFFFFF8, v4  }
0x7a3: {  	v4 =	vand.u32 $0x7, v4;
	v6 =	vadd.s32 v2, v58  }
0x7a4: {  	v7 =	vld [tilespmem:s30+$0x5F00];
	v4 =	vor.u32 v4, v6;
	v59 =	vand.u32 $0xFFFFFFF8, v5  }
0x7a5: {  	v5 =	vand.u32 $0x7, v5;
	v6 =	vadd.s32 v3, v59  }
0x7a6: {  	v60 =	vld [tilespmem:s30+$0x5F10];
	v5 =	vor.u32 v5, v6;
	_ =	sdelay $0x2  }
0x7a7: {  	s15 =	sor.u32 $0x2B40, s30;
	[tilespmem:v4+s23+$0x0] =	vst.idx.add.f32.msk $0xffff, v7  }
0x7a8: {  	v4 =	vld [tilespmem:s15+$0x0]  }
0x7a9: {  	s16 =	sor.u32 $0x2B50, s30;
	[tilespmem:v5+s23+$0x0] =	vst.idx.add.f32.msk $0xffff, v60  }
0x7aa: {  	v5 =	vld [tilespmem:s16+$0x0];
	_ =	sdelay $0x2  }
0x7ab: {  	v61 =	vand.u32 $0xFFFFFFF8, v4  }
0x7ac: {  	v4 =	vand.u32 $0x7, v4;
	v6 =	vadd.s32 v2, v61  }
0x7ad: {  	v7 =	vld [tilespmem:s30+$0x5F40];
	v4 =	vor.u32 v4, v6;
	v62 =	vand.u32 $0xFFFFFFF8, v5  }
0x7ae: {  	v5 =	vand.u32 $0x7, v5;
	v6 =	vadd.s32 v3, v62  }
0x7af: {  	v63 =	vld [tilespmem:s30+$0x5F50];
	v5 =	vor.u32 v5, v6;
	_ =	sdelay $0x2  }
0x7b0: {  	s31 =	sor.u32 $0x2B80, s30;
	[tilespmem:v4+s24+$0x0] =	vst.idx.add.f32.msk $0xffff, v7  }
0x7b1: {  	v4 =	vld [tilespmem:s31+$0x0]  }
0x7b2: {  	s1 =	sor.u32 $0x2B90, s30;
	[tilespmem:v5+s24+$0x0] =	vst.idx.add.f32.msk $0xffff, v63  }
0x7b3: {  	v5 =	vld [tilespmem:s1+$0x0];
	_ =	sdelay $0x2  }
0x7b4: {  	v9 =	vand.u32 $0xFFFFFFF8, v4  }
0x7b5: {  	v4 =	vand.u32 $0x7, v4;
	v6 =	vadd.s32 v2, v9  }
0x7b6: {  	v7 =	vld [tilespmem:s30+$0x5F80];
	v4 =	vor.u32 v4, v6;
	v10 =	vand.u32 $0xFFFFFFF8, v5  }
0x7b7: {  	v5 =	vand.u32 $0x7, v5;
	v6 =	vadd.s32 v3, v10  }
0x7b8: {  	v11 =	vld [tilespmem:s30+$0x5F90];
	v5 =	vor.u32 v5, v6;
	_ =	sdelay $0x2  }
0x7b9: {  	s3 =	sor.u32 $0x2BC0, s30;
	[tilespmem:v4+s25+$0x0] =	vst.idx.add.f32.msk $0xffff, v7  }
0x7ba: {  	v4 =	vld [tilespmem:s3+$0x0]  }
0x7bb: {  	s5 =	sor.u32 $0x2BD0, s30;
	[tilespmem:v5+s25+$0x0] =	vst.idx.add.f32.msk $0xffff, v11  }
0x7bc: {  	v5 =	vld [tilespmem:s5+$0x0];
	_ =	sdelay $0x2  }
0x7bd: {  	v12 =	vand.u32 $0xFFFFFFF8, v4  }
0x7be: {  	v4 =	vand.u32 $0x7, v4;
	v6 =	vadd.s32 v2, v12  }
0x7bf: {  	v7 =	vld [tilespmem:s30+$0x5FC0];
	v4 =	vor.u32 v4, v6;
	v13 =	vand.u32 $0xFFFFFFF8, v5  }
0x7c0: {  	v5 =	vand.u32 $0x7, v5;
	v6 =	vadd.s32 v3, v13  }
0x7c1: {  	v14 =	vld [tilespmem:s30+$0x5FD0];
	v5 =	vor.u32 v5, v6;
	_ =	sdelay $0x2  }
0x7c2: {  	s14 =	sor.u32 $0x2D00, s30;
	[tilespmem:v4+s26+$0x0] =	vst.idx.add.f32.msk $0xffff, v7  }
0x7c3: {  	v4 =	vld [tilespmem:s14+$0x0]  }
0x7c4: {  	s15 =	sor.u32 $0x2D10, s30;
	[tilespmem:v5+s26+$0x0] =	vst.idx.add.f32.msk $0xffff, v14  }
0x7c5: {  	v5 =	vld [tilespmem:s15+$0x0];
	_ =	sdelay $0x2  }
0x7c6: {  	v15 =	vand.u32 $0xFFFFFFF8, v4  }
0x7c7: {  	v4 =	vand.u32 $0x7, v4;
	v6 =	vadd.s32 v2, v15  }
0x7c8: {  	v7 =	vld [tilespmem:s30+$0x6100];
	v4 =	vor.u32 v4, v6;
	v16 =	vand.u32 $0xFFFFFFF8, v5  }
0x7c9: {  	v5 =	vand.u32 $0x7, v5;
	v6 =	vadd.s32 v3, v16  }
0x7ca: {  	v17 =	vld [tilespmem:s30+$0x6110];
	v5 =	vor.u32 v5, v6;
	_ =	sdelay $0x2  }
0x7cb: {  	s16 =	sor.u32 $0x2D40, s30;
	[tilespmem:v4+s23+$0x0] =	vst.idx.add.f32.msk $0xffff, v7  }
0x7cc: {  	v4 =	vld [tilespmem:s16+$0x0]  }
0x7cd: {  	s31 =	sor.u32 $0x2D50, s30;
	[tilespmem:v5+s23+$0x0] =	vst.idx.add.f32.msk $0xffff, v17  }
0x7ce: {  	v5 =	vld [tilespmem:s31+$0x0];
	_ =	sdelay $0x2  }
0x7cf: {  	v18 =	vand.u32 $0xFFFFFFF8, v4  }
0x7d0: {  	v4 =	vand.u32 $0x7, v4;
	v6 =	vadd.s32 v2, v18  }
0x7d1: {  	v7 =	vld [tilespmem:s30+$0x6140];
	v4 =	vor.u32 v4, v6;
	v19 =	vand.u32 $0xFFFFFFF8, v5  }
0x7d2: {  	v5 =	vand.u32 $0x7, v5;
	v6 =	vadd.s32 v3, v19  }
0x7d3: {  	v20 =	vld [tilespmem:s30+$0x6150];
	v5 =	vor.u32 v5, v6;
	_ =	sdelay $0x2  }
0x7d4: {  	s1 =	sor.u32 $0x2D80, s30;
	[tilespmem:v4+s24+$0x0] =	vst.idx.add.f32.msk $0xffff, v7  }
0x7d5: {  	v4 =	vld [tilespmem:s1+$0x0]  }
0x7d6: {  	s3 =	sor.u32 $0x2D90, s30;
	[tilespmem:v5+s24+$0x0] =	vst.idx.add.f32.msk $0xffff, v20  }
0x7d7: {  	v5 =	vld [tilespmem:s3+$0x0];
	_ =	sdelay $0x2  }
0x7d8: {  	v21 =	vand.u32 $0xFFFFFFF8, v4  }
0x7d9: {  	v4 =	vand.u32 $0x7, v4;
	v6 =	vadd.s32 v2, v21  }
0x7da: {  	v7 =	vld [tilespmem:s30+$0x6180];
	v4 =	vor.u32 v4, v6;
	v22 =	vand.u32 $0xFFFFFFF8, v5  }
0x7db: {  	v5 =	vand.u32 $0x7, v5;
	v6 =	vadd.s32 v3, v22  }
0x7dc: {  	v23 =	vld [tilespmem:s30+$0x6190];
	v5 =	vor.u32 v5, v6;
	_ =	sdelay $0x2  }
0x7dd: {  	s5 =	sor.u32 $0x2DC0, s30;
	[tilespmem:v4+s25+$0x0] =	vst.idx.add.f32.msk $0xffff, v7  }
0x7de: {  	v4 =	vld [tilespmem:s5+$0x0]  }
0x7df: {  	s14 =	sor.u32 $0x2DD0, s30;
	[tilespmem:v5+s25+$0x0] =	vst.idx.add.f32.msk $0xffff, v23  }
0x7e0: {  	v5 =	vld [tilespmem:s14+$0x0];
	_ =	sdelay $0x2  }
0x7e1: {  	v24 =	vand.u32 $0xFFFFFFF8, v4  }
0x7e2: {  	v4 =	vand.u32 $0x7, v4;
	v6 =	vadd.s32 v2, v24  }
0x7e3: {  	v7 =	vld [tilespmem:s30+$0x61C0];
	v4 =	vor.u32 v4, v6;
	v25 =	vand.u32 $0xFFFFFFF8, v5  }
0x7e4: {  	v5 =	vand.u32 $0x7, v5;
	v6 =	vadd.s32 v3, v25  }
0x7e5: {  	v26 =	vld [tilespmem:s30+$0x61D0];
	v5 =	vor.u32 v5, v6;
	_ =	sdelay $0x2  }
0x7e6: {  	s15 =	sor.u32 $0x2F00, s30;
	[tilespmem:v4+s26+$0x0] =	vst.idx.add.f32.msk $0xffff, v7  }
0x7e7: {  	v4 =	vld [tilespmem:s15+$0x0]  }
0x7e8: {  	s16 =	sor.u32 $0x2F10, s30;
	[tilespmem:v5+s26+$0x0] =	vst.idx.add.f32.msk $0xffff, v26  }
0x7e9: {  	v5 =	vld [tilespmem:s16+$0x0];
	_ =	sdelay $0x2  }
0x7ea: {  	v27 =	vand.u32 $0xFFFFFFF8, v4  }
0x7eb: {  	v4 =	vand.u32 $0x7, v4;
	v6 =	vadd.s32 v2, v27  }
0x7ec: {  	v7 =	vld [tilespmem:s30+$0x6300];
	v4 =	vor.u32 v4, v6;
	v28 =	vand.u32 $0xFFFFFFF8, v5  }
0x7ed: {  	v5 =	vand.u32 $0x7, v5;
	v6 =	vadd.s32 v3, v28  }
0x7ee: {  	v29 =	vld [tilespmem:s30+$0x6310];
	v5 =	vor.u32 v5, v6;
	_ =	sdelay $0x2  }
0x7ef: {  	s31 =	sor.u32 $0x2F40, s30;
	[tilespmem:v4+s23+$0x0] =	vst.idx.add.f32.msk $0xffff, v7  }
0x7f0: {  	v4 =	vld [tilespmem:s31+$0x0]  }
0x7f1: {  	s1 =	sor.u32 $0x2F50, s30;
	[tilespmem:v5+s23+$0x0] =	vst.idx.add.f32.msk $0xffff, v29  }
0x7f2: {  	v5 =	vld [tilespmem:s1+$0x0];
	_ =	sdelay $0x2  }
0x7f3: {  	v30 =	vand.u32 $0xFFFFFFF8, v4  }
0x7f4: {  	v4 =	vand.u32 $0x7, v4;
	v6 =	vadd.s32 v2, v30  }
0x7f5: {  	v7 =	vld [tilespmem:s30+$0x6340];
	v4 =	vor.u32 v4, v6;
	v31 =	vand.u32 $0xFFFFFFF8, v5  }
0x7f6: {  	v5 =	vand.u32 $0x7, v5;
	v6 =	vadd.s32 v3, v31  }
0x7f7: {  	v32 =	vld [tilespmem:s30+$0x6350];
	v5 =	vor.u32 v5, v6;
	_ =	sdelay $0x2  }
0x7f8: {  	s3 =	sor.u32 $0x2F80, s30;
	[tilespmem:v4+s24+$0x0] =	vst.idx.add.f32.msk $0xffff, v7  }
0x7f9: {  	v4 =	vld [tilespmem:s3+$0x0]  }
0x7fa: {  	s5 =	sor.u32 $0x2F90, s30;
	[tilespmem:v5+s24+$0x0] =	vst.idx.add.f32.msk $0xffff, v32  }
0x7fb: {  	v5 =	vld [tilespmem:s5+$0x0];
	_ =	sdelay $0x2  }
0x7fc: {  	v33 =	vand.u32 $0xFFFFFFF8, v4  }
0x7fd: {  	v4 =	vand.u32 $0x7, v4;
	v6 =	vadd.s32 v2, v33  }
0x7fe: {  	v7 =	vld [tilespmem:s30+$0x6380];
	v4 =	vor.u32 v4, v6;
	v34 =	vand.u32 $0xFFFFFFF8, v5  }
0x7ff: {  	v5 =	vand.u32 $0x7, v5;
	v6 =	vadd.s32 v3, v34  }
0x800: {  	v35 =	vld [tilespmem:s30+$0x6390];
	v5 =	vor.u32 v5, v6;
	_ =	sdelay $0x2  }
0x801: {  	s14 =	sor.u32 $0x2FC0, s30;
	[tilespmem:v4+s25+$0x0] =	vst.idx.add.f32.msk $0xffff, v7  }
0x802: {  	v4 =	vld [tilespmem:s14+$0x0]  }
0x803: {  	s15 =	sor.u32 $0x2FD0, s30;
	[tilespmem:v5+s25+$0x0] =	vst.idx.add.f32.msk $0xffff, v35  }
0x804: {  	v5 =	vld [tilespmem:s15+$0x0];
	_ =	sdelay $0x2  }
0x805: {  	v36 =	vand.u32 $0xFFFFFFF8, v4  }
0x806: {  	v4 =	vand.u32 $0x7, v4;
	v6 =	vadd.s32 v2, v36  }
0x807: {  	v7 =	vld [tilespmem:s30+$0x63C0];
	v4 =	vor.u32 v4, v6;
	v37 =	vand.u32 $0xFFFFFFF8, v5  }
0x808: {  	v5 =	vand.u32 $0x7, v5;
	v6 =	vadd.s32 v3, v37  }
0x809: {  	v38 =	vld [tilespmem:s30+$0x63D0];
	v5 =	vor.u32 v5, v6;
	_ =	sdelay $0x2  }
0x80a: {  	s16 =	sor.u32 $0x3100, s30;
	[tilespmem:v4+s26+$0x0] =	vst.idx.add.f32.msk $0xffff, v7  }
0x80b: {  	v4 =	vld [tilespmem:s16+$0x0]  }
0x80c: {  	s31 =	sor.u32 $0x3110, s30;
	[tilespmem:v5+s26+$0x0] =	vst.idx.add.f32.msk $0xffff, v38  }
0x80d: {  	v5 =	vld [tilespmem:s31+$0x0];
	_ =	sdelay $0x2  }
0x80e: {  	v39 =	vand.u32 $0xFFFFFFF8, v4  }
0x80f: {  	v4 =	vand.u32 $0x7, v4;
	v6 =	vadd.s32 v2, v39  }
0x810: {  	v7 =	vld [tilespmem:s30+$0x6500];
	v4 =	vor.u32 v4, v6;
	v40 =	vand.u32 $0xFFFFFFF8, v5  }
0x811: {  	v5 =	vand.u32 $0x7, v5;
	v6 =	vadd.s32 v3, v40  }
0x812: {  	v41 =	vld [tilespmem:s30+$0x6510];
	v5 =	vor.u32 v5, v6;
	_ =	sdelay $0x2  }
0x813: {  	s1 =	sor.u32 $0x3140, s30;
	[tilespmem:v4+s23+$0x0] =	vst.idx.add.f32.msk $0xffff, v7  }
0x814: {  	v4 =	vld [tilespmem:s1+$0x0]  }
0x815: {  	s3 =	sor.u32 $0x3150, s30;
	[tilespmem:v5+s23+$0x0] =	vst.idx.add.f32.msk $0xffff, v41  }
0x816: {  	v5 =	vld [tilespmem:s3+$0x0];
	_ =	sdelay $0x2  }
0x817: {  	v42 =	vand.u32 $0xFFFFFFF8, v4  }
0x818: {  	v4 =	vand.u32 $0x7, v4;
	v6 =	vadd.s32 v2, v42  }
0x819: {  	v7 =	vld [tilespmem:s30+$0x6540];
	v4 =	vor.u32 v4, v6;
	v43 =	vand.u32 $0xFFFFFFF8, v5  }
0x81a: {  	v5 =	vand.u32 $0x7, v5;
	v6 =	vadd.s32 v3, v43  }
0x81b: {  	v44 =	vld [tilespmem:s30+$0x6550];
	v5 =	vor.u32 v5, v6;
	_ =	sdelay $0x2  }
0x81c: {  	s5 =	sor.u32 $0x3180, s30;
	[tilespmem:v4+s24+$0x0] =	vst.idx.add.f32.msk $0xffff, v7  }
0x81d: {  	v4 =	vld [tilespmem:s5+$0x0]  }
0x81e: {  	s14 =	sor.u32 $0x3190, s30;
	[tilespmem:v5+s24+$0x0] =	vst.idx.add.f32.msk $0xffff, v44  }
0x81f: {  	v5 =	vld [tilespmem:s14+$0x0];
	_ =	sdelay $0x2  }
0x820: {  	v45 =	vand.u32 $0xFFFFFFF8, v4  }
0x821: {  	v4 =	vand.u32 $0x7, v4;
	v6 =	vadd.s32 v2, v45  }
0x822: {  	v7 =	vld [tilespmem:s30+$0x6580];
	v4 =	vor.u32 v4, v6;
	v46 =	vand.u32 $0xFFFFFFF8, v5  }
0x823: {  	v5 =	vand.u32 $0x7, v5;
	v6 =	vadd.s32 v3, v46  }
0x824: {  	v47 =	vld [tilespmem:s30+$0x6590];
	v5 =	vor.u32 v5, v6;
	_ =	sdelay $0x2  }
0x825: {  	s15 =	sor.u32 $0x31C0, s30;
	[tilespmem:v4+s25+$0x0] =	vst.idx.add.f32.msk $0xffff, v7  }
0x826: {  	v4 =	vld [tilespmem:s15+$0x0]  }
0x827: {  	s16 =	sor.u32 $0x31D0, s30;
	[tilespmem:v5+s25+$0x0] =	vst.idx.add.f32.msk $0xffff, v47  }
0x828: {  	v5 =	vld [tilespmem:s16+$0x0];
	_ =	sdelay $0x2  }
0x829: {  	v48 =	vand.u32 $0xFFFFFFF8, v4  }
0x82a: {  	v4 =	vand.u32 $0x7, v4;
	v6 =	vadd.s32 v2, v48  }
0x82b: {  	v7 =	vld [tilespmem:s30+$0x65C0];
	v4 =	vor.u32 v4, v6;
	v49 =	vand.u32 $0xFFFFFFF8, v5  }
0x82c: {  	v5 =	vand.u32 $0x7, v5;
	v6 =	vadd.s32 v3, v49  }
0x82d: {  	v50 =	vld [tilespmem:s30+$0x65D0];
	v5 =	vor.u32 v5, v6;
	_ =	sdelay $0x2  }
0x82e: {  	s31 =	sor.u32 $0x3300, s30;
	[tilespmem:v4+s26+$0x0] =	vst.idx.add.f32.msk $0xffff, v7  }
0x82f: {  	v4 =	vld [tilespmem:s31+$0x0]  }
0x830: {  	s1 =	sor.u32 $0x3310, s30;
	[tilespmem:v5+s26+$0x0] =	vst.idx.add.f32.msk $0xffff, v50  }
0x831: {  	v5 =	vld [tilespmem:s1+$0x0];
	_ =	sdelay $0x2  }
0x832: {  	v51 =	vand.u32 $0xFFFFFFF8, v4  }
0x833: {  	v4 =	vand.u32 $0x7, v4;
	v6 =	vadd.s32 v2, v51  }
0x834: {  	v7 =	vld [tilespmem:s30+$0x6700];
	v4 =	vor.u32 v4, v6;
	v52 =	vand.u32 $0xFFFFFFF8, v5  }
0x835: {  	v5 =	vand.u32 $0x7, v5;
	v6 =	vadd.s32 v3, v52  }
0x836: {  	v53 =	vld [tilespmem:s30+$0x6710];
	v5 =	vor.u32 v5, v6;
	_ =	sdelay $0x2  }
0x837: {  	s3 =	sor.u32 $0x3340, s30;
	[tilespmem:v4+s23+$0x0] =	vst.idx.add.f32.msk $0xffff, v7  }
0x838: {  	v4 =	vld [tilespmem:s3+$0x0]  }
0x839: {  	s5 =	sor.u32 $0x3350, s30;
	[tilespmem:v5+s23+$0x0] =	vst.idx.add.f32.msk $0xffff, v53  }
0x83a: {  	v5 =	vld [tilespmem:s5+$0x0];
	_ =	sdelay $0x2  }
0x83b: {  	v54 =	vand.u32 $0xFFFFFFF8, v4  }
0x83c: {  	v4 =	vand.u32 $0x7, v4;
	v6 =	vadd.s32 v2, v54  }
0x83d: {  	v7 =	vld [tilespmem:s30+$0x6740];
	v4 =	vor.u32 v4, v6;
	v55 =	vand.u32 $0xFFFFFFF8, v5  }
0x83e: {  	v5 =	vand.u32 $0x7, v5;
	v6 =	vadd.s32 v3, v55  }
0x83f: {  	v56 =	vld [tilespmem:s30+$0x6750];
	v5 =	vor.u32 v5, v6;
	_ =	sdelay $0x2  }
0x840: {  	s14 =	sor.u32 $0x3380, s30;
	[tilespmem:v4+s24+$0x0] =	vst.idx.add.f32.msk $0xffff, v7  }
0x841: {  	v4 =	vld [tilespmem:s14+$0x0]  }
0x842: {  	s15 =	sor.u32 $0x3390, s30;
	[tilespmem:v5+s24+$0x0] =	vst.idx.add.f32.msk $0xffff, v56  }
0x843: {  	v5 =	vld [tilespmem:s15+$0x0];
	_ =	sdelay $0x2  }
0x844: {  	v57 =	vand.u32 $0xFFFFFFF8, v4  }
0x845: {  	v4 =	vand.u32 $0x7, v4;
	v6 =	vadd.s32 v2, v57  }
0x846: {  	v7 =	vld [tilespmem:s30+$0x6780];
	v4 =	vor.u32 v4, v6;
	v58 =	vand.u32 $0xFFFFFFF8, v5  }
0x847: {  	v5 =	vand.u32 $0x7, v5;
	v6 =	vadd.s32 v3, v58  }
0x848: {  	v59 =	vld [tilespmem:s30+$0x6790];
	v5 =	vor.u32 v5, v6;
	_ =	sdelay $0x2  }
0x849: {  	s16 =	sor.u32 $0x33C0, s30;
	[tilespmem:v4+s25+$0x0] =	vst.idx.add.f32.msk $0xffff, v7  }
0x84a: {  	v4 =	vld [tilespmem:s16+$0x0]  }
0x84b: {  	s31 =	sor.u32 $0x33D0, s30;
	[tilespmem:v5+s25+$0x0] =	vst.idx.add.f32.msk $0xffff, v59  }
0x84c: {  	v5 =	vld [tilespmem:s31+$0x0];
	_ =	sdelay $0x3  }
0x84d: {  	v60 =	vand.u32 $0xFFFFFFF8, v4  }
0x84e: {  	v4 =	vand.u32 $0x7, v4;
	v2 =	vadd.s32 v2, v60;
	v61 =	vand.u32 $0xFFFFFFF8, v5  }
0x84f: {  	v62 =	vld [tilespmem:s30+$0x67C0];
	v2 =	vor.u32 v4, v2;
	v5 =	vand.u32 $0x7, v5;
	v3 =	vadd.s32 v3, v61  }
0x850: {  	p1 =	por p0, p0;
	v63 =	vld [tilespmem:s30+$0x67D0];
	v3 =	vor.u32 v5, v3  }
.Ltmp2:
0x851: {  	_ = 	snop;
	(pc) =	sbr.rel @p1 .LBB2_6-.Ltmp2, $3  }
0x852: {  	_ =	sdelay $0x1  }
0x853: {  	[tilespmem:v2+s26+$0x0] =	vst.idx.add.f32.msk $0xffff, v62  }
0x854: {  	p0 =	por $0x0, $0x0;
	s30 =	simm.s32 $0x20;
	[tilespmem:v3+s26+$0x0] =	vst.idx.add.f32.msk $0xffff, v63  }
0x855: {  	[hbm4b:s9+s2] =	stream.linear.scatter [tilespmem:s23], [sflag:$0x3], $0x2000, $0x38;
	[tilespmem:$0x16800] =	vst v63  }
0x856: {  	_ = 	snop  }
0x857: {  	[hbm4b:s10+s2] =	stream.linear.scatter [tilespmem:s24], [sflag:$0x3], $0x2000, $0x38;
	[tilespmem:$0x16800] =	vst v63  }
0x858: {  	_ = 	snop  }
0x859: {  	[hbm4b:s11+s2] =	stream.linear.scatter [tilespmem:s25], [sflag:$0x3], $0x2000, $0x38;
	[tilespmem:$0x16800] =	vst v63  }
0x85a: {  	_ = 	snop  }
0x85b: {  	[hbm4b:s12+s2] =	stream.linear.scatter [tilespmem:s26], [sflag:$0x3], $0x2000, $0x38;
	[tilespmem:$0x16800] =	vst v63  }
0x85c: {  	_ =	swait.ge [sflag:s28], $0x2000  }
0x85d: {  	[sflag:s28] =	ssyncset.done $0x0  }
0x85e: {  	[sflag:s28] =	ssyncadd.s32 $0xFFFFE000  }
0x85f: {  	_ =	swait.ge [sflag:s28], $0x2000  }
0x860: {  	[sflag:s28] =	ssyncset.done $0x0  }
0x861: {  	[sflag:s28] =	ssyncadd.s32 $0xFFFFE000  }
0x862: {  	_ =	swait.ge [sflag:s28], $0x2000  }
0x863: {  	[sflag:s28] =	ssyncset.done $0x0  }
0x864: {  	[sflag:s28] =	ssyncadd.s32 $0xFFFFE000  }
0x865: {  	_ =	swait.ge [sflag:s28], $0x2000  }
0x866: {  	[sflag:s28] =	ssyncset.done $0x0  }
0x867: {  	[sflag:s28] =	ssyncadd.s32 $0xFFFFE000  }
0x868: {  	_ =	swait.ge [sflag:s28], $0x2000  }
0x869: {  	[sflag:s28] =	ssyncset.done $0x0  }
0x86a: {  	[sflag:s28] =	ssyncadd.s32 $0xFFFFE000  }
0x86b: {  	_ =	swait.ge [sflag:s28], $0x2000  }
0x86c: {  	[sflag:s28] =	ssyncset.done $0x0  }
0x86d: {  	s29 =	sadd.s32 $0x1, s29;
	[sflag:s28] =	ssyncadd.s32 $0xFFFFE000  }
0x86e: {  	p0 =	sne.s32 s29, s13;
	_ =	swait.ge [sflag:s28], $0x2000  }
.Ltmp3:
0x86f: {  	[sflag:s28] =	ssyncset.done $0x0;
	(pc) =	sbr.rel @p0 .LBB2_1-.Ltmp3, $4  }
0x870: {  	[sflag:s28] =	ssyncadd.s32 $0xFFFFE000  }
0x871: {  	_ =	swait.ge [sflag:s28], $0x2000  }
0x872: {  	[sflag:s28] =	ssyncset.done $0x0  }
0x873: {  	[sflag:s28] =	ssyncadd.s32 $0xFFFFE000  }
0x874: {  	_ =	sfence.sel $0x180000  }
0x875: {  	[bflag:$0x0] =	sbarrier.arrive $0xFFFF  }
0x876: {  	_ =	strace $0x90000047  }
0x877: {  	s0 =	stileid.u32;
	[bflag:$0x2] =	sbarrier.arrive $0xFFFF  }
0x878: {  	p0 =	sne.s32 s0, $0x0;
	s0 =	rddreg [dreg:$0x2]  }
0x879: {  	s0 =	sadd.s32 @!p0 $0x100000, s0  }
0x87a: {  	[sflag:s0] =	ssyncadd.tile.s32 @!p0 $0x1;
	_ =	shalt  }
.Lfunc_end2:
_tile_overlayer_lowered:
.L_overlay_start_2:
0x87b: {  	(tag) =	ssettag $0x2  }
0x87c: {  	s0 =	rddreg [dreg:$0x0];
	s2 =	stileid.u32  }
0x87d: {  	s1 =	rddreg [dreg:$0x1];
	p0 =	sne.s32 s2, $0x0  }
0x87e: {  	s3 =	rddreg [dreg:$0x2];
	[bflag:$0x3] =	sbarrier.arrive $0xFFFF;
	s2 =	simm.s32 @!p0 $0x1C04  }
0x87f: {  	[timem:s3], [sflag:s2] =	dma.local @!p0 [hbm:s0], s1  }
0x880: {  	s0 =	simm.s32 @!p0 $0x4  }
0x881: {  	_ =	swait.ge @!p0 [sflag:s0], s1  }
0x882: {  	s1 =	ssub.s32 @!p0 $0x0, s1;
	[sflag:s0] =	ssyncset.done @!p0 $0x0  }
0x883: {  	[sflag:s0] =	ssyncadd.s32 @!p0 s1  }
0x884: {  	[bflag:$0x3] =	sbarrier.arrive $0xFFFF  }
0x885: {  	_ =	shalt  }

</sc_bundles>
